<compile_context>
chip_gen: v7x
topology: tpu7x:2x2x1
jax: 0.10.2.dev20260603
libtpu: 0.0.44.dev20260713+nightly
codegen_flags: <defaults>
</compile_context>

<pallas_src>
import functools

import jax
import jax.numpy as jnp
import numpy as np
from jax import lax
from jax.experimental import pallas as pl
from jax.experimental.pallas import tpu as pltpu
from jax.experimental.pallas import tpu_sc as plsc

_N = 10000
_E = 320000
_D = 128
_G = 64
_NP = 10240
_NW = 32
_CH = 128
_NCH = 80
_HCH = 40
_EP = _NW * _NCH * _CH
_BF = 2000
_BR = 2000


def _seg_sum_body(h, src3, dst3, out, src_v, dst_v, rows_a, rows_b, acc,
                  sem_a, sem_b):
    c = lax.axis_index("c")
    s = lax.axis_index("s")
    wid = s * 2 + c

    pltpu.sync_copy(src3.at[wid, pl.ds(0, _HCH)], src_v)
    pltpu.sync_copy(dst3.at[wid, pl.ds(0, _HCH)], dst_v)
    pltpu.async_copy(h.at[src_v.at[0]], rows_a, sem_a)

    zero16 = jnp.zeros((16,), jnp.float32)

    def zrow(r, carry):
        for j in range(8):
            rows_b[r, pl.ds(j * 16, 16)] = zero16
        return carry

    lax.fori_loop(0, _CH, zrow, 0)
    for k in range(_NP // 16 // _CH):
        pltpu.sync_copy(rows_b, acc.at[pl.ds(s * (_NP // 16) + k * _CH, _CH)])
    plsc.subcore_barrier()

    bufs = (rows_a, rows_b)
    sems = (sem_a, sem_b)

    def step(j, b, issue_next):
        if issue_next:
            pltpu.async_copy(h.at[src_v.at[j + 1]], bufs[1 - b], sems[1 - b])
        pltpu.make_async_copy(h.at[src_v.at[j]], bufs[b], sems[b]).wait()
        pltpu.sync_copy(bufs[b], acc.at[dst_v.at[j]], add=True)

    def outer(g, carry):
        step(g * 2, 0, True)
        step(g * 2 + 1, 1, True)
        return carry

    for p in range(_NCH // _HCH):
        if p > 0:
            pltpu.sync_copy(src3.at[wid, pl.ds(p * _HCH, _HCH)], src_v)
            pltpu.sync_copy(dst3.at[wid, pl.ds(p * _HCH, _HCH)], dst_v)
            pltpu.async_copy(h.at[src_v.at[0]], rows_a, sem_a)
        lax.fori_loop(0, _HCH // 2 - 1, outer, 0)
        step(_HCH - 2, 0, True)
        step(_HCH - 1, 1, False)

    plsc.subcore_barrier()
    pltpu.sync_copy(acc.at[pl.ds(s * (_NP // 16), _NP // 16)],
                    out.at[c, pl.ds(s * (_NP // 16), _NP // 16)])


@functools.cache
def _make_seg_sum():
    return pl.kernel(
        _seg_sum_body,
        out_type=jax.ShapeDtypeStruct((2, _NP, _D), jnp.float32),
        mesh=plsc.VectorSubcoreMesh(
            core_axis_name="c", subcore_axis_name="s", num_cores=2),
        scratch_types=[
            pltpu.VMEM((_HCH, _CH), jnp.int32),
            pltpu.VMEM((_HCH, _CH), jnp.int32),
            pltpu.VMEM((_CH, _D), jnp.float32),
            pltpu.VMEM((_CH, _D), jnp.float32),
            pltpu.VMEM_SHARED((_NP, _D), jnp.float32),
            pltpu.SemaphoreType.DMA,
            pltpu.SemaphoreType.DMA,
        ],
    )


def _seg_sum(h, src3, dst3):
    return _make_seg_sum()(h, src3, dst3)


def _mlp_body(scal_ref, h_ref, a_ref, w1_ref, b1_ref, w2_ref, b2_ref, o_ref,
              *, last):
    z = h_ref[...] * scal_ref[0, 0] + a_ref[0] + a_ref[1]
    z1 = jnp.dot(z, w1_ref[...], preferred_element_type=jnp.float32)
    z1 = jnp.maximum(z1 + b1_ref[...], 0.0)
    z2 = jnp.dot(z1, w2_ref[...], preferred_element_type=jnp.float32)
    z2 = z2 + b2_ref[...]
    if not last:
        z2 = jnp.maximum(z2, 0.0)
    o_ref[...] = z2


def _gin_mlp(scal, h, agg, w1, b1, w2, b2, last):
    return pl.pallas_call(
        functools.partial(_mlp_body, last=last),
        grid=(_N // _BR,),
        in_specs=[
            pl.BlockSpec(memory_space=pltpu.SMEM),
            pl.BlockSpec((_BR, _D), lambda i: (i, 0)),
            pl.BlockSpec((2, _BR, _D), lambda i: (0, i, 0)),
            pl.BlockSpec((_D, 2 * _D), lambda i: (0, 0)),
            pl.BlockSpec((1, 2 * _D), lambda i: (0, 0)),
            pl.BlockSpec((2 * _D, _D), lambda i: (0, 0)),
            pl.BlockSpec((1, _D), lambda i: (0, 0)),
        ],
        out_specs=pl.BlockSpec((_BR, _D), lambda i: (i, 0)),
        out_shape=jax.ShapeDtypeStruct((_N, _D), jnp.float32),
    )(scal, h, agg, w1, b1, w2, b2)


def _final_body(h_ref, bt_ref, nw_ref, nb_ref, pw_ref, pb_ref, o_ref,
                acc, cnt):
    i = pl.program_id(0)

    @pl.when(i == 0)
    def _init():
        acc[...] = jnp.zeros_like(acc)
        cnt[...] = jnp.zeros_like(cnt)

    t = jnp.dot(h_ref[...], nw_ref[...], preferred_element_type=jnp.float32)
    t = jnp.maximum(t + nb_ref[...], 0.0)
    b = bt_ref[0, 0, :]
    gids = lax.broadcasted_iota(jnp.int32, (_G, _BF), 0)
    oh = jnp.where(gids == b[None, :], 1.0, 0.0)
    acc[...] += jnp.dot(oh, t, preferred_element_type=jnp.float32)
    cnt[...] += jnp.dot(oh, jnp.ones((_BF, _D), jnp.float32),
                        preferred_element_type=jnp.float32)

    @pl.when(i == _N // _BF - 1)
    def _done():
        pooled = acc[...] / jnp.maximum(cnt[...], 1.0)
        o_ref[...] = (jnp.dot(pooled, pw_ref[...],
                              preferred_element_type=jnp.float32)
                      + pb_ref[...])


def _final(h, bt, n2n_w, n2n_b, pred_w, pred_b):
    return pl.pallas_call(
        _final_body,
        grid=(_N // _BF,),
        in_specs=[
            pl.BlockSpec((_BF, _D), lambda i: (i, 0)),
            pl.BlockSpec((1, 1, _BF), lambda i: (i, 0, 0)),
            pl.BlockSpec((_D, _D), lambda i: (0, 0)),
            pl.BlockSpec((1, _D), lambda i: (0, 0)),
            pl.BlockSpec((_D, _D), lambda i: (0, 0)),
            pl.BlockSpec((1, _D), lambda i: (0, 0)),
        ],
        out_specs=pl.BlockSpec((_G, _D), lambda i: (0, 0)),
        out_shape=jax.ShapeDtypeStruct((_G, _D), jnp.float32),
        scratch_shapes=[
            pltpu.VMEM((_G, _D), jnp.float32),
            pltpu.VMEM((_G, _D), jnp.float32),
        ],
    )(h, bt, n2n_w, n2n_b, pred_w, pred_b)


def kernel(x, edge_index, batch, gin_w1, gin_b1, gin_w2, gin_b2, gin_eps,
           n2n_w, n2n_b, pred_w, pred_b):
    npad = (_EP - _E) // _CH
    pad_src = jnp.asarray(
        (np.arange(_EP - _E) & 8191).astype(np.int32).reshape(npad, _CH))
    pad_dst = jnp.asarray(
        (_N + (np.arange(_EP - _E) & 127)).astype(np.int32).reshape(npad, _CH))
    src3 = jnp.concatenate(
        [edge_index[0].reshape(_E // _CH, _CH), pad_src]).reshape(
            _NW, _NCH, _CH)
    dst3 = jnp.concatenate(
        [edge_index[1].reshape(_E // _CH, _CH), pad_dst]).reshape(
            _NW, _NCH, _CH)
    h = x

    n_layers = gin_w1.shape[0]
    for l in range(n_layers):
        agg = _seg_sum(h, src3, dst3)
        scal = (1.0 + gin_eps[l]).reshape(1, 1)
        h = _gin_mlp(scal, h, agg, gin_w1[l], gin_b1[l].reshape(1, -1),
                     gin_w2[l], gin_b2[l].reshape(1, -1),
                     last=(l == n_layers - 1))

    bt = batch.reshape(_N // _BF, 1, _BF)
    return _final(h, bt, n2n_w, n2n_b.reshape(1, -1),
                  pred_w, pred_b.reshape(1, -1))

# --- scband reference (transcript-rebuilt; emitter-appended) ---
"""Pipeline reference for scband-gnn-48026324304369 (READ-ONLY COPY).

The authoritative reference and input builder live on the scoring server;
editing this copy changes nothing except your own understanding.
"""

import jax, jax.numpy as jnp
import numpy as np

N = 10000
E = 320000
D = 128
L = 5
G = 64
T = 128

def setup_inputs(seed: int = 0) -> dict:
    key = jax.random.key(seed)
    ks = jax.random.split(key, 12)
    x = jax.random.normal(ks[0], (N, D), dtype=jnp.float32)
    edge_index = jax.random.randint(ks[1], (2, E), 0, N, dtype=jnp.int32)
    batch = jnp.sort(jax.random.randint(ks[2], (N,), 0, G, dtype=jnp.int32))
    s = 0.05
    gin_w1 = jax.random.normal(ks[3], (L, D, 2 * D), dtype=jnp.float32) * s
    gin_b1 = jnp.zeros((L, 2 * D), dtype=jnp.float32)
    gin_w2 = jax.random.normal(ks[4], (L, 2 * D, D), dtype=jnp.float32) * s
    gin_b2 = jnp.zeros((L, D), dtype=jnp.float32)
    gin_eps = jnp.zeros((L,), dtype=jnp.float32)
    n2n_w = jax.random.normal(ks[5], (D, D), dtype=jnp.float32) * s
    n2n_b = jnp.zeros((D,), dtype=jnp.float32)
    pred_w = jax.random.normal(ks[6], (D, T), dtype=jnp.float32) * s
    pred_b = jnp.zeros((T,), dtype=jnp.float32)
    return {"x": x, "edge_index": edge_index, "batch": batch,
            "gin_w1": gin_w1, "gin_b1": gin_b1, "gin_w2": gin_w2, "gin_b2": gin_b2,
            "gin_eps": gin_eps, "n2n_w": n2n_w, "n2n_b": n2n_b,
            "pred_w": pred_w, "pred_b": pred_b}

def reference(x, edge_index, batch, gin_w1, gin_b1, gin_w2, gin_b2, gin_eps, n2n_w, n2n_b, pred_w, pred_b):
    n_nodes = x.shape[0]
    src = edge_index[0]
    dst = edge_index[1]
    h = x
    n_layers = gin_w1.shape[0]
    for l in range(n_layers):
        # GIN message passing: sum-aggregate neighbor features into dst nodes
        agg = jax.ops.segment_sum(h[src], dst, num_segments=n_nodes)
        z = (1.0 + gin_eps[l]) * h + agg
        # 2-layer GIN MLP
        z = jnp.maximum(z @ gin_w1[l] + gin_b1[l], 0.0)
        z = z @ gin_w2[l] + gin_b2[l]
        if l < n_layers - 1:
            z = jnp.maximum(z, 0.0)
        h = z
    # node2node MLP (tailact=True)
    h = jnp.maximum(h @ n2n_w + n2n_b, 0.0)
    # mean graph pooling over batch ids
    num_graphs = G
    counts = jax.ops.segment_sum(jnp.ones((n_nodes,), dtype=h.dtype), batch, num_segments=num_graphs)
    counts = jnp.clip(counts, 1.0, None)
    pooled = jax.ops.segment_sum(h, batch, num_segments=num_graphs) / counts[:, None]
    # prediction head (tailact=False)
    return pooled @ pred_w + pred_b

if __name__ == "__main__":
    import jax
    _d = setup_inputs()
    print(jax.jit(kernel)(*tuple(_d.values())))

</pallas_src>

<mosaic_0001>
#map = affine_map<(d0, d1) -> (0, 0)>
#map1 = affine_map<(d0, d1) -> (0, 0, 0)>
module attributes {stable_mosaic.version = 14 : i64} {
  func.func @_seg_sum_body(%arg0: i32, %arg1: i32, %arg2: memref<10000x128xf32, #tpu.memory_space<hbm>>, %arg3: memref<32x80x128xi32, #tpu.memory_space<hbm>>, %arg4: memref<32x80x128xi32, #tpu.memory_space<hbm>>, %arg5: memref<2x10240x128xf32, #tpu.memory_space<hbm>>, %arg6: memref<40x128xi32, #tpu.memory_space<vmem>>, %arg7: memref<40x128xi32, #tpu.memory_space<vmem>>, %arg8: memref<128x128xf32, #tpu.memory_space<vmem>>, %arg9: memref<128x128xf32, #tpu.memory_space<vmem>>, %arg10: memref<10240x128xf32, #tpu.memory_space<vmem_shared>>, %arg11: memref<!tpu.dma_semaphore, #tpu.memory_space<semaphore_mem>>, %arg12: memref<!tpu.dma_semaphore, #tpu.memory_space<semaphore_mem>>) attributes {dimension_semantics = [#tpu.dimension_semantics<core_parallel>, #tpu.dimension_semantics<subcore_parallel>], iteration_bounds = array<i64: 2, 16>, scalar_prefetch = 0 : i64, scratch_operands = 7 : i64, tpu.core_type = #tpu.core_type<sc_vector_subcore>, window_params = [{transform_indices = #map}, {transform_indices = #map1}, {transform_indices = #map1}, {transform_indices = #map1}]} {
    %mul3A = arith.constant 2 : i32
    %mul3A_0 = arith.muli %arg1, %mul3A : i32
    %add3A = arith.addi %mul3A_0, %arg0 : i32
    "tpu.region"() ({
      %run_scoped3A_101 = tpu.sem_alloc : memref<!tpu.dma_semaphore, #tpu.memory_space<semaphore_mem>>
      %dma_start3A_102 = arith.constant 0 : i32
      %dma_start3A_103 = arith.constant 0 : i32
      %dma_start3A_104 = tpu.memref_slice %arg3[%add3A, %dma_start3A_102, %dma_start3A_103] : memref<32x80x128xi32, #tpu.memory_space<hbm>> -> memref<1x40x128xi32, #tpu.memory_space<hbm>>
      %dma_start3A_105 = tpu.memref_squeeze %dma_start3A_104 : memref<1x40x128xi32, #tpu.memory_space<hbm>> -> memref<40x128xi32, #tpu.memory_space<hbm>>
      %dma_start3A_106 = arith.constant 0 : i32
      %dma_start3A_107 = arith.constant 0 : i32
      %dma_start3A_108 = tpu.memref_slice %arg3[%add3A, %dma_start3A_106, %dma_start3A_107] : memref<32x80x128xi32, #tpu.memory_space<hbm>> -> memref<1x40x128xi32, #tpu.memory_space<hbm>>
      %dma_start3A_109 = tpu.memref_squeeze %dma_start3A_108 : memref<1x40x128xi32, #tpu.memory_space<hbm>> -> memref<40x128xi32, #tpu.memory_space<hbm>>
      tpu.enqueue_dma source(%dma_start3A_109 : memref<40x128xi32, #tpu.memory_space<hbm>>) target(%arg6 : memref<40x128xi32, #tpu.memory_space<vmem>>) target_semaphore(%run_scoped3A_101 : memref<!tpu.dma_semaphore, #tpu.memory_space<semaphore_mem>>)
      %dma_wait3A_110 = arith.constant 0 : i32
      %dma_wait3A_111 = arith.constant 0 : i32
      %dma_wait3A_112 = tpu.memref_slice %arg3[%add3A, %dma_wait3A_110, %dma_wait3A_111] : memref<32x80x128xi32, #tpu.memory_space<hbm>> -> memref<1x40x128xi32, #tpu.memory_space<hbm>>
      %dma_wait3A_113 = tpu.memref_squeeze %dma_wait3A_112 : memref<1x40x128xi32, #tpu.memory_space<hbm>> -> memref<40x128xi32, #tpu.memory_space<hbm>>
      %dma_wait3A_114 = arith.constant 0 : i32
      %dma_wait3A_115 = arith.constant 0 : i32
      %dma_wait3A_116 = tpu.memref_slice %arg3[%add3A, %dma_wait3A_114, %dma_wait3A_115] : memref<32x80x128xi32, #tpu.memory_space<hbm>> -> memref<1x40x128xi32, #tpu.memory_space<hbm>>
      %dma_wait3A_117 = tpu.memref_squeeze %dma_wait3A_116 : memref<1x40x128xi32, #tpu.memory_space<hbm>> -> memref<40x128xi32, #tpu.memory_space<hbm>>
      tpu.wait_dma2 semaphore(%run_scoped3A_101 : memref<!tpu.dma_semaphore, #tpu.memory_space<semaphore_mem>>) src(%dma_wait3A_117 : memref<40x128xi32, #tpu.memory_space<hbm>>) dst(%arg6 : memref<40x128xi32, #tpu.memory_space<vmem>>)
      tpu.yield
    }) : () -> ()
    "tpu.region"() ({
      %run_scoped3A_101 = tpu.sem_alloc : memref<!tpu.dma_semaphore, #tpu.memory_space<semaphore_mem>>
      %dma_start3A_102 = arith.constant 0 : i32
      %dma_start3A_103 = arith.constant 0 : i32
      %dma_start3A_104 = tpu.memref_slice %arg4[%add3A, %dma_start3A_102, %dma_start3A_103] : memref<32x80x128xi32, #tpu.memory_space<hbm>> -> memref<1x40x128xi32, #tpu.memory_space<hbm>>
      %dma_start3A_105 = tpu.memref_squeeze %dma_start3A_104 : memref<1x40x128xi32, #tpu.memory_space<hbm>> -> memref<40x128xi32, #tpu.memory_space<hbm>>
      %dma_start3A_106 = arith.constant 0 : i32
      %dma_start3A_107 = arith.constant 0 : i32
      %dma_start3A_108 = tpu.memref_slice %arg4[%add3A, %dma_start3A_106, %dma_start3A_107] : memref<32x80x128xi32, #tpu.memory_space<hbm>> -> memref<1x40x128xi32, #tpu.memory_space<hbm>>
      %dma_start3A_109 = tpu.memref_squeeze %dma_start3A_108 : memref<1x40x128xi32, #tpu.memory_space<hbm>> -> memref<40x128xi32, #tpu.memory_space<hbm>>
      tpu.enqueue_dma source(%dma_start3A_109 : memref<40x128xi32, #tpu.memory_space<hbm>>) target(%arg7 : memref<40x128xi32, #tpu.memory_space<vmem>>) target_semaphore(%run_scoped3A_101 : memref<!tpu.dma_semaphore, #tpu.memory_space<semaphore_mem>>)
      %dma_wait3A_110 = arith.constant 0 : i32
      %dma_wait3A_111 = arith.constant 0 : i32
      %dma_wait3A_112 = tpu.memref_slice %arg4[%add3A, %dma_wait3A_110, %dma_wait3A_111] : memref<32x80x128xi32, #tpu.memory_space<hbm>> -> memref<1x40x128xi32, #tpu.memory_space<hbm>>
      %dma_wait3A_113 = tpu.memref_squeeze %dma_wait3A_112 : memref<1x40x128xi32, #tpu.memory_space<hbm>> -> memref<40x128xi32, #tpu.memory_space<hbm>>
      %dma_wait3A_114 = arith.constant 0 : i32
      %dma_wait3A_115 = arith.constant 0 : i32
      %dma_wait3A_116 = tpu.memref_slice %arg4[%add3A, %dma_wait3A_114, %dma_wait3A_115] : memref<32x80x128xi32, #tpu.memory_space<hbm>> -> memref<1x40x128xi32, #tpu.memory_space<hbm>>
      %dma_wait3A_117 = tpu.memref_squeeze %dma_wait3A_116 : memref<1x40x128xi32, #tpu.memory_space<hbm>> -> memref<40x128xi32, #tpu.memory_space<hbm>>
      tpu.wait_dma2 semaphore(%run_scoped3A_101 : memref<!tpu.dma_semaphore, #tpu.memory_space<semaphore_mem>>) src(%dma_wait3A_117 : memref<40x128xi32, #tpu.memory_space<hbm>>) dst(%arg7 : memref<40x128xi32, #tpu.memory_space<vmem>>)
      tpu.yield
    }) : () -> ()
    %dma_start3A = arith.constant 0 : i32
    %dma_start3A_1 = arith.constant 0 : i32
    %dma_start3A_2 = tpu.memref_slice %arg6[%dma_start3A, %dma_start3A_1] : memref<40x128xi32, #tpu.memory_space<vmem>> -> memref<1x128xi32, #tpu.memory_space<vmem>>
    %dma_start3A_3 = tpu.memref_squeeze %dma_start3A_2 : memref<1x128xi32, #tpu.memory_space<vmem>> -> memref<128xi32, #tpu.memory_space<vmem>>
    %dma_start3A_4 = arith.constant 0 : i32
    %dma_start3A_5 = arith.constant 0 : i32
    %dma_start3A_6 = tpu.memref_slice %arg2[%dma_start3A_4, %dma_start3A_5] : memref<10000x128xf32, #tpu.memory_space<hbm>> -> memref<10000x128xf32, #tpu.memory_space<hbm>>
    tpu.enqueue_indirect_dma source(%dma_start3A_6 : memref<10000x128xf32, #tpu.memory_space<hbm>>) target(%arg8 : memref<128x128xf32, #tpu.memory_space<vmem>>) offsets(%dma_start3A_3 : memref<128xi32, #tpu.memory_space<vmem>>) semaphore(%arg11 : memref<!tpu.dma_semaphore, #tpu.memory_space<semaphore_mem>>)
    %broadcast_in_dim3A = arith.constant 0.000000e+00 : f32
    %broadcast_in_dim3A_7 = vector.broadcast %broadcast_in_dim3A : f32 to vector<16xf32>
    %scan3A = arith.constant 0 : i32
    %scan3A_8 = arith.constant 0 : i32
    %scan3A_9 = arith.constant 128 : i32
    %scan3A_10 = arith.addi %scan3A_8, %scan3A_9 : i32
    %scan3A_11 = arith.constant 1 : i32
    scf.for %scan3A_101 = %scan3A_8 to %scan3A_10 step %scan3A_11  : i32 {
      %swap3A = arith.index_cast %scan3A_101 : i32 to index
      %swap3A_102 = arith.constant 0 : index
      %swap3A_103 = tpu.vector_load %arg9[%swap3A, %swap3A_102] {strides = array<i32>} : memref<128x128xf32, #tpu.memory_space<vmem>>, vector<1x16xf32>,
      %swap3A_104 = vector.shape_cast %swap3A_103 : vector<1x16xf32> to vector<16xf32>
      %swap3A_105 = vector.shape_cast %broadcast_in_dim3A_7 : vector<16xf32> to vector<1x16xf32>
      tpu.vector_store %arg9[%swap3A, %swap3A_102], %swap3A_105 {strides = array<i32>} : memref<128x128xf32, #tpu.memory_space<vmem>>, vector<1x16xf32>,
      %swap3A_106 = arith.index_cast %scan3A_101 : i32 to index
      %swap3A_107 = arith.constant 16 : index
      %swap3A_108 = tpu.vector_load %arg9[%swap3A_106, %swap3A_107] {strides = array<i32>} : memref<128x128xf32, #tpu.memory_space<vmem>>, vector<1x16xf32>,
      %swap3A_109 = vector.shape_cast %swap3A_108 : vector<1x16xf32> to vector<16xf32>
      %swap3A_110 = vector.shape_cast %broadcast_in_dim3A_7 : vector<16xf32> to vector<1x16xf32>
      tpu.vector_store %arg9[%swap3A_106, %swap3A_107], %swap3A_110 {strides = array<i32>} : memref<128x128xf32, #tpu.memory_space<vmem>>, vector<1x16xf32>,
      %swap3A_111 = arith.index_cast %scan3A_101 : i32 to index
      %swap3A_112 = arith.constant 32 : index
      %swap3A_113 = tpu.vector_load %arg9[%swap3A_111, %swap3A_112] {strides = array<i32>} : memref<128x128xf32, #tpu.memory_space<vmem>>, vector<1x16xf32>,
      %swap3A_114 = vector.shape_cast %swap3A_113 : vector<1x16xf32> to vector<16xf32>
      %swap3A_115 = vector.shape_cast %broadcast_in_dim3A_7 : vector<16xf32> to vector<1x16xf32>
      tpu.vector_store %arg9[%swap3A_111, %swap3A_112], %swap3A_115 {strides = array<i32>} : memref<128x128xf32, #tpu.memory_space<vmem>>, vector<1x16xf32>,
      %swap3A_116 = arith.index_cast %scan3A_101 : i32 to index
      %swap3A_117 = arith.constant 48 : index
      %swap3A_118 = tpu.vector_load %arg9[%swap3A_116, %swap3A_117] {strides = array<i32>} : memref<128x128xf32, #tpu.memory_space<vmem>>, vector<1x16xf32>,
      %swap3A_119 = vector.shape_cast %swap3A_118 : vector<1x16xf32> to vector<16xf32>
      %swap3A_120 = vector.shape_cast %broadcast_in_dim3A_7 : vector<16xf32> to vector<1x16xf32>
      tpu.vector_store %arg9[%swap3A_116, %swap3A_117], %swap3A_120 {strides = array<i32>} : memref<128x128xf32, #tpu.memory_space<vmem>>, vector<1x16xf32>,
      %swap3A_121 = arith.index_cast %scan3A_101 : i32 to index
      %swap3A_122 = arith.constant 64 : index
      %swap3A_123 = tpu.vector_load %arg9[%swap3A_121, %swap3A_122] {strides = array<i32>} : memref<128x128xf32, #tpu.memory_space<vmem>>, vector<1x16xf32>,
      %swap3A_124 = vector.shape_cast %swap3A_123 : vector<1x16xf32> to vector<16xf32>
      %swap3A_125 = vector.shape_cast %broadcast_in_dim3A_7 : vector<16xf32> to vector<1x16xf32>
      tpu.vector_store %arg9[%swap3A_121, %swap3A_122], %swap3A_125 {strides = array<i32>} : memref<128x128xf32, #tpu.memory_space<vmem>>, vector<1x16xf32>,
      %swap3A_126 = arith.index_cast %scan3A_101 : i32 to index
      %swap3A_127 = arith.constant 80 : index
      %swap3A_128 = tpu.vector_load %arg9[%swap3A_126, %swap3A_127] {strides = array<i32>} : memref<128x128xf32, #tpu.memory_space<vmem>>, vector<1x16xf32>,
      %swap3A_129 = vector.shape_cast %swap3A_128 : vector<1x16xf32> to vector<16xf32>
      %swap3A_130 = vector.shape_cast %broadcast_in_dim3A_7 : vector<16xf32> to vector<1x16xf32>
      tpu.vector_store %arg9[%swap3A_126, %swap3A_127], %swap3A_130 {strides = array<i32>} : memref<128x128xf32, #tpu.memory_space<vmem>>, vector<1x16xf32>,
      %swap3A_131 = arith.index_cast %scan3A_101 : i32 to index
      %swap3A_132 = arith.constant 96 : index
      %swap3A_133 = tpu.vector_load %arg9[%swap3A_131, %swap3A_132] {strides = array<i32>} : memref<128x128xf32, #tpu.memory_space<vmem>>, vector<1x16xf32>,
      %swap3A_134 = vector.shape_cast %swap3A_133 : vector<1x16xf32> to vector<16xf32>
      %swap3A_135 = vector.shape_cast %broadcast_in_dim3A_7 : vector<16xf32> to vector<1x16xf32>
      tpu.vector_store %arg9[%swap3A_131, %swap3A_132], %swap3A_135 {strides = array<i32>} : memref<128x128xf32, #tpu.memory_space<vmem>>, vector<1x16xf32>,
      %swap3A_136 = arith.index_cast %scan3A_101 : i32 to index
      %swap3A_137 = arith.constant 112 : index
      %swap3A_138 = tpu.vector_load %arg9[%swap3A_136, %swap3A_137] {strides = array<i32>} : memref<128x128xf32, #tpu.memory_space<vmem>>, vector<1x16xf32>,
      %swap3A_139 = vector.shape_cast %swap3A_138 : vector<1x16xf32> to vector<16xf32>
      %swap3A_140 = vector.shape_cast %broadcast_in_dim3A_7 : vector<16xf32> to vector<1x16xf32>
      tpu.vector_store %arg9[%swap3A_136, %swap3A_137], %swap3A_140 {strides = array<i32>} : memref<128x128xf32, #tpu.memory_space<vmem>>, vector<1x16xf32>,
    }
    %scan3A_12 = arith.constant 128 : i32
    %mul3A_13 = arith.constant 640 : i32
    %mul3A_14 = arith.muli %arg1, %mul3A_13 : i32
    %add3A_15 = arith.constant 0 : i32
    %add3A_16 = arith.addi %mul3A_14, %add3A_15 : i32
    "tpu.region"() ({
      %run_scoped3A_101 = tpu.sem_alloc : memref<!tpu.dma_semaphore, #tpu.memory_space<semaphore_mem>>
      %dma_start3A_102 = arith.constant 0 : i32
      %dma_start3A_103 = tpu.memref_slice %arg10[%add3A_16, %dma_start3A_102] : memref<10240x128xf32, #tpu.memory_space<vmem_shared>> -> memref<128x128xf32, #tpu.memory_space<vmem_shared>>
      %dma_start3A_104 = arith.constant 0 : i32
      %dma_start3A_105 = tpu.memref_slice %arg10[%add3A_16, %dma_start3A_104] : memref<10240x128xf32, #tpu.memory_space<vmem_shared>> -> memref<128x128xf32, #tpu.memory_space<vmem_shared>>
      tpu.enqueue_dma source(%arg9 : memref<128x128xf32, #tpu.memory_space<vmem>>) target(%dma_start3A_105 : memref<128x128xf32, #tpu.memory_space<vmem_shared>>) target_semaphore(%run_scoped3A_101 : memref<!tpu.dma_semaphore, #tpu.memory_space<semaphore_mem>>)
      %dma_wait3A_106 = arith.constant 0 : i32
      %dma_wait3A_107 = tpu.memref_slice %arg10[%add3A_16, %dma_wait3A_106] : memref<10240x128xf32, #tpu.memory_space<vmem_shared>> -> memref<128x128xf32, #tpu.memory_space<vmem_shared>>
      %dma_wait3A_108 = arith.constant 0 : i32
      %dma_wait3A_109 = tpu.memref_slice %arg10[%add3A_16, %dma_wait3A_108] : memref<10240x128xf32, #tpu.memory_space<vmem_shared>> -> memref<128x128xf32, #tpu.memory_space<vmem_shared>>
      tpu.wait_dma2 semaphore(%run_scoped3A_101 : memref<!tpu.dma_semaphore, #tpu.memory_space<semaphore_mem>>) src(%arg9 : memref<128x128xf32, #tpu.memory_space<vmem>>) dst(%dma_wait3A_109 : memref<128x128xf32, #tpu.memory_space<vmem_shared>>)
      tpu.yield
    }) : () -> ()
    %mul3A_17 = arith.constant 640 : i32
    %mul3A_18 = arith.muli %arg1, %mul3A_17 : i32
    %add3A_19 = arith.constant 128 : i32
    %add3A_20 = arith.addi %mul3A_18, %add3A_19 : i32
    "tpu.region"() ({
      %run_scoped3A_101 = tpu.sem_alloc : memref<!tpu.dma_semaphore, #tpu.memory_space<semaphore_mem>>
      %dma_start3A_102 = arith.constant 0 : i32
      %dma_start3A_103 = tpu.memref_slice %arg10[%add3A_20, %dma_start3A_102] : memref<10240x128xf32, #tpu.memory_space<vmem_shared>> -> memref<128x128xf32, #tpu.memory_space<vmem_shared>>
      %dma_start3A_104 = arith.constant 0 : i32
      %dma_start3A_105 = tpu.memref_slice %arg10[%add3A_20, %dma_start3A_104] : memref<10240x128xf32, #tpu.memory_space<vmem_shared>> -> memref<128x128xf32, #tpu.memory_space<vmem_shared>>
      tpu.enqueue_dma source(%arg9 : memref<128x128xf32, #tpu.memory_space<vmem>>) target(%dma_start3A_105 : memref<128x128xf32, #tpu.memory_space<vmem_shared>>) target_semaphore(%run_scoped3A_101 : memref<!tpu.dma_semaphore, #tpu.memory_space<semaphore_mem>>)
      %dma_wait3A_106 = arith.constant 0 : i32
      %dma_wait3A_107 = tpu.memref_slice %arg10[%add3A_20, %dma_wait3A_106] : memref<10240x128xf32, #tpu.memory_space<vmem_shared>> -> memref<128x128xf32, #tpu.memory_space<vmem_shared>>
      %dma_wait3A_108 = arith.constant 0 : i32
      %dma_wait3A_109 = tpu.memref_slice %arg10[%add3A_20, %dma_wait3A_108] : memref<10240x128xf32, #tpu.memory_space<vmem_shared>> -> memref<128x128xf32, #tpu.memory_space<vmem_shared>>
      tpu.wait_dma2 semaphore(%run_scoped3A_101 : memref<!tpu.dma_semaphore, #tpu.memory_space<semaphore_mem>>) src(%arg9 : memref<128x128xf32, #tpu.memory_space<vmem>>) dst(%dma_wait3A_109 : memref<128x128xf32, #tpu.memory_space<vmem_shared>>)
      tpu.yield
    }) : () -> ()
    %mul3A_21 = arith.constant 640 : i32
    %mul3A_22 = arith.muli %arg1, %mul3A_21 : i32
    %add3A_23 = arith.constant 256 : i32
    %add3A_24 = arith.addi %mul3A_22, %add3A_23 : i32
    "tpu.region"() ({
      %run_scoped3A_101 = tpu.sem_alloc : memref<!tpu.dma_semaphore, #tpu.memory_space<semaphore_mem>>
      %dma_start3A_102 = arith.constant 0 : i32
      %dma_start3A_103 = tpu.memref_slice %arg10[%add3A_24, %dma_start3A_102] : memref<10240x128xf32, #tpu.memory_space<vmem_shared>> -> memref<128x128xf32, #tpu.memory_space<vmem_shared>>
      %dma_start3A_104 = arith.constant 0 : i32
      %dma_start3A_105 = tpu.memref_slice %arg10[%add3A_24, %dma_start3A_104] : memref<10240x128xf32, #tpu.memory_space<vmem_shared>> -> memref<128x128xf32, #tpu.memory_space<vmem_shared>>
      tpu.enqueue_dma source(%arg9 : memref<128x128xf32, #tpu.memory_space<vmem>>) target(%dma_start3A_105 : memref<128x128xf32, #tpu.memory_space<vmem_shared>>) target_semaphore(%run_scoped3A_101 : memref<!tpu.dma_semaphore, #tpu.memory_space<semaphore_mem>>)
      %dma_wait3A_106 = arith.constant 0 : i32
      %dma_wait3A_107 = tpu.memref_slice %arg10[%add3A_24, %dma_wait3A_106] : memref<10240x128xf32, #tpu.memory_space<vmem_shared>> -> memref<128x128xf32, #tpu.memory_space<vmem_shared>>
      %dma_wait3A_108 = arith.constant 0 : i32
      %dma_wait3A_109 = tpu.memref_slice %arg10[%add3A_24, %dma_wait3A_108] : memref<10240x128xf32, #tpu.memory_space<vmem_shared>> -> memref<128x128xf32, #tpu.memory_space<vmem_shared>>
      tpu.wait_dma2 semaphore(%run_scoped3A_101 : memref<!tpu.dma_semaphore, #tpu.memory_space<semaphore_mem>>) src(%arg9 : memref<128x128xf32, #tpu.memory_space<vmem>>) dst(%dma_wait3A_109 : memref<128x128xf32, #tpu.memory_space<vmem_shared>>)
      tpu.yield
    }) : () -> ()
    %mul3A_25 = arith.constant 640 : i32
    %mul3A_26 = arith.muli %arg1, %mul3A_25 : i32
    %add3A_27 = arith.constant 384 : i32
    %add3A_28 = arith.addi %mul3A_26, %add3A_27 : i32
    "tpu.region"() ({
      %run_scoped3A_101 = tpu.sem_alloc : memref<!tpu.dma_semaphore, #tpu.memory_space<semaphore_mem>>
      %dma_start3A_102 = arith.constant 0 : i32
      %dma_start3A_103 = tpu.memref_slice %arg10[%add3A_28, %dma_start3A_102] : memref<10240x128xf32, #tpu.memory_space<vmem_shared>> -> memref<128x128xf32, #tpu.memory_space<vmem_shared>>
      %dma_start3A_104 = arith.constant 0 : i32
      %dma_start3A_105 = tpu.memref_slice %arg10[%add3A_28, %dma_start3A_104] : memref<10240x128xf32, #tpu.memory_space<vmem_shared>> -> memref<128x128xf32, #tpu.memory_space<vmem_shared>>
      tpu.enqueue_dma source(%arg9 : memref<128x128xf32, #tpu.memory_space<vmem>>) target(%dma_start3A_105 : memref<128x128xf32, #tpu.memory_space<vmem_shared>>) target_semaphore(%run_scoped3A_101 : memref<!tpu.dma_semaphore, #tpu.memory_space<semaphore_mem>>)
      %dma_wait3A_106 = arith.constant 0 : i32
      %dma_wait3A_107 = tpu.memref_slice %arg10[%add3A_28, %dma_wait3A_106] : memref<10240x128xf32, #tpu.memory_space<vmem_shared>> -> memref<128x128xf32, #tpu.memory_space<vmem_shared>>
      %dma_wait3A_108 = arith.constant 0 : i32
      %dma_wait3A_109 = tpu.memref_slice %arg10[%add3A_28, %dma_wait3A_108] : memref<10240x128xf32, #tpu.memory_space<vmem_shared>> -> memref<128x128xf32, #tpu.memory_space<vmem_shared>>
      tpu.wait_dma2 semaphore(%run_scoped3A_101 : memref<!tpu.dma_semaphore, #tpu.memory_space<semaphore_mem>>) src(%arg9 : memref<128x128xf32, #tpu.memory_space<vmem>>) dst(%dma_wait3A_109 : memref<128x128xf32, #tpu.memory_space<vmem_shared>>)
      tpu.yield
    }) : () -> ()
    %mul3A_29 = arith.constant 640 : i32
    %mul3A_30 = arith.muli %arg1, %mul3A_29 : i32
    %add3A_31 = arith.constant 512 : i32
    %add3A_32 = arith.addi %mul3A_30, %add3A_31 : i32
    "tpu.region"() ({
      %run_scoped3A_101 = tpu.sem_alloc : memref<!tpu.dma_semaphore, #tpu.memory_space<semaphore_mem>>
      %dma_start3A_102 = arith.constant 0 : i32
      %dma_start3A_103 = tpu.memref_slice %arg10[%add3A_32, %dma_start3A_102] : memref<10240x128xf32, #tpu.memory_space<vmem_shared>> -> memref<128x128xf32, #tpu.memory_space<vmem_shared>>
      %dma_start3A_104 = arith.constant 0 : i32
      %dma_start3A_105 = tpu.memref_slice %arg10[%add3A_32, %dma_start3A_104] : memref<10240x128xf32, #tpu.memory_space<vmem_shared>> -> memref<128x128xf32, #tpu.memory_space<vmem_shared>>
      tpu.enqueue_dma source(%arg9 : memref<128x128xf32, #tpu.memory_space<vmem>>) target(%dma_start3A_105 : memref<128x128xf32, #tpu.memory_space<vmem_shared>>) target_semaphore(%run_scoped3A_101 : memref<!tpu.dma_semaphore, #tpu.memory_space<semaphore_mem>>)
      %dma_wait3A_106 = arith.constant 0 : i32
      %dma_wait3A_107 = tpu.memref_slice %arg10[%add3A_32, %dma_wait3A_106] : memref<10240x128xf32, #tpu.memory_space<vmem_shared>> -> memref<128x128xf32, #tpu.memory_space<vmem_shared>>
      %dma_wait3A_108 = arith.constant 0 : i32
      %dma_wait3A_109 = tpu.memref_slice %arg10[%add3A_32, %dma_wait3A_108] : memref<10240x128xf32, #tpu.memory_space<vmem_shared>> -> memref<128x128xf32, #tpu.memory_space<vmem_shared>>
      tpu.wait_dma2 semaphore(%run_scoped3A_101 : memref<!tpu.dma_semaphore, #tpu.memory_space<semaphore_mem>>) src(%arg9 : memref<128x128xf32, #tpu.memory_space<vmem>>) dst(%dma_wait3A_109 : memref<128x128xf32, #tpu.memory_space<vmem_shared>>)
      tpu.yield
    }) : () -> ()
    %barrier3A = arith.constant 0 : index
    tpu.barrier barrier_id(%barrier3A)
    %scan3A_33 = arith.constant 0 : i32
    %scan3A_34 = arith.constant 0 : i32
    %scan3A_35 = arith.constant 19 : i32
    %scan3A_36 = arith.addi %scan3A_34, %scan3A_35 : i32
    %scan3A_37 = arith.constant 1 : i32
    scf.for %scan3A_101 = %scan3A_34 to %scan3A_36 step %scan3A_37  : i32 {
      %mul3A_102 = arith.constant 2 : i32
      %mul3A_103 = arith.muli %scan3A_101, %mul3A_102 : i32
      %add3A_104 = arith.constant 1 : i32
      %add3A_105 = arith.addi %mul3A_103, %add3A_104 : i32
      %dma_start3A_106 = arith.constant 0 : i32
      %dma_start3A_107 = tpu.memref_slice %arg6[%add3A_105, %dma_start3A_106] : memref<40x128xi32, #tpu.memory_space<vmem>> -> memref<1x128xi32, #tpu.memory_space<vmem>>
      %dma_start3A_108 = tpu.memref_squeeze %dma_start3A_107 : memref<1x128xi32, #tpu.memory_space<vmem>> -> memref<128xi32, #tpu.memory_space<vmem>>
      %dma_start3A_109 = arith.constant 0 : i32
      %dma_start3A_110 = arith.constant 0 : i32
      %dma_start3A_111 = tpu.memref_slice %arg2[%dma_start3A_109, %dma_start3A_110] : memref<10000x128xf32, #tpu.memory_space<hbm>> -> memref<10000x128xf32, #tpu.memory_space<hbm>>
      tpu.enqueue_indirect_dma source(%dma_start3A_111 : memref<10000x128xf32, #tpu.memory_space<hbm>>) target(%arg9 : memref<128x128xf32, #tpu.memory_space<vmem>>) offsets(%dma_start3A_108 : memref<128xi32, #tpu.memory_space<vmem>>) semaphore(%arg12 : memref<!tpu.dma_semaphore, #tpu.memory_space<semaphore_mem>>)
      %dma_wait3A_112 = arith.constant 0 : i32
      %dma_wait3A_113 = tpu.memref_slice %arg6[%mul3A_103, %dma_wait3A_112] : memref<40x128xi32, #tpu.memory_space<vmem>> -> memref<1x128xi32, #tpu.memory_space<vmem>>
      %dma_wait3A_114 = tpu.memref_squeeze %dma_wait3A_113 : memref<1x128xi32, #tpu.memory_space<vmem>> -> memref<128xi32, #tpu.memory_space<vmem>>
      %dma_wait3A_115 = arith.constant 0 : i32
      %dma_wait3A_116 = arith.constant 0 : i32
      %dma_wait3A_117 = tpu.memref_slice %arg2[%dma_wait3A_115, %dma_wait3A_116] : memref<10000x128xf32, #tpu.memory_space<hbm>> -> memref<10000x128xf32, #tpu.memory_space<hbm>>
      tpu.wait_indirect_dma semaphore(%arg11 : memref<!tpu.dma_semaphore, #tpu.memory_space<semaphore_mem>>) src(%dma_wait3A_117 : memref<10000x128xf32, #tpu.memory_space<hbm>>) dst(%arg8 : memref<128x128xf32, #tpu.memory_space<vmem>>)
      "tpu.region"() ({
        %run_scoped3A_136 = tpu.sem_alloc : memref<!tpu.dma_semaphore, #tpu.memory_space<semaphore_mem>>
        %dma_start3A_137 = arith.constant 0 : i32
        %dma_start3A_138 = tpu.memref_slice %arg7[%mul3A_103, %dma_start3A_137] : memref<40x128xi32, #tpu.memory_space<vmem>> -> memref<1x128xi32, #tpu.memory_space<vmem>>
        %dma_start3A_139 = tpu.memref_squeeze %dma_start3A_138 : memref<1x128xi32, #tpu.memory_space<vmem>> -> memref<128xi32, #tpu.memory_space<vmem>>
        %dma_start3A_140 = arith.constant 0 : i32
        %dma_start3A_141 = arith.constant 0 : i32
        %dma_start3A_142 = tpu.memref_slice %arg10[%dma_start3A_140, %dma_start3A_141] : memref<10240x128xf32, #tpu.memory_space<vmem_shared>> -> memref<10240x128xf32, #tpu.memory_space<vmem_shared>>
        tpu.enqueue_indirect_dma source(%arg8 : memref<128x128xf32, #tpu.memory_space<vmem>>) target(%dma_start3A_142 : memref<10240x128xf32, #tpu.memory_space<vmem_shared>>) offsets(%dma_start3A_139 : memref<128xi32, #tpu.memory_space<vmem>>) semaphore(%run_scoped3A_136 : memref<!tpu.dma_semaphore, #tpu.memory_space<semaphore_mem>>) {add = true}
        %dma_wait3A_143 = arith.constant 0 : i32
        %dma_wait3A_144 = tpu.memref_slice %arg7[%mul3A_103, %dma_wait3A_143] : memref<40x128xi32, #tpu.memory_space<vmem>> -> memref<1x128xi32, #tpu.memory_space<vmem>>
        %dma_wait3A_145 = tpu.memref_squeeze %dma_wait3A_144 : memref<1x128xi32, #tpu.memory_space<vmem>> -> memref<128xi32, #tpu.memory_space<vmem>>
        %dma_wait3A_146 = arith.constant 0 : i32
        %dma_wait3A_147 = arith.constant 0 : i32
        %dma_wait3A_148 = tpu.memref_slice %arg10[%dma_wait3A_146, %dma_wait3A_147] : memref<10240x128xf32, #tpu.memory_space<vmem_shared>> -> memref<10240x128xf32, #tpu.memory_space<vmem_shared>>
        tpu.wait_indirect_dma semaphore(%run_scoped3A_136 : memref<!tpu.dma_semaphore, #tpu.memory_space<semaphore_mem>>) src(%arg8 : memref<128x128xf32, #tpu.memory_space<vmem>>) dst(%dma_wait3A_148 : memref<10240x128xf32, #tpu.memory_space<vmem_shared>>)
        tpu.yield
      }) : () -> ()
      %mul3A_118 = arith.constant 2 : i32
      %mul3A_119 = arith.muli %scan3A_101, %mul3A_118 : i32
      %add3A_120 = arith.constant 1 : i32
      %add3A_121 = arith.addi %mul3A_119, %add3A_120 : i32
      %add3A_122 = arith.constant 1 : i32
      %add3A_123 = arith.addi %add3A_121, %add3A_122 : i32
      %dma_start3A_124 = arith.constant 0 : i32
      %dma_start3A_125 = tpu.memref_slice %arg6[%add3A_123, %dma_start3A_124] : memref<40x128xi32, #tpu.memory_space<vmem>> -> memref<1x128xi32, #tpu.memory_space<vmem>>
      %dma_start3A_126 = tpu.memref_squeeze %dma_start3A_125 : memref<1x128xi32, #tpu.memory_space<vmem>> -> memref<128xi32, #tpu.memory_space<vmem>>
      %dma_start3A_127 = arith.constant 0 : i32
      %dma_start3A_128 = arith.constant 0 : i32
      %dma_start3A_129 = tpu.memref_slice %arg2[%dma_start3A_127, %dma_start3A_128] : memref<10000x128xf32, #tpu.memory_space<hbm>> -> memref<10000x128xf32, #tpu.memory_space<hbm>>
      tpu.enqueue_indirect_dma source(%dma_start3A_129 : memref<10000x128xf32, #tpu.memory_space<hbm>>) target(%arg8 : memref<128x128xf32, #tpu.memory_space<vmem>>) offsets(%dma_start3A_126 : memref<128xi32, #tpu.memory_space<vmem>>) semaphore(%arg11 : memref<!tpu.dma_semaphore, #tpu.memory_space<semaphore_mem>>)
      %dma_wait3A_130 = arith.constant 0 : i32
      %dma_wait3A_131 = tpu.memref_slice %arg6[%add3A_121, %dma_wait3A_130] : memref<40x128xi32, #tpu.memory_space<vmem>> -> memref<1x128xi32, #tpu.memory_space<vmem>>
      %dma_wait3A_132 = tpu.memref_squeeze %dma_wait3A_131 : memref<1x128xi32, #tpu.memory_space<vmem>> -> memref<128xi32, #tpu.memory_space<vmem>>
      %dma_wait3A_133 = arith.constant 0 : i32
      %dma_wait3A_134 = arith.constant 0 : i32
      %dma_wait3A_135 = tpu.memref_slice %arg2[%dma_wait3A_133, %dma_wait3A_134] : memref<10000x128xf32, #tpu.memory_space<hbm>> -> memref<10000x128xf32, #tpu.memory_space<hbm>>
      tpu.wait_indirect_dma semaphore(%arg12 : memref<!tpu.dma_semaphore, #tpu.memory_space<semaphore_mem>>) src(%dma_wait3A_135 : memref<10000x128xf32, #tpu.memory_space<hbm>>) dst(%arg9 : memref<128x128xf32, #tpu.memory_space<vmem>>)
      "tpu.region"() ({
        %run_scoped3A_136 = tpu.sem_alloc : memref<!tpu.dma_semaphore, #tpu.memory_space<semaphore_mem>>
        %dma_start3A_137 = arith.constant 0 : i32
        %dma_start3A_138 = tpu.memref_slice %arg7[%add3A_121, %dma_start3A_137] : memref<40x128xi32, #tpu.memory_space<vmem>> -> memref<1x128xi32, #tpu.memory_space<vmem>>
        %dma_start3A_139 = tpu.memref_squeeze %dma_start3A_138 : memref<1x128xi32, #tpu.memory_space<vmem>> -> memref<128xi32, #tpu.memory_space<vmem>>
        %dma_start3A_140 = arith.constant 0 : i32
        %dma_start3A_141 = arith.constant 0 : i32
        %dma_start3A_142 = tpu.memref_slice %arg10[%dma_start3A_140, %dma_start3A_141] : memref<10240x128xf32, #tpu.memory_space<vmem_shared>> -> memref<10240x128xf32, #tpu.memory_space<vmem_shared>>
        tpu.enqueue_indirect_dma source(%arg9 : memref<128x128xf32, #tpu.memory_space<vmem>>) target(%dma_start3A_142 : memref<10240x128xf32, #tpu.memory_space<vmem_shared>>) offsets(%dma_start3A_139 : memref<128xi32, #tpu.memory_space<vmem>>) semaphore(%run_scoped3A_136 : memref<!tpu.dma_semaphore, #tpu.memory_space<semaphore_mem>>) {add = true}
        %dma_wait3A_143 = arith.constant 0 : i32
        %dma_wait3A_144 = tpu.memref_slice %arg7[%add3A_121, %dma_wait3A_143] : memref<40x128xi32, #tpu.memory_space<vmem>> -> memref<1x128xi32, #tpu.memory_space<vmem>>
        %dma_wait3A_145 = tpu.memref_squeeze %dma_wait3A_144 : memref<1x128xi32, #tpu.memory_space<vmem>> -> memref<128xi32, #tpu.memory_space<vmem>>
        %dma_wait3A_146 = arith.constant 0 : i32
        %dma_wait3A_147 = arith.constant 0 : i32
        %dma_wait3A_148 = tpu.memref_slice %arg10[%dma_wait3A_146, %dma_wait3A_147] : memref<10240x128xf32, #tpu.memory_space<vmem_shared>> -> memref<10240x128xf32, #tpu.memory_space<vmem_shared>>
        tpu.wait_indirect_dma semaphore(%run_scoped3A_136 : memref<!tpu.dma_semaphore, #tpu.memory_space<semaphore_mem>>) src(%arg9 : memref<128x128xf32, #tpu.memory_space<vmem>>) dst(%dma_wait3A_148 : memref<10240x128xf32, #tpu.memory_space<vmem_shared>>)
        tpu.yield
      }) : () -> ()
    }
    %scan3A_38 = arith.constant 19 : i32
    %dma_start3A_39 = arith.constant 39 : i32
    %dma_start3A_40 = arith.constant 0 : i32
    %dma_start3A_41 = tpu.memref_slice %arg6[%dma_start3A_39, %dma_start3A_40] : memref<40x128xi32, #tpu.memory_space<vmem>> -> memref<1x128xi32, #tpu.memory_space<vmem>>
    %dma_start3A_42 = tpu.memref_squeeze %dma_start3A_41 : memref<1x128xi32, #tpu.memory_space<vmem>> -> memref<128xi32, #tpu.memory_space<vmem>>
    %dma_start3A_43 = arith.constant 0 : i32
    %dma_start3A_44 = arith.constant 0 : i32
    %dma_start3A_45 = tpu.memref_slice %arg2[%dma_start3A_43, %dma_start3A_44] : memref<10000x128xf32, #tpu.memory_space<hbm>> -> memref<10000x128xf32, #tpu.memory_space<hbm>>
    tpu.enqueue_indirect_dma source(%dma_start3A_45 : memref<10000x128xf32, #tpu.memory_space<hbm>>) target(%arg9 : memref<128x128xf32, #tpu.memory_space<vmem>>) offsets(%dma_start3A_42 : memref<128xi32, #tpu.memory_space<vmem>>) semaphore(%arg12 : memref<!tpu.dma_semaphore, #tpu.memory_space<semaphore_mem>>)
    %dma_wait3A = arith.constant 38 : i32
    %dma_wait3A_46 = arith.constant 0 : i32
    %dma_wait3A_47 = tpu.memref_slice %arg6[%dma_wait3A, %dma_wait3A_46] : memref<40x128xi32, #tpu.memory_space<vmem>> -> memref<1x128xi32, #tpu.memory_space<vmem>>
    %dma_wait3A_48 = tpu.memref_squeeze %dma_wait3A_47 : memref<1x128xi32, #tpu.memory_space<vmem>> -> memref<128xi32, #tpu.memory_space<vmem>>
    %dma_wait3A_49 = arith.constant 0 : i32
    %dma_wait3A_50 = arith.constant 0 : i32
    %dma_wait3A_51 = tpu.memref_slice %arg2[%dma_wait3A_49, %dma_wait3A_50] : memref<10000x128xf32, #tpu.memory_space<hbm>> -> memref<10000x128xf32, #tpu.memory_space<hbm>>
    tpu.wait_indirect_dma semaphore(%arg11 : memref<!tpu.dma_semaphore, #tpu.memory_space<semaphore_mem>>) src(%dma_wait3A_51 : memref<10000x128xf32, #tpu.memory_space<hbm>>) dst(%arg8 : memref<128x128xf32, #tpu.memory_space<vmem>>)
    %run_scoped3A = arith.constant 38 : i32
    "tpu.region"() ({
      %run_scoped3A_101 = tpu.sem_alloc : memref<!tpu.dma_semaphore, #tpu.memory_space<semaphore_mem>>
      %dma_start3A_102 = arith.constant 0 : i32
      %dma_start3A_103 = tpu.memref_slice %arg7[%run_scoped3A, %dma_start3A_102] : memref<40x128xi32, #tpu.memory_space<vmem>> -> memref<1x128xi32, #tpu.memory_space<vmem>>
      %dma_start3A_104 = tpu.memref_squeeze %dma_start3A_103 : memref<1x128xi32, #tpu.memory_space<vmem>> -> memref<128xi32, #tpu.memory_space<vmem>>
      %dma_start3A_105 = arith.constant 0 : i32
      %dma_start3A_106 = arith.constant 0 : i32
      %dma_start3A_107 = tpu.memref_slice %arg10[%dma_start3A_105, %dma_start3A_106] : memref<10240x128xf32, #tpu.memory_space<vmem_shared>> -> memref<10240x128xf32, #tpu.memory_space<vmem_shared>>
      tpu.enqueue_indirect_dma source(%arg8 : memref<128x128xf32, #tpu.memory_space<vmem>>) target(%dma_start3A_107 : memref<10240x128xf32, #tpu.memory_space<vmem_shared>>) offsets(%dma_start3A_104 : memref<128xi32, #tpu.memory_space<vmem>>) semaphore(%run_scoped3A_101 : memref<!tpu.dma_semaphore, #tpu.memory_space<semaphore_mem>>) {add = true}
      %dma_wait3A_108 = arith.constant 0 : i32
      %dma_wait3A_109 = tpu.memref_slice %arg7[%run_scoped3A, %dma_wait3A_108] : memref<40x128xi32, #tpu.memory_space<vmem>> -> memref<1x128xi32, #tpu.memory_space<vmem>>
      %dma_wait3A_110 = tpu.memref_squeeze %dma_wait3A_109 : memref<1x128xi32, #tpu.memory_space<vmem>> -> memref<128xi32, #tpu.memory_space<vmem>>
      %dma_wait3A_111 = arith.constant 0 : i32
      %dma_wait3A_112 = arith.constant 0 : i32
      %dma_wait3A_113 = tpu.memref_slice %arg10[%dma_wait3A_111, %dma_wait3A_112] : memref<10240x128xf32, #tpu.memory_space<vmem_shared>> -> memref<10240x128xf32, #tpu.memory_space<vmem_shared>>
      tpu.wait_indirect_dma semaphore(%run_scoped3A_101 : memref<!tpu.dma_semaphore, #tpu.memory_space<semaphore_mem>>) src(%arg8 : memref<128x128xf32, #tpu.memory_space<vmem>>) dst(%dma_wait3A_113 : memref<10240x128xf32, #tpu.memory_space<vmem_shared>>)
      tpu.yield
    }) : () -> ()
    %dma_wait3A_52 = arith.constant 39 : i32
    %dma_wait3A_53 = arith.constant 0 : i32
    %dma_wait3A_54 = tpu.memref_slice %arg6[%dma_wait3A_52, %dma_wait3A_53] : memref<40x128xi32, #tpu.memory_space<vmem>> -> memref<1x128xi32, #tpu.memory_space<vmem>>
    %dma_wait3A_55 = tpu.memref_squeeze %dma_wait3A_54 : memref<1x128xi32, #tpu.memory_space<vmem>> -> memref<128xi32, #tpu.memory_space<vmem>>
    %dma_wait3A_56 = arith.constant 0 : i32
    %dma_wait3A_57 = arith.constant 0 : i32
    %dma_wait3A_58 = tpu.memref_slice %arg2[%dma_wait3A_56, %dma_wait3A_57] : memref<10000x128xf32, #tpu.memory_space<hbm>> -> memref<10000x128xf32, #tpu.memory_space<hbm>>
    tpu.wait_indirect_dma semaphore(%arg12 : memref<!tpu.dma_semaphore, #tpu.memory_space<semaphore_mem>>) src(%dma_wait3A_58 : memref<10000x128xf32, #tpu.memory_space<hbm>>) dst(%arg9 : memref<128x128xf32, #tpu.memory_space<vmem>>)
    %run_scoped3A_59 = arith.constant 39 : i32
    "tpu.region"() ({
      %run_scoped3A_101 = tpu.sem_alloc : memref<!tpu.dma_semaphore, #tpu.memory_space<semaphore_mem>>
      %dma_start3A_102 = arith.constant 0 : i32
      %dma_start3A_103 = tpu.memref_slice %arg7[%run_scoped3A_59, %dma_start3A_102] : memref<40x128xi32, #tpu.memory_space<vmem>> -> memref<1x128xi32, #tpu.memory_space<vmem>>
      %dma_start3A_104 = tpu.memref_squeeze %dma_start3A_103 : memref<1x128xi32, #tpu.memory_space<vmem>> -> memref<128xi32, #tpu.memory_space<vmem>>
      %dma_start3A_105 = arith.constant 0 : i32
      %dma_start3A_106 = arith.constant 0 : i32
      %dma_start3A_107 = tpu.memref_slice %arg10[%dma_start3A_105, %dma_start3A_106] : memref<10240x128xf32, #tpu.memory_space<vmem_shared>> -> memref<10240x128xf32, #tpu.memory_space<vmem_shared>>
      tpu.enqueue_indirect_dma source(%arg9 : memref<128x128xf32, #tpu.memory_space<vmem>>) target(%dma_start3A_107 : memref<10240x128xf32, #tpu.memory_space<vmem_shared>>) offsets(%dma_start3A_104 : memref<128xi32, #tpu.memory_space<vmem>>) semaphore(%run_scoped3A_101 : memref<!tpu.dma_semaphore, #tpu.memory_space<semaphore_mem>>) {add = true}
      %dma_wait3A_108 = arith.constant 0 : i32
      %dma_wait3A_109 = tpu.memref_slice %arg7[%run_scoped3A_59, %dma_wait3A_108] : memref<40x128xi32, #tpu.memory_space<vmem>> -> memref<1x128xi32, #tpu.memory_space<vmem>>
      %dma_wait3A_110 = tpu.memref_squeeze %dma_wait3A_109 : memref<1x128xi32, #tpu.memory_space<vmem>> -> memref<128xi32, #tpu.memory_space<vmem>>
      %dma_wait3A_111 = arith.constant 0 : i32
      %dma_wait3A_112 = arith.constant 0 : i32
      %dma_wait3A_113 = tpu.memref_slice %arg10[%dma_wait3A_111, %dma_wait3A_112] : memref<10240x128xf32, #tpu.memory_space<vmem_shared>> -> memref<10240x128xf32, #tpu.memory_space<vmem_shared>>
      tpu.wait_indirect_dma semaphore(%run_scoped3A_101 : memref<!tpu.dma_semaphore, #tpu.memory_space<semaphore_mem>>) src(%arg9 : memref<128x128xf32, #tpu.memory_space<vmem>>) dst(%dma_wait3A_113 : memref<10240x128xf32, #tpu.memory_space<vmem_shared>>)
      tpu.yield
    }) : () -> ()
    "tpu.region"() ({
      %run_scoped3A_101 = tpu.sem_alloc : memref<!tpu.dma_semaphore, #tpu.memory_space<semaphore_mem>>
      %dma_start3A_102 = arith.constant 40 : i32
      %dma_start3A_103 = arith.constant 0 : i32
      %dma_start3A_104 = tpu.memref_slice %arg3[%add3A, %dma_start3A_102, %dma_start3A_103] : memref<32x80x128xi32, #tpu.memory_space<hbm>> -> memref<1x40x128xi32, #tpu.memory_space<hbm>>
      %dma_start3A_105 = tpu.memref_squeeze %dma_start3A_104 : memref<1x40x128xi32, #tpu.memory_space<hbm>> -> memref<40x128xi32, #tpu.memory_space<hbm>>
      %dma_start3A_106 = arith.constant 40 : i32
      %dma_start3A_107 = arith.constant 0 : i32
      %dma_start3A_108 = tpu.memref_slice %arg3[%add3A, %dma_start3A_106, %dma_start3A_107] : memref<32x80x128xi32, #tpu.memory_space<hbm>> -> memref<1x40x128xi32, #tpu.memory_space<hbm>>
      %dma_start3A_109 = tpu.memref_squeeze %dma_start3A_108 : memref<1x40x128xi32, #tpu.memory_space<hbm>> -> memref<40x128xi32, #tpu.memory_space<hbm>>
      tpu.enqueue_dma source(%dma_start3A_109 : memref<40x128xi32, #tpu.memory_space<hbm>>) target(%arg6 : memref<40x128xi32, #tpu.memory_space<vmem>>) target_semaphore(%run_scoped3A_101 : memref<!tpu.dma_semaphore, #tpu.memory_space<semaphore_mem>>)
      %dma_wait3A_110 = arith.constant 40 : i32
      %dma_wait3A_111 = arith.constant 0 : i32
      %dma_wait3A_112 = tpu.memref_slice %arg3[%add3A, %dma_wait3A_110, %dma_wait3A_111] : memref<32x80x128xi32, #tpu.memory_space<hbm>> -> memref<1x40x128xi32, #tpu.memory_space<hbm>>
      %dma_wait3A_113 = tpu.memref_squeeze %dma_wait3A_112 : memref<1x40x128xi32, #tpu.memory_space<hbm>> -> memref<40x128xi32, #tpu.memory_space<hbm>>
      %dma_wait3A_114 = arith.constant 40 : i32
      %dma_wait3A_115 = arith.constant 0 : i32
      %dma_wait3A_116 = tpu.memref_slice %arg3[%add3A, %dma_wait3A_114, %dma_wait3A_115] : memref<32x80x128xi32, #tpu.memory_space<hbm>> -> memref<1x40x128xi32, #tpu.memory_space<hbm>>
      %dma_wait3A_117 = tpu.memref_squeeze %dma_wait3A_116 : memref<1x40x128xi32, #tpu.memory_space<hbm>> -> memref<40x128xi32, #tpu.memory_space<hbm>>
      tpu.wait_dma2 semaphore(%run_scoped3A_101 : memref<!tpu.dma_semaphore, #tpu.memory_space<semaphore_mem>>) src(%dma_wait3A_117 : memref<40x128xi32, #tpu.memory_space<hbm>>) dst(%arg6 : memref<40x128xi32, #tpu.memory_space<vmem>>)
      tpu.yield
    }) : () -> ()
    "tpu.region"() ({
      %run_scoped3A_101 = tpu.sem_alloc : memref<!tpu.dma_semaphore, #tpu.memory_space<semaphore_mem>>
      %dma_start3A_102 = arith.constant 40 : i32
      %dma_start3A_103 = arith.constant 0 : i32
      %dma_start3A_104 = tpu.memref_slice %arg4[%add3A, %dma_start3A_102, %dma_start3A_103] : memref<32x80x128xi32, #tpu.memory_space<hbm>> -> memref<1x40x128xi32, #tpu.memory_space<hbm>>
      %dma_start3A_105 = tpu.memref_squeeze %dma_start3A_104 : memref<1x40x128xi32, #tpu.memory_space<hbm>> -> memref<40x128xi32, #tpu.memory_space<hbm>>
      %dma_start3A_106 = arith.constant 40 : i32
      %dma_start3A_107 = arith.constant 0 : i32
      %dma_start3A_108 = tpu.memref_slice %arg4[%add3A, %dma_start3A_106, %dma_start3A_107] : memref<32x80x128xi32, #tpu.memory_space<hbm>> -> memref<1x40x128xi32, #tpu.memory_space<hbm>>
      %dma_start3A_109 = tpu.memref_squeeze %dma_start3A_108 : memref<1x40x128xi32, #tpu.memory_space<hbm>> -> memref<40x128xi32, #tpu.memory_space<hbm>>
      tpu.enqueue_dma source(%dma_start3A_109 : memref<40x128xi32, #tpu.memory_space<hbm>>) target(%arg7 : memref<40x128xi32, #tpu.memory_space<vmem>>) target_semaphore(%run_scoped3A_101 : memref<!tpu.dma_semaphore, #tpu.memory_space<semaphore_mem>>)
      %dma_wait3A_110 = arith.constant 40 : i32
      %dma_wait3A_111 = arith.constant 0 : i32
      %dma_wait3A_112 = tpu.memref_slice %arg4[%add3A, %dma_wait3A_110, %dma_wait3A_111] : memref<32x80x128xi32, #tpu.memory_space<hbm>> -> memref<1x40x128xi32, #tpu.memory_space<hbm>>
      %dma_wait3A_113 = tpu.memref_squeeze %dma_wait3A_112 : memref<1x40x128xi32, #tpu.memory_space<hbm>> -> memref<40x128xi32, #tpu.memory_space<hbm>>
      %dma_wait3A_114 = arith.constant 40 : i32
      %dma_wait3A_115 = arith.constant 0 : i32
      %dma_wait3A_116 = tpu.memref_slice %arg4[%add3A, %dma_wait3A_114, %dma_wait3A_115] : memref<32x80x128xi32, #tpu.memory_space<hbm>> -> memref<1x40x128xi32, #tpu.memory_space<hbm>>
      %dma_wait3A_117 = tpu.memref_squeeze %dma_wait3A_116 : memref<1x40x128xi32, #tpu.memory_space<hbm>> -> memref<40x128xi32, #tpu.memory_space<hbm>>
      tpu.wait_dma2 semaphore(%run_scoped3A_101 : memref<!tpu.dma_semaphore, #tpu.memory_space<semaphore_mem>>) src(%dma_wait3A_117 : memref<40x128xi32, #tpu.memory_space<hbm>>) dst(%arg7 : memref<40x128xi32, #tpu.memory_space<vmem>>)
      tpu.yield
    }) : () -> ()
    %dma_start3A_60 = arith.constant 0 : i32
    %dma_start3A_61 = arith.constant 0 : i32
    %dma_start3A_62 = tpu.memref_slice %arg6[%dma_start3A_60, %dma_start3A_61] : memref<40x128xi32, #tpu.memory_space<vmem>> -> memref<1x128xi32, #tpu.memory_space<vmem>>
    %dma_start3A_63 = tpu.memref_squeeze %dma_start3A_62 : memref<1x128xi32, #tpu.memory_space<vmem>> -> memref<128xi32, #tpu.memory_space<vmem>>
    %dma_start3A_64 = arith.constant 0 : i32
    %dma_start3A_65 = arith.constant 0 : i32
    %dma_start3A_66 = tpu.memref_slice %arg2[%dma_start3A_64, %dma_start3A_65] : memref<10000x128xf32, #tpu.memory_space<hbm>> -> memref<10000x128xf32, #tpu.memory_space<hbm>>
    tpu.enqueue_indirect_dma source(%dma_start3A_66 : memref<10000x128xf32, #tpu.memory_space<hbm>>) target(%arg8 : memref<128x128xf32, #tpu.memory_space<vmem>>) offsets(%dma_start3A_63 : memref<128xi32, #tpu.memory_space<vmem>>) semaphore(%arg11 : memref<!tpu.dma_semaphore, #tpu.memory_space<semaphore_mem>>)
    %scan3A_67 = arith.constant 0 : i32
    %scan3A_68 = arith.constant 0 : i32
    %scan3A_69 = arith.constant 19 : i32
    %scan3A_70 = arith.addi %scan3A_68, %scan3A_69 : i32
    %scan3A_71 = arith.constant 1 : i32
    scf.for %scan3A_101 = %scan3A_68 to %scan3A_70 step %scan3A_71  : i32 {
      %mul3A_102 = arith.constant 2 : i32
      %mul3A_103 = arith.muli %scan3A_101, %mul3A_102 : i32
      %add3A_104 = arith.constant 1 : i32
      %add3A_105 = arith.addi %mul3A_103, %add3A_104 : i32
      %dma_start3A_106 = arith.constant 0 : i32
      %dma_start3A_107 = tpu.memref_slice %arg6[%add3A_105, %dma_start3A_106] : memref<40x128xi32, #tpu.memory_space<vmem>> -> memref<1x128xi32, #tpu.memory_space<vmem>>
      %dma_start3A_108 = tpu.memref_squeeze %dma_start3A_107 : memref<1x128xi32, #tpu.memory_space<vmem>> -> memref<128xi32, #tpu.memory_space<vmem>>
      %dma_start3A_109 = arith.constant 0 : i32
      %dma_start3A_110 = arith.constant 0 : i32
      %dma_start3A_111 = tpu.memref_slice %arg2[%dma_start3A_109, %dma_start3A_110] : memref<10000x128xf32, #tpu.memory_space<hbm>> -> memref<10000x128xf32, #tpu.memory_space<hbm>>
      tpu.enqueue_indirect_dma source(%dma_start3A_111 : memref<10000x128xf32, #tpu.memory_space<hbm>>) target(%arg9 : memref<128x128xf32, #tpu.memory_space<vmem>>) offsets(%dma_start3A_108 : memref<128xi32, #tpu.memory_space<vmem>>) semaphore(%arg12 : memref<!tpu.dma_semaphore, #tpu.memory_space<semaphore_mem>>)
      %dma_wait3A_112 = arith.constant 0 : i32
      %dma_wait3A_113 = tpu.memref_slice %arg6[%mul3A_103, %dma_wait3A_112] : memref<40x128xi32, #tpu.memory_space<vmem>> -> memref<1x128xi32, #tpu.memory_space<vmem>>
      %dma_wait3A_114 = tpu.memref_squeeze %dma_wait3A_113 : memref<1x128xi32, #tpu.memory_space<vmem>> -> memref<128xi32, #tpu.memory_space<vmem>>
      %dma_wait3A_115 = arith.constant 0 : i32
      %dma_wait3A_116 = arith.constant 0 : i32
      %dma_wait3A_117 = tpu.memref_slice %arg2[%dma_wait3A_115, %dma_wait3A_116] : memref<10000x128xf32, #tpu.memory_space<hbm>> -> memref<10000x128xf32, #tpu.memory_space<hbm>>
      tpu.wait_indirect_dma semaphore(%arg11 : memref<!tpu.dma_semaphore, #tpu.memory_space<semaphore_mem>>) src(%dma_wait3A_117 : memref<10000x128xf32, #tpu.memory_space<hbm>>) dst(%arg8 : memref<128x128xf32, #tpu.memory_space<vmem>>)
      "tpu.region"() ({
        %run_scoped3A_136 = tpu.sem_alloc : memref<!tpu.dma_semaphore, #tpu.memory_space<semaphore_mem>>
        %dma_start3A_137 = arith.constant 0 : i32
        %dma_start3A_138 = tpu.memref_slice %arg7[%mul3A_103, %dma_start3A_137] : memref<40x128xi32, #tpu.memory_space<vmem>> -> memref<1x128xi32, #tpu.memory_space<vmem>>
        %dma_start3A_139 = tpu.memref_squeeze %dma_start3A_138 : memref<1x128xi32, #tpu.memory_space<vmem>> -> memref<128xi32, #tpu.memory_space<vmem>>
        %dma_start3A_140 = arith.constant 0 : i32
        %dma_start3A_141 = arith.constant 0 : i32
        %dma_start3A_142 = tpu.memref_slice %arg10[%dma_start3A_140, %dma_start3A_141] : memref<10240x128xf32, #tpu.memory_space<vmem_shared>> -> memref<10240x128xf32, #tpu.memory_space<vmem_shared>>
        tpu.enqueue_indirect_dma source(%arg8 : memref<128x128xf32, #tpu.memory_space<vmem>>) target(%dma_start3A_142 : memref<10240x128xf32, #tpu.memory_space<vmem_shared>>) offsets(%dma_start3A_139 : memref<128xi32, #tpu.memory_space<vmem>>) semaphore(%run_scoped3A_136 : memref<!tpu.dma_semaphore, #tpu.memory_space<semaphore_mem>>) {add = true}
        %dma_wait3A_143 = arith.constant 0 : i32
        %dma_wait3A_144 = tpu.memref_slice %arg7[%mul3A_103, %dma_wait3A_143] : memref<40x128xi32, #tpu.memory_space<vmem>> -> memref<1x128xi32, #tpu.memory_space<vmem>>
        %dma_wait3A_145 = tpu.memref_squeeze %dma_wait3A_144 : memref<1x128xi32, #tpu.memory_space<vmem>> -> memref<128xi32, #tpu.memory_space<vmem>>
        %dma_wait3A_146 = arith.constant 0 : i32
        %dma_wait3A_147 = arith.constant 0 : i32
        %dma_wait3A_148 = tpu.memref_slice %arg10[%dma_wait3A_146, %dma_wait3A_147] : memref<10240x128xf32, #tpu.memory_space<vmem_shared>> -> memref<10240x128xf32, #tpu.memory_space<vmem_shared>>
        tpu.wait_indirect_dma semaphore(%run_scoped3A_136 : memref<!tpu.dma_semaphore, #tpu.memory_space<semaphore_mem>>) src(%arg8 : memref<128x128xf32, #tpu.memory_space<vmem>>) dst(%dma_wait3A_148 : memref<10240x128xf32, #tpu.memory_space<vmem_shared>>)
        tpu.yield
      }) : () -> ()
      %mul3A_118 = arith.constant 2 : i32
      %mul3A_119 = arith.muli %scan3A_101, %mul3A_118 : i32
      %add3A_120 = arith.constant 1 : i32
      %add3A_121 = arith.addi %mul3A_119, %add3A_120 : i32
      %add3A_122 = arith.constant 1 : i32
      %add3A_123 = arith.addi %add3A_121, %add3A_122 : i32
      %dma_start3A_124 = arith.constant 0 : i32
      %dma_start3A_125 = tpu.memref_slice %arg6[%add3A_123, %dma_start3A_124] : memref<40x128xi32, #tpu.memory_space<vmem>> -> memref<1x128xi32, #tpu.memory_space<vmem>>
      %dma_start3A_126 = tpu.memref_squeeze %dma_start3A_125 : memref<1x128xi32, #tpu.memory_space<vmem>> -> memref<128xi32, #tpu.memory_space<vmem>>
      %dma_start3A_127 = arith.constant 0 : i32
      %dma_start3A_128 = arith.constant 0 : i32
      %dma_start3A_129 = tpu.memref_slice %arg2[%dma_start3A_127, %dma_start3A_128] : memref<10000x128xf32, #tpu.memory_space<hbm>> -> memref<10000x128xf32, #tpu.memory_space<hbm>>
      tpu.enqueue_indirect_dma source(%dma_start3A_129 : memref<10000x128xf32, #tpu.memory_space<hbm>>) target(%arg8 : memref<128x128xf32, #tpu.memory_space<vmem>>) offsets(%dma_start3A_126 : memref<128xi32, #tpu.memory_space<vmem>>) semaphore(%arg11 : memref<!tpu.dma_semaphore, #tpu.memory_space<semaphore_mem>>)
      %dma_wait3A_130 = arith.constant 0 : i32
      %dma_wait3A_131 = tpu.memref_slice %arg6[%add3A_121, %dma_wait3A_130] : memref<40x128xi32, #tpu.memory_space<vmem>> -> memref<1x128xi32, #tpu.memory_space<vmem>>
      %dma_wait3A_132 = tpu.memref_squeeze %dma_wait3A_131 : memref<1x128xi32, #tpu.memory_space<vmem>> -> memref<128xi32, #tpu.memory_space<vmem>>
      %dma_wait3A_133 = arith.constant 0 : i32
      %dma_wait3A_134 = arith.constant 0 : i32
      %dma_wait3A_135 = tpu.memref_slice %arg2[%dma_wait3A_133, %dma_wait3A_134] : memref<10000x128xf32, #tpu.memory_space<hbm>> -> memref<10000x128xf32, #tpu.memory_space<hbm>>
      tpu.wait_indirect_dma semaphore(%arg12 : memref<!tpu.dma_semaphore, #tpu.memory_space<semaphore_mem>>) src(%dma_wait3A_135 : memref<10000x128xf32, #tpu.memory_space<hbm>>) dst(%arg9 : memref<128x128xf32, #tpu.memory_space<vmem>>)
      "tpu.region"() ({
        %run_scoped3A_136 = tpu.sem_alloc : memref<!tpu.dma_semaphore, #tpu.memory_space<semaphore_mem>>
        %dma_start3A_137 = arith.constant 0 : i32
        %dma_start3A_138 = tpu.memref_slice %arg7[%add3A_121, %dma_start3A_137] : memref<40x128xi32, #tpu.memory_space<vmem>> -> memref<1x128xi32, #tpu.memory_space<vmem>>
        %dma_start3A_139 = tpu.memref_squeeze %dma_start3A_138 : memref<1x128xi32, #tpu.memory_space<vmem>> -> memref<128xi32, #tpu.memory_space<vmem>>
        %dma_start3A_140 = arith.constant 0 : i32
        %dma_start3A_141 = arith.constant 0 : i32
        %dma_start3A_142 = tpu.memref_slice %arg10[%dma_start3A_140, %dma_start3A_141] : memref<10240x128xf32, #tpu.memory_space<vmem_shared>> -> memref<10240x128xf32, #tpu.memory_space<vmem_shared>>
        tpu.enqueue_indirect_dma source(%arg9 : memref<128x128xf32, #tpu.memory_space<vmem>>) target(%dma_start3A_142 : memref<10240x128xf32, #tpu.memory_space<vmem_shared>>) offsets(%dma_start3A_139 : memref<128xi32, #tpu.memory_space<vmem>>) semaphore(%run_scoped3A_136 : memref<!tpu.dma_semaphore, #tpu.memory_space<semaphore_mem>>) {add = true}
        %dma_wait3A_143 = arith.constant 0 : i32
        %dma_wait3A_144 = tpu.memref_slice %arg7[%add3A_121, %dma_wait3A_143] : memref<40x128xi32, #tpu.memory_space<vmem>> -> memref<1x128xi32, #tpu.memory_space<vmem>>
        %dma_wait3A_145 = tpu.memref_squeeze %dma_wait3A_144 : memref<1x128xi32, #tpu.memory_space<vmem>> -> memref<128xi32, #tpu.memory_space<vmem>>
        %dma_wait3A_146 = arith.constant 0 : i32
        %dma_wait3A_147 = arith.constant 0 : i32
        %dma_wait3A_148 = tpu.memref_slice %arg10[%dma_wait3A_146, %dma_wait3A_147] : memref<10240x128xf32, #tpu.memory_space<vmem_shared>> -> memref<10240x128xf32, #tpu.memory_space<vmem_shared>>
        tpu.wait_indirect_dma semaphore(%run_scoped3A_136 : memref<!tpu.dma_semaphore, #tpu.memory_space<semaphore_mem>>) src(%arg9 : memref<128x128xf32, #tpu.memory_space<vmem>>) dst(%dma_wait3A_148 : memref<10240x128xf32, #tpu.memory_space<vmem_shared>>)
        tpu.yield
      }) : () -> ()
    }
    %scan3A_72 = arith.constant 19 : i32
    %dma_start3A_73 = arith.constant 39 : i32
    %dma_start3A_74 = arith.constant 0 : i32
    %dma_start3A_75 = tpu.memref_slice %arg6[%dma_start3A_73, %dma_start3A_74] : memref<40x128xi32, #tpu.memory_space<vmem>> -> memref<1x128xi32, #tpu.memory_space<vmem>>
    %dma_start3A_76 = tpu.memref_squeeze %dma_start3A_75 : memref<1x128xi32, #tpu.memory_space<vmem>> -> memref<128xi32, #tpu.memory_space<vmem>>
    %dma_start3A_77 = arith.constant 0 : i32
    %dma_start3A_78 = arith.constant 0 : i32
    %dma_start3A_79 = tpu.memref_slice %arg2[%dma_start3A_77, %dma_start3A_78] : memref<10000x128xf32, #tpu.memory_space<hbm>> -> memref<10000x128xf32, #tpu.memory_space<hbm>>
    tpu.enqueue_indirect_dma source(%dma_start3A_79 : memref<10000x128xf32, #tpu.memory_space<hbm>>) target(%arg9 : memref<128x128xf32, #tpu.memory_space<vmem>>) offsets(%dma_start3A_76 : memref<128xi32, #tpu.memory_space<vmem>>) semaphore(%arg12 : memref<!tpu.dma_semaphore, #tpu.memory_space<semaphore_mem>>)
    %dma_wait3A_80 = arith.constant 38 : i32
    %dma_wait3A_81 = arith.constant 0 : i32
    %dma_wait3A_82 = tpu.memref_slice %arg6[%dma_wait3A_80, %dma_wait3A_81] : memref<40x128xi32, #tpu.memory_space<vmem>> -> memref<1x128xi32, #tpu.memory_space<vmem>>
    %dma_wait3A_83 = tpu.memref_squeeze %dma_wait3A_82 : memref<1x128xi32, #tpu.memory_space<vmem>> -> memref<128xi32, #tpu.memory_space<vmem>>
    %dma_wait3A_84 = arith.constant 0 : i32
    %dma_wait3A_85 = arith.constant 0 : i32
    %dma_wait3A_86 = tpu.memref_slice %arg2[%dma_wait3A_84, %dma_wait3A_85] : memref<10000x128xf32, #tpu.memory_space<hbm>> -> memref<10000x128xf32, #tpu.memory_space<hbm>>
    tpu.wait_indirect_dma semaphore(%arg11 : memref<!tpu.dma_semaphore, #tpu.memory_space<semaphore_mem>>) src(%dma_wait3A_86 : memref<10000x128xf32, #tpu.memory_space<hbm>>) dst(%arg8 : memref<128x128xf32, #tpu.memory_space<vmem>>)
    %run_scoped3A_87 = arith.constant 38 : i32
    "tpu.region"() ({
      %run_scoped3A_101 = tpu.sem_alloc : memref<!tpu.dma_semaphore, #tpu.memory_space<semaphore_mem>>
      %dma_start3A_102 = arith.constant 0 : i32
      %dma_start3A_103 = tpu.memref_slice %arg7[%run_scoped3A_87, %dma_start3A_102] : memref<40x128xi32, #tpu.memory_space<vmem>> -> memref<1x128xi32, #tpu.memory_space<vmem>>
      %dma_start3A_104 = tpu.memref_squeeze %dma_start3A_103 : memref<1x128xi32, #tpu.memory_space<vmem>> -> memref<128xi32, #tpu.memory_space<vmem>>
      %dma_start3A_105 = arith.constant 0 : i32
      %dma_start3A_106 = arith.constant 0 : i32
      %dma_start3A_107 = tpu.memref_slice %arg10[%dma_start3A_105, %dma_start3A_106] : memref<10240x128xf32, #tpu.memory_space<vmem_shared>> -> memref<10240x128xf32, #tpu.memory_space<vmem_shared>>
      tpu.enqueue_indirect_dma source(%arg8 : memref<128x128xf32, #tpu.memory_space<vmem>>) target(%dma_start3A_107 : memref<10240x128xf32, #tpu.memory_space<vmem_shared>>) offsets(%dma_start3A_104 : memref<128xi32, #tpu.memory_space<vmem>>) semaphore(%run_scoped3A_101 : memref<!tpu.dma_semaphore, #tpu.memory_space<semaphore_mem>>) {add = true}
      %dma_wait3A_108 = arith.constant 0 : i32
      %dma_wait3A_109 = tpu.memref_slice %arg7[%run_scoped3A_87, %dma_wait3A_108] : memref<40x128xi32, #tpu.memory_space<vmem>> -> memref<1x128xi32, #tpu.memory_space<vmem>>
      %dma_wait3A_110 = tpu.memref_squeeze %dma_wait3A_109 : memref<1x128xi32, #tpu.memory_space<vmem>> -> memref<128xi32, #tpu.memory_space<vmem>>
      %dma_wait3A_111 = arith.constant 0 : i32
      %dma_wait3A_112 = arith.constant 0 : i32
      %dma_wait3A_113 = tpu.memref_slice %arg10[%dma_wait3A_111, %dma_wait3A_112] : memref<10240x128xf32, #tpu.memory_space<vmem_shared>> -> memref<10240x128xf32, #tpu.memory_space<vmem_shared>>
      tpu.wait_indirect_dma semaphore(%run_scoped3A_101 : memref<!tpu.dma_semaphore, #tpu.memory_space<semaphore_mem>>) src(%arg8 : memref<128x128xf32, #tpu.memory_space<vmem>>) dst(%dma_wait3A_113 : memref<10240x128xf32, #tpu.memory_space<vmem_shared>>)
      tpu.yield
    }) : () -> ()
    %dma_wait3A_88 = arith.constant 39 : i32
    %dma_wait3A_89 = arith.constant 0 : i32
    %dma_wait3A_90 = tpu.memref_slice %arg6[%dma_wait3A_88, %dma_wait3A_89] : memref<40x128xi32, #tpu.memory_space<vmem>> -> memref<1x128xi32, #tpu.memory_space<vmem>>
    %dma_wait3A_91 = tpu.memref_squeeze %dma_wait3A_90 : memref<1x128xi32, #tpu.memory_space<vmem>> -> memref<128xi32, #tpu.memory_space<vmem>>
    %dma_wait3A_92 = arith.constant 0 : i32
    %dma_wait3A_93 = arith.constant 0 : i32
    %dma_wait3A_94 = tpu.memref_slice %arg2[%dma_wait3A_92, %dma_wait3A_93] : memref<10000x128xf32, #tpu.memory_space<hbm>> -> memref<10000x128xf32, #tpu.memory_space<hbm>>
    tpu.wait_indirect_dma semaphore(%arg12 : memref<!tpu.dma_semaphore, #tpu.memory_space<semaphore_mem>>) src(%dma_wait3A_94 : memref<10000x128xf32, #tpu.memory_space<hbm>>) dst(%arg9 : memref<128x128xf32, #tpu.memory_space<vmem>>)
    %run_scoped3A_95 = arith.constant 39 : i32
    "tpu.region"() ({
      %run_scoped3A_101 = tpu.sem_alloc : memref<!tpu.dma_semaphore, #tpu.memory_space<semaphore_mem>>
      %dma_start3A_102 = arith.constant 0 : i32
      %dma_start3A_103 = tpu.memref_slice %arg7[%run_scoped3A_95, %dma_start3A_102] : memref<40x128xi32, #tpu.memory_space<vmem>> -> memref<1x128xi32, #tpu.memory_space<vmem>>
      %dma_start3A_104 = tpu.memref_squeeze %dma_start3A_103 : memref<1x128xi32, #tpu.memory_space<vmem>> -> memref<128xi32, #tpu.memory_space<vmem>>
      %dma_start3A_105 = arith.constant 0 : i32
      %dma_start3A_106 = arith.constant 0 : i32
      %dma_start3A_107 = tpu.memref_slice %arg10[%dma_start3A_105, %dma_start3A_106] : memref<10240x128xf32, #tpu.memory_space<vmem_shared>> -> memref<10240x128xf32, #tpu.memory_space<vmem_shared>>
      tpu.enqueue_indirect_dma source(%arg9 : memref<128x128xf32, #tpu.memory_space<vmem>>) target(%dma_start3A_107 : memref<10240x128xf32, #tpu.memory_space<vmem_shared>>) offsets(%dma_start3A_104 : memref<128xi32, #tpu.memory_space<vmem>>) semaphore(%run_scoped3A_101 : memref<!tpu.dma_semaphore, #tpu.memory_space<semaphore_mem>>) {add = true}
      %dma_wait3A_108 = arith.constant 0 : i32
      %dma_wait3A_109 = tpu.memref_slice %arg7[%run_scoped3A_95, %dma_wait3A_108] : memref<40x128xi32, #tpu.memory_space<vmem>> -> memref<1x128xi32, #tpu.memory_space<vmem>>
      %dma_wait3A_110 = tpu.memref_squeeze %dma_wait3A_109 : memref<1x128xi32, #tpu.memory_space<vmem>> -> memref<128xi32, #tpu.memory_space<vmem>>
      %dma_wait3A_111 = arith.constant 0 : i32
      %dma_wait3A_112 = arith.constant 0 : i32
      %dma_wait3A_113 = tpu.memref_slice %arg10[%dma_wait3A_111, %dma_wait3A_112] : memref<10240x128xf32, #tpu.memory_space<vmem_shared>> -> memref<10240x128xf32, #tpu.memory_space<vmem_shared>>
      tpu.wait_indirect_dma semaphore(%run_scoped3A_101 : memref<!tpu.dma_semaphore, #tpu.memory_space<semaphore_mem>>) src(%arg9 : memref<128x128xf32, #tpu.memory_space<vmem>>) dst(%dma_wait3A_113 : memref<10240x128xf32, #tpu.memory_space<vmem_shared>>)
      tpu.yield
    }) : () -> ()
    %barrier3A_96 = arith.constant 0 : index
    tpu.barrier barrier_id(%barrier3A_96)
    %mul3A_97 = arith.constant 640 : i32
    %mul3A_98 = arith.muli %arg1, %mul3A_97 : i32
    %mul3A_99 = arith.constant 640 : i32
    %mul3A_100 = arith.muli %arg1, %mul3A_99 : i32
    "tpu.region"() ({
      %run_scoped3A_101 = tpu.sem_alloc : memref<!tpu.dma_semaphore, #tpu.memory_space<semaphore_mem>>
      %dma_start3A_102 = arith.constant 0 : i32
      %dma_start3A_103 = tpu.memref_slice %arg5[%arg0, %mul3A_100, %dma_start3A_102] : memref<2x10240x128xf32, #tpu.memory_space<hbm>> -> memref<1x640x128xf32, #tpu.memory_space<hbm>>
      %dma_start3A_104 = tpu.memref_squeeze %dma_start3A_103 : memref<1x640x128xf32, #tpu.memory_space<hbm>> -> memref<640x128xf32, #tpu.memory_space<hbm>>
      %dma_start3A_105 = arith.constant 0 : i32
      %dma_start3A_106 = tpu.memref_slice %arg10[%mul3A_98, %dma_start3A_105] : memref<10240x128xf32, #tpu.memory_space<vmem_shared>> -> memref<640x128xf32, #tpu.memory_space<vmem_shared>>
      tpu.enqueue_dma source(%dma_start3A_106 : memref<640x128xf32, #tpu.memory_space<vmem_shared>>) target(%dma_start3A_104 : memref<640x128xf32, #tpu.memory_space<hbm>>) target_semaphore(%run_scoped3A_101 : memref<!tpu.dma_semaphore, #tpu.memory_space<semaphore_mem>>)
      %dma_wait3A_107 = arith.constant 0 : i32
      %dma_wait3A_108 = tpu.memref_slice %arg5[%arg0, %mul3A_100, %dma_wait3A_107] : memref<2x10240x128xf32, #tpu.memory_space<hbm>> -> memref<1x640x128xf32, #tpu.memory_space<hbm>>
      %dma_wait3A_109 = tpu.memref_squeeze %dma_wait3A_108 : memref<1x640x128xf32, #tpu.memory_space<hbm>> -> memref<640x128xf32, #tpu.memory_space<hbm>>
      %dma_wait3A_110 = arith.constant 0 : i32
      %dma_wait3A_111 = tpu.memref_slice %arg10[%mul3A_98, %dma_wait3A_110] : memref<10240x128xf32, #tpu.memory_space<vmem_shared>> -> memref<640x128xf32, #tpu.memory_space<vmem_shared>>
      tpu.wait_dma2 semaphore(%run_scoped3A_101 : memref<!tpu.dma_semaphore, #tpu.memory_space<semaphore_mem>>) src(%dma_wait3A_111 : memref<640x128xf32, #tpu.memory_space<vmem_shared>>) dst(%dma_wait3A_109 : memref<640x128xf32, #tpu.memory_space<hbm>>)
      tpu.yield
    }) : () -> ()
    return
  }
}

#map = affine_map<(d0, d1) -> (0, 0)>
#map1 = affine_map<(d0, d1) -> (0, 0, 0)>
module attributes {stable_mosaic.version = 14 : i64} {
  func.func @_seg_sum_body(%arg0: i32, %arg1: i32, %arg2: memref<10000x128xf32, #tpu.memory_space<hbm>>, %arg3: memref<32x80x128xi32, #tpu.memory_space<hbm>>, %arg4: memref<32x80x128xi32, #tpu.memory_space<hbm>>, %arg5: memref<2x10240x128xf32, #tpu.memory_space<hbm>>, %arg6: memref<40x128xi32, #tpu.memory_space<vmem>>, %arg7: memref<40x128xi32, #tpu.memory_space<vmem>>, %arg8: memref<128x128xf32, #tpu.memory_space<vmem>>, %arg9: memref<128x128xf32, #tpu.memory_space<vmem>>, %arg10: memref<10240x128xf32, #tpu.memory_space<vmem_shared>>, %arg11: memref<!tpu.dma_semaphore, #tpu.memory_space<semaphore_mem>>, %arg12: memref<!tpu.dma_semaphore, #tpu.memory_space<semaphore_mem>>) attributes {dimension_semantics = [#tpu.dimension_semantics<core_parallel>, #tpu.dimension_semantics<subcore_parallel>], iteration_bounds = array<i64: 2, 16>, scalar_prefetch = 0 : i64, scratch_operands = 7 : i64, tpu.core_type = #tpu.core_type<sc_vector_subcore>, window_params = [{transform_indices = #map}, {transform_indices = #map1}, {transform_indices = #map1}, {transform_indices = #map1}]} {
    %mul3A = arith.constant 2 : i32
    %mul3A_0 = arith.muli %arg1, %mul3A : i32
    %add3A = arith.addi %mul3A_0, %arg0 : i32
    "tpu.region"() ({
      %run_scoped3A_101 = tpu.sem_alloc : memref<!tpu.dma_semaphore, #tpu.memory_space<semaphore_mem>>
      %dma_start3A_102 = arith.constant 0 : i32
      %dma_start3A_103 = arith.constant 0 : i32
      %dma_start3A_104 = tpu.memref_slice %arg3[%add3A, %dma_start3A_102, %dma_start3A_103] : memref<32x80x128xi32, #tpu.memory_space<hbm>> -> memref<1x40x128xi32, #tpu.memory_space<hbm>>
      %dma_start3A_105 = tpu.memref_squeeze %dma_start3A_104 : memref<1x40x128xi32, #tpu.memory_space<hbm>> -> memref<40x128xi32, #tpu.memory_space<hbm>>
      %dma_start3A_106 = arith.constant 0 : i32
      %dma_start3A_107 = arith.constant 0 : i32
      %dma_start3A_108 = tpu.memref_slice %arg3[%add3A, %dma_start3A_106, %dma_start3A_107] : memref<32x80x128xi32, #tpu.memory_space<hbm>> -> memref<1x40x128xi32, #tpu.memory_space<hbm>>
      %dma_start3A_109 = tpu.memref_squeeze %dma_start3A_108 : memref<1x40x128xi32, #tpu.memory_space<hbm>> -> memref<40x128xi32, #tpu.memory_space<hbm>>
      tpu.enqueue_dma source(%dma_start3A_109 : memref<40x128xi32, #tpu.memory_space<hbm>>) target(%arg6 : memref<40x128xi32, #tpu.memory_space<vmem>>) target_semaphore(%run_scoped3A_101 : memref<!tpu.dma_semaphore, #tpu.memory_space<semaphore_mem>>)
      %dma_wait3A_110 = arith.constant 0 : i32
      %dma_wait3A_111 = arith.constant 0 : i32
      %dma_wait3A_112 = tpu.memref_slice %arg3[%add3A, %dma_wait3A_110, %dma_wait3A_111] : memref<32x80x128xi32, #tpu.memory_space<hbm>> -> memref<1x40x128xi32, #tpu.memory_space<hbm>>
      %dma_wait3A_113 = tpu.memref_squeeze %dma_wait3A_112 : memref<1x40x128xi32, #tpu.memory_space<hbm>> -> memref<40x128xi32, #tpu.memory_space<hbm>>
      %dma_wait3A_114 = arith.constant 0 : i32
      %dma_wait3A_115 = arith.constant 0 : i32
      %dma_wait3A_116 = tpu.memref_slice %arg3[%add3A, %dma_wait3A_114, %dma_wait3A_115] : memref<32x80x128xi32, #tpu.memory_space<hbm>> -> memref<1x40x128xi32, #tpu.memory_space<hbm>>
      %dma_wait3A_117 = tpu.memref_squeeze %dma_wait3A_116 : memref<1x40x128xi32, #tpu.memory_space<hbm>> -> memref<40x128xi32, #tpu.memory_space<hbm>>
      tpu.wait_dma2 semaphore(%run_scoped3A_101 : memref<!tpu.dma_semaphore, #tpu.memory_space<semaphore_mem>>) src(%dma_wait3A_117 : memref<40x128xi32, #tpu.memory_space<hbm>>) dst(%arg6 : memref<40x128xi32, #tpu.memory_space<vmem>>)
      tpu.yield
    }) : () -> ()
    "tpu.region"() ({
      %run_scoped3A_101 = tpu.sem_alloc : memref<!tpu.dma_semaphore, #tpu.memory_space<semaphore_mem>>
      %dma_start3A_102 = arith.constant 0 : i32
      %dma_start3A_103 = arith.constant 0 : i32
      %dma_start3A_104 = tpu.memref_slice %arg4[%add3A, %dma_start3A_102, %dma_start3A_103] : memref<32x80x128xi32, #tpu.memory_space<hbm>> -> memref<1x40x128xi32, #tpu.memory_space<hbm>>
      %dma_start3A_105 = tpu.memref_squeeze %dma_start3A_104 : memref<1x40x128xi32, #tpu.memory_space<hbm>> -> memref<40x128xi32, #tpu.memory_space<hbm>>
      %dma_start3A_106 = arith.constant 0 : i32
      %dma_start3A_107 = arith.constant 0 : i32
      %dma_start3A_108 = tpu.memref_slice %arg4[%add3A, %dma_start3A_106, %dma_start3A_107] : memref<32x80x128xi32, #tpu.memory_space<hbm>> -> memref<1x40x128xi32, #tpu.memory_space<hbm>>
      %dma_start3A_109 = tpu.memref_squeeze %dma_start3A_108 : memref<1x40x128xi32, #tpu.memory_space<hbm>> -> memref<40x128xi32, #tpu.memory_space<hbm>>
      tpu.enqueue_dma source(%dma_start3A_109 : memref<40x128xi32, #tpu.memory_space<hbm>>) target(%arg7 : memref<40x128xi32, #tpu.memory_space<vmem>>) target_semaphore(%run_scoped3A_101 : memref<!tpu.dma_semaphore, #tpu.memory_space<semaphore_mem>>)
      %dma_wait3A_110 = arith.constant 0 : i32
      %dma_wait3A_111 = arith.constant 0 : i32
      %dma_wait3A_112 = tpu.memref_slice %arg4[%add3A, %dma_wait3A_110, %dma_wait3A_111] : memref<32x80x128xi32, #tpu.memory_space<hbm>> -> memref<1x40x128xi32, #tpu.memory_space<hbm>>
      %dma_wait3A_113 = tpu.memref_squeeze %dma_wait3A_112 : memref<1x40x128xi32, #tpu.memory_space<hbm>> -> memref<40x128xi32, #tpu.memory_space<hbm>>
      %dma_wait3A_114 = arith.constant 0 : i32
      %dma_wait3A_115 = arith.constant 0 : i32
      %dma_wait3A_116 = tpu.memref_slice %arg4[%add3A, %dma_wait3A_114, %dma_wait3A_115] : memref<32x80x128xi32, #tpu.memory_space<hbm>> -> memref<1x40x128xi32, #tpu.memory_space<hbm>>
      %dma_wait3A_117 = tpu.memref_squeeze %dma_wait3A_116 : memref<1x40x128xi32, #tpu.memory_space<hbm>> -> memref<40x128xi32, #tpu.memory_space<hbm>>
      tpu.wait_dma2 semaphore(%run_scoped3A_101 : memref<!tpu.dma_semaphore, #tpu.memory_space<semaphore_mem>>) src(%dma_wait3A_117 : memref<40x128xi32, #tpu.memory_space<hbm>>) dst(%arg7 : memref<40x128xi32, #tpu.memory_space<vmem>>)
      tpu.yield
    }) : () -> ()
    %dma_start3A = arith.constant 0 : i32
    %dma_start3A_1 = arith.constant 0 : i32
    %dma_start3A_2 = tpu.memref_slice %arg6[%dma_start3A, %dma_start3A_1] : memref<40x128xi32, #tpu.memory_space<vmem>> -> memref<1x128xi32, #tpu.memory_space<vmem>>
    %dma_start3A_3 = tpu.memref_squeeze %dma_start3A_2 : memref<1x128xi32, #tpu.memory_space<vmem>> -> memref<128xi32, #tpu.memory_space<vmem>>
    %dma_start3A_4 = arith.constant 0 : i32
    %dma_start3A_5 = arith.constant 0 : i32
    %dma_start3A_6 = tpu.memref_slice %arg2[%dma_start3A_4, %dma_start3A_5] : memref<10000x128xf32, #tpu.memory_space<hbm>> -> memref<10000x128xf32, #tpu.memory_space<hbm>>
    tpu.enqueue_indirect_dma source(%dma_start3A_6 : memref<10000x128xf32, #tpu.memory_space<hbm>>) target(%arg8 : memref<128x128xf32, #tpu.memory_space<vmem>>) offsets(%dma_start3A_3 : memref<128xi32, #tpu.memory_space<vmem>>) semaphore(%arg11 : memref<!tpu.dma_semaphore, #tpu.memory_space<semaphore_mem>>)
    %broadcast_in_dim3A = arith.constant 0.000000e+00 : f32
    %broadcast_in_dim3A_7 = vector.broadcast %broadcast_in_dim3A : f32 to vector<16xf32>
    %scan3A = arith.constant 0 : i32
    %scan3A_8 = arith.constant 0 : i32
    %scan3A_9 = arith.constant 128 : i32
    %scan3A_10 = arith.addi %scan3A_8, %scan3A_9 : i32
    %scan3A_11 = arith.constant 1 : i32
    scf.for %scan3A_101 = %scan3A_8 to %scan3A_10 step %scan3A_11  : i32 {
      %swap3A = arith.index_cast %scan3A_101 : i32 to index
      %swap3A_102 = arith.constant 0 : index
      %swap3A_103 = tpu.vector_load %arg9[%swap3A, %swap3A_102] {strides = array<i32>} : memref<128x128xf32, #tpu.memory_space<vmem>>, vector<1x16xf32>,
      %swap3A_104 = vector.shape_cast %swap3A_103 : vector<1x16xf32> to vector<16xf32>
      %swap3A_105 = vector.shape_cast %broadcast_in_dim3A_7 : vector<16xf32> to vector<1x16xf32>
      tpu.vector_store %arg9[%swap3A, %swap3A_102], %swap3A_105 {strides = array<i32>} : memref<128x128xf32, #tpu.memory_space<vmem>>, vector<1x16xf32>,
      %swap3A_106 = arith.index_cast %scan3A_101 : i32 to index
      %swap3A_107 = arith.constant 16 : index
      %swap3A_108 = tpu.vector_load %arg9[%swap3A_106, %swap3A_107] {strides = array<i32>} : memref<128x128xf32, #tpu.memory_space<vmem>>, vector<1x16xf32>,
      %swap3A_109 = vector.shape_cast %swap3A_108 : vector<1x16xf32> to vector<16xf32>
      %swap3A_110 = vector.shape_cast %broadcast_in_dim3A_7 : vector<16xf32> to vector<1x16xf32>
      tpu.vector_store %arg9[%swap3A_106, %swap3A_107], %swap3A_110 {strides = array<i32>} : memref<128x128xf32, #tpu.memory_space<vmem>>, vector<1x16xf32>,
      %swap3A_111 = arith.index_cast %scan3A_101 : i32 to index
      %swap3A_112 = arith.constant 32 : index
      %swap3A_113 = tpu.vector_load %arg9[%swap3A_111, %swap3A_112] {strides = array<i32>} : memref<128x128xf32, #tpu.memory_space<vmem>>, vector<1x16xf32>,
      %swap3A_114 = vector.shape_cast %swap3A_113 : vector<1x16xf32> to vector<16xf32>
      %swap3A_115 = vector.shape_cast %broadcast_in_dim3A_7 : vector<16xf32> to vector<1x16xf32>
      tpu.vector_store %arg9[%swap3A_111, %swap3A_112], %swap3A_115 {strides = array<i32>} : memref<128x128xf32, #tpu.memory_space<vmem>>, vector<1x16xf32>,
      %swap3A_116 = arith.index_cast %scan3A_101 : i32 to index
      %swap3A_117 = arith.constant 48 : index
      %swap3A_118 = tpu.vector_load %arg9[%swap3A_116, %swap3A_117] {strides = array<i32>} : memref<128x128xf32, #tpu.memory_space<vmem>>, vector<1x16xf32>,
      %swap3A_119 = vector.shape_cast %swap3A_118 : vector<1x16xf32> to vector<16xf32>
      %swap3A_120 = vector.shape_cast %broadcast_in_dim3A_7 : vector<16xf32> to vector<1x16xf32>
      tpu.vector_store %arg9[%swap3A_116, %swap3A_117], %swap3A_120 {strides = array<i32>} : memref<128x128xf32, #tpu.memory_space<vmem>>, vector<1x16xf32>,
      %swap3A_121 = arith.index_cast %scan3A_101 : i32 to index
      %swap3A_122 = arith.constant 64 : index
      %swap3A_123 = tpu.vector_load %arg9[%swap3A_121, %swap3A_122] {strides = array<i32>} : memref<128x128xf32, #tpu.memory_space<vmem>>, vector<1x16xf32>,
      %swap3A_124 = vector.shape_cast %swap3A_123 : vector<1x16xf32> to vector<16xf32>
      %swap3A_125 = vector.shape_cast %broadcast_in_dim3A_7 : vector<16xf32> to vector<1x16xf32>
      tpu.vector_store %arg9[%swap3A_121, %swap3A_122], %swap3A_125 {strides = array<i32>} : memref<128x128xf32, #tpu.memory_space<vmem>>, vector<1x16xf32>,
      %swap3A_126 = arith.index_cast %scan3A_101 : i32 to index
      %swap3A_127 = arith.constant 80 : index
      %swap3A_128 = tpu.vector_load %arg9[%swap3A_126, %swap3A_127] {strides = array<i32>} : memref<128x128xf32, #tpu.memory_space<vmem>>, vector<1x16xf32>,
      %swap3A_129 = vector.shape_cast %swap3A_128 : vector<1x16xf32> to vector<16xf32>
      %swap3A_130 = vector.shape_cast %broadcast_in_dim3A_7 : vector<16xf32> to vector<1x16xf32>
      tpu.vector_store %arg9[%swap3A_126, %swap3A_127], %swap3A_130 {strides = array<i32>} : memref<128x128xf32, #tpu.memory_space<vmem>>, vector<1x16xf32>,
      %swap3A_131 = arith.index_cast %scan3A_101 : i32 to index
      %swap3A_132 = arith.constant 96 : index
      %swap3A_133 = tpu.vector_load %arg9[%swap3A_131, %swap3A_132] {strides = array<i32>} : memref<128x128xf32, #tpu.memory_space<vmem>>, vector<1x16xf32>,
      %swap3A_134 = vector.shape_cast %swap3A_133 : vector<1x16xf32> to vector<16xf32>
      %swap3A_135 = vector.shape_cast %broadcast_in_dim3A_7 : vector<16xf32> to vector<1x16xf32>
      tpu.vector_store %arg9[%swap3A_131, %swap3A_132], %swap3A_135 {strides = array<i32>} : memref<128x128xf32, #tpu.memory_space<vmem>>, vector<1x16xf32>,
      %swap3A_136 = arith.index_cast %scan3A_101 : i32 to index
      %swap3A_137 = arith.constant 112 : index
      %swap3A_138 = tpu.vector_load %arg9[%swap3A_136, %swap3A_137] {strides = array<i32>} : memref<128x128xf32, #tpu.memory_space<vmem>>, vector<1x16xf32>,
      %swap3A_139 = vector.shape_cast %swap3A_138 : vector<1x16xf32> to vector<16xf32>
      %swap3A_140 = vector.shape_cast %broadcast_in_dim3A_7 : vector<16xf32> to vector<1x16xf32>
      tpu.vector_store %arg9[%swap3A_136, %swap3A_137], %swap3A_140 {strides = array<i32>} : memref<128x128xf32, #tpu.memory_space<vmem>>, vector<1x16xf32>,
    }
    %scan3A_12 = arith.constant 128 : i32
    %mul3A_13 = arith.constant 640 : i32
    %mul3A_14 = arith.muli %arg1, %mul3A_13 : i32
    %add3A_15 = arith.constant 0 : i32
    %add3A_16 = arith.addi %mul3A_14, %add3A_15 : i32
    "tpu.region"() ({
      %run_scoped3A_101 = tpu.sem_alloc : memref<!tpu.dma_semaphore, #tpu.memory_space<semaphore_mem>>
      %dma_start3A_102 = arith.constant 0 : i32
      %dma_start3A_103 = tpu.memref_slice %arg10[%add3A_16, %dma_start3A_102] : memref<10240x128xf32, #tpu.memory_space<vmem_shared>> -> memref<128x128xf32, #tpu.memory_space<vmem_shared>>
      %dma_start3A_104 = arith.constant 0 : i32
      %dma_start3A_105 = tpu.memref_slice %arg10[%add3A_16, %dma_start3A_104] : memref<10240x128xf32, #tpu.memory_space<vmem_shared>> -> memref<128x128xf32, #tpu.memory_space<vmem_shared>>
      tpu.enqueue_dma source(%arg9 : memref<128x128xf32, #tpu.memory_space<vmem>>) target(%dma_start3A_105 : memref<128x128xf32, #tpu.memory_space<vmem_shared>>) target_semaphore(%run_scoped3A_101 : memref<!tpu.dma_semaphore, #tpu.memory_space<semaphore_mem>>)
      %dma_wait3A_106 = arith.constant 0 : i32
      %dma_wait3A_107 = tpu.memref_slice %arg10[%add3A_16, %dma_wait3A_106] : memref<10240x128xf32, #tpu.memory_space<vmem_shared>> -> memref<128x128xf32, #tpu.memory_space<vmem_shared>>
      %dma_wait3A_108 = arith.constant 0 : i32
      %dma_wait3A_109 = tpu.memref_slice %arg10[%add3A_16, %dma_wait3A_108] : memref<10240x128xf32, #tpu.memory_space<vmem_shared>> -> memref<128x128xf32, #tpu.memory_space<vmem_shared>>
      tpu.wait_dma2 semaphore(%run_scoped3A_101 : memref<!tpu.dma_semaphore, #tpu.memory_space<semaphore_mem>>) src(%arg9 : memref<128x128xf32, #tpu.memory_space<vmem>>) dst(%dma_wait3A_109 : memref<128x128xf32, #tpu.memory_space<vmem_shared>>)
      tpu.yield
    }) : () -> ()
    %mul3A_17 = arith.constant 640 : i32
    %mul3A_18 = arith.muli %arg1, %mul3A_17 : i32
    %add3A_19 = arith.constant 128 : i32
    %add3A_20 = arith.addi %mul3A_18, %add3A_19 : i32
    "tpu.region"() ({
      %run_scoped3A_101 = tpu.sem_alloc : memref<!tpu.dma_semaphore, #tpu.memory_space<semaphore_mem>>
      %dma_start3A_102 = arith.constant 0 : i32
      %dma_start3A_103 = tpu.memref_slice %arg10[%add3A_20, %dma_start3A_102] : memref<10240x128xf32, #tpu.memory_space<vmem_shared>> -> memref<128x128xf32, #tpu.memory_space<vmem_shared>>
      %dma_start3A_104 = arith.constant 0 : i32
      %dma_start3A_105 = tpu.memref_slice %arg10[%add3A_20, %dma_start3A_104] : memref<10240x128xf32, #tpu.memory_space<vmem_shared>> -> memref<128x128xf32, #tpu.memory_space<vmem_shared>>
      tpu.enqueue_dma source(%arg9 : memref<128x128xf32, #tpu.memory_space<vmem>>) target(%dma_start3A_105 : memref<128x128xf32, #tpu.memory_space<vmem_shared>>) target_semaphore(%run_scoped3A_101 : memref<!tpu.dma_semaphore, #tpu.memory_space<semaphore_mem>>)
      %dma_wait3A_106 = arith.constant 0 : i32
      %dma_wait3A_107 = tpu.memref_slice %arg10[%add3A_20, %dma_wait3A_106] : memref<10240x128xf32, #tpu.memory_space<vmem_shared>> -> memref<128x128xf32, #tpu.memory_space<vmem_shared>>
      %dma_wait3A_108 = arith.constant 0 : i32
      %dma_wait3A_109 = tpu.memref_slice %arg10[%add3A_20, %dma_wait3A_108] : memref<10240x128xf32, #tpu.memory_space<vmem_shared>> -> memref<128x128xf32, #tpu.memory_space<vmem_shared>>
      tpu.wait_dma2 semaphore(%run_scoped3A_101 : memref<!tpu.dma_semaphore, #tpu.memory_space<semaphore_mem>>) src(%arg9 : memref<128x128xf32, #tpu.memory_space<vmem>>) dst(%dma_wait3A_109 : memref<128x128xf32, #tpu.memory_space<vmem_shared>>)
      tpu.yield
    }) : () -> ()
    %mul3A_21 = arith.constant 640 : i32
    %mul3A_22 = arith.muli %arg1, %mul3A_21 : i32
    %add3A_23 = arith.constant 256 : i32
    %add3A_24 = arith.addi %mul3A_22, %add3A_23 : i32
    "tpu.region"() ({
      %run_scoped3A_101 = tpu.sem_alloc : memref<!tpu.dma_semaphore, #tpu.memory_space<semaphore_mem>>
      %dma_start3A_102 = arith.constant 0 : i32
      %dma_start3A_103 = tpu.memref_slice %arg10[%add3A_24, %dma_start3A_102] : memref<10240x128xf32, #tpu.memory_space<vmem_shared>> -> memref<128x128xf32, #tpu.memory_space<vmem_shared>>
      %dma_start3A_104 = arith.constant 0 : i32
      %dma_start3A_105 = tpu.memref_slice %arg10[%add3A_24, %dma_start3A_104] : memref<10240x128xf32, #tpu.memory_space<vmem_shared>> -> memref<128x128xf32, #tpu.memory_space<vmem_shared>>
      tpu.enqueue_dma source(%arg9 : memref<128x128xf32, #tpu.memory_space<vmem>>) target(%dma_start3A_105 : memref<128x128xf32, #tpu.memory_space<vmem_shared>>) target_semaphore(%run_scoped3A_101 : memref<!tpu.dma_semaphore, #tpu.memory_space<semaphore_mem>>)
      %dma_wait3A_106 = arith.constant 0 : i32
      %dma_wait3A_107 = tpu.memref_slice %arg10[%add3A_24, %dma_wait3A_106] : memref<10240x128xf32, #tpu.memory_space<vmem_shared>> -> memref<128x128xf32, #tpu.memory_space<vmem_shared>>
      %dma_wait3A_108 = arith.constant 0 : i32
      %dma_wait3A_109 = tpu.memref_slice %arg10[%add3A_24, %dma_wait3A_108] : memref<10240x128xf32, #tpu.memory_space<vmem_shared>> -> memref<128x128xf32, #tpu.memory_space<vmem_shared>>
      tpu.wait_dma2 semaphore(%run_scoped3A_101 : memref<!tpu.dma_semaphore, #tpu.memory_space<semaphore_mem>>) src(%arg9 : memref<128x128xf32, #tpu.memory_space<vmem>>) dst(%dma_wait3A_109 : memref<128x128xf32, #tpu.memory_space<vmem_shared>>)
      tpu.yield
    }) : () -> ()
    %mul3A_25 = arith.constant 640 : i32
    %mul3A_26 = arith.muli %arg1, %mul3A_25 : i32
    %add3A_27 = arith.constant 384 : i32
    %add3A_28 = arith.addi %mul3A_26, %add3A_27 : i32
    "tpu.region"() ({
      %run_scoped3A_101 = tpu.sem_alloc : memref<!tpu.dma_semaphore, #tpu.memory_space<semaphore_mem>>
      %dma_start3A_102 = arith.constant 0 : i32
      %dma_start3A_103 = tpu.memref_slice %arg10[%add3A_28, %dma_start3A_102] : memref<10240x128xf32, #tpu.memory_space<vmem_shared>> -> memref<128x128xf32, #tpu.memory_space<vmem_shared>>
      %dma_start3A_104 = arith.constant 0 : i32
      %dma_start3A_105 = tpu.memref_slice %arg10[%add3A_28, %dma_start3A_104] : memref<10240x128xf32, #tpu.memory_space<vmem_shared>> -> memref<128x128xf32, #tpu.memory_space<vmem_shared>>
      tpu.enqueue_dma source(%arg9 : memref<128x128xf32, #tpu.memory_space<vmem>>) target(%dma_start3A_105 : memref<128x128xf32, #tpu.memory_space<vmem_shared>>) target_semaphore(%run_scoped3A_101 : memref<!tpu.dma_semaphore, #tpu.memory_space<semaphore_mem>>)
      %dma_wait3A_106 = arith.constant 0 : i32
      %dma_wait3A_107 = tpu.memref_slice %arg10[%add3A_28, %dma_wait3A_106] : memref<10240x128xf32, #tpu.memory_space<vmem_shared>> -> memref<128x128xf32, #tpu.memory_space<vmem_shared>>
      %dma_wait3A_108 = arith.constant 0 : i32
      %dma_wait3A_109 = tpu.memref_slice %arg10[%add3A_28, %dma_wait3A_108] : memref<10240x128xf32, #tpu.memory_space<vmem_shared>> -> memref<128x128xf32, #tpu.memory_space<vmem_shared>>
      tpu.wait_dma2 semaphore(%run_scoped3A_101 : memref<!tpu.dma_semaphore, #tpu.memory_space<semaphore_mem>>) src(%arg9 : memref<128x128xf32, #tpu.memory_space<vmem>>) dst(%dma_wait3A_109 : memref<128x128xf32, #tpu.memory_space<vmem_shared>>)
      tpu.yield
    }) : () -> ()
    %mul3A_29 = arith.constant 640 : i32
    %mul3A_30 = arith.muli %arg1, %mul3A_29 : i32
    %add3A_31 = arith.constant 512 : i32
    %add3A_32 = arith.addi %mul3A_30, %add3A_31 : i32
    "tpu.region"() ({
      %run_scoped3A_101 = tpu.sem_alloc : memref<!tpu.dma_semaphore, #tpu.memory_space<semaphore_mem>>
      %dma_start3A_102 = arith.constant 0 : i32
      %dma_start3A_103 = tpu.memref_slice %arg10[%add3A_32, %dma_start3A_102] : memref<10240x128xf32, #tpu.memory_space<vmem_shared>> -> memref<128x128xf32, #tpu.memory_space<vmem_shared>>
      %dma_start3A_104 = arith.constant 0 : i32
      %dma_start3A_105 = tpu.memref_slice %arg10[%add3A_32, %dma_start3A_104] : memref<10240x128xf32, #tpu.memory_space<vmem_shared>> -> memref<128x128xf32, #tpu.memory_space<vmem_shared>>
      tpu.enqueue_dma source(%arg9 : memref<128x128xf32, #tpu.memory_space<vmem>>) target(%dma_start3A_105 : memref<128x128xf32, #tpu.memory_space<vmem_shared>>) target_semaphore(%run_scoped3A_101 : memref<!tpu.dma_semaphore, #tpu.memory_space<semaphore_mem>>)
      %dma_wait3A_106 = arith.constant 0 : i32
      %dma_wait3A_107 = tpu.memref_slice %arg10[%add3A_32, %dma_wait3A_106] : memref<10240x128xf32, #tpu.memory_space<vmem_shared>> -> memref<128x128xf32, #tpu.memory_space<vmem_shared>>
      %dma_wait3A_108 = arith.constant 0 : i32
      %dma_wait3A_109 = tpu.memref_slice %arg10[%add3A_32, %dma_wait3A_108] : memref<10240x128xf32, #tpu.memory_space<vmem_shared>> -> memref<128x128xf32, #tpu.memory_space<vmem_shared>>
      tpu.wait_dma2 semaphore(%run_scoped3A_101 : memref<!tpu.dma_semaphore, #tpu.memory_space<semaphore_mem>>) src(%arg9 : memref<128x128xf32, #tpu.memory_space<vmem>>) dst(%dma_wait3A_109 : memref<128x128xf32, #tpu.memory_space<vmem_shared>>)
      tpu.yield
    }) : () -> ()
    %barrier3A = arith.constant 0 : index
    tpu.barrier barrier_id(%barrier3A)
    %scan3A_33 = arith.constant 0 : i32
    %scan3A_34 = arith.constant 0 : i32
    %scan3A_35 = arith.constant 19 : i32
    %scan3A_36 = arith.addi %scan3A_34, %scan3A_35 : i32
    %scan3A_37 = arith.constant 1 : i32
    scf.for %scan3A_101 = %scan3A_34 to %scan3A_36 step %scan3A_37  : i32 {
      %mul3A_102 = arith.constant 2 : i32
      %mul3A_103 = arith.muli %scan3A_101, %mul3A_102 : i32
      %add3A_104 = arith.constant 1 : i32
      %add3A_105 = arith.addi %mul3A_103, %add3A_104 : i32
      %dma_start3A_106 = arith.constant 0 : i32
      %dma_start3A_107 = tpu.memref_slice %arg6[%add3A_105, %dma_start3A_106] : memref<40x128xi32, #tpu.memory_space<vmem>> -> memref<1x128xi32, #tpu.memory_space<vmem>>
      %dma_start3A_108 = tpu.memref_squeeze %dma_start3A_107 : memref<1x128xi32, #tpu.memory_space<vmem>> -> memref<128xi32, #tpu.memory_space<vmem>>
      %dma_start3A_109 = arith.constant 0 : i32
      %dma_start3A_110 = arith.constant 0 : i32
      %dma_start3A_111 = tpu.memref_slice %arg2[%dma_start3A_109, %dma_start3A_110] : memref<10000x128xf32, #tpu.memory_space<hbm>> -> memref<10000x128xf32, #tpu.memory_space<hbm>>
      tpu.enqueue_indirect_dma source(%dma_start3A_111 : memref<10000x128xf32, #tpu.memory_space<hbm>>) target(%arg9 : memref<128x128xf32, #tpu.memory_space<vmem>>) offsets(%dma_start3A_108 : memref<128xi32, #tpu.memory_space<vmem>>) semaphore(%arg12 : memref<!tpu.dma_semaphore, #tpu.memory_space<semaphore_mem>>)
      %dma_wait3A_112 = arith.constant 0 : i32
      %dma_wait3A_113 = tpu.memref_slice %arg6[%mul3A_103, %dma_wait3A_112] : memref<40x128xi32, #tpu.memory_space<vmem>> -> memref<1x128xi32, #tpu.memory_space<vmem>>
      %dma_wait3A_114 = tpu.memref_squeeze %dma_wait3A_113 : memref<1x128xi32, #tpu.memory_space<vmem>> -> memref<128xi32, #tpu.memory_space<vmem>>
      %dma_wait3A_115 = arith.constant 0 : i32
      %dma_wait3A_116 = arith.constant 0 : i32
      %dma_wait3A_117 = tpu.memref_slice %arg2[%dma_wait3A_115, %dma_wait3A_116] : memref<10000x128xf32, #tpu.memory_space<hbm>> -> memref<10000x128xf32, #tpu.memory_space<hbm>>
      tpu.wait_indirect_dma semaphore(%arg11 : memref<!tpu.dma_semaphore, #tpu.memory_space<semaphore_mem>>) src(%dma_wait3A_117 : memref<10000x128xf32, #tpu.memory_space<hbm>>) dst(%arg8 : memref<128x128xf32, #tpu.memory_space<vmem>>)
      "tpu.region"() ({
        %run_scoped3A_136 = tpu.sem_alloc : memref<!tpu.dma_semaphore, #tpu.memory_space<semaphore_mem>>
        %dma_start3A_137 = arith.constant 0 : i32
        %dma_start3A_138 = tpu.memref_slice %arg7[%mul3A_103, %dma_start3A_137] : memref<40x128xi32, #tpu.memory_space<vmem>> -> memref<1x128xi32, #tpu.memory_space<vmem>>
        %dma_start3A_139 = tpu.memref_squeeze %dma_start3A_138 : memref<1x128xi32, #tpu.memory_space<vmem>> -> memref<128xi32, #tpu.memory_space<vmem>>
        %dma_start3A_140 = arith.constant 0 : i32
        %dma_start3A_141 = arith.constant 0 : i32
        %dma_start3A_142 = tpu.memref_slice %arg10[%dma_start3A_140, %dma_start3A_141] : memref<10240x128xf32, #tpu.memory_space<vmem_shared>> -> memref<10240x128xf32, #tpu.memory_space<vmem_shared>>
        tpu.enqueue_indirect_dma source(%arg8 : memref<128x128xf32, #tpu.memory_space<vmem>>) target(%dma_start3A_142 : memref<10240x128xf32, #tpu.memory_space<vmem_shared>>) offsets(%dma_start3A_139 : memref<128xi32, #tpu.memory_space<vmem>>) semaphore(%run_scoped3A_136 : memref<!tpu.dma_semaphore, #tpu.memory_space<semaphore_mem>>) {add = true}
        %dma_wait3A_143 = arith.constant 0 : i32
        %dma_wait3A_144 = tpu.memref_slice %arg7[%mul3A_103, %dma_wait3A_143] : memref<40x128xi32, #tpu.memory_space<vmem>> -> memref<1x128xi32, #tpu.memory_space<vmem>>
        %dma_wait3A_145 = tpu.memref_squeeze %dma_wait3A_144 : memref<1x128xi32, #tpu.memory_space<vmem>> -> memref<128xi32, #tpu.memory_space<vmem>>
        %dma_wait3A_146 = arith.constant 0 : i32
        %dma_wait3A_147 = arith.constant 0 : i32
        %dma_wait3A_148 = tpu.memref_slice %arg10[%dma_wait3A_146, %dma_wait3A_147] : memref<10240x128xf32, #tpu.memory_space<vmem_shared>> -> memref<10240x128xf32, #tpu.memory_space<vmem_shared>>
        tpu.wait_indirect_dma semaphore(%run_scoped3A_136 : memref<!tpu.dma_semaphore, #tpu.memory_space<semaphore_mem>>) src(%arg8 : memref<128x128xf32, #tpu.memory_space<vmem>>) dst(%dma_wait3A_148 : memref<10240x128xf32, #tpu.memory_space<vmem_shared>>)
        tpu.yield
      }) : () -> ()
      %mul3A_118 = arith.constant 2 : i32
      %mul3A_119 = arith.muli %scan3A_101, %mul3A_118 : i32
      %add3A_120 = arith.constant 1 : i32
      %add3A_121 = arith.addi %mul3A_119, %add3A_120 : i32
      %add3A_122 = arith.constant 1 : i32
      %add3A_123 = arith.addi %add3A_121, %add3A_122 : i32
      %dma_start3A_124 = arith.constant 0 : i32
      %dma_start3A_125 = tpu.memref_slice %arg6[%add3A_123, %dma_start3A_124] : memref<40x128xi32, #tpu.memory_space<vmem>> -> memref<1x128xi32, #tpu.memory_space<vmem>>
      %dma_start3A_126 = tpu.memref_squeeze %dma_start3A_125 : memref<1x128xi32, #tpu.memory_space<vmem>> -> memref<128xi32, #tpu.memory_space<vmem>>
      %dma_start3A_127 = arith.constant 0 : i32
      %dma_start3A_128 = arith.constant 0 : i32
      %dma_start3A_129 = tpu.memref_slice %arg2[%dma_start3A_127, %dma_start3A_128] : memref<10000x128xf32, #tpu.memory_space<hbm>> -> memref<10000x128xf32, #tpu.memory_space<hbm>>
      tpu.enqueue_indirect_dma source(%dma_start3A_129 : memref<10000x128xf32, #tpu.memory_space<hbm>>) target(%arg8 : memref<128x128xf32, #tpu.memory_space<vmem>>) offsets(%dma_start3A_126 : memref<128xi32, #tpu.memory_space<vmem>>) semaphore(%arg11 : memref<!tpu.dma_semaphore, #tpu.memory_space<semaphore_mem>>)
      %dma_wait3A_130 = arith.constant 0 : i32
      %dma_wait3A_131 = tpu.memref_slice %arg6[%add3A_121, %dma_wait3A_130] : memref<40x128xi32, #tpu.memory_space<vmem>> -> memref<1x128xi32, #tpu.memory_space<vmem>>
      %dma_wait3A_132 = tpu.memref_squeeze %dma_wait3A_131 : memref<1x128xi32, #tpu.memory_space<vmem>> -> memref<128xi32, #tpu.memory_space<vmem>>
      %dma_wait3A_133 = arith.constant 0 : i32
      %dma_wait3A_134 = arith.constant 0 : i32
      %dma_wait3A_135 = tpu.memref_slice %arg2[%dma_wait3A_133, %dma_wait3A_134] : memref<10000x128xf32, #tpu.memory_space<hbm>> -> memref<10000x128xf32, #tpu.memory_space<hbm>>
      tpu.wait_indirect_dma semaphore(%arg12 : memref<!tpu.dma_semaphore, #tpu.memory_space<semaphore_mem>>) src(%dma_wait3A_135 : memref<10000x128xf32, #tpu.memory_space<hbm>>) dst(%arg9 : memref<128x128xf32, #tpu.memory_space<vmem>>)
      "tpu.region"() ({
        %run_scoped3A_136 = tpu.sem_alloc : memref<!tpu.dma_semaphore, #tpu.memory_space<semaphore_mem>>
        %dma_start3A_137 = arith.constant 0 : i32
        %dma_start3A_138 = tpu.memref_slice %arg7[%add3A_121, %dma_start3A_137] : memref<40x128xi32, #tpu.memory_space<vmem>> -> memref<1x128xi32, #tpu.memory_space<vmem>>
        %dma_start3A_139 = tpu.memref_squeeze %dma_start3A_138 : memref<1x128xi32, #tpu.memory_space<vmem>> -> memref<128xi32, #tpu.memory_space<vmem>>
        %dma_start3A_140 = arith.constant 0 : i32
        %dma_start3A_141 = arith.constant 0 : i32
        %dma_start3A_142 = tpu.memref_slice %arg10[%dma_start3A_140, %dma_start3A_141] : memref<10240x128xf32, #tpu.memory_space<vmem_shared>> -> memref<10240x128xf32, #tpu.memory_space<vmem_shared>>
        tpu.enqueue_indirect_dma source(%arg9 : memref<128x128xf32, #tpu.memory_space<vmem>>) target(%dma_start3A_142 : memref<10240x128xf32, #tpu.memory_space<vmem_shared>>) offsets(%dma_start3A_139 : memref<128xi32, #tpu.memory_space<vmem>>) semaphore(%run_scoped3A_136 : memref<!tpu.dma_semaphore, #tpu.memory_space<semaphore_mem>>) {add = true}
        %dma_wait3A_143 = arith.constant 0 : i32
        %dma_wait3A_144 = tpu.memref_slice %arg7[%add3A_121, %dma_wait3A_143] : memref<40x128xi32, #tpu.memory_space<vmem>> -> memref<1x128xi32, #tpu.memory_space<vmem>>
        %dma_wait3A_145 = tpu.memref_squeeze %dma_wait3A_144 : memref<1x128xi32, #tpu.memory_space<vmem>> -> memref<128xi32, #tpu.memory_space<vmem>>
        %dma_wait3A_146 = arith.constant 0 : i32
        %dma_wait3A_147 = arith.constant 0 : i32
        %dma_wait3A_148 = tpu.memref_slice %arg10[%dma_wait3A_146, %dma_wait3A_147] : memref<10240x128xf32, #tpu.memory_space<vmem_shared>> -> memref<10240x128xf32, #tpu.memory_space<vmem_shared>>
        tpu.wait_indirect_dma semaphore(%run_scoped3A_136 : memref<!tpu.dma_semaphore, #tpu.memory_space<semaphore_mem>>) src(%arg9 : memref<128x128xf32, #tpu.memory_space<vmem>>) dst(%dma_wait3A_148 : memref<10240x128xf32, #tpu.memory_space<vmem_shared>>)
        tpu.yield
      }) : () -> ()
    }
    %scan3A_38 = arith.constant 19 : i32
    %dma_start3A_39 = arith.constant 39 : i32
    %dma_start3A_40 = arith.constant 0 : i32
    %dma_start3A_41 = tpu.memref_slice %arg6[%dma_start3A_39, %dma_start3A_40] : memref<40x128xi32, #tpu.memory_space<vmem>> -> memref<1x128xi32, #tpu.memory_space<vmem>>
    %dma_start3A_42 = tpu.memref_squeeze %dma_start3A_41 : memref<1x128xi32, #tpu.memory_space<vmem>> -> memref<128xi32, #tpu.memory_space<vmem>>
    %dma_start3A_43 = arith.constant 0 : i32
    %dma_start3A_44 = arith.constant 0 : i32
    %dma_start3A_45 = tpu.memref_slice %arg2[%dma_start3A_43, %dma_start3A_44] : memref<10000x128xf32, #tpu.memory_space<hbm>> -> memref<10000x128xf32, #tpu.memory_space<hbm>>
    tpu.enqueue_indirect_dma source(%dma_start3A_45 : memref<10000x128xf32, #tpu.memory_space<hbm>>) target(%arg9 : memref<128x128xf32, #tpu.memory_space<vmem>>) offsets(%dma_start3A_42 : memref<128xi32, #tpu.memory_space<vmem>>) semaphore(%arg12 : memref<!tpu.dma_semaphore, #tpu.memory_space<semaphore_mem>>)
    %dma_wait3A = arith.constant 38 : i32
    %dma_wait3A_46 = arith.constant 0 : i32
    %dma_wait3A_47 = tpu.memref_slice %arg6[%dma_wait3A, %dma_wait3A_46] : memref<40x128xi32, #tpu.memory_space<vmem>> -> memref<1x128xi32, #tpu.memory_space<vmem>>
    %dma_wait3A_48 = tpu.memref_squeeze %dma_wait3A_47 : memref<1x128xi32, #tpu.memory_space<vmem>> -> memref<128xi32, #tpu.memory_space<vmem>>
    %dma_wait3A_49 = arith.constant 0 : i32
    %dma_wait3A_50 = arith.constant 0 : i32
    %dma_wait3A_51 = tpu.memref_slice %arg2[%dma_wait3A_49, %dma_wait3A_50] : memref<10000x128xf32, #tpu.memory_space<hbm>> -> memref<10000x128xf32, #tpu.memory_space<hbm>>
    tpu.wait_indirect_dma semaphore(%arg11 : memref<!tpu.dma_semaphore, #tpu.memory_space<semaphore_mem>>) src(%dma_wait3A_51 : memref<10000x128xf32, #tpu.memory_space<hbm>>) dst(%arg8 : memref<128x128xf32, #tpu.memory_space<vmem>>)
    %run_scoped3A = arith.constant 38 : i32
    "tpu.region"() ({
      %run_scoped3A_101 = tpu.sem_alloc : memref<!tpu.dma_semaphore, #tpu.memory_space<semaphore_mem>>
      %dma_start3A_102 = arith.constant 0 : i32
      %dma_start3A_103 = tpu.memref_slice %arg7[%run_scoped3A, %dma_start3A_102] : memref<40x128xi32, #tpu.memory_space<vmem>> -> memref<1x128xi32, #tpu.memory_space<vmem>>
      %dma_start3A_104 = tpu.memref_squeeze %dma_start3A_103 : memref<1x128xi32, #tpu.memory_space<vmem>> -> memref<128xi32, #tpu.memory_space<vmem>>
      %dma_start3A_105 = arith.constant 0 : i32
      %dma_start3A_106 = arith.constant 0 : i32
      %dma_start3A_107 = tpu.memref_slice %arg10[%dma_start3A_105, %dma_start3A_106] : memref<10240x128xf32, #tpu.memory_space<vmem_shared>> -> memref<10240x128xf32, #tpu.memory_space<vmem_shared>>
      tpu.enqueue_indirect_dma source(%arg8 : memref<128x128xf32, #tpu.memory_space<vmem>>) target(%dma_start3A_107 : memref<10240x128xf32, #tpu.memory_space<vmem_shared>>) offsets(%dma_start3A_104 : memref<128xi32, #tpu.memory_space<vmem>>) semaphore(%run_scoped3A_101 : memref<!tpu.dma_semaphore, #tpu.memory_space<semaphore_mem>>) {add = true}
      %dma_wait3A_108 = arith.constant 0 : i32
      %dma_wait3A_109 = tpu.memref_slice %arg7[%run_scoped3A, %dma_wait3A_108] : memref<40x128xi32, #tpu.memory_space<vmem>> -> memref<1x128xi32, #tpu.memory_space<vmem>>
      %dma_wait3A_110 = tpu.memref_squeeze %dma_wait3A_109 : memref<1x128xi32, #tpu.memory_space<vmem>> -> memref<128xi32, #tpu.memory_space<vmem>>
      %dma_wait3A_111 = arith.constant 0 : i32
      %dma_wait3A_112 = arith.constant 0 : i32
      %dma_wait3A_113 = tpu.memref_slice %arg10[%dma_wait3A_111, %dma_wait3A_112] : memref<10240x128xf32, #tpu.memory_space<vmem_shared>> -> memref<10240x128xf32, #tpu.memory_space<vmem_shared>>
      tpu.wait_indirect_dma semaphore(%run_scoped3A_101 : memref<!tpu.dma_semaphore, #tpu.memory_space<semaphore_mem>>) src(%arg8 : memref<128x128xf32, #tpu.memory_space<vmem>>) dst(%dma_wait3A_113 : memref<10240x128xf32, #tpu.memory_space<vmem_shared>>)
      tpu.yield
    }) : () -> ()
    %dma_wait3A_52 = arith.constant 39 : i32
    %dma_wait3A_53 = arith.constant 0 : i32
    %dma_wait3A_54 = tpu.memref_slice %arg6[%dma_wait3A_52, %dma_wait3A_53] : memref<40x128xi32, #tpu.memory_space<vmem>> -> memref<1x128xi32, #tpu.memory_space<vmem>>
    %dma_wait3A_55 = tpu.memref_squeeze %dma_wait3A_54 : memref<1x128xi32, #tpu.memory_space<vmem>> -> memref<128xi32, #tpu.memory_space<vmem>>
    %dma_wait3A_56 = arith.constant 0 : i32
    %dma_wait3A_57 = arith.constant 0 : i32
    %dma_wait3A_58 = tpu.memref_slice %arg2[%dma_wait3A_56, %dma_wait3A_57] : memref<10000x128xf32, #tpu.memory_space<hbm>> -> memref<10000x128xf32, #tpu.memory_space<hbm>>
    tpu.wait_indirect_dma semaphore(%arg12 : memref<!tpu.dma_semaphore, #tpu.memory_space<semaphore_mem>>) src(%dma_wait3A_58 : memref<10000x128xf32, #tpu.memory_space<hbm>>) dst(%arg9 : memref<128x128xf32, #tpu.memory_space<vmem>>)
    %run_scoped3A_59 = arith.constant 39 : i32
    "tpu.region"() ({
      %run_scoped3A_101 = tpu.sem_alloc : memref<!tpu.dma_semaphore, #tpu.memory_space<semaphore_mem>>
      %dma_start3A_102 = arith.constant 0 : i32
      %dma_start3A_103 = tpu.memref_slice %arg7[%run_scoped3A_59, %dma_start3A_102] : memref<40x128xi32, #tpu.memory_space<vmem>> -> memref<1x128xi32, #tpu.memory_space<vmem>>
      %dma_start3A_104 = tpu.memref_squeeze %dma_start3A_103 : memref<1x128xi32, #tpu.memory_space<vmem>> -> memref<128xi32, #tpu.memory_space<vmem>>
      %dma_start3A_105 = arith.constant 0 : i32
      %dma_start3A_106 = arith.constant 0 : i32
      %dma_start3A_107 = tpu.memref_slice %arg10[%dma_start3A_105, %dma_start3A_106] : memref<10240x128xf32, #tpu.memory_space<vmem_shared>> -> memref<10240x128xf32, #tpu.memory_space<vmem_shared>>
      tpu.enqueue_indirect_dma source(%arg9 : memref<128x128xf32, #tpu.memory_space<vmem>>) target(%dma_start3A_107 : memref<10240x128xf32, #tpu.memory_space<vmem_shared>>) offsets(%dma_start3A_104 : memref<128xi32, #tpu.memory_space<vmem>>) semaphore(%run_scoped3A_101 : memref<!tpu.dma_semaphore, #tpu.memory_space<semaphore_mem>>) {add = true}
      %dma_wait3A_108 = arith.constant 0 : i32
      %dma_wait3A_109 = tpu.memref_slice %arg7[%run_scoped3A_59, %dma_wait3A_108] : memref<40x128xi32, #tpu.memory_space<vmem>> -> memref<1x128xi32, #tpu.memory_space<vmem>>
      %dma_wait3A_110 = tpu.memref_squeeze %dma_wait3A_109 : memref<1x128xi32, #tpu.memory_space<vmem>> -> memref<128xi32, #tpu.memory_space<vmem>>
      %dma_wait3A_111 = arith.constant 0 : i32
      %dma_wait3A_112 = arith.constant 0 : i32
      %dma_wait3A_113 = tpu.memref_slice %arg10[%dma_wait3A_111, %dma_wait3A_112] : memref<10240x128xf32, #tpu.memory_space<vmem_shared>> -> memref<10240x128xf32, #tpu.memory_space<vmem_shared>>
      tpu.wait_indirect_dma semaphore(%run_scoped3A_101 : memref<!tpu.dma_semaphore, #tpu.memory_space<semaphore_mem>>) src(%arg9 : memref<128x128xf32, #tpu.memory_space<vmem>>) dst(%dma_wait3A_113 : memref<10240x128xf32, #tpu.memory_space<vmem_shared>>)
      tpu.yield
    }) : () -> ()
    "tpu.region"() ({
      %run_scoped3A_101 = tpu.sem_alloc : memref<!tpu.dma_semaphore, #tpu.memory_space<semaphore_mem>>
      %dma_start3A_102 = arith.constant 40 : i32
      %dma_start3A_103 = arith.constant 0 : i32
      %dma_start3A_104 = tpu.memref_slice %arg3[%add3A, %dma_start3A_102, %dma_start3A_103] : memref<32x80x128xi32, #tpu.memory_space<hbm>> -> memref<1x40x128xi32, #tpu.memory_space<hbm>>
      %dma_start3A_105 = tpu.memref_squeeze %dma_start3A_104 : memref<1x40x128xi32, #tpu.memory_space<hbm>> -> memref<40x128xi32, #tpu.memory_space<hbm>>
      %dma_start3A_106 = arith.constant 40 : i32
      %dma_start3A_107 = arith.constant 0 : i32
      %dma_start3A_108 = tpu.memref_slice %arg3[%add3A, %dma_start3A_106, %dma_start3A_107] : memref<32x80x128xi32, #tpu.memory_space<hbm>> -> memref<1x40x128xi32, #tpu.memory_space<hbm>>
      %dma_start3A_109 = tpu.memref_squeeze %dma_start3A_108 : memref<1x40x128xi32, #tpu.memory_space<hbm>> -> memref<40x128xi32, #tpu.memory_space<hbm>>
      tpu.enqueue_dma source(%dma_start3A_109 : memref<40x128xi32, #tpu.memory_space<hbm>>) target(%arg6 : memref<40x128xi32, #tpu.memory_space<vmem>>) target_semaphore(%run_scoped3A_101 : memref<!tpu.dma_semaphore, #tpu.memory_space<semaphore_mem>>)
      %dma_wait3A_110 = arith.constant 40 : i32
      %dma_wait3A_111 = arith.constant 0 : i32
      %dma_wait3A_112 = tpu.memref_slice %arg3[%add3A, %dma_wait3A_110, %dma_wait3A_111] : memref<32x80x128xi32, #tpu.memory_space<hbm>> -> memref<1x40x128xi32, #tpu.memory_space<hbm>>
      %dma_wait3A_113 = tpu.memref_squeeze %dma_wait3A_112 : memref<1x40x128xi32, #tpu.memory_space<hbm>> -> memref<40x128xi32, #tpu.memory_space<hbm>>
      %dma_wait3A_114 = arith.constant 40 : i32
      %dma_wait3A_115 = arith.constant 0 : i32
      %dma_wait3A_116 = tpu.memref_slice %arg3[%add3A, %dma_wait3A_114, %dma_wait3A_115] : memref<32x80x128xi32, #tpu.memory_space<hbm>> -> memref<1x40x128xi32, #tpu.memory_space<hbm>>
      %dma_wait3A_117 = tpu.memref_squeeze %dma_wait3A_116 : memref<1x40x128xi32, #tpu.memory_space<hbm>> -> memref<40x128xi32, #tpu.memory_space<hbm>>
      tpu.wait_dma2 semaphore(%run_scoped3A_101 : memref<!tpu.dma_semaphore, #tpu.memory_space<semaphore_mem>>) src(%dma_wait3A_117 : memref<40x128xi32, #tpu.memory_space<hbm>>) dst(%arg6 : memref<40x128xi32, #tpu.memory_space<vmem>>)
      tpu.yield
    }) : () -> ()
    "tpu.region"() ({
      %run_scoped3A_101 = tpu.sem_alloc : memref<!tpu.dma_semaphore, #tpu.memory_space<semaphore_mem>>
      %dma_start3A_102 = arith.constant 40 : i32
      %dma_start3A_103 = arith.constant 0 : i32
      %dma_start3A_104 = tpu.memref_slice %arg4[%add3A, %dma_start3A_102, %dma_start3A_103] : memref<32x80x128xi32, #tpu.memory_space<hbm>> -> memref<1x40x128xi32, #tpu.memory_space<hbm>>
      %dma_start3A_105 = tpu.memref_squeeze %dma_start3A_104 : memref<1x40x128xi32, #tpu.memory_space<hbm>> -> memref<40x128xi32, #tpu.memory_space<hbm>>
      %dma_start3A_106 = arith.constant 40 : i32
      %dma_start3A_107 = arith.constant 0 : i32
      %dma_start3A_108 = tpu.memref_slice %arg4[%add3A, %dma_start3A_106, %dma_start3A_107] : memref<32x80x128xi32, #tpu.memory_space<hbm>> -> memref<1x40x128xi32, #tpu.memory_space<hbm>>
      %dma_start3A_109 = tpu.memref_squeeze %dma_start3A_108 : memref<1x40x128xi32, #tpu.memory_space<hbm>> -> memref<40x128xi32, #tpu.memory_space<hbm>>
      tpu.enqueue_dma source(%dma_start3A_109 : memref<40x128xi32, #tpu.memory_space<hbm>>) target(%arg7 : memref<40x128xi32, #tpu.memory_space<vmem>>) target_semaphore(%run_scoped3A_101 : memref<!tpu.dma_semaphore, #tpu.memory_space<semaphore_mem>>)
      %dma_wait3A_110 = arith.constant 40 : i32
      %dma_wait3A_111 = arith.constant 0 : i32
      %dma_wait3A_112 = tpu.memref_slice %arg4[%add3A, %dma_wait3A_110, %dma_wait3A_111] : memref<32x80x128xi32, #tpu.memory_space<hbm>> -> memref<1x40x128xi32, #tpu.memory_space<hbm>>
      %dma_wait3A_113 = tpu.memref_squeeze %dma_wait3A_112 : memref<1x40x128xi32, #tpu.memory_space<hbm>> -> memref<40x128xi32, #tpu.memory_space<hbm>>
      %dma_wait3A_114 = arith.constant 40 : i32
      %dma_wait3A_115 = arith.constant 0 : i32
      %dma_wait3A_116 = tpu.memref_slice %arg4[%add3A, %dma_wait3A_114, %dma_wait3A_115] : memref<32x80x128xi32, #tpu.memory_space<hbm>> -> memref<1x40x128xi32, #tpu.memory_space<hbm>>
      %dma_wait3A_117 = tpu.memref_squeeze %dma_wait3A_116 : memref<1x40x128xi32, #tpu.memory_space<hbm>> -> memref<40x128xi32, #tpu.memory_space<hbm>>
      tpu.wait_dma2 semaphore(%run_scoped3A_101 : memref<!tpu.dma_semaphore, #tpu.memory_space<semaphore_mem>>) src(%dma_wait3A_117 : memref<40x128xi32, #tpu.memory_space<hbm>>) dst(%arg7 : memref<40x128xi32, #tpu.memory_space<vmem>>)
      tpu.yield
    }) : () -> ()
    %dma_start3A_60 = arith.constant 0 : i32
    %dma_start3A_61 = arith.constant 0 : i32
    %dma_start3A_62 = tpu.memref_slice %arg6[%dma_start3A_60, %dma_start3A_61] : memref<40x128xi32, #tpu.memory_space<vmem>> -> memref<1x128xi32, #tpu.memory_space<vmem>>
    %dma_start3A_63 = tpu.memref_squeeze %dma_start3A_62 : memref<1x128xi32, #tpu.memory_space<vmem>> -> memref<128xi32, #tpu.memory_space<vmem>>
    %dma_start3A_64 = arith.constant 0 : i32
    %dma_start3A_65 = arith.constant 0 : i32
    %dma_start3A_66 = tpu.memref_slice %arg2[%dma_start3A_64, %dma_start3A_65] : memref<10000x128xf32, #tpu.memory_space<hbm>> -> memref<10000x128xf32, #tpu.memory_space<hbm>>
    tpu.enqueue_indirect_dma source(%dma_start3A_66 : memref<10000x128xf32, #tpu.memory_space<hbm>>) target(%arg8 : memref<128x128xf32, #tpu.memory_space<vmem>>) offsets(%dma_start3A_63 : memref<128xi32, #tpu.memory_space<vmem>>) semaphore(%arg11 : memref<!tpu.dma_semaphore, #tpu.memory_space<semaphore_mem>>)
    %scan3A_67 = arith.constant 0 : i32
    %scan3A_68 = arith.constant 0 : i32
    %scan3A_69 = arith.constant 19 : i32
    %scan3A_70 = arith.addi %scan3A_68, %scan3A_69 : i32
    %scan3A_71 = arith.constant 1 : i32
    scf.for %scan3A_101 = %scan3A_68 to %scan3A_70 step %scan3A_71  : i32 {
      %mul3A_102 = arith.constant 2 : i32
      %mul3A_103 = arith.muli %scan3A_101, %mul3A_102 : i32
      %add3A_104 = arith.constant 1 : i32
      %add3A_105 = arith.addi %mul3A_103, %add3A_104 : i32
      %dma_start3A_106 = arith.constant 0 : i32
      %dma_start3A_107 = tpu.memref_slice %arg6[%add3A_105, %dma_start3A_106] : memref<40x128xi32, #tpu.memory_space<vmem>> -> memref<1x128xi32, #tpu.memory_space<vmem>>
      %dma_start3A_108 = tpu.memref_squeeze %dma_start3A_107 : memref<1x128xi32, #tpu.memory_space<vmem>> -> memref<128xi32, #tpu.memory_space<vmem>>
      %dma_start3A_109 = arith.constant 0 : i32
      %dma_start3A_110 = arith.constant 0 : i32
      %dma_start3A_111 = tpu.memref_slice %arg2[%dma_start3A_109, %dma_start3A_110] : memref<10000x128xf32, #tpu.memory_space<hbm>> -> memref<10000x128xf32, #tpu.memory_space<hbm>>
      tpu.enqueue_indirect_dma source(%dma_start3A_111 : memref<10000x128xf32, #tpu.memory_space<hbm>>) target(%arg9 : memref<128x128xf32, #tpu.memory_space<vmem>>) offsets(%dma_start3A_108 : memref<128xi32, #tpu.memory_space<vmem>>) semaphore(%arg12 : memref<!tpu.dma_semaphore, #tpu.memory_space<semaphore_mem>>)
      %dma_wait3A_112 = arith.constant 0 : i32
      %dma_wait3A_113 = tpu.memref_slice %arg6[%mul3A_103, %dma_wait3A_112] : memref<40x128xi32, #tpu.memory_space<vmem>> -> memref<1x128xi32, #tpu.memory_space<vmem>>
      %dma_wait3A_114 = tpu.memref_squeeze %dma_wait3A_113 : memref<1x128xi32, #tpu.memory_space<vmem>> -> memref<128xi32, #tpu.memory_space<vmem>>
      %dma_wait3A_115 = arith.constant 0 : i32
      %dma_wait3A_116 = arith.constant 0 : i32
      %dma_wait3A_117 = tpu.memref_slice %arg2[%dma_wait3A_115, %dma_wait3A_116] : memref<10000x128xf32, #tpu.memory_space<hbm>> -> memref<10000x128xf32, #tpu.memory_space<hbm>>
      tpu.wait_indirect_dma semaphore(%arg11 : memref<!tpu.dma_semaphore, #tpu.memory_space<semaphore_mem>>) src(%dma_wait3A_117 : memref<10000x128xf32, #tpu.memory_space<hbm>>) dst(%arg8 : memref<128x128xf32, #tpu.memory_space<vmem>>)
      "tpu.region"() ({
        %run_scoped3A_136 = tpu.sem_alloc : memref<!tpu.dma_semaphore, #tpu.memory_space<semaphore_mem>>
        %dma_start3A_137 = arith.constant 0 : i32
        %dma_start3A_138 = tpu.memref_slice %arg7[%mul3A_103, %dma_start3A_137] : memref<40x128xi32, #tpu.memory_space<vmem>> -> memref<1x128xi32, #tpu.memory_space<vmem>>
        %dma_start3A_139 = tpu.memref_squeeze %dma_start3A_138 : memref<1x128xi32, #tpu.memory_space<vmem>> -> memref<128xi32, #tpu.memory_space<vmem>>
        %dma_start3A_140 = arith.constant 0 : i32
        %dma_start3A_141 = arith.constant 0 : i32
        %dma_start3A_142 = tpu.memref_slice %arg10[%dma_start3A_140, %dma_start3A_141] : memref<10240x128xf32, #tpu.memory_space<vmem_shared>> -> memref<10240x128xf32, #tpu.memory_space<vmem_shared>>
        tpu.enqueue_indirect_dma source(%arg8 : memref<128x128xf32, #tpu.memory_space<vmem>>) target(%dma_start3A_142 : memref<10240x128xf32, #tpu.memory_space<vmem_shared>>) offsets(%dma_start3A_139 : memref<128xi32, #tpu.memory_space<vmem>>) semaphore(%run_scoped3A_136 : memref<!tpu.dma_semaphore, #tpu.memory_space<semaphore_mem>>) {add = true}
        %dma_wait3A_143 = arith.constant 0 : i32
        %dma_wait3A_144 = tpu.memref_slice %arg7[%mul3A_103, %dma_wait3A_143] : memref<40x128xi32, #tpu.memory_space<vmem>> -> memref<1x128xi32, #tpu.memory_space<vmem>>
        %dma_wait3A_145 = tpu.memref_squeeze %dma_wait3A_144 : memref<1x128xi32, #tpu.memory_space<vmem>> -> memref<128xi32, #tpu.memory_space<vmem>>
        %dma_wait3A_146 = arith.constant 0 : i32
        %dma_wait3A_147 = arith.constant 0 : i32
        %dma_wait3A_148 = tpu.memref_slice %arg10[%dma_wait3A_146, %dma_wait3A_147] : memref<10240x128xf32, #tpu.memory_space<vmem_shared>> -> memref<10240x128xf32, #tpu.memory_space<vmem_shared>>
        tpu.wait_indirect_dma semaphore(%run_scoped3A_136 : memref<!tpu.dma_semaphore, #tpu.memory_space<semaphore_mem>>) src(%arg8 : memref<128x128xf32, #tpu.memory_space<vmem>>) dst(%dma_wait3A_148 : memref<10240x128xf32, #tpu.memory_space<vmem_shared>>)
        tpu.yield
      }) : () -> ()
      %mul3A_118 = arith.constant 2 : i32
      %mul3A_119 = arith.muli %scan3A_101, %mul3A_118 : i32
      %add3A_120 = arith.constant 1 : i32
      %add3A_121 = arith.addi %mul3A_119, %add3A_120 : i32
      %add3A_122 = arith.constant 1 : i32
      %add3A_123 = arith.addi %add3A_121, %add3A_122 : i32
      %dma_start3A_124 = arith.constant 0 : i32
      %dma_start3A_125 = tpu.memref_slice %arg6[%add3A_123, %dma_start3A_124] : memref<40x128xi32, #tpu.memory_space<vmem>> -> memref<1x128xi32, #tpu.memory_space<vmem>>
      %dma_start3A_126 = tpu.memref_squeeze %dma_start3A_125 : memref<1x128xi32, #tpu.memory_space<vmem>> -> memref<128xi32, #tpu.memory_space<vmem>>
      %dma_start3A_127 = arith.constant 0 : i32
      %dma_start3A_128 = arith.constant 0 : i32
      %dma_start3A_129 = tpu.memref_slice %arg2[%dma_start3A_127, %dma_start3A_128] : memref<10000x128xf32, #tpu.memory_space<hbm>> -> memref<10000x128xf32, #tpu.memory_space<hbm>>
      tpu.enqueue_indirect_dma source(%dma_start3A_129 : memref<10000x128xf32, #tpu.memory_space<hbm>>) target(%arg8 : memref<128x128xf32, #tpu.memory_space<vmem>>) offsets(%dma_start3A_126 : memref<128xi32, #tpu.memory_space<vmem>>) semaphore(%arg11 : memref<!tpu.dma_semaphore, #tpu.memory_space<semaphore_mem>>)
      %dma_wait3A_130 = arith.constant 0 : i32
      %dma_wait3A_131 = tpu.memref_slice %arg6[%add3A_121, %dma_wait3A_130] : memref<40x128xi32, #tpu.memory_space<vmem>> -> memref<1x128xi32, #tpu.memory_space<vmem>>
      %dma_wait3A_132 = tpu.memref_squeeze %dma_wait3A_131 : memref<1x128xi32, #tpu.memory_space<vmem>> -> memref<128xi32, #tpu.memory_space<vmem>>
      %dma_wait3A_133 = arith.constant 0 : i32
      %dma_wait3A_134 = arith.constant 0 : i32
      %dma_wait3A_135 = tpu.memref_slice %arg2[%dma_wait3A_133, %dma_wait3A_134] : memref<10000x128xf32, #tpu.memory_space<hbm>> -> memref<10000x128xf32, #tpu.memory_space<hbm>>
      tpu.wait_indirect_dma semaphore(%arg12 : memref<!tpu.dma_semaphore, #tpu.memory_space<semaphore_mem>>) src(%dma_wait3A_135 : memref<10000x128xf32, #tpu.memory_space<hbm>>) dst(%arg9 : memref<128x128xf32, #tpu.memory_space<vmem>>)
      "tpu.region"() ({
        %run_scoped3A_136 = tpu.sem_alloc : memref<!tpu.dma_semaphore, #tpu.memory_space<semaphore_mem>>
        %dma_start3A_137 = arith.constant 0 : i32
        %dma_start3A_138 = tpu.memref_slice %arg7[%add3A_121, %dma_start3A_137] : memref<40x128xi32, #tpu.memory_space<vmem>> -> memref<1x128xi32, #tpu.memory_space<vmem>>
        %dma_start3A_139 = tpu.memref_squeeze %dma_start3A_138 : memref<1x128xi32, #tpu.memory_space<vmem>> -> memref<128xi32, #tpu.memory_space<vmem>>
        %dma_start3A_140 = arith.constant 0 : i32
        %dma_start3A_141 = arith.constant 0 : i32
        %dma_start3A_142 = tpu.memref_slice %arg10[%dma_start3A_140, %dma_start3A_141] : memref<10240x128xf32, #tpu.memory_space<vmem_shared>> -> memref<10240x128xf32, #tpu.memory_space<vmem_shared>>
        tpu.enqueue_indirect_dma source(%arg9 : memref<128x128xf32, #tpu.memory_space<vmem>>) target(%dma_start3A_142 : memref<10240x128xf32, #tpu.memory_space<vmem_shared>>) offsets(%dma_start3A_139 : memref<128xi32, #tpu.memory_space<vmem>>) semaphore(%run_scoped3A_136 : memref<!tpu.dma_semaphore, #tpu.memory_space<semaphore_mem>>) {add = true}
        %dma_wait3A_143 = arith.constant 0 : i32
        %dma_wait3A_144 = tpu.memref_slice %arg7[%add3A_121, %dma_wait3A_143] : memref<40x128xi32, #tpu.memory_space<vmem>> -> memref<1x128xi32, #tpu.memory_space<vmem>>
        %dma_wait3A_145 = tpu.memref_squeeze %dma_wait3A_144 : memref<1x128xi32, #tpu.memory_space<vmem>> -> memref<128xi32, #tpu.memory_space<vmem>>
        %dma_wait3A_146 = arith.constant 0 : i32
        %dma_wait3A_147 = arith.constant 0 : i32
        %dma_wait3A_148 = tpu.memref_slice %arg10[%dma_wait3A_146, %dma_wait3A_147] : memref<10240x128xf32, #tpu.memory_space<vmem_shared>> -> memref<10240x128xf32, #tpu.memory_space<vmem_shared>>
        tpu.wait_indirect_dma semaphore(%run_scoped3A_136 : memref<!tpu.dma_semaphore, #tpu.memory_space<semaphore_mem>>) src(%arg9 : memref<128x128xf32, #tpu.memory_space<vmem>>) dst(%dma_wait3A_148 : memref<10240x128xf32, #tpu.memory_space<vmem_shared>>)
        tpu.yield
      }) : () -> ()
    }
    %scan3A_72 = arith.constant 19 : i32
    %dma_start3A_73 = arith.constant 39 : i32
    %dma_start3A_74 = arith.constant 0 : i32
    %dma_start3A_75 = tpu.memref_slice %arg6[%dma_start3A_73, %dma_start3A_74] : memref<40x128xi32, #tpu.memory_space<vmem>> -> memref<1x128xi32, #tpu.memory_space<vmem>>
    %dma_start3A_76 = tpu.memref_squeeze %dma_start3A_75 : memref<1x128xi32, #tpu.memory_space<vmem>> -> memref<128xi32, #tpu.memory_space<vmem>>
    %dma_start3A_77 = arith.constant 0 : i32
    %dma_start3A_78 = arith.constant 0 : i32
    %dma_start3A_79 = tpu.memref_slice %arg2[%dma_start3A_77, %dma_start3A_78] : memref<10000x128xf32, #tpu.memory_space<hbm>> -> memref<10000x128xf32, #tpu.memory_space<hbm>>
    tpu.enqueue_indirect_dma source(%dma_start3A_79 : memref<10000x128xf32, #tpu.memory_space<hbm>>) target(%arg9 : memref<128x128xf32, #tpu.memory_space<vmem>>) offsets(%dma_start3A_76 : memref<128xi32, #tpu.memory_space<vmem>>) semaphore(%arg12 : memref<!tpu.dma_semaphore, #tpu.memory_space<semaphore_mem>>)
    %dma_wait3A_80 = arith.constant 38 : i32
    %dma_wait3A_81 = arith.constant 0 : i32
    %dma_wait3A_82 = tpu.memref_slice %arg6[%dma_wait3A_80, %dma_wait3A_81] : memref<40x128xi32, #tpu.memory_space<vmem>> -> memref<1x128xi32, #tpu.memory_space<vmem>>
    %dma_wait3A_83 = tpu.memref_squeeze %dma_wait3A_82 : memref<1x128xi32, #tpu.memory_space<vmem>> -> memref<128xi32, #tpu.memory_space<vmem>>
    %dma_wait3A_84 = arith.constant 0 : i32
    %dma_wait3A_85 = arith.constant 0 : i32
    %dma_wait3A_86 = tpu.memref_slice %arg2[%dma_wait3A_84, %dma_wait3A_85] : memref<10000x128xf32, #tpu.memory_space<hbm>> -> memref<10000x128xf32, #tpu.memory_space<hbm>>
    tpu.wait_indirect_dma semaphore(%arg11 : memref<!tpu.dma_semaphore, #tpu.memory_space<semaphore_mem>>) src(%dma_wait3A_86 : memref<10000x128xf32, #tpu.memory_space<hbm>>) dst(%arg8 : memref<128x128xf32, #tpu.memory_space<vmem>>)
    %run_scoped3A_87 = arith.constant 38 : i32
    "tpu.region"() ({
      %run_scoped3A_101 = tpu.sem_alloc : memref<!tpu.dma_semaphore, #tpu.memory_space<semaphore_mem>>
      %dma_start3A_102 = arith.constant 0 : i32
      %dma_start3A_103 = tpu.memref_slice %arg7[%run_scoped3A_87, %dma_start3A_102] : memref<40x128xi32, #tpu.memory_space<vmem>> -> memref<1x128xi32, #tpu.memory_space<vmem>>
      %dma_start3A_104 = tpu.memref_squeeze %dma_start3A_103 : memref<1x128xi32, #tpu.memory_space<vmem>> -> memref<128xi32, #tpu.memory_space<vmem>>
      %dma_start3A_105 = arith.constant 0 : i32
      %dma_start3A_106 = arith.constant 0 : i32
      %dma_start3A_107 = tpu.memref_slice %arg10[%dma_start3A_105, %dma_start3A_106] : memref<10240x128xf32, #tpu.memory_space<vmem_shared>> -> memref<10240x128xf32, #tpu.memory_space<vmem_shared>>
      tpu.enqueue_indirect_dma source(%arg8 : memref<128x128xf32, #tpu.memory_space<vmem>>) target(%dma_start3A_107 : memref<10240x128xf32, #tpu.memory_space<vmem_shared>>) offsets(%dma_start3A_104 : memref<128xi32, #tpu.memory_space<vmem>>) semaphore(%run_scoped3A_101 : memref<!tpu.dma_semaphore, #tpu.memory_space<semaphore_mem>>) {add = true}
      %dma_wait3A_108 = arith.constant 0 : i32
      %dma_wait3A_109 = tpu.memref_slice %arg7[%run_scoped3A_87, %dma_wait3A_108] : memref<40x128xi32, #tpu.memory_space<vmem>> -> memref<1x128xi32, #tpu.memory_space<vmem>>
      %dma_wait3A_110 = tpu.memref_squeeze %dma_wait3A_109 : memref<1x128xi32, #tpu.memory_space<vmem>> -> memref<128xi32, #tpu.memory_space<vmem>>
      %dma_wait3A_111 = arith.constant 0 : i32
      %dma_wait3A_112 = arith.constant 0 : i32
      %dma_wait3A_113 = tpu.memref_slice %arg10[%dma_wait3A_111, %dma_wait3A_112] : memref<10240x128xf32, #tpu.memory_space<vmem_shared>> -> memref<10240x128xf32, #tpu.memory_space<vmem_shared>>
      tpu.wait_indirect_dma semaphore(%run_scoped3A_101 : memref<!tpu.dma_semaphore, #tpu.memory_space<semaphore_mem>>) src(%arg8 : memref<128x128xf32, #tpu.memory_space<vmem>>) dst(%dma_wait3A_113 : memref<10240x128xf32, #tpu.memory_space<vmem_shared>>)
      tpu.yield
    }) : () -> ()
    %dma_wait3A_88 = arith.constant 39 : i32
    %dma_wait3A_89 = arith.constant 0 : i32
    %dma_wait3A_90 = tpu.memref_slice %arg6[%dma_wait3A_88, %dma_wait3A_89] : memref<40x128xi32, #tpu.memory_space<vmem>> -> memref<1x128xi32, #tpu.memory_space<vmem>>
    %dma_wait3A_91 = tpu.memref_squeeze %dma_wait3A_90 : memref<1x128xi32, #tpu.memory_space<vmem>> -> memref<128xi32, #tpu.memory_space<vmem>>
    %dma_wait3A_92 = arith.constant 0 : i32
    %dma_wait3A_93 = arith.constant 0 : i32
    %dma_wait3A_94 = tpu.memref_slice %arg2[%dma_wait3A_92, %dma_wait3A_93] : memref<10000x128xf32, #tpu.memory_space<hbm>> -> memref<10000x128xf32, #tpu.memory_space<hbm>>
    tpu.wait_indirect_dma semaphore(%arg12 : memref<!tpu.dma_semaphore, #tpu.memory_space<semaphore_mem>>) src(%dma_wait3A_94 : memref<10000x128xf32, #tpu.memory_space<hbm>>) dst(%arg9 : memref<128x128xf32, #tpu.memory_space<vmem>>)
    %run_scoped3A_95 = arith.constant 39 : i32
    "tpu.region"() ({
      %run_scoped3A_101 = tpu.sem_alloc : memref<!tpu.dma_semaphore, #tpu.memory_space<semaphore_mem>>
      %dma_start3A_102 = arith.constant 0 : i32
      %dma_start3A_103 = tpu.memref_slice %arg7[%run_scoped3A_95, %dma_start3A_102] : memref<40x128xi32, #tpu.memory_space<vmem>> -> memref<1x128xi32, #tpu.memory_space<vmem>>
      %dma_start3A_104 = tpu.memref_squeeze %dma_start3A_103 : memref<1x128xi32, #tpu.memory_space<vmem>> -> memref<128xi32, #tpu.memory_space<vmem>>
      %dma_start3A_105 = arith.constant 0 : i32
      %dma_start3A_106 = arith.constant 0 : i32
      %dma_start3A_107 = tpu.memref_slice %arg10[%dma_start3A_105, %dma_start3A_106] : memref<10240x128xf32, #tpu.memory_space<vmem_shared>> -> memref<10240x128xf32, #tpu.memory_space<vmem_shared>>
      tpu.enqueue_indirect_dma source(%arg9 : memref<128x128xf32, #tpu.memory_space<vmem>>) target(%dma_start3A_107 : memref<10240x128xf32, #tpu.memory_space<vmem_shared>>) offsets(%dma_start3A_104 : memref<128xi32, #tpu.memory_space<vmem>>) semaphore(%run_scoped3A_101 : memref<!tpu.dma_semaphore, #tpu.memory_space<semaphore_mem>>) {add = true}
      %dma_wait3A_108 = arith.constant 0 : i32
      %dma_wait3A_109 = tpu.memref_slice %arg7[%run_scoped3A_95, %dma_wait3A_108] : memref<40x128xi32, #tpu.memory_space<vmem>> -> memref<1x128xi32, #tpu.memory_space<vmem>>
      %dma_wait3A_110 = tpu.memref_squeeze %dma_wait3A_109 : memref<1x128xi32, #tpu.memory_space<vmem>> -> memref<128xi32, #tpu.memory_space<vmem>>
      %dma_wait3A_111 = arith.constant 0 : i32
      %dma_wait3A_112 = arith.constant 0 : i32
      %dma_wait3A_113 = tpu.memref_slice %arg10[%dma_wait3A_111, %dma_wait3A_112] : memref<10240x128xf32, #tpu.memory_space<vmem_shared>> -> memref<10240x128xf32, #tpu.memory_space<vmem_shared>>
      tpu.wait_indirect_dma semaphore(%run_scoped3A_101 : memref<!tpu.dma_semaphore, #tpu.memory_space<semaphore_mem>>) src(%arg9 : memref<128x128xf32, #tpu.memory_space<vmem>>) dst(%dma_wait3A_113 : memref<10240x128xf32, #tpu.memory_space<vmem_shared>>)
      tpu.yield
    }) : () -> ()
    %barrier3A_96 = arith.constant 0 : index
    tpu.barrier barrier_id(%barrier3A_96)
    %mul3A_97 = arith.constant 640 : i32
    %mul3A_98 = arith.muli %arg1, %mul3A_97 : i32
    %mul3A_99 = arith.constant 640 : i32
    %mul3A_100 = arith.muli %arg1, %mul3A_99 : i32
    "tpu.region"() ({
      %run_scoped3A_101 = tpu.sem_alloc : memref<!tpu.dma_semaphore, #tpu.memory_space<semaphore_mem>>
      %dma_start3A_102 = arith.constant 0 : i32
      %dma_start3A_103 = tpu.memref_slice %arg5[%arg0, %mul3A_100, %dma_start3A_102] : memref<2x10240x128xf32, #tpu.memory_space<hbm>> -> memref<1x640x128xf32, #tpu.memory_space<hbm>>
      %dma_start3A_104 = tpu.memref_squeeze %dma_start3A_103 : memref<1x640x128xf32, #tpu.memory_space<hbm>> -> memref<640x128xf32, #tpu.memory_space<hbm>>
      %dma_start3A_105 = arith.constant 0 : i32
      %dma_start3A_106 = tpu.memref_slice %arg10[%mul3A_98, %dma_start3A_105] : memref<10240x128xf32, #tpu.memory_space<vmem_shared>> -> memref<640x128xf32, #tpu.memory_space<vmem_shared>>
      tpu.enqueue_dma source(%dma_start3A_106 : memref<640x128xf32, #tpu.memory_space<vmem_shared>>) target(%dma_start3A_104 : memref<640x128xf32, #tpu.memory_space<hbm>>) target_semaphore(%run_scoped3A_101 : memref<!tpu.dma_semaphore, #tpu.memory_space<semaphore_mem>>)
      %dma_wait3A_107 = arith.constant 0 : i32
      %dma_wait3A_108 = tpu.memref_slice %arg5[%arg0, %mul3A_100, %dma_wait3A_107] : memref<2x10240x128xf32, #tpu.memory_space<hbm>> -> memref<1x640x128xf32, #tpu.memory_space<hbm>>
      %dma_wait3A_109 = tpu.memref_squeeze %dma_wait3A_108 : memref<1x640x128xf32, #tpu.memory_space<hbm>> -> memref<640x128xf32, #tpu.memory_space<hbm>>
      %dma_wait3A_110 = arith.constant 0 : i32
      %dma_wait3A_111 = tpu.memref_slice %arg10[%mul3A_98, %dma_wait3A_110] : memref<10240x128xf32, #tpu.memory_space<vmem_shared>> -> memref<640x128xf32, #tpu.memory_space<vmem_shared>>
      tpu.wait_dma2 semaphore(%run_scoped3A_101 : memref<!tpu.dma_semaphore, #tpu.memory_space<semaphore_mem>>) src(%dma_wait3A_111 : memref<640x128xf32, #tpu.memory_space<vmem_shared>>) dst(%dma_wait3A_109 : memref<640x128xf32, #tpu.memory_space<hbm>>)
      tpu.yield
    }) : () -> ()
    return
  }
}

#map = affine_map<(d0, d1) -> (0, 0)>
#map1 = affine_map<(d0, d1) -> (0, 0, 0)>
module attributes {stable_mosaic.version = 14 : i64} {
  func.func @_seg_sum_body(%arg0: i32, %arg1: i32, %arg2: memref<10000x128xf32, #tpu.memory_space<hbm>>, %arg3: memref<32x80x128xi32, #tpu.memory_space<hbm>>, %arg4: memref<32x80x128xi32, #tpu.memory_space<hbm>>, %arg5: memref<2x10240x128xf32, #tpu.memory_space<hbm>>, %arg6: memref<40x128xi32, #tpu.memory_space<vmem>>, %arg7: memref<40x128xi32, #tpu.memory_space<vmem>>, %arg8: memref<128x128xf32, #tpu.memory_space<vmem>>, %arg9: memref<128x128xf32, #tpu.memory_space<vmem>>, %arg10: memref<10240x128xf32, #tpu.memory_space<vmem_shared>>, %arg11: memref<!tpu.dma_semaphore, #tpu.memory_space<semaphore_mem>>, %arg12: memref<!tpu.dma_semaphore, #tpu.memory_space<semaphore_mem>>) attributes {dimension_semantics = [#tpu.dimension_semantics<core_parallel>, #tpu.dimension_semantics<subcore_parallel>], iteration_bounds = array<i64: 2, 16>, scalar_prefetch = 0 : i64, scratch_operands = 7 : i64, tpu.core_type = #tpu.core_type<sc_vector_subcore>, window_params = [{transform_indices = #map}, {transform_indices = #map1}, {transform_indices = #map1}, {transform_indices = #map1}]} {
    %mul3A = arith.constant 2 : i32
    %mul3A_0 = arith.muli %arg1, %mul3A : i32
    %add3A = arith.addi %mul3A_0, %arg0 : i32
    "tpu.region"() ({
      %run_scoped3A_101 = tpu.sem_alloc : memref<!tpu.dma_semaphore, #tpu.memory_space<semaphore_mem>>
      %dma_start3A_102 = arith.constant 0 : i32
      %dma_start3A_103 = arith.constant 0 : i32
      %dma_start3A_104 = tpu.memref_slice %arg3[%add3A, %dma_start3A_102, %dma_start3A_103] : memref<32x80x128xi32, #tpu.memory_space<hbm>> -> memref<1x40x128xi32, #tpu.memory_space<hbm>>
      %dma_start3A_105 = tpu.memref_squeeze %dma_start3A_104 : memref<1x40x128xi32, #tpu.memory_space<hbm>> -> memref<40x128xi32, #tpu.memory_space<hbm>>
      %dma_start3A_106 = arith.constant 0 : i32
      %dma_start3A_107 = arith.constant 0 : i32
      %dma_start3A_108 = tpu.memref_slice %arg3[%add3A, %dma_start3A_106, %dma_start3A_107] : memref<32x80x128xi32, #tpu.memory_space<hbm>> -> memref<1x40x128xi32, #tpu.memory_space<hbm>>
      %dma_start3A_109 = tpu.memref_squeeze %dma_start3A_108 : memref<1x40x128xi32, #tpu.memory_space<hbm>> -> memref<40x128xi32, #tpu.memory_space<hbm>>
      tpu.enqueue_dma source(%dma_start3A_109 : memref<40x128xi32, #tpu.memory_space<hbm>>) target(%arg6 : memref<40x128xi32, #tpu.memory_space<vmem>>) target_semaphore(%run_scoped3A_101 : memref<!tpu.dma_semaphore, #tpu.memory_space<semaphore_mem>>)
      %dma_wait3A_110 = arith.constant 0 : i32
      %dma_wait3A_111 = arith.constant 0 : i32
      %dma_wait3A_112 = tpu.memref_slice %arg3[%add3A, %dma_wait3A_110, %dma_wait3A_111] : memref<32x80x128xi32, #tpu.memory_space<hbm>> -> memref<1x40x128xi32, #tpu.memory_space<hbm>>
      %dma_wait3A_113 = tpu.memref_squeeze %dma_wait3A_112 : memref<1x40x128xi32, #tpu.memory_space<hbm>> -> memref<40x128xi32, #tpu.memory_space<hbm>>
      %dma_wait3A_114 = arith.constant 0 : i32
      %dma_wait3A_115 = arith.constant 0 : i32
      %dma_wait3A_116 = tpu.memref_slice %arg3[%add3A, %dma_wait3A_114, %dma_wait3A_115] : memref<32x80x128xi32, #tpu.memory_space<hbm>> -> memref<1x40x128xi32, #tpu.memory_space<hbm>>
      %dma_wait3A_117 = tpu.memref_squeeze %dma_wait3A_116 : memref<1x40x128xi32, #tpu.memory_space<hbm>> -> memref<40x128xi32, #tpu.memory_space<hbm>>
      tpu.wait_dma2 semaphore(%run_scoped3A_101 : memref<!tpu.dma_semaphore, #tpu.memory_space<semaphore_mem>>) src(%dma_wait3A_117 : memref<40x128xi32, #tpu.memory_space<hbm>>) dst(%arg6 : memref<40x128xi32, #tpu.memory_space<vmem>>)
      tpu.yield
    }) : () -> ()
    "tpu.region"() ({
      %run_scoped3A_101 = tpu.sem_alloc : memref<!tpu.dma_semaphore, #tpu.memory_space<semaphore_mem>>
      %dma_start3A_102 = arith.constant 0 : i32
      %dma_start3A_103 = arith.constant 0 : i32
      %dma_start3A_104 = tpu.memref_slice %arg4[%add3A, %dma_start3A_102, %dma_start3A_103] : memref<32x80x128xi32, #tpu.memory_space<hbm>> -> memref<1x40x128xi32, #tpu.memory_space<hbm>>
      %dma_start3A_105 = tpu.memref_squeeze %dma_start3A_104 : memref<1x40x128xi32, #tpu.memory_space<hbm>> -> memref<40x128xi32, #tpu.memory_space<hbm>>
      %dma_start3A_106 = arith.constant 0 : i32
      %dma_start3A_107 = arith.constant 0 : i32
      %dma_start3A_108 = tpu.memref_slice %arg4[%add3A, %dma_start3A_106, %dma_start3A_107] : memref<32x80x128xi32, #tpu.memory_space<hbm>> -> memref<1x40x128xi32, #tpu.memory_space<hbm>>
      %dma_start3A_109 = tpu.memref_squeeze %dma_start3A_108 : memref<1x40x128xi32, #tpu.memory_space<hbm>> -> memref<40x128xi32, #tpu.memory_space<hbm>>
      tpu.enqueue_dma source(%dma_start3A_109 : memref<40x128xi32, #tpu.memory_space<hbm>>) target(%arg7 : memref<40x128xi32, #tpu.memory_space<vmem>>) target_semaphore(%run_scoped3A_101 : memref<!tpu.dma_semaphore, #tpu.memory_space<semaphore_mem>>)
      %dma_wait3A_110 = arith.constant 0 : i32
      %dma_wait3A_111 = arith.constant 0 : i32
      %dma_wait3A_112 = tpu.memref_slice %arg4[%add3A, %dma_wait3A_110, %dma_wait3A_111] : memref<32x80x128xi32, #tpu.memory_space<hbm>> -> memref<1x40x128xi32, #tpu.memory_space<hbm>>
      %dma_wait3A_113 = tpu.memref_squeeze %dma_wait3A_112 : memref<1x40x128xi32, #tpu.memory_space<hbm>> -> memref<40x128xi32, #tpu.memory_space<hbm>>
      %dma_wait3A_114 = arith.constant 0 : i32
      %dma_wait3A_115 = arith.constant 0 : i32
      %dma_wait3A_116 = tpu.memref_slice %arg4[%add3A, %dma_wait3A_114, %dma_wait3A_115] : memref<32x80x128xi32, #tpu.memory_space<hbm>> -> memref<1x40x128xi32, #tpu.memory_space<hbm>>
      %dma_wait3A_117 = tpu.memref_squeeze %dma_wait3A_116 : memref<1x40x128xi32, #tpu.memory_space<hbm>> -> memref<40x128xi32, #tpu.memory_space<hbm>>
      tpu.wait_dma2 semaphore(%run_scoped3A_101 : memref<!tpu.dma_semaphore, #tpu.memory_space<semaphore_mem>>) src(%dma_wait3A_117 : memref<40x128xi32, #tpu.memory_space<hbm>>) dst(%arg7 : memref<40x128xi32, #tpu.memory_space<vmem>>)
      tpu.yield
    }) : () -> ()
    %dma_start3A = arith.constant 0 : i32
    %dma_start3A_1 = arith.constant 0 : i32
    %dma_start3A_2 = tpu.memref_slice %arg6[%dma_start3A, %dma_start3A_1] : memref<40x128xi32, #tpu.memory_space<vmem>> -> memref<1x128xi32, #tpu.memory_space<vmem>>
    %dma_start3A_3 = tpu.memref_squeeze %dma_start3A_2 : memref<1x128xi32, #tpu.memory_space<vmem>> -> memref<128xi32, #tpu.memory_space<vmem>>
    %dma_start3A_4 = arith.constant 0 : i32
    %dma_start3A_5 = arith.constant 0 : i32
    %dma_start3A_6 = tpu.memref_slice %arg2[%dma_start3A_4, %dma_start3A_5] : memref<10000x128xf32, #tpu.memory_space<hbm>> -> memref<10000x128xf32, #tpu.memory_space<hbm>>
    tpu.enqueue_indirect_dma source(%dma_start3A_6 : memref<10000x128xf32, #tpu.memory_space<hbm>>) target(%arg8 : memref<128x128xf32, #tpu.memory_space<vmem>>) offsets(%dma_start3A_3 : memref<128xi32, #tpu.memory_space<vmem>>) semaphore(%arg11 : memref<!tpu.dma_semaphore, #tpu.memory_space<semaphore_mem>>)
    %broadcast_in_dim3A = arith.constant 0.000000e+00 : f32
    %broadcast_in_dim3A_7 = vector.broadcast %broadcast_in_dim3A : f32 to vector<16xf32>
    %scan3A = arith.constant 0 : i32
    %scan3A_8 = arith.constant 0 : i32
    %scan3A_9 = arith.constant 128 : i32
    %scan3A_10 = arith.addi %scan3A_8, %scan3A_9 : i32
    %scan3A_11 = arith.constant 1 : i32
    scf.for %scan3A_101 = %scan3A_8 to %scan3A_10 step %scan3A_11  : i32 {
      %swap3A = arith.index_cast %scan3A_101 : i32 to index
      %swap3A_102 = arith.constant 0 : index
      %swap3A_103 = tpu.vector_load %arg9[%swap3A, %swap3A_102] {strides = array<i32>} : memref<128x128xf32, #tpu.memory_space<vmem>>, vector<1x16xf32>,
      %swap3A_104 = vector.shape_cast %swap3A_103 : vector<1x16xf32> to vector<16xf32>
      %swap3A_105 = vector.shape_cast %broadcast_in_dim3A_7 : vector<16xf32> to vector<1x16xf32>
      tpu.vector_store %arg9[%swap3A, %swap3A_102], %swap3A_105 {strides = array<i32>} : memref<128x128xf32, #tpu.memory_space<vmem>>, vector<1x16xf32>,
      %swap3A_106 = arith.index_cast %scan3A_101 : i32 to index
      %swap3A_107 = arith.constant 16 : index
      %swap3A_108 = tpu.vector_load %arg9[%swap3A_106, %swap3A_107] {strides = array<i32>} : memref<128x128xf32, #tpu.memory_space<vmem>>, vector<1x16xf32>,
      %swap3A_109 = vector.shape_cast %swap3A_108 : vector<1x16xf32> to vector<16xf32>
      %swap3A_110 = vector.shape_cast %broadcast_in_dim3A_7 : vector<16xf32> to vector<1x16xf32>
      tpu.vector_store %arg9[%swap3A_106, %swap3A_107], %swap3A_110 {strides = array<i32>} : memref<128x128xf32, #tpu.memory_space<vmem>>, vector<1x16xf32>,
      %swap3A_111 = arith.index_cast %scan3A_101 : i32 to index
      %swap3A_112 = arith.constant 32 : index
      %swap3A_113 = tpu.vector_load %arg9[%swap3A_111, %swap3A_112] {strides = array<i32>} : memref<128x128xf32, #tpu.memory_space<vmem>>, vector<1x16xf32>,
      %swap3A_114 = vector.shape_cast %swap3A_113 : vector<1x16xf32> to vector<16xf32>
      %swap3A_115 = vector.shape_cast %broadcast_in_dim3A_7 : vector<16xf32> to vector<1x16xf32>
      tpu.vector_store %arg9[%swap3A_111, %swap3A_112], %swap3A_115 {strides = array<i32>} : memref<128x128xf32, #tpu.memory_space<vmem>>, vector<1x16xf32>,
      %swap3A_116 = arith.index_cast %scan3A_101 : i32 to index
      %swap3A_117 = arith.constant 48 : index
      %swap3A_118 = tpu.vector_load %arg9[%swap3A_116, %swap3A_117] {strides = array<i32>} : memref<128x128xf32, #tpu.memory_space<vmem>>, vector<1x16xf32>,
      %swap3A_119 = vector.shape_cast %swap3A_118 : vector<1x16xf32> to vector<16xf32>
      %swap3A_120 = vector.shape_cast %broadcast_in_dim3A_7 : vector<16xf32> to vector<1x16xf32>
      tpu.vector_store %arg9[%swap3A_116, %swap3A_117], %swap3A_120 {strides = array<i32>} : memref<128x128xf32, #tpu.memory_space<vmem>>, vector<1x16xf32>,
      %swap3A_121 = arith.index_cast %scan3A_101 : i32 to index
      %swap3A_122 = arith.constant 64 : index
      %swap3A_123 = tpu.vector_load %arg9[%swap3A_121, %swap3A_122] {strides = array<i32>} : memref<128x128xf32, #tpu.memory_space<vmem>>, vector<1x16xf32>,
      %swap3A_124 = vector.shape_cast %swap3A_123 : vector<1x16xf32> to vector<16xf32>
      %swap3A_125 = vector.shape_cast %broadcast_in_dim3A_7 : vector<16xf32> to vector<1x16xf32>
      tpu.vector_store %arg9[%swap3A_121, %swap3A_122], %swap3A_125 {strides = array<i32>} : memref<128x128xf32, #tpu.memory_space<vmem>>, vector<1x16xf32>,
      %swap3A_126 = arith.index_cast %scan3A_101 : i32 to index
      %swap3A_127 = arith.constant 80 : index
      %swap3A_128 = tpu.vector_load %arg9[%swap3A_126, %swap3A_127] {strides = array<i32>} : memref<128x128xf32, #tpu.memory_space<vmem>>, vector<1x16xf32>,
      %swap3A_129 = vector.shape_cast %swap3A_128 : vector<1x16xf32> to vector<16xf32>
      %swap3A_130 = vector.shape_cast %broadcast_in_dim3A_7 : vector<16xf32> to vector<1x16xf32>
      tpu.vector_store %arg9[%swap3A_126, %swap3A_127], %swap3A_130 {strides = array<i32>} : memref<128x128xf32, #tpu.memory_space<vmem>>, vector<1x16xf32>,
      %swap3A_131 = arith.index_cast %scan3A_101 : i32 to index
      %swap3A_132 = arith.constant 96 : index
      %swap3A_133 = tpu.vector_load %arg9[%swap3A_131, %swap3A_132] {strides = array<i32>} : memref<128x128xf32, #tpu.memory_space<vmem>>, vector<1x16xf32>,
      %swap3A_134 = vector.shape_cast %swap3A_133 : vector<1x16xf32> to vector<16xf32>
      %swap3A_135 = vector.shape_cast %broadcast_in_dim3A_7 : vector<16xf32> to vector<1x16xf32>
      tpu.vector_store %arg9[%swap3A_131, %swap3A_132], %swap3A_135 {strides = array<i32>} : memref<128x128xf32, #tpu.memory_space<vmem>>, vector<1x16xf32>,
      %swap3A_136 = arith.index_cast %scan3A_101 : i32 to index
      %swap3A_137 = arith.constant 112 : index
      %swap3A_138 = tpu.vector_load %arg9[%swap3A_136, %swap3A_137] {strides = array<i32>} : memref<128x128xf32, #tpu.memory_space<vmem>>, vector<1x16xf32>,
      %swap3A_139 = vector.shape_cast %swap3A_138 : vector<1x16xf32> to vector<16xf32>
      %swap3A_140 = vector.shape_cast %broadcast_in_dim3A_7 : vector<16xf32> to vector<1x16xf32>
      tpu.vector_store %arg9[%swap3A_136, %swap3A_137], %swap3A_140 {strides = array<i32>} : memref<128x128xf32, #tpu.memory_space<vmem>>, vector<1x16xf32>,
    }
    %scan3A_12 = arith.constant 128 : i32
    %mul3A_13 = arith.constant 640 : i32
    %mul3A_14 = arith.muli %arg1, %mul3A_13 : i32
    %add3A_15 = arith.constant 0 : i32
    %add3A_16 = arith.addi %mul3A_14, %add3A_15 : i32
    "tpu.region"() ({
      %run_scoped3A_101 = tpu.sem_alloc : memref<!tpu.dma_semaphore, #tpu.memory_space<semaphore_mem>>
      %dma_start3A_102 = arith.constant 0 : i32
      %dma_start3A_103 = tpu.memref_slice %arg10[%add3A_16, %dma_start3A_102] : memref<10240x128xf32, #tpu.memory_space<vmem_shared>> -> memref<128x128xf32, #tpu.memory_space<vmem_shared>>
      %dma_start3A_104 = arith.constant 0 : i32
      %dma_start3A_105 = tpu.memref_slice %arg10[%add3A_16, %dma_start3A_104] : memref<10240x128xf32, #tpu.memory_space<vmem_shared>> -> memref<128x128xf32, #tpu.memory_space<vmem_shared>>
      tpu.enqueue_dma source(%arg9 : memref<128x128xf32, #tpu.memory_space<vmem>>) target(%dma_start3A_105 : memref<128x128xf32, #tpu.memory_space<vmem_shared>>) target_semaphore(%run_scoped3A_101 : memref<!tpu.dma_semaphore, #tpu.memory_space<semaphore_mem>>)
      %dma_wait3A_106 = arith.constant 0 : i32
      %dma_wait3A_107 = tpu.memref_slice %arg10[%add3A_16, %dma_wait3A_106] : memref<10240x128xf32, #tpu.memory_space<vmem_shared>> -> memref<128x128xf32, #tpu.memory_space<vmem_shared>>
      %dma_wait3A_108 = arith.constant 0 : i32
      %dma_wait3A_109 = tpu.memref_slice %arg10[%add3A_16, %dma_wait3A_108] : memref<10240x128xf32, #tpu.memory_space<vmem_shared>> -> memref<128x128xf32, #tpu.memory_space<vmem_shared>>
      tpu.wait_dma2 semaphore(%run_scoped3A_101 : memref<!tpu.dma_semaphore, #tpu.memory_space<semaphore_mem>>) src(%arg9 : memref<128x128xf32, #tpu.memory_space<vmem>>) dst(%dma_wait3A_109 : memref<128x128xf32, #tpu.memory_space<vmem_shared>>)
      tpu.yield
    }) : () -> ()
    %mul3A_17 = arith.constant 640 : i32
    %mul3A_18 = arith.muli %arg1, %mul3A_17 : i32
    %add3A_19 = arith.constant 128 : i32
    %add3A_20 = arith.addi %mul3A_18, %add3A_19 : i32
    "tpu.region"() ({
      %run_scoped3A_101 = tpu.sem_alloc : memref<!tpu.dma_semaphore, #tpu.memory_space<semaphore_mem>>
      %dma_start3A_102 = arith.constant 0 : i32
      %dma_start3A_103 = tpu.memref_slice %arg10[%add3A_20, %dma_start3A_102] : memref<10240x128xf32, #tpu.memory_space<vmem_shared>> -> memref<128x128xf32, #tpu.memory_space<vmem_shared>>
      %dma_start3A_104 = arith.constant 0 : i32
      %dma_start3A_105 = tpu.memref_slice %arg10[%add3A_20, %dma_start3A_104] : memref<10240x128xf32, #tpu.memory_space<vmem_shared>> -> memref<128x128xf32, #tpu.memory_space<vmem_shared>>
      tpu.enqueue_dma source(%arg9 : memref<128x128xf32, #tpu.memory_space<vmem>>) target(%dma_start3A_105 : memref<128x128xf32, #tpu.memory_space<vmem_shared>>) target_semaphore(%run_scoped3A_101 : memref<!tpu.dma_semaphore, #tpu.memory_space<semaphore_mem>>)
      %dma_wait3A_106 = arith.constant 0 : i32
      %dma_wait3A_107 = tpu.memref_slice %arg10[%add3A_20, %dma_wait3A_106] : memref<10240x128xf32, #tpu.memory_space<vmem_shared>> -> memref<128x128xf32, #tpu.memory_space<vmem_shared>>
      %dma_wait3A_108 = arith.constant 0 : i32
      %dma_wait3A_109 = tpu.memref_slice %arg10[%add3A_20, %dma_wait3A_108] : memref<10240x128xf32, #tpu.memory_space<vmem_shared>> -> memref<128x128xf32, #tpu.memory_space<vmem_shared>>
      tpu.wait_dma2 semaphore(%run_scoped3A_101 : memref<!tpu.dma_semaphore, #tpu.memory_space<semaphore_mem>>) src(%arg9 : memref<128x128xf32, #tpu.memory_space<vmem>>) dst(%dma_wait3A_109 : memref<128x128xf32, #tpu.memory_space<vmem_shared>>)
      tpu.yield
    }) : () -> ()
    %mul3A_21 = arith.constant 640 : i32
    %mul3A_22 = arith.muli %arg1, %mul3A_21 : i32
    %add3A_23 = arith.constant 256 : i32
    %add3A_24 = arith.addi %mul3A_22, %add3A_23 : i32
    "tpu.region"() ({
      %run_scoped3A_101 = tpu.sem_alloc : memref<!tpu.dma_semaphore, #tpu.memory_space<semaphore_mem>>
      %dma_start3A_102 = arith.constant 0 : i32
      %dma_start3A_103 = tpu.memref_slice %arg10[%add3A_24, %dma_start3A_102] : memref<10240x128xf32, #tpu.memory_space<vmem_shared>> -> memref<128x128xf32, #tpu.memory_space<vmem_shared>>
      %dma_start3A_104 = arith.constant 0 : i32
      %dma_start3A_105 = tpu.memref_slice %arg10[%add3A_24, %dma_start3A_104] : memref<10240x128xf32, #tpu.memory_space<vmem_shared>> -> memref<128x128xf32, #tpu.memory_space<vmem_shared>>
      tpu.enqueue_dma source(%arg9 : memref<128x128xf32, #tpu.memory_space<vmem>>) target(%dma_start3A_105 : memref<128x128xf32, #tpu.memory_space<vmem_shared>>) target_semaphore(%run_scoped3A_101 : memref<!tpu.dma_semaphore, #tpu.memory_space<semaphore_mem>>)
      %dma_wait3A_106 = arith.constant 0 : i32
      %dma_wait3A_107 = tpu.memref_slice %arg10[%add3A_24, %dma_wait3A_106] : memref<10240x128xf32, #tpu.memory_space<vmem_shared>> -> memref<128x128xf32, #tpu.memory_space<vmem_shared>>
      %dma_wait3A_108 = arith.constant 0 : i32
      %dma_wait3A_109 = tpu.memref_slice %arg10[%add3A_24, %dma_wait3A_108] : memref<10240x128xf32, #tpu.memory_space<vmem_shared>> -> memref<128x128xf32, #tpu.memory_space<vmem_shared>>
      tpu.wait_dma2 semaphore(%run_scoped3A_101 : memref<!tpu.dma_semaphore, #tpu.memory_space<semaphore_mem>>) src(%arg9 : memref<128x128xf32, #tpu.memory_space<vmem>>) dst(%dma_wait3A_109 : memref<128x128xf32, #tpu.memory_space<vmem_shared>>)
      tpu.yield
    }) : () -> ()
    %mul3A_25 = arith.constant 640 : i32
    %mul3A_26 = arith.muli %arg1, %mul3A_25 : i32
    %add3A_27 = arith.constant 384 : i32
    %add3A_28 = arith.addi %mul3A_26, %add3A_27 : i32
    "tpu.region"() ({
      %run_scoped3A_101 = tpu.sem_alloc : memref<!tpu.dma_semaphore, #tpu.memory_space<semaphore_mem>>
      %dma_start3A_102 = arith.constant 0 : i32
      %dma_start3A_103 = tpu.memref_slice %arg10[%add3A_28, %dma_start3A_102] : memref<10240x128xf32, #tpu.memory_space<vmem_shared>> -> memref<128x128xf32, #tpu.memory_space<vmem_shared>>
      %dma_start3A_104 = arith.constant 0 : i32
      %dma_start3A_105 = tpu.memref_slice %arg10[%add3A_28, %dma_start3A_104] : memref<10240x128xf32, #tpu.memory_space<vmem_shared>> -> memref<128x128xf32, #tpu.memory_space<vmem_shared>>
      tpu.enqueue_dma source(%arg9 : memref<128x128xf32, #tpu.memory_space<vmem>>) target(%dma_start3A_105 : memref<128x128xf32, #tpu.memory_space<vmem_shared>>) target_semaphore(%run_scoped3A_101 : memref<!tpu.dma_semaphore, #tpu.memory_space<semaphore_mem>>)
      %dma_wait3A_106 = arith.constant 0 : i32
      %dma_wait3A_107 = tpu.memref_slice %arg10[%add3A_28, %dma_wait3A_106] : memref<10240x128xf32, #tpu.memory_space<vmem_shared>> -> memref<128x128xf32, #tpu.memory_space<vmem_shared>>
      %dma_wait3A_108 = arith.constant 0 : i32
      %dma_wait3A_109 = tpu.memref_slice %arg10[%add3A_28, %dma_wait3A_108] : memref<10240x128xf32, #tpu.memory_space<vmem_shared>> -> memref<128x128xf32, #tpu.memory_space<vmem_shared>>
      tpu.wait_dma2 semaphore(%run_scoped3A_101 : memref<!tpu.dma_semaphore, #tpu.memory_space<semaphore_mem>>) src(%arg9 : memref<128x128xf32, #tpu.memory_space<vmem>>) dst(%dma_wait3A_109 : memref<128x128xf32, #tpu.memory_space<vmem_shared>>)
      tpu.yield
    }) : () -> ()
    %mul3A_29 = arith.constant 640 : i32
    %mul3A_30 = arith.muli %arg1, %mul3A_29 : i32
    %add3A_31 = arith.constant 512 : i32
    %add3A_32 = arith.addi %mul3A_30, %add3A_31 : i32
    "tpu.region"() ({
      %run_scoped3A_101 = tpu.sem_alloc : memref<!tpu.dma_semaphore, #tpu.memory_space<semaphore_mem>>
      %dma_start3A_102 = arith.constant 0 : i32
      %dma_start3A_103 = tpu.memref_slice %arg10[%add3A_32, %dma_start3A_102] : memref<10240x128xf32, #tpu.memory_space<vmem_shared>> -> memref<128x128xf32, #tpu.memory_space<vmem_shared>>
      %dma_start3A_104 = arith.constant 0 : i32
      %dma_start3A_105 = tpu.memref_slice %arg10[%add3A_32, %dma_start3A_104] : memref<10240x128xf32, #tpu.memory_space<vmem_shared>> -> memref<128x128xf32, #tpu.memory_space<vmem_shared>>
      tpu.enqueue_dma source(%arg9 : memref<128x128xf32, #tpu.memory_space<vmem>>) target(%dma_start3A_105 : memref<128x128xf32, #tpu.memory_space<vmem_shared>>) target_semaphore(%run_scoped3A_101 : memref<!tpu.dma_semaphore, #tpu.memory_space<semaphore_mem>>)
      %dma_wait3A_106 = arith.constant 0 : i32
      %dma_wait3A_107 = tpu.memref_slice %arg10[%add3A_32, %dma_wait3A_106] : memref<10240x128xf32, #tpu.memory_space<vmem_shared>> -> memref<128x128xf32, #tpu.memory_space<vmem_shared>>
      %dma_wait3A_108 = arith.constant 0 : i32
      %dma_wait3A_109 = tpu.memref_slice %arg10[%add3A_32, %dma_wait3A_108] : memref<10240x128xf32, #tpu.memory_space<vmem_shared>> -> memref<128x128xf32, #tpu.memory_space<vmem_shared>>
      tpu.wait_dma2 semaphore(%run_scoped3A_101 : memref<!tpu.dma_semaphore, #tpu.memory_space<semaphore_mem>>) src(%arg9 : memref<128x128xf32, #tpu.memory_space<vmem>>) dst(%dma_wait3A_109 : memref<128x128xf32, #tpu.memory_space<vmem_shared>>)
      tpu.yield
    }) : () -> ()
    %barrier3A = arith.constant 0 : index
    tpu.barrier barrier_id(%barrier3A)
    %scan3A_33 = arith.constant 0 : i32
    %scan3A_34 = arith.constant 0 : i32
    %scan3A_35 = arith.constant 19 : i32
    %scan3A_36 = arith.addi %scan3A_34, %scan3A_35 : i32
    %scan3A_37 = arith.constant 1 : i32
    scf.for %scan3A_101 = %scan3A_34 to %scan3A_36 step %scan3A_37  : i32 {
      %mul3A_102 = arith.constant 2 : i32
      %mul3A_103 = arith.muli %scan3A_101, %mul3A_102 : i32
      %add3A_104 = arith.constant 1 : i32
      %add3A_105 = arith.addi %mul3A_103, %add3A_104 : i32
      %dma_start3A_106 = arith.constant 0 : i32
      %dma_start3A_107 = tpu.memref_slice %arg6[%add3A_105, %dma_start3A_106] : memref<40x128xi32, #tpu.memory_space<vmem>> -> memref<1x128xi32, #tpu.memory_space<vmem>>
      %dma_start3A_108 = tpu.memref_squeeze %dma_start3A_107 : memref<1x128xi32, #tpu.memory_space<vmem>> -> memref<128xi32, #tpu.memory_space<vmem>>
      %dma_start3A_109 = arith.constant 0 : i32
      %dma_start3A_110 = arith.constant 0 : i32
      %dma_start3A_111 = tpu.memref_slice %arg2[%dma_start3A_109, %dma_start3A_110] : memref<10000x128xf32, #tpu.memory_space<hbm>> -> memref<10000x128xf32, #tpu.memory_space<hbm>>
      tpu.enqueue_indirect_dma source(%dma_start3A_111 : memref<10000x128xf32, #tpu.memory_space<hbm>>) target(%arg9 : memref<128x128xf32, #tpu.memory_space<vmem>>) offsets(%dma_start3A_108 : memref<128xi32, #tpu.memory_space<vmem>>) semaphore(%arg12 : memref<!tpu.dma_semaphore, #tpu.memory_space<semaphore_mem>>)
      %dma_wait3A_112 = arith.constant 0 : i32
      %dma_wait3A_113 = tpu.memref_slice %arg6[%mul3A_103, %dma_wait3A_112] : memref<40x128xi32, #tpu.memory_space<vmem>> -> memref<1x128xi32, #tpu.memory_space<vmem>>
      %dma_wait3A_114 = tpu.memref_squeeze %dma_wait3A_113 : memref<1x128xi32, #tpu.memory_space<vmem>> -> memref<128xi32, #tpu.memory_space<vmem>>
      %dma_wait3A_115 = arith.constant 0 : i32
      %dma_wait3A_116 = arith.constant 0 : i32
      %dma_wait3A_117 = tpu.memref_slice %arg2[%dma_wait3A_115, %dma_wait3A_116] : memref<10000x128xf32, #tpu.memory_space<hbm>> -> memref<10000x128xf32, #tpu.memory_space<hbm>>
      tpu.wait_indirect_dma semaphore(%arg11 : memref<!tpu.dma_semaphore, #tpu.memory_space<semaphore_mem>>) src(%dma_wait3A_117 : memref<10000x128xf32, #tpu.memory_space<hbm>>) dst(%arg8 : memref<128x128xf32, #tpu.memory_space<vmem>>)
      "tpu.region"() ({
        %run_scoped3A_136 = tpu.sem_alloc : memref<!tpu.dma_semaphore, #tpu.memory_space<semaphore_mem>>
        %dma_start3A_137 = arith.constant 0 : i32
        %dma_start3A_138 = tpu.memref_slice %arg7[%mul3A_103, %dma_start3A_137] : memref<40x128xi32, #tpu.memory_space<vmem>> -> memref<1x128xi32, #tpu.memory_space<vmem>>
        %dma_start3A_139 = tpu.memref_squeeze %dma_start3A_138 : memref<1x128xi32, #tpu.memory_space<vmem>> -> memref<128xi32, #tpu.memory_space<vmem>>
        %dma_start3A_140 = arith.constant 0 : i32
        %dma_start3A_141 = arith.constant 0 : i32
        %dma_start3A_142 = tpu.memref_slice %arg10[%dma_start3A_140, %dma_start3A_141] : memref<10240x128xf32, #tpu.memory_space<vmem_shared>> -> memref<10240x128xf32, #tpu.memory_space<vmem_shared>>
        tpu.enqueue_indirect_dma source(%arg8 : memref<128x128xf32, #tpu.memory_space<vmem>>) target(%dma_start3A_142 : memref<10240x128xf32, #tpu.memory_space<vmem_shared>>) offsets(%dma_start3A_139 : memref<128xi32, #tpu.memory_space<vmem>>) semaphore(%run_scoped3A_136 : memref<!tpu.dma_semaphore, #tpu.memory_space<semaphore_mem>>) {add = true}
        %dma_wait3A_143 = arith.constant 0 : i32
        %dma_wait3A_144 = tpu.memref_slice %arg7[%mul3A_103, %dma_wait3A_143] : memref<40x128xi32, #tpu.memory_space<vmem>> -> memref<1x128xi32, #tpu.memory_space<vmem>>
        %dma_wait3A_145 = tpu.memref_squeeze %dma_wait3A_144 : memref<1x128xi32, #tpu.memory_space<vmem>> -> memref<128xi32, #tpu.memory_space<vmem>>
        %dma_wait3A_146 = arith.constant 0 : i32
        %dma_wait3A_147 = arith.constant 0 : i32
        %dma_wait3A_148 = tpu.memref_slice %arg10[%dma_wait3A_146, %dma_wait3A_147] : memref<10240x128xf32, #tpu.memory_space<vmem_shared>> -> memref<10240x128xf32, #tpu.memory_space<vmem_shared>>
        tpu.wait_indirect_dma semaphore(%run_scoped3A_136 : memref<!tpu.dma_semaphore, #tpu.memory_space<semaphore_mem>>) src(%arg8 : memref<128x128xf32, #tpu.memory_space<vmem>>) dst(%dma_wait3A_148 : memref<10240x128xf32, #tpu.memory_space<vmem_shared>>)
        tpu.yield
      }) : () -> ()
      %mul3A_118 = arith.constant 2 : i32
      %mul3A_119 = arith.muli %scan3A_101, %mul3A_118 : i32
      %add3A_120 = arith.constant 1 : i32
      %add3A_121 = arith.addi %mul3A_119, %add3A_120 : i32
      %add3A_122 = arith.constant 1 : i32
      %add3A_123 = arith.addi %add3A_121, %add3A_122 : i32
      %dma_start3A_124 = arith.constant 0 : i32
      %dma_start3A_125 = tpu.memref_slice %arg6[%add3A_123, %dma_start3A_124] : memref<40x128xi32, #tpu.memory_space<vmem>> -> memref<1x128xi32, #tpu.memory_space<vmem>>
      %dma_start3A_126 = tpu.memref_squeeze %dma_start3A_125 : memref<1x128xi32, #tpu.memory_space<vmem>> -> memref<128xi32, #tpu.memory_space<vmem>>
      %dma_start3A_127 = arith.constant 0 : i32
      %dma_start3A_128 = arith.constant 0 : i32
      %dma_start3A_129 = tpu.memref_slice %arg2[%dma_start3A_127, %dma_start3A_128] : memref<10000x128xf32, #tpu.memory_space<hbm>> -> memref<10000x128xf32, #tpu.memory_space<hbm>>
      tpu.enqueue_indirect_dma source(%dma_start3A_129 : memref<10000x128xf32, #tpu.memory_space<hbm>>) target(%arg8 : memref<128x128xf32, #tpu.memory_space<vmem>>) offsets(%dma_start3A_126 : memref<128xi32, #tpu.memory_space<vmem>>) semaphore(%arg11 : memref<!tpu.dma_semaphore, #tpu.memory_space<semaphore_mem>>)
      %dma_wait3A_130 = arith.constant 0 : i32
      %dma_wait3A_131 = tpu.memref_slice %arg6[%add3A_121, %dma_wait3A_130] : memref<40x128xi32, #tpu.memory_space<vmem>> -> memref<1x128xi32, #tpu.memory_space<vmem>>
      %dma_wait3A_132 = tpu.memref_squeeze %dma_wait3A_131 : memref<1x128xi32, #tpu.memory_space<vmem>> -> memref<128xi32, #tpu.memory_space<vmem>>
      %dma_wait3A_133 = arith.constant 0 : i32
      %dma_wait3A_134 = arith.constant 0 : i32
      %dma_wait3A_135 = tpu.memref_slice %arg2[%dma_wait3A_133, %dma_wait3A_134] : memref<10000x128xf32, #tpu.memory_space<hbm>> -> memref<10000x128xf32, #tpu.memory_space<hbm>>
      tpu.wait_indirect_dma semaphore(%arg12 : memref<!tpu.dma_semaphore, #tpu.memory_space<semaphore_mem>>) src(%dma_wait3A_135 : memref<10000x128xf32, #tpu.memory_space<hbm>>) dst(%arg9 : memref<128x128xf32, #tpu.memory_space<vmem>>)
      "tpu.region"() ({
        %run_scoped3A_136 = tpu.sem_alloc : memref<!tpu.dma_semaphore, #tpu.memory_space<semaphore_mem>>
        %dma_start3A_137 = arith.constant 0 : i32
        %dma_start3A_138 = tpu.memref_slice %arg7[%add3A_121, %dma_start3A_137] : memref<40x128xi32, #tpu.memory_space<vmem>> -> memref<1x128xi32, #tpu.memory_space<vmem>>
        %dma_start3A_139 = tpu.memref_squeeze %dma_start3A_138 : memref<1x128xi32, #tpu.memory_space<vmem>> -> memref<128xi32, #tpu.memory_space<vmem>>
        %dma_start3A_140 = arith.constant 0 : i32
        %dma_start3A_141 = arith.constant 0 : i32
        %dma_start3A_142 = tpu.memref_slice %arg10[%dma_start3A_140, %dma_start3A_141] : memref<10240x128xf32, #tpu.memory_space<vmem_shared>> -> memref<10240x128xf32, #tpu.memory_space<vmem_shared>>
        tpu.enqueue_indirect_dma source(%arg9 : memref<128x128xf32, #tpu.memory_space<vmem>>) target(%dma_start3A_142 : memref<10240x128xf32, #tpu.memory_space<vmem_shared>>) offsets(%dma_start3A_139 : memref<128xi32, #tpu.memory_space<vmem>>) semaphore(%run_scoped3A_136 : memref<!tpu.dma_semaphore, #tpu.memory_space<semaphore_mem>>) {add = true}
        %dma_wait3A_143 = arith.constant 0 : i32
        %dma_wait3A_144 = tpu.memref_slice %arg7[%add3A_121, %dma_wait3A_143] : memref<40x128xi32, #tpu.memory_space<vmem>> -> memref<1x128xi32, #tpu.memory_space<vmem>>
        %dma_wait3A_145 = tpu.memref_squeeze %dma_wait3A_144 : memref<1x128xi32, #tpu.memory_space<vmem>> -> memref<128xi32, #tpu.memory_space<vmem>>
        %dma_wait3A_146 = arith.constant 0 : i32
        %dma_wait3A_147 = arith.constant 0 : i32
        %dma_wait3A_148 = tpu.memref_slice %arg10[%dma_wait3A_146, %dma_wait3A_147] : memref<10240x128xf32, #tpu.memory_space<vmem_shared>> -> memref<10240x128xf32, #tpu.memory_space<vmem_shared>>
        tpu.wait_indirect_dma semaphore(%run_scoped3A_136 : memref<!tpu.dma_semaphore, #tpu.memory_space<semaphore_mem>>) src(%arg9 : memref<128x128xf32, #tpu.memory_space<vmem>>) dst(%dma_wait3A_148 : memref<10240x128xf32, #tpu.memory_space<vmem_shared>>)
        tpu.yield
      }) : () -> ()
    }
    %scan3A_38 = arith.constant 19 : i32
    %dma_start3A_39 = arith.constant 39 : i32
    %dma_start3A_40 = arith.constant 0 : i32
    %dma_start3A_41 = tpu.memref_slice %arg6[%dma_start3A_39, %dma_start3A_40] : memref<40x128xi32, #tpu.memory_space<vmem>> -> memref<1x128xi32, #tpu.memory_space<vmem>>
    %dma_start3A_42 = tpu.memref_squeeze %dma_start3A_41 : memref<1x128xi32, #tpu.memory_space<vmem>> -> memref<128xi32, #tpu.memory_space<vmem>>
    %dma_start3A_43 = arith.constant 0 : i32
    %dma_start3A_44 = arith.constant 0 : i32
    %dma_start3A_45 = tpu.memref_slice %arg2[%dma_start3A_43, %dma_start3A_44] : memref<10000x128xf32, #tpu.memory_space<hbm>> -> memref<10000x128xf32, #tpu.memory_space<hbm>>
    tpu.enqueue_indirect_dma source(%dma_start3A_45 : memref<10000x128xf32, #tpu.memory_space<hbm>>) target(%arg9 : memref<128x128xf32, #tpu.memory_space<vmem>>) offsets(%dma_start3A_42 : memref<128xi32, #tpu.memory_space<vmem>>) semaphore(%arg12 : memref<!tpu.dma_semaphore, #tpu.memory_space<semaphore_mem>>)
    %dma_wait3A = arith.constant 38 : i32
    %dma_wait3A_46 = arith.constant 0 : i32
    %dma_wait3A_47 = tpu.memref_slice %arg6[%dma_wait3A, %dma_wait3A_46] : memref<40x128xi32, #tpu.memory_space<vmem>> -> memref<1x128xi32, #tpu.memory_space<vmem>>
    %dma_wait3A_48 = tpu.memref_squeeze %dma_wait3A_47 : memref<1x128xi32, #tpu.memory_space<vmem>> -> memref<128xi32, #tpu.memory_space<vmem>>
    %dma_wait3A_49 = arith.constant 0 : i32
    %dma_wait3A_50 = arith.constant 0 : i32
    %dma_wait3A_51 = tpu.memref_slice %arg2[%dma_wait3A_49, %dma_wait3A_50] : memref<10000x128xf32, #tpu.memory_space<hbm>> -> memref<10000x128xf32, #tpu.memory_space<hbm>>
    tpu.wait_indirect_dma semaphore(%arg11 : memref<!tpu.dma_semaphore, #tpu.memory_space<semaphore_mem>>) src(%dma_wait3A_51 : memref<10000x128xf32, #tpu.memory_space<hbm>>) dst(%arg8 : memref<128x128xf32, #tpu.memory_space<vmem>>)
    %run_scoped3A = arith.constant 38 : i32
    "tpu.region"() ({
      %run_scoped3A_101 = tpu.sem_alloc : memref<!tpu.dma_semaphore, #tpu.memory_space<semaphore_mem>>
      %dma_start3A_102 = arith.constant 0 : i32
      %dma_start3A_103 = tpu.memref_slice %arg7[%run_scoped3A, %dma_start3A_102] : memref<40x128xi32, #tpu.memory_space<vmem>> -> memref<1x128xi32, #tpu.memory_space<vmem>>
      %dma_start3A_104 = tpu.memref_squeeze %dma_start3A_103 : memref<1x128xi32, #tpu.memory_space<vmem>> -> memref<128xi32, #tpu.memory_space<vmem>>
      %dma_start3A_105 = arith.constant 0 : i32
      %dma_start3A_106 = arith.constant 0 : i32
      %dma_start3A_107 = tpu.memref_slice %arg10[%dma_start3A_105, %dma_start3A_106] : memref<10240x128xf32, #tpu.memory_space<vmem_shared>> -> memref<10240x128xf32, #tpu.memory_space<vmem_shared>>
      tpu.enqueue_indirect_dma source(%arg8 : memref<128x128xf32, #tpu.memory_space<vmem>>) target(%dma_start3A_107 : memref<10240x128xf32, #tpu.memory_space<vmem_shared>>) offsets(%dma_start3A_104 : memref<128xi32, #tpu.memory_space<vmem>>) semaphore(%run_scoped3A_101 : memref<!tpu.dma_semaphore, #tpu.memory_space<semaphore_mem>>) {add = true}
      %dma_wait3A_108 = arith.constant 0 : i32
      %dma_wait3A_109 = tpu.memref_slice %arg7[%run_scoped3A, %dma_wait3A_108] : memref<40x128xi32, #tpu.memory_space<vmem>> -> memref<1x128xi32, #tpu.memory_space<vmem>>
      %dma_wait3A_110 = tpu.memref_squeeze %dma_wait3A_109 : memref<1x128xi32, #tpu.memory_space<vmem>> -> memref<128xi32, #tpu.memory_space<vmem>>
      %dma_wait3A_111 = arith.constant 0 : i32
      %dma_wait3A_112 = arith.constant 0 : i32
      %dma_wait3A_113 = tpu.memref_slice %arg10[%dma_wait3A_111, %dma_wait3A_112] : memref<10240x128xf32, #tpu.memory_space<vmem_shared>> -> memref<10240x128xf32, #tpu.memory_space<vmem_shared>>
      tpu.wait_indirect_dma semaphore(%run_scoped3A_101 : memref<!tpu.dma_semaphore, #tpu.memory_space<semaphore_mem>>) src(%arg8 : memref<128x128xf32, #tpu.memory_space<vmem>>) dst(%dma_wait3A_113 : memref<10240x128xf32, #tpu.memory_space<vmem_shared>>)
      tpu.yield
    }) : () -> ()
    %dma_wait3A_52 = arith.constant 39 : i32
    %dma_wait3A_53 = arith.constant 0 : i32
    %dma_wait3A_54 = tpu.memref_slice %arg6[%dma_wait3A_52, %dma_wait3A_53] : memref<40x128xi32, #tpu.memory_space<vmem>> -> memref<1x128xi32, #tpu.memory_space<vmem>>
    %dma_wait3A_55 = tpu.memref_squeeze %dma_wait3A_54 : memref<1x128xi32, #tpu.memory_space<vmem>> -> memref<128xi32, #tpu.memory_space<vmem>>
    %dma_wait3A_56 = arith.constant 0 : i32
    %dma_wait3A_57 = arith.constant 0 : i32
    %dma_wait3A_58 = tpu.memref_slice %arg2[%dma_wait3A_56, %dma_wait3A_57] : memref<10000x128xf32, #tpu.memory_space<hbm>> -> memref<10000x128xf32, #tpu.memory_space<hbm>>
    tpu.wait_indirect_dma semaphore(%arg12 : memref<!tpu.dma_semaphore, #tpu.memory_space<semaphore_mem>>) src(%dma_wait3A_58 : memref<10000x128xf32, #tpu.memory_space<hbm>>) dst(%arg9 : memref<128x128xf32, #tpu.memory_space<vmem>>)
    %run_scoped3A_59 = arith.constant 39 : i32
    "tpu.region"() ({
      %run_scoped3A_101 = tpu.sem_alloc : memref<!tpu.dma_semaphore, #tpu.memory_space<semaphore_mem>>
      %dma_start3A_102 = arith.constant 0 : i32
      %dma_start3A_103 = tpu.memref_slice %arg7[%run_scoped3A_59, %dma_start3A_102] : memref<40x128xi32, #tpu.memory_space<vmem>> -> memref<1x128xi32, #tpu.memory_space<vmem>>
      %dma_start3A_104 = tpu.memref_squeeze %dma_start3A_103 : memref<1x128xi32, #tpu.memory_space<vmem>> -> memref<128xi32, #tpu.memory_space<vmem>>
      %dma_start3A_105 = arith.constant 0 : i32
      %dma_start3A_106 = arith.constant 0 : i32
      %dma_start3A_107 = tpu.memref_slice %arg10[%dma_start3A_105, %dma_start3A_106] : memref<10240x128xf32, #tpu.memory_space<vmem_shared>> -> memref<10240x128xf32, #tpu.memory_space<vmem_shared>>
      tpu.enqueue_indirect_dma source(%arg9 : memref<128x128xf32, #tpu.memory_space<vmem>>) target(%dma_start3A_107 : memref<10240x128xf32, #tpu.memory_space<vmem_shared>>) offsets(%dma_start3A_104 : memref<128xi32, #tpu.memory_space<vmem>>) semaphore(%run_scoped3A_101 : memref<!tpu.dma_semaphore, #tpu.memory_space<semaphore_mem>>) {add = true}
      %dma_wait3A_108 = arith.constant 0 : i32
      %dma_wait3A_109 = tpu.memref_slice %arg7[%run_scoped3A_59, %dma_wait3A_108] : memref<40x128xi32, #tpu.memory_space<vmem>> -> memref<1x128xi32, #tpu.memory_space<vmem>>
      %dma_wait3A_110 = tpu.memref_squeeze %dma_wait3A_109 : memref<1x128xi32, #tpu.memory_space<vmem>> -> memref<128xi32, #tpu.memory_space<vmem>>
      %dma_wait3A_111 = arith.constant 0 : i32
      %dma_wait3A_112 = arith.constant 0 : i32
      %dma_wait3A_113 = tpu.memref_slice %arg10[%dma_wait3A_111, %dma_wait3A_112] : memref<10240x128xf32, #tpu.memory_space<vmem_shared>> -> memref<10240x128xf32, #tpu.memory_space<vmem_shared>>
      tpu.wait_indirect_dma semaphore(%run_scoped3A_101 : memref<!tpu.dma_semaphore, #tpu.memory_space<semaphore_mem>>) src(%arg9 : memref<128x128xf32, #tpu.memory_space<vmem>>) dst(%dma_wait3A_113 : memref<10240x128xf32, #tpu.memory_space<vmem_shared>>)
      tpu.yield
    }) : () -> ()
    "tpu.region"() ({
      %run_scoped3A_101 = tpu.sem_alloc : memref<!tpu.dma_semaphore, #tpu.memory_space<semaphore_mem>>
      %dma_start3A_102 = arith.constant 40 : i32
      %dma_start3A_103 = arith.constant 0 : i32
      %dma_start3A_104 = tpu.memref_slice %arg3[%add3A, %dma_start3A_102, %dma_start3A_103] : memref<32x80x128xi32, #tpu.memory_space<hbm>> -> memref<1x40x128xi32, #tpu.memory_space<hbm>>
      %dma_start3A_105 = tpu.memref_squeeze %dma_start3A_104 : memref<1x40x128xi32, #tpu.memory_space<hbm>> -> memref<40x128xi32, #tpu.memory_space<hbm>>
      %dma_start3A_106 = arith.constant 40 : i32
      %dma_start3A_107 = arith.constant 0 : i32
      %dma_start3A_108 = tpu.memref_slice %arg3[%add3A, %dma_start3A_106, %dma_start3A_107] : memref<32x80x128xi32, #tpu.memory_space<hbm>> -> memref<1x40x128xi32, #tpu.memory_space<hbm>>
      %dma_start3A_109 = tpu.memref_squeeze %dma_start3A_108 : memref<1x40x128xi32, #tpu.memory_space<hbm>> -> memref<40x128xi32, #tpu.memory_space<hbm>>
      tpu.enqueue_dma source(%dma_start3A_109 : memref<40x128xi32, #tpu.memory_space<hbm>>) target(%arg6 : memref<40x128xi32, #tpu.memory_space<vmem>>) target_semaphore(%run_scoped3A_101 : memref<!tpu.dma_semaphore, #tpu.memory_space<semaphore_mem>>)
      %dma_wait3A_110 = arith.constant 40 : i32
      %dma_wait3A_111 = arith.constant 0 : i32
      %dma_wait3A_112 = tpu.memref_slice %arg3[%add3A, %dma_wait3A_110, %dma_wait3A_111] : memref<32x80x128xi32, #tpu.memory_space<hbm>> -> memref<1x40x128xi32, #tpu.memory_space<hbm>>
      %dma_wait3A_113 = tpu.memref_squeeze %dma_wait3A_112 : memref<1x40x128xi32, #tpu.memory_space<hbm>> -> memref<40x128xi32, #tpu.memory_space<hbm>>
      %dma_wait3A_114 = arith.constant 40 : i32
      %dma_wait3A_115 = arith.constant 0 : i32
      %dma_wait3A_116 = tpu.memref_slice %arg3[%add3A, %dma_wait3A_114, %dma_wait3A_115] : memref<32x80x128xi32, #tpu.memory_space<hbm>> -> memref<1x40x128xi32, #tpu.memory_space<hbm>>
      %dma_wait3A_117 = tpu.memref_squeeze %dma_wait3A_116 : memref<1x40x128xi32, #tpu.memory_space<hbm>> -> memref<40x128xi32, #tpu.memory_space<hbm>>
      tpu.wait_dma2 semaphore(%run_scoped3A_101 : memref<!tpu.dma_semaphore, #tpu.memory_space<semaphore_mem>>) src(%dma_wait3A_117 : memref<40x128xi32, #tpu.memory_space<hbm>>) dst(%arg6 : memref<40x128xi32, #tpu.memory_space<vmem>>)
      tpu.yield
    }) : () -> ()
    "tpu.region"() ({
      %run_scoped3A_101 = tpu.sem_alloc : memref<!tpu.dma_semaphore, #tpu.memory_space<semaphore_mem>>
      %dma_start3A_102 = arith.constant 40 : i32
      %dma_start3A_103 = arith.constant 0 : i32
      %dma_start3A_104 = tpu.memref_slice %arg4[%add3A, %dma_start3A_102, %dma_start3A_103] : memref<32x80x128xi32, #tpu.memory_space<hbm>> -> memref<1x40x128xi32, #tpu.memory_space<hbm>>
      %dma_start3A_105 = tpu.memref_squeeze %dma_start3A_104 : memref<1x40x128xi32, #tpu.memory_space<hbm>> -> memref<40x128xi32, #tpu.memory_space<hbm>>
      %dma_start3A_106 = arith.constant 40 : i32
      %dma_start3A_107 = arith.constant 0 : i32
      %dma_start3A_108 = tpu.memref_slice %arg4[%add3A, %dma_start3A_106, %dma_start3A_107] : memref<32x80x128xi32, #tpu.memory_space<hbm>> -> memref<1x40x128xi32, #tpu.memory_space<hbm>>
      %dma_start3A_109 = tpu.memref_squeeze %dma_start3A_108 : memref<1x40x128xi32, #tpu.memory_space<hbm>> -> memref<40x128xi32, #tpu.memory_space<hbm>>
      tpu.enqueue_dma source(%dma_start3A_109 : memref<40x128xi32, #tpu.memory_space<hbm>>) target(%arg7 : memref<40x128xi32, #tpu.memory_space<vmem>>) target_semaphore(%run_scoped3A_101 : memref<!tpu.dma_semaphore, #tpu.memory_space<semaphore_mem>>)
      %dma_wait3A_110 = arith.constant 40 : i32
      %dma_wait3A_111 = arith.constant 0 : i32
      %dma_wait3A_112 = tpu.memref_slice %arg4[%add3A, %dma_wait3A_110, %dma_wait3A_111] : memref<32x80x128xi32, #tpu.memory_space<hbm>> -> memref<1x40x128xi32, #tpu.memory_space<hbm>>
      %dma_wait3A_113 = tpu.memref_squeeze %dma_wait3A_112 : memref<1x40x128xi32, #tpu.memory_space<hbm>> -> memref<40x128xi32, #tpu.memory_space<hbm>>
      %dma_wait3A_114 = arith.constant 40 : i32
      %dma_wait3A_115 = arith.constant 0 : i32
      %dma_wait3A_116 = tpu.memref_slice %arg4[%add3A, %dma_wait3A_114, %dma_wait3A_115] : memref<32x80x128xi32, #tpu.memory_space<hbm>> -> memref<1x40x128xi32, #tpu.memory_space<hbm>>
      %dma_wait3A_117 = tpu.memref_squeeze %dma_wait3A_116 : memref<1x40x128xi32, #tpu.memory_space<hbm>> -> memref<40x128xi32, #tpu.memory_space<hbm>>
      tpu.wait_dma2 semaphore(%run_scoped3A_101 : memref<!tpu.dma_semaphore, #tpu.memory_space<semaphore_mem>>) src(%dma_wait3A_117 : memref<40x128xi32, #tpu.memory_space<hbm>>) dst(%arg7 : memref<40x128xi32, #tpu.memory_space<vmem>>)
      tpu.yield
    }) : () -> ()
    %dma_start3A_60 = arith.constant 0 : i32
    %dma_start3A_61 = arith.constant 0 : i32
    %dma_start3A_62 = tpu.memref_slice %arg6[%dma_start3A_60, %dma_start3A_61] : memref<40x128xi32, #tpu.memory_space<vmem>> -> memref<1x128xi32, #tpu.memory_space<vmem>>
    %dma_start3A_63 = tpu.memref_squeeze %dma_start3A_62 : memref<1x128xi32, #tpu.memory_space<vmem>> -> memref<128xi32, #tpu.memory_space<vmem>>
    %dma_start3A_64 = arith.constant 0 : i32
    %dma_start3A_65 = arith.constant 0 : i32
    %dma_start3A_66 = tpu.memref_slice %arg2[%dma_start3A_64, %dma_start3A_65] : memref<10000x128xf32, #tpu.memory_space<hbm>> -> memref<10000x128xf32, #tpu.memory_space<hbm>>
    tpu.enqueue_indirect_dma source(%dma_start3A_66 : memref<10000x128xf32, #tpu.memory_space<hbm>>) target(%arg8 : memref<128x128xf32, #tpu.memory_space<vmem>>) offsets(%dma_start3A_63 : memref<128xi32, #tpu.memory_space<vmem>>) semaphore(%arg11 : memref<!tpu.dma_semaphore, #tpu.memory_space<semaphore_mem>>)
    %scan3A_67 = arith.constant 0 : i32
    %scan3A_68 = arith.constant 0 : i32
    %scan3A_69 = arith.constant 19 : i32
    %scan3A_70 = arith.addi %scan3A_68, %scan3A_69 : i32
    %scan3A_71 = arith.constant 1 : i32
    scf.for %scan3A_101 = %scan3A_68 to %scan3A_70 step %scan3A_71  : i32 {
      %mul3A_102 = arith.constant 2 : i32
      %mul3A_103 = arith.muli %scan3A_101, %mul3A_102 : i32
      %add3A_104 = arith.constant 1 : i32
      %add3A_105 = arith.addi %mul3A_103, %add3A_104 : i32
      %dma_start3A_106 = arith.constant 0 : i32
      %dma_start3A_107 = tpu.memref_slice %arg6[%add3A_105, %dma_start3A_106] : memref<40x128xi32, #tpu.memory_space<vmem>> -> memref<1x128xi32, #tpu.memory_space<vmem>>
      %dma_start3A_108 = tpu.memref_squeeze %dma_start3A_107 : memref<1x128xi32, #tpu.memory_space<vmem>> -> memref<128xi32, #tpu.memory_space<vmem>>
      %dma_start3A_109 = arith.constant 0 : i32
      %dma_start3A_110 = arith.constant 0 : i32
      %dma_start3A_111 = tpu.memref_slice %arg2[%dma_start3A_109, %dma_start3A_110] : memref<10000x128xf32, #tpu.memory_space<hbm>> -> memref<10000x128xf32, #tpu.memory_space<hbm>>
      tpu.enqueue_indirect_dma source(%dma_start3A_111 : memref<10000x128xf32, #tpu.memory_space<hbm>>) target(%arg9 : memref<128x128xf32, #tpu.memory_space<vmem>>) offsets(%dma_start3A_108 : memref<128xi32, #tpu.memory_space<vmem>>) semaphore(%arg12 : memref<!tpu.dma_semaphore, #tpu.memory_space<semaphore_mem>>)
      %dma_wait3A_112 = arith.constant 0 : i32
      %dma_wait3A_113 = tpu.memref_slice %arg6[%mul3A_103, %dma_wait3A_112] : memref<40x128xi32, #tpu.memory_space<vmem>> -> memref<1x128xi32, #tpu.memory_space<vmem>>
      %dma_wait3A_114 = tpu.memref_squeeze %dma_wait3A_113 : memref<1x128xi32, #tpu.memory_space<vmem>> -> memref<128xi32, #tpu.memory_space<vmem>>
      %dma_wait3A_115 = arith.constant 0 : i32
      %dma_wait3A_116 = arith.constant 0 : i32
      %dma_wait3A_117 = tpu.memref_slice %arg2[%dma_wait3A_115, %dma_wait3A_116] : memref<10000x128xf32, #tpu.memory_space<hbm>> -> memref<10000x128xf32, #tpu.memory_space<hbm>>
      tpu.wait_indirect_dma semaphore(%arg11 : memref<!tpu.dma_semaphore, #tpu.memory_space<semaphore_mem>>) src(%dma_wait3A_117 : memref<10000x128xf32, #tpu.memory_space<hbm>>) dst(%arg8 : memref<128x128xf32, #tpu.memory_space<vmem>>)
      "tpu.region"() ({
        %run_scoped3A_136 = tpu.sem_alloc : memref<!tpu.dma_semaphore, #tpu.memory_space<semaphore_mem>>
        %dma_start3A_137 = arith.constant 0 : i32
        %dma_start3A_138 = tpu.memref_slice %arg7[%mul3A_103, %dma_start3A_137] : memref<40x128xi32, #tpu.memory_space<vmem>> -> memref<1x128xi32, #tpu.memory_space<vmem>>
        %dma_start3A_139 = tpu.memref_squeeze %dma_start3A_138 : memref<1x128xi32, #tpu.memory_space<vmem>> -> memref<128xi32, #tpu.memory_space<vmem>>
        %dma_start3A_140 = arith.constant 0 : i32
        %dma_start3A_141 = arith.constant 0 : i32
        %dma_start3A_142 = tpu.memref_slice %arg10[%dma_start3A_140, %dma_start3A_141] : memref<10240x128xf32, #tpu.memory_space<vmem_shared>> -> memref<10240x128xf32, #tpu.memory_space<vmem_shared>>
        tpu.enqueue_indirect_dma source(%arg8 : memref<128x128xf32, #tpu.memory_space<vmem>>) target(%dma_start3A_142 : memref<10240x128xf32, #tpu.memory_space<vmem_shared>>) offsets(%dma_start3A_139 : memref<128xi32, #tpu.memory_space<vmem>>) semaphore(%run_scoped3A_136 : memref<!tpu.dma_semaphore, #tpu.memory_space<semaphore_mem>>) {add = true}
        %dma_wait3A_143 = arith.constant 0 : i32
        %dma_wait3A_144 = tpu.memref_slice %arg7[%mul3A_103, %dma_wait3A_143] : memref<40x128xi32, #tpu.memory_space<vmem>> -> memref<1x128xi32, #tpu.memory_space<vmem>>
        %dma_wait3A_145 = tpu.memref_squeeze %dma_wait3A_144 : memref<1x128xi32, #tpu.memory_space<vmem>> -> memref<128xi32, #tpu.memory_space<vmem>>
        %dma_wait3A_146 = arith.constant 0 : i32
        %dma_wait3A_147 = arith.constant 0 : i32
        %dma_wait3A_148 = tpu.memref_slice %arg10[%dma_wait3A_146, %dma_wait3A_147] : memref<10240x128xf32, #tpu.memory_space<vmem_shared>> -> memref<10240x128xf32, #tpu.memory_space<vmem_shared>>
        tpu.wait_indirect_dma semaphore(%run_scoped3A_136 : memref<!tpu.dma_semaphore, #tpu.memory_space<semaphore_mem>>) src(%arg8 : memref<128x128xf32, #tpu.memory_space<vmem>>) dst(%dma_wait3A_148 : memref<10240x128xf32, #tpu.memory_space<vmem_shared>>)
        tpu.yield
      }) : () -> ()
      %mul3A_118 = arith.constant 2 : i32
      %mul3A_119 = arith.muli %scan3A_101, %mul3A_118 : i32
      %add3A_120 = arith.constant 1 : i32
      %add3A_121 = arith.addi %mul3A_119, %add3A_120 : i32
      %add3A_122 = arith.constant 1 : i32
      %add3A_123 = arith.addi %add3A_121, %add3A_122 : i32
      %dma_start3A_124 = arith.constant 0 : i32
      %dma_start3A_125 = tpu.memref_slice %arg6[%add3A_123, %dma_start3A_124] : memref<40x128xi32, #tpu.memory_space<vmem>> -> memref<1x128xi32, #tpu.memory_space<vmem>>
      %dma_start3A_126 = tpu.memref_squeeze %dma_start3A_125 : memref<1x128xi32, #tpu.memory_space<vmem>> -> memref<128xi32, #tpu.memory_space<vmem>>
      %dma_start3A_127 = arith.constant 0 : i32
      %dma_start3A_128 = arith.constant 0 : i32
      %dma_start3A_129 = tpu.memref_slice %arg2[%dma_start3A_127, %dma_start3A_128] : memref<10000x128xf32, #tpu.memory_space<hbm>> -> memref<10000x128xf32, #tpu.memory_space<hbm>>
      tpu.enqueue_indirect_dma source(%dma_start3A_129 : memref<10000x128xf32, #tpu.memory_space<hbm>>) target(%arg8 : memref<128x128xf32, #tpu.memory_space<vmem>>) offsets(%dma_start3A_126 : memref<128xi32, #tpu.memory_space<vmem>>) semaphore(%arg11 : memref<!tpu.dma_semaphore, #tpu.memory_space<semaphore_mem>>)
      %dma_wait3A_130 = arith.constant 0 : i32
      %dma_wait3A_131 = tpu.memref_slice %arg6[%add3A_121, %dma_wait3A_130] : memref<40x128xi32, #tpu.memory_space<vmem>> -> memref<1x128xi32, #tpu.memory_space<vmem>>
      %dma_wait3A_132 = tpu.memref_squeeze %dma_wait3A_131 : memref<1x128xi32, #tpu.memory_space<vmem>> -> memref<128xi32, #tpu.memory_space<vmem>>
      %dma_wait3A_133 = arith.constant 0 : i32
      %dma_wait3A_134 = arith.constant 0 : i32
      %dma_wait3A_135 = tpu.memref_slice %arg2[%dma_wait3A_133, %dma_wait3A_134] : memref<10000x128xf32, #tpu.memory_space<hbm>> -> memref<10000x128xf32, #tpu.memory_space<hbm>>
      tpu.wait_indirect_dma semaphore(%arg12 : memref<!tpu.dma_semaphore, #tpu.memory_space<semaphore_mem>>) src(%dma_wait3A_135 : memref<10000x128xf32, #tpu.memory_space<hbm>>) dst(%arg9 : memref<128x128xf32, #tpu.memory_space<vmem>>)
      "tpu.region"() ({
        %run_scoped3A_136 = tpu.sem_alloc : memref<!tpu.dma_semaphore, #tpu.memory_space<semaphore_mem>>
        %dma_start3A_137 = arith.constant 0 : i32
        %dma_start3A_138 = tpu.memref_slice %arg7[%add3A_121, %dma_start3A_137] : memref<40x128xi32, #tpu.memory_space<vmem>> -> memref<1x128xi32, #tpu.memory_space<vmem>>
        %dma_start3A_139 = tpu.memref_squeeze %dma_start3A_138 : memref<1x128xi32, #tpu.memory_space<vmem>> -> memref<128xi32, #tpu.memory_space<vmem>>
        %dma_start3A_140 = arith.constant 0 : i32
        %dma_start3A_141 = arith.constant 0 : i32
        %dma_start3A_142 = tpu.memref_slice %arg10[%dma_start3A_140, %dma_start3A_141] : memref<10240x128xf32, #tpu.memory_space<vmem_shared>> -> memref<10240x128xf32, #tpu.memory_space<vmem_shared>>
        tpu.enqueue_indirect_dma source(%arg9 : memref<128x128xf32, #tpu.memory_space<vmem>>) target(%dma_start3A_142 : memref<10240x128xf32, #tpu.memory_space<vmem_shared>>) offsets(%dma_start3A_139 : memref<128xi32, #tpu.memory_space<vmem>>) semaphore(%run_scoped3A_136 : memref<!tpu.dma_semaphore, #tpu.memory_space<semaphore_mem>>) {add = true}
        %dma_wait3A_143 = arith.constant 0 : i32
        %dma_wait3A_144 = tpu.memref_slice %arg7[%add3A_121, %dma_wait3A_143] : memref<40x128xi32, #tpu.memory_space<vmem>> -> memref<1x128xi32, #tpu.memory_space<vmem>>
        %dma_wait3A_145 = tpu.memref_squeeze %dma_wait3A_144 : memref<1x128xi32, #tpu.memory_space<vmem>> -> memref<128xi32, #tpu.memory_space<vmem>>
        %dma_wait3A_146 = arith.constant 0 : i32
        %dma_wait3A_147 = arith.constant 0 : i32
        %dma_wait3A_148 = tpu.memref_slice %arg10[%dma_wait3A_146, %dma_wait3A_147] : memref<10240x128xf32, #tpu.memory_space<vmem_shared>> -> memref<10240x128xf32, #tpu.memory_space<vmem_shared>>
        tpu.wait_indirect_dma semaphore(%run_scoped3A_136 : memref<!tpu.dma_semaphore, #tpu.memory_space<semaphore_mem>>) src(%arg9 : memref<128x128xf32, #tpu.memory_space<vmem>>) dst(%dma_wait3A_148 : memref<10240x128xf32, #tpu.memory_space<vmem_shared>>)
        tpu.yield
      }) : () -> ()
    }
    %scan3A_72 = arith.constant 19 : i32
    %dma_start3A_73 = arith.constant 39 : i32
    %dma_start3A_74 = arith.constant 0 : i32
    %dma_start3A_75 = tpu.memref_slice %arg6[%dma_start3A_73, %dma_start3A_74] : memref<40x128xi32, #tpu.memory_space<vmem>> -> memref<1x128xi32, #tpu.memory_space<vmem>>
    %dma_start3A_76 = tpu.memref_squeeze %dma_start3A_75 : memref<1x128xi32, #tpu.memory_space<vmem>> -> memref<128xi32, #tpu.memory_space<vmem>>
    %dma_start3A_77 = arith.constant 0 : i32
    %dma_start3A_78 = arith.constant 0 : i32
    %dma_start3A_79 = tpu.memref_slice %arg2[%dma_start3A_77, %dma_start3A_78] : memref<10000x128xf32, #tpu.memory_space<hbm>> -> memref<10000x128xf32, #tpu.memory_space<hbm>>
    tpu.enqueue_indirect_dma source(%dma_start3A_79 : memref<10000x128xf32, #tpu.memory_space<hbm>>) target(%arg9 : memref<128x128xf32, #tpu.memory_space<vmem>>) offsets(%dma_start3A_76 : memref<128xi32, #tpu.memory_space<vmem>>) semaphore(%arg12 : memref<!tpu.dma_semaphore, #tpu.memory_space<semaphore_mem>>)
    %dma_wait3A_80 = arith.constant 38 : i32
    %dma_wait3A_81 = arith.constant 0 : i32
    %dma_wait3A_82 = tpu.memref_slice %arg6[%dma_wait3A_80, %dma_wait3A_81] : memref<40x128xi32, #tpu.memory_space<vmem>> -> memref<1x128xi32, #tpu.memory_space<vmem>>
    %dma_wait3A_83 = tpu.memref_squeeze %dma_wait3A_82 : memref<1x128xi32, #tpu.memory_space<vmem>> -> memref<128xi32, #tpu.memory_space<vmem>>
    %dma_wait3A_84 = arith.constant 0 : i32
    %dma_wait3A_85 = arith.constant 0 : i32
    %dma_wait3A_86 = tpu.memref_slice %arg2[%dma_wait3A_84, %dma_wait3A_85] : memref<10000x128xf32, #tpu.memory_space<hbm>> -> memref<10000x128xf32, #tpu.memory_space<hbm>>
    tpu.wait_indirect_dma semaphore(%arg11 : memref<!tpu.dma_semaphore, #tpu.memory_space<semaphore_mem>>) src(%dma_wait3A_86 : memref<10000x128xf32, #tpu.memory_space<hbm>>) dst(%arg8 : memref<128x128xf32, #tpu.memory_space<vmem>>)
    %run_scoped3A_87 = arith.constant 38 : i32
    "tpu.region"() ({
      %run_scoped3A_101 = tpu.sem_alloc : memref<!tpu.dma_semaphore, #tpu.memory_space<semaphore_mem>>
      %dma_start3A_102 = arith.constant 0 : i32
      %dma_start3A_103 = tpu.memref_slice %arg7[%run_scoped3A_87, %dma_start3A_102] : memref<40x128xi32, #tpu.memory_space<vmem>> -> memref<1x128xi32, #tpu.memory_space<vmem>>
      %dma_start3A_104 = tpu.memref_squeeze %dma_start3A_103 : memref<1x128xi32, #tpu.memory_space<vmem>> -> memref<128xi32, #tpu.memory_space<vmem>>
      %dma_start3A_105 = arith.constant 0 : i32
      %dma_start3A_106 = arith.constant 0 : i32
      %dma_start3A_107 = tpu.memref_slice %arg10[%dma_start3A_105, %dma_start3A_106] : memref<10240x128xf32, #tpu.memory_space<vmem_shared>> -> memref<10240x128xf32, #tpu.memory_space<vmem_shared>>
      tpu.enqueue_indirect_dma source(%arg8 : memref<128x128xf32, #tpu.memory_space<vmem>>) target(%dma_start3A_107 : memref<10240x128xf32, #tpu.memory_space<vmem_shared>>) offsets(%dma_start3A_104 : memref<128xi32, #tpu.memory_space<vmem>>) semaphore(%run_scoped3A_101 : memref<!tpu.dma_semaphore, #tpu.memory_space<semaphore_mem>>) {add = true}
      %dma_wait3A_108 = arith.constant 0 : i32
      %dma_wait3A_109 = tpu.memref_slice %arg7[%run_scoped3A_87, %dma_wait3A_108] : memref<40x128xi32, #tpu.memory_space<vmem>> -> memref<1x128xi32, #tpu.memory_space<vmem>>
      %dma_wait3A_110 = tpu.memref_squeeze %dma_wait3A_109 : memref<1x128xi32, #tpu.memory_space<vmem>> -> memref<128xi32, #tpu.memory_space<vmem>>
      %dma_wait3A_111 = arith.constant 0 : i32
      %dma_wait3A_112 = arith.constant 0 : i32
      %dma_wait3A_113 = tpu.memref_slice %arg10[%dma_wait3A_111, %dma_wait3A_112] : memref<10240x128xf32, #tpu.memory_space<vmem_shared>> -> memref<10240x128xf32, #tpu.memory_space<vmem_shared>>
      tpu.wait_indirect_dma semaphore(%run_scoped3A_101 : memref<!tpu.dma_semaphore, #tpu.memory_space<semaphore_mem>>) src(%arg8 : memref<128x128xf32, #tpu.memory_space<vmem>>) dst(%dma_wait3A_113 : memref<10240x128xf32, #tpu.memory_space<vmem_shared>>)
      tpu.yield
    }) : () -> ()
    %dma_wait3A_88 = arith.constant 39 : i32
    %dma_wait3A_89 = arith.constant 0 : i32
    %dma_wait3A_90 = tpu.memref_slice %arg6[%dma_wait3A_88, %dma_wait3A_89] : memref<40x128xi32, #tpu.memory_space<vmem>> -> memref<1x128xi32, #tpu.memory_space<vmem>>
    %dma_wait3A_91 = tpu.memref_squeeze %dma_wait3A_90 : memref<1x128xi32, #tpu.memory_space<vmem>> -> memref<128xi32, #tpu.memory_space<vmem>>
    %dma_wait3A_92 = arith.constant 0 : i32
    %dma_wait3A_93 = arith.constant 0 : i32
    %dma_wait3A_94 = tpu.memref_slice %arg2[%dma_wait3A_92, %dma_wait3A_93] : memref<10000x128xf32, #tpu.memory_space<hbm>> -> memref<10000x128xf32, #tpu.memory_space<hbm>>
    tpu.wait_indirect_dma semaphore(%arg12 : memref<!tpu.dma_semaphore, #tpu.memory_space<semaphore_mem>>) src(%dma_wait3A_94 : memref<10000x128xf32, #tpu.memory_space<hbm>>) dst(%arg9 : memref<128x128xf32, #tpu.memory_space<vmem>>)
    %run_scoped3A_95 = arith.constant 39 : i32
    "tpu.region"() ({
      %run_scoped3A_101 = tpu.sem_alloc : memref<!tpu.dma_semaphore, #tpu.memory_space<semaphore_mem>>
      %dma_start3A_102 = arith.constant 0 : i32
      %dma_start3A_103 = tpu.memref_slice %arg7[%run_scoped3A_95, %dma_start3A_102] : memref<40x128xi32, #tpu.memory_space<vmem>> -> memref<1x128xi32, #tpu.memory_space<vmem>>
      %dma_start3A_104 = tpu.memref_squeeze %dma_start3A_103 : memref<1x128xi32, #tpu.memory_space<vmem>> -> memref<128xi32, #tpu.memory_space<vmem>>
      %dma_start3A_105 = arith.constant 0 : i32
      %dma_start3A_106 = arith.constant 0 : i32
      %dma_start3A_107 = tpu.memref_slice %arg10[%dma_start3A_105, %dma_start3A_106] : memref<10240x128xf32, #tpu.memory_space<vmem_shared>> -> memref<10240x128xf32, #tpu.memory_space<vmem_shared>>
      tpu.enqueue_indirect_dma source(%arg9 : memref<128x128xf32, #tpu.memory_space<vmem>>) target(%dma_start3A_107 : memref<10240x128xf32, #tpu.memory_space<vmem_shared>>) offsets(%dma_start3A_104 : memref<128xi32, #tpu.memory_space<vmem>>) semaphore(%run_scoped3A_101 : memref<!tpu.dma_semaphore, #tpu.memory_space<semaphore_mem>>) {add = true}
      %dma_wait3A_108 = arith.constant 0 : i32
      %dma_wait3A_109 = tpu.memref_slice %arg7[%run_scoped3A_95, %dma_wait3A_108] : memref<40x128xi32, #tpu.memory_space<vmem>> -> memref<1x128xi32, #tpu.memory_space<vmem>>
      %dma_wait3A_110 = tpu.memref_squeeze %dma_wait3A_109 : memref<1x128xi32, #tpu.memory_space<vmem>> -> memref<128xi32, #tpu.memory_space<vmem>>
      %dma_wait3A_111 = arith.constant 0 : i32
      %dma_wait3A_112 = arith.constant 0 : i32
      %dma_wait3A_113 = tpu.memref_slice %arg10[%dma_wait3A_111, %dma_wait3A_112] : memref<10240x128xf32, #tpu.memory_space<vmem_shared>> -> memref<10240x128xf32, #tpu.memory_space<vmem_shared>>
      tpu.wait_indirect_dma semaphore(%run_scoped3A_101 : memref<!tpu.dma_semaphore, #tpu.memory_space<semaphore_mem>>) src(%arg9 : memref<128x128xf32, #tpu.memory_space<vmem>>) dst(%dma_wait3A_113 : memref<10240x128xf32, #tpu.memory_space<vmem_shared>>)
      tpu.yield
    }) : () -> ()
    %barrier3A_96 = arith.constant 0 : index
    tpu.barrier barrier_id(%barrier3A_96)
    %mul3A_97 = arith.constant 640 : i32
    %mul3A_98 = arith.muli %arg1, %mul3A_97 : i32
    %mul3A_99 = arith.constant 640 : i32
    %mul3A_100 = arith.muli %arg1, %mul3A_99 : i32
    "tpu.region"() ({
      %run_scoped3A_101 = tpu.sem_alloc : memref<!tpu.dma_semaphore, #tpu.memory_space<semaphore_mem>>
      %dma_start3A_102 = arith.constant 0 : i32
      %dma_start3A_103 = tpu.memref_slice %arg5[%arg0, %mul3A_100, %dma_start3A_102] : memref<2x10240x128xf32, #tpu.memory_space<hbm>> -> memref<1x640x128xf32, #tpu.memory_space<hbm>>
      %dma_start3A_104 = tpu.memref_squeeze %dma_start3A_103 : memref<1x640x128xf32, #tpu.memory_space<hbm>> -> memref<640x128xf32, #tpu.memory_space<hbm>>
      %dma_start3A_105 = arith.constant 0 : i32
      %dma_start3A_106 = tpu.memref_slice %arg10[%mul3A_98, %dma_start3A_105] : memref<10240x128xf32, #tpu.memory_space<vmem_shared>> -> memref<640x128xf32, #tpu.memory_space<vmem_shared>>
      tpu.enqueue_dma source(%dma_start3A_106 : memref<640x128xf32, #tpu.memory_space<vmem_shared>>) target(%dma_start3A_104 : memref<640x128xf32, #tpu.memory_space<hbm>>) target_semaphore(%run_scoped3A_101 : memref<!tpu.dma_semaphore, #tpu.memory_space<semaphore_mem>>)
      %dma_wait3A_107 = arith.constant 0 : i32
      %dma_wait3A_108 = tpu.memref_slice %arg5[%arg0, %mul3A_100, %dma_wait3A_107] : memref<2x10240x128xf32, #tpu.memory_space<hbm>> -> memref<1x640x128xf32, #tpu.memory_space<hbm>>
      %dma_wait3A_109 = tpu.memref_squeeze %dma_wait3A_108 : memref<1x640x128xf32, #tpu.memory_space<hbm>> -> memref<640x128xf32, #tpu.memory_space<hbm>>
      %dma_wait3A_110 = arith.constant 0 : i32
      %dma_wait3A_111 = tpu.memref_slice %arg10[%mul3A_98, %dma_wait3A_110] : memref<10240x128xf32, #tpu.memory_space<vmem_shared>> -> memref<640x128xf32, #tpu.memory_space<vmem_shared>>
      tpu.wait_dma2 semaphore(%run_scoped3A_101 : memref<!tpu.dma_semaphore, #tpu.memory_space<semaphore_mem>>) src(%dma_wait3A_111 : memref<640x128xf32, #tpu.memory_space<vmem_shared>>) dst(%dma_wait3A_109 : memref<640x128xf32, #tpu.memory_space<hbm>>)
      tpu.yield
    }) : () -> ()
    return
  }
}

#map = affine_map<(d0, d1) -> (0, 0)>
#map1 = affine_map<(d0, d1) -> (0, 0, 0)>
module attributes {stable_mosaic.version = 14 : i64} {
  func.func @_seg_sum_body(%arg0: i32, %arg1: i32, %arg2: memref<10000x128xf32, #tpu.memory_space<hbm>>, %arg3: memref<32x80x128xi32, #tpu.memory_space<hbm>>, %arg4: memref<32x80x128xi32, #tpu.memory_space<hbm>>, %arg5: memref<2x10240x128xf32, #tpu.memory_space<hbm>>, %arg6: memref<40x128xi32, #tpu.memory_space<vmem>>, %arg7: memref<40x128xi32, #tpu.memory_space<vmem>>, %arg8: memref<128x128xf32, #tpu.memory_space<vmem>>, %arg9: memref<128x128xf32, #tpu.memory_space<vmem>>, %arg10: memref<10240x128xf32, #tpu.memory_space<vmem_shared>>, %arg11: memref<!tpu.dma_semaphore, #tpu.memory_space<semaphore_mem>>, %arg12: memref<!tpu.dma_semaphore, #tpu.memory_space<semaphore_mem>>) attributes {dimension_semantics = [#tpu.dimension_semantics<core_parallel>, #tpu.dimension_semantics<subcore_parallel>], iteration_bounds = array<i64: 2, 16>, scalar_prefetch = 0 : i64, scratch_operands = 7 : i64, tpu.core_type = #tpu.core_type<sc_vector_subcore>, window_params = [{transform_indices = #map}, {transform_indices = #map1}, {transform_indices = #map1}, {transform_indices = #map1}]} {
    %mul3A = arith.constant 2 : i32
    %mul3A_0 = arith.muli %arg1, %mul3A : i32
    %add3A = arith.addi %mul3A_0, %arg0 : i32
    "tpu.region"() ({
      %run_scoped3A_101 = tpu.sem_alloc : memref<!tpu.dma_semaphore, #tpu.memory_space<semaphore_mem>>
      %dma_start3A_102 = arith.constant 0 : i32
      %dma_start3A_103 = arith.constant 0 : i32
      %dma_start3A_104 = tpu.memref_slice %arg3[%add3A, %dma_start3A_102, %dma_start3A_103] : memref<32x80x128xi32, #tpu.memory_space<hbm>> -> memref<1x40x128xi32, #tpu.memory_space<hbm>>
      %dma_start3A_105 = tpu.memref_squeeze %dma_start3A_104 : memref<1x40x128xi32, #tpu.memory_space<hbm>> -> memref<40x128xi32, #tpu.memory_space<hbm>>
      %dma_start3A_106 = arith.constant 0 : i32
      %dma_start3A_107 = arith.constant 0 : i32
      %dma_start3A_108 = tpu.memref_slice %arg3[%add3A, %dma_start3A_106, %dma_start3A_107] : memref<32x80x128xi32, #tpu.memory_space<hbm>> -> memref<1x40x128xi32, #tpu.memory_space<hbm>>
      %dma_start3A_109 = tpu.memref_squeeze %dma_start3A_108 : memref<1x40x128xi32, #tpu.memory_space<hbm>> -> memref<40x128xi32, #tpu.memory_space<hbm>>
      tpu.enqueue_dma source(%dma_start3A_109 : memref<40x128xi32, #tpu.memory_space<hbm>>) target(%arg6 : memref<40x128xi32, #tpu.memory_space<vmem>>) target_semaphore(%run_scoped3A_101 : memref<!tpu.dma_semaphore, #tpu.memory_space<semaphore_mem>>)
      %dma_wait3A_110 = arith.constant 0 : i32
      %dma_wait3A_111 = arith.constant 0 : i32
      %dma_wait3A_112 = tpu.memref_slice %arg3[%add3A, %dma_wait3A_110, %dma_wait3A_111] : memref<32x80x128xi32, #tpu.memory_space<hbm>> -> memref<1x40x128xi32, #tpu.memory_space<hbm>>
      %dma_wait3A_113 = tpu.memref_squeeze %dma_wait3A_112 : memref<1x40x128xi32, #tpu.memory_space<hbm>> -> memref<40x128xi32, #tpu.memory_space<hbm>>
      %dma_wait3A_114 = arith.constant 0 : i32
      %dma_wait3A_115 = arith.constant 0 : i32
      %dma_wait3A_116 = tpu.memref_slice %arg3[%add3A, %dma_wait3A_114, %dma_wait3A_115] : memref<32x80x128xi32, #tpu.memory_space<hbm>> -> memref<1x40x128xi32, #tpu.memory_space<hbm>>
      %dma_wait3A_117 = tpu.memref_squeeze %dma_wait3A_116 : memref<1x40x128xi32, #tpu.memory_space<hbm>> -> memref<40x128xi32, #tpu.memory_space<hbm>>
      tpu.wait_dma2 semaphore(%run_scoped3A_101 : memref<!tpu.dma_semaphore, #tpu.memory_space<semaphore_mem>>) src(%dma_wait3A_117 : memref<40x128xi32, #tpu.memory_space<hbm>>) dst(%arg6 : memref<40x128xi32, #tpu.memory_space<vmem>>)
      tpu.yield
    }) : () -> ()
    "tpu.region"() ({
      %run_scoped3A_101 = tpu.sem_alloc : memref<!tpu.dma_semaphore, #tpu.memory_space<semaphore_mem>>
      %dma_start3A_102 = arith.constant 0 : i32
      %dma_start3A_103 = arith.constant 0 : i32
      %dma_start3A_104 = tpu.memref_slice %arg4[%add3A, %dma_start3A_102, %dma_start3A_103] : memref<32x80x128xi32, #tpu.memory_space<hbm>> -> memref<1x40x128xi32, #tpu.memory_space<hbm>>
      %dma_start3A_105 = tpu.memref_squeeze %dma_start3A_104 : memref<1x40x128xi32, #tpu.memory_space<hbm>> -> memref<40x128xi32, #tpu.memory_space<hbm>>
      %dma_start3A_106 = arith.constant 0 : i32
      %dma_start3A_107 = arith.constant 0 : i32
      %dma_start3A_108 = tpu.memref_slice %arg4[%add3A, %dma_start3A_106, %dma_start3A_107] : memref<32x80x128xi32, #tpu.memory_space<hbm>> -> memref<1x40x128xi32, #tpu.memory_space<hbm>>
      %dma_start3A_109 = tpu.memref_squeeze %dma_start3A_108 : memref<1x40x128xi32, #tpu.memory_space<hbm>> -> memref<40x128xi32, #tpu.memory_space<hbm>>
      tpu.enqueue_dma source(%dma_start3A_109 : memref<40x128xi32, #tpu.memory_space<hbm>>) target(%arg7 : memref<40x128xi32, #tpu.memory_space<vmem>>) target_semaphore(%run_scoped3A_101 : memref<!tpu.dma_semaphore, #tpu.memory_space<semaphore_mem>>)
      %dma_wait3A_110 = arith.constant 0 : i32
      %dma_wait3A_111 = arith.constant 0 : i32
      %dma_wait3A_112 = tpu.memref_slice %arg4[%add3A, %dma_wait3A_110, %dma_wait3A_111] : memref<32x80x128xi32, #tpu.memory_space<hbm>> -> memref<1x40x128xi32, #tpu.memory_space<hbm>>
      %dma_wait3A_113 = tpu.memref_squeeze %dma_wait3A_112 : memref<1x40x128xi32, #tpu.memory_space<hbm>> -> memref<40x128xi32, #tpu.memory_space<hbm>>
      %dma_wait3A_114 = arith.constant 0 : i32
      %dma_wait3A_115 = arith.constant 0 : i32
      %dma_wait3A_116 = tpu.memref_slice %arg4[%add3A, %dma_wait3A_114, %dma_wait3A_115] : memref<32x80x128xi32, #tpu.memory_space<hbm>> -> memref<1x40x128xi32, #tpu.memory_space<hbm>>
      %dma_wait3A_117 = tpu.memref_squeeze %dma_wait3A_116 : memref<1x40x128xi32, #tpu.memory_space<hbm>> -> memref<40x128xi32, #tpu.memory_space<hbm>>
      tpu.wait_dma2 semaphore(%run_scoped3A_101 : memref<!tpu.dma_semaphore, #tpu.memory_space<semaphore_mem>>) src(%dma_wait3A_117 : memref<40x128xi32, #tpu.memory_space<hbm>>) dst(%arg7 : memref<40x128xi32, #tpu.memory_space<vmem>>)
      tpu.yield
    }) : () -> ()
    %dma_start3A = arith.constant 0 : i32
    %dma_start3A_1 = arith.constant 0 : i32
    %dma_start3A_2 = tpu.memref_slice %arg6[%dma_start3A, %dma_start3A_1] : memref<40x128xi32, #tpu.memory_space<vmem>> -> memref<1x128xi32, #tpu.memory_space<vmem>>
    %dma_start3A_3 = tpu.memref_squeeze %dma_start3A_2 : memref<1x128xi32, #tpu.memory_space<vmem>> -> memref<128xi32, #tpu.memory_space<vmem>>
    %dma_start3A_4 = arith.constant 0 : i32
    %dma_start3A_5 = arith.constant 0 : i32
    %dma_start3A_6 = tpu.memref_slice %arg2[%dma_start3A_4, %dma_start3A_5] : memref<10000x128xf32, #tpu.memory_space<hbm>> -> memref<10000x128xf32, #tpu.memory_space<hbm>>
    tpu.enqueue_indirect_dma source(%dma_start3A_6 : memref<10000x128xf32, #tpu.memory_space<hbm>>) target(%arg8 : memref<128x128xf32, #tpu.memory_space<vmem>>) offsets(%dma_start3A_3 : memref<128xi32, #tpu.memory_space<vmem>>) semaphore(%arg11 : memref<!tpu.dma_semaphore, #tpu.memory_space<semaphore_mem>>)
    %broadcast_in_dim3A = arith.constant 0.000000e+00 : f32
    %broadcast_in_dim3A_7 = vector.broadcast %broadcast_in_dim3A : f32 to vector<16xf32>
    %scan3A = arith.constant 0 : i32
    %scan3A_8 = arith.constant 0 : i32
    %scan3A_9 = arith.constant 128 : i32
    %scan3A_10 = arith.addi %scan3A_8, %scan3A_9 : i32
    %scan3A_11 = arith.constant 1 : i32
    scf.for %scan3A_101 = %scan3A_8 to %scan3A_10 step %scan3A_11  : i32 {
      %swap3A = arith.index_cast %scan3A_101 : i32 to index
      %swap3A_102 = arith.constant 0 : index
      %swap3A_103 = tpu.vector_load %arg9[%swap3A, %swap3A_102] {strides = array<i32>} : memref<128x128xf32, #tpu.memory_space<vmem>>, vector<1x16xf32>,
      %swap3A_104 = vector.shape_cast %swap3A_103 : vector<1x16xf32> to vector<16xf32>
      %swap3A_105 = vector.shape_cast %broadcast_in_dim3A_7 : vector<16xf32> to vector<1x16xf32>
      tpu.vector_store %arg9[%swap3A, %swap3A_102], %swap3A_105 {strides = array<i32>} : memref<128x128xf32, #tpu.memory_space<vmem>>, vector<1x16xf32>,
      %swap3A_106 = arith.index_cast %scan3A_101 : i32 to index
      %swap3A_107 = arith.constant 16 : index
      %swap3A_108 = tpu.vector_load %arg9[%swap3A_106, %swap3A_107] {strides = array<i32>} : memref<128x128xf32, #tpu.memory_space<vmem>>, vector<1x16xf32>,
      %swap3A_109 = vector.shape_cast %swap3A_108 : vector<1x16xf32> to vector<16xf32>
      %swap3A_110 = vector.shape_cast %broadcast_in_dim3A_7 : vector<16xf32> to vector<1x16xf32>
      tpu.vector_store %arg9[%swap3A_106, %swap3A_107], %swap3A_110 {strides = array<i32>} : memref<128x128xf32, #tpu.memory_space<vmem>>, vector<1x16xf32>,
      %swap3A_111 = arith.index_cast %scan3A_101 : i32 to index
      %swap3A_112 = arith.constant 32 : index
      %swap3A_113 = tpu.vector_load %arg9[%swap3A_111, %swap3A_112] {strides = array<i32>} : memref<128x128xf32, #tpu.memory_space<vmem>>, vector<1x16xf32>,
      %swap3A_114 = vector.shape_cast %swap3A_113 : vector<1x16xf32> to vector<16xf32>
      %swap3A_115 = vector.shape_cast %broadcast_in_dim3A_7 : vector<16xf32> to vector<1x16xf32>
      tpu.vector_store %arg9[%swap3A_111, %swap3A_112], %swap3A_115 {strides = array<i32>} : memref<128x128xf32, #tpu.memory_space<vmem>>, vector<1x16xf32>,
      %swap3A_116 = arith.index_cast %scan3A_101 : i32 to index
      %swap3A_117 = arith.constant 48 : index
      %swap3A_118 = tpu.vector_load %arg9[%swap3A_116, %swap3A_117] {strides = array<i32>} : memref<128x128xf32, #tpu.memory_space<vmem>>, vector<1x16xf32>,
      %swap3A_119 = vector.shape_cast %swap3A_118 : vector<1x16xf32> to vector<16xf32>
      %swap3A_120 = vector.shape_cast %broadcast_in_dim3A_7 : vector<16xf32> to vector<1x16xf32>
      tpu.vector_store %arg9[%swap3A_116, %swap3A_117], %swap3A_120 {strides = array<i32>} : memref<128x128xf32, #tpu.memory_space<vmem>>, vector<1x16xf32>,
      %swap3A_121 = arith.index_cast %scan3A_101 : i32 to index
      %swap3A_122 = arith.constant 64 : index
      %swap3A_123 = tpu.vector_load %arg9[%swap3A_121, %swap3A_122] {strides = array<i32>} : memref<128x128xf32, #tpu.memory_space<vmem>>, vector<1x16xf32>,
      %swap3A_124 = vector.shape_cast %swap3A_123 : vector<1x16xf32> to vector<16xf32>
      %swap3A_125 = vector.shape_cast %broadcast_in_dim3A_7 : vector<16xf32> to vector<1x16xf32>
      tpu.vector_store %arg9[%swap3A_121, %swap3A_122], %swap3A_125 {strides = array<i32>} : memref<128x128xf32, #tpu.memory_space<vmem>>, vector<1x16xf32>,
      %swap3A_126 = arith.index_cast %scan3A_101 : i32 to index
      %swap3A_127 = arith.constant 80 : index
      %swap3A_128 = tpu.vector_load %arg9[%swap3A_126, %swap3A_127] {strides = array<i32>} : memref<128x128xf32, #tpu.memory_space<vmem>>, vector<1x16xf32>,
      %swap3A_129 = vector.shape_cast %swap3A_128 : vector<1x16xf32> to vector<16xf32>
      %swap3A_130 = vector.shape_cast %broadcast_in_dim3A_7 : vector<16xf32> to vector<1x16xf32>
      tpu.vector_store %arg9[%swap3A_126, %swap3A_127], %swap3A_130 {strides = array<i32>} : memref<128x128xf32, #tpu.memory_space<vmem>>, vector<1x16xf32>,
      %swap3A_131 = arith.index_cast %scan3A_101 : i32 to index
      %swap3A_132 = arith.constant 96 : index
      %swap3A_133 = tpu.vector_load %arg9[%swap3A_131, %swap3A_132] {strides = array<i32>} : memref<128x128xf32, #tpu.memory_space<vmem>>, vector<1x16xf32>,
      %swap3A_134 = vector.shape_cast %swap3A_133 : vector<1x16xf32> to vector<16xf32>
      %swap3A_135 = vector.shape_cast %broadcast_in_dim3A_7 : vector<16xf32> to vector<1x16xf32>
      tpu.vector_store %arg9[%swap3A_131, %swap3A_132], %swap3A_135 {strides = array<i32>} : memref<128x128xf32, #tpu.memory_space<vmem>>, vector<1x16xf32>,
      %swap3A_136 = arith.index_cast %scan3A_101 : i32 to index
      %swap3A_137 = arith.constant 112 : index
      %swap3A_138 = tpu.vector_load %arg9[%swap3A_136, %swap3A_137] {strides = array<i32>} : memref<128x128xf32, #tpu.memory_space<vmem>>, vector<1x16xf32>,
      %swap3A_139 = vector.shape_cast %swap3A_138 : vector<1x16xf32> to vector<16xf32>
      %swap3A_140 = vector.shape_cast %broadcast_in_dim3A_7 : vector<16xf32> to vector<1x16xf32>
      tpu.vector_store %arg9[%swap3A_136, %swap3A_137], %swap3A_140 {strides = array<i32>} : memref<128x128xf32, #tpu.memory_space<vmem>>, vector<1x16xf32>,
    }
    %scan3A_12 = arith.constant 128 : i32
    %mul3A_13 = arith.constant 640 : i32
    %mul3A_14 = arith.muli %arg1, %mul3A_13 : i32
    %add3A_15 = arith.constant 0 : i32
    %add3A_16 = arith.addi %mul3A_14, %add3A_15 : i32
    "tpu.region"() ({
      %run_scoped3A_101 = tpu.sem_alloc : memref<!tpu.dma_semaphore, #tpu.memory_space<semaphore_mem>>
      %dma_start3A_102 = arith.constant 0 : i32
      %dma_start3A_103 = tpu.memref_slice %arg10[%add3A_16, %dma_start3A_102] : memref<10240x128xf32, #tpu.memory_space<vmem_shared>> -> memref<128x128xf32, #tpu.memory_space<vmem_shared>>
      %dma_start3A_104 = arith.constant 0 : i32
      %dma_start3A_105 = tpu.memref_slice %arg10[%add3A_16, %dma_start3A_104] : memref<10240x128xf32, #tpu.memory_space<vmem_shared>> -> memref<128x128xf32, #tpu.memory_space<vmem_shared>>
      tpu.enqueue_dma source(%arg9 : memref<128x128xf32, #tpu.memory_space<vmem>>) target(%dma_start3A_105 : memref<128x128xf32, #tpu.memory_space<vmem_shared>>) target_semaphore(%run_scoped3A_101 : memref<!tpu.dma_semaphore, #tpu.memory_space<semaphore_mem>>)
      %dma_wait3A_106 = arith.constant 0 : i32
      %dma_wait3A_107 = tpu.memref_slice %arg10[%add3A_16, %dma_wait3A_106] : memref<10240x128xf32, #tpu.memory_space<vmem_shared>> -> memref<128x128xf32, #tpu.memory_space<vmem_shared>>
      %dma_wait3A_108 = arith.constant 0 : i32
      %dma_wait3A_109 = tpu.memref_slice %arg10[%add3A_16, %dma_wait3A_108] : memref<10240x128xf32, #tpu.memory_space<vmem_shared>> -> memref<128x128xf32, #tpu.memory_space<vmem_shared>>
      tpu.wait_dma2 semaphore(%run_scoped3A_101 : memref<!tpu.dma_semaphore, #tpu.memory_space<semaphore_mem>>) src(%arg9 : memref<128x128xf32, #tpu.memory_space<vmem>>) dst(%dma_wait3A_109 : memref<128x128xf32, #tpu.memory_space<vmem_shared>>)
      tpu.yield
    }) : () -> ()
    %mul3A_17 = arith.constant 640 : i32
    %mul3A_18 = arith.muli %arg1, %mul3A_17 : i32
    %add3A_19 = arith.constant 128 : i32
    %add3A_20 = arith.addi %mul3A_18, %add3A_19 : i32
    "tpu.region"() ({
      %run_scoped3A_101 = tpu.sem_alloc : memref<!tpu.dma_semaphore, #tpu.memory_space<semaphore_mem>>
      %dma_start3A_102 = arith.constant 0 : i32
      %dma_start3A_103 = tpu.memref_slice %arg10[%add3A_20, %dma_start3A_102] : memref<10240x128xf32, #tpu.memory_space<vmem_shared>> -> memref<128x128xf32, #tpu.memory_space<vmem_shared>>
      %dma_start3A_104 = arith.constant 0 : i32
      %dma_start3A_105 = tpu.memref_slice %arg10[%add3A_20, %dma_start3A_104] : memref<10240x128xf32, #tpu.memory_space<vmem_shared>> -> memref<128x128xf32, #tpu.memory_space<vmem_shared>>
      tpu.enqueue_dma source(%arg9 : memref<128x128xf32, #tpu.memory_space<vmem>>) target(%dma_start3A_105 : memref<128x128xf32, #tpu.memory_space<vmem_shared>>) target_semaphore(%run_scoped3A_101 : memref<!tpu.dma_semaphore, #tpu.memory_space<semaphore_mem>>)
      %dma_wait3A_106 = arith.constant 0 : i32
      %dma_wait3A_107 = tpu.memref_slice %arg10[%add3A_20, %dma_wait3A_106] : memref<10240x128xf32, #tpu.memory_space<vmem_shared>> -> memref<128x128xf32, #tpu.memory_space<vmem_shared>>
      %dma_wait3A_108 = arith.constant 0 : i32
      %dma_wait3A_109 = tpu.memref_slice %arg10[%add3A_20, %dma_wait3A_108] : memref<10240x128xf32, #tpu.memory_space<vmem_shared>> -> memref<128x128xf32, #tpu.memory_space<vmem_shared>>
      tpu.wait_dma2 semaphore(%run_scoped3A_101 : memref<!tpu.dma_semaphore, #tpu.memory_space<semaphore_mem>>) src(%arg9 : memref<128x128xf32, #tpu.memory_space<vmem>>) dst(%dma_wait3A_109 : memref<128x128xf32, #tpu.memory_space<vmem_shared>>)
      tpu.yield
    }) : () -> ()
    %mul3A_21 = arith.constant 640 : i32
    %mul3A_22 = arith.muli %arg1, %mul3A_21 : i32
    %add3A_23 = arith.constant 256 : i32
    %add3A_24 = arith.addi %mul3A_22, %add3A_23 : i32
    "tpu.region"() ({
      %run_scoped3A_101 = tpu.sem_alloc : memref<!tpu.dma_semaphore, #tpu.memory_space<semaphore_mem>>
      %dma_start3A_102 = arith.constant 0 : i32
      %dma_start3A_103 = tpu.memref_slice %arg10[%add3A_24, %dma_start3A_102] : memref<10240x128xf32, #tpu.memory_space<vmem_shared>> -> memref<128x128xf32, #tpu.memory_space<vmem_shared>>
      %dma_start3A_104 = arith.constant 0 : i32
      %dma_start3A_105 = tpu.memref_slice %arg10[%add3A_24, %dma_start3A_104] : memref<10240x128xf32, #tpu.memory_space<vmem_shared>> -> memref<128x128xf32, #tpu.memory_space<vmem_shared>>
      tpu.enqueue_dma source(%arg9 : memref<128x128xf32, #tpu.memory_space<vmem>>) target(%dma_start3A_105 : memref<128x128xf32, #tpu.memory_space<vmem_shared>>) target_semaphore(%run_scoped3A_101 : memref<!tpu.dma_semaphore, #tpu.memory_space<semaphore_mem>>)
      %dma_wait3A_106 = arith.constant 0 : i32
      %dma_wait3A_107 = tpu.memref_slice %arg10[%add3A_24, %dma_wait3A_106] : memref<10240x128xf32, #tpu.memory_space<vmem_shared>> -> memref<128x128xf32, #tpu.memory_space<vmem_shared>>
      %dma_wait3A_108 = arith.constant 0 : i32
      %dma_wait3A_109 = tpu.memref_slice %arg10[%add3A_24, %dma_wait3A_108] : memref<10240x128xf32, #tpu.memory_space<vmem_shared>> -> memref<128x128xf32, #tpu.memory_space<vmem_shared>>
      tpu.wait_dma2 semaphore(%run_scoped3A_101 : memref<!tpu.dma_semaphore, #tpu.memory_space<semaphore_mem>>) src(%arg9 : memref<128x128xf32, #tpu.memory_space<vmem>>) dst(%dma_wait3A_109 : memref<128x128xf32, #tpu.memory_space<vmem_shared>>)
      tpu.yield
    }) : () -> ()
    %mul3A_25 = arith.constant 640 : i32
    %mul3A_26 = arith.muli %arg1, %mul3A_25 : i32
    %add3A_27 = arith.constant 384 : i32
    %add3A_28 = arith.addi %mul3A_26, %add3A_27 : i32
    "tpu.region"() ({
      %run_scoped3A_101 = tpu.sem_alloc : memref<!tpu.dma_semaphore, #tpu.memory_space<semaphore_mem>>
      %dma_start3A_102 = arith.constant 0 : i32
      %dma_start3A_103 = tpu.memref_slice %arg10[%add3A_28, %dma_start3A_102] : memref<10240x128xf32, #tpu.memory_space<vmem_shared>> -> memref<128x128xf32, #tpu.memory_space<vmem_shared>>
      %dma_start3A_104 = arith.constant 0 : i32
      %dma_start3A_105 = tpu.memref_slice %arg10[%add3A_28, %dma_start3A_104] : memref<10240x128xf32, #tpu.memory_space<vmem_shared>> -> memref<128x128xf32, #tpu.memory_space<vmem_shared>>
      tpu.enqueue_dma source(%arg9 : memref<128x128xf32, #tpu.memory_space<vmem>>) target(%dma_start3A_105 : memref<128x128xf32, #tpu.memory_space<vmem_shared>>) target_semaphore(%run_scoped3A_101 : memref<!tpu.dma_semaphore, #tpu.memory_space<semaphore_mem>>)
      %dma_wait3A_106 = arith.constant 0 : i32
      %dma_wait3A_107 = tpu.memref_slice %arg10[%add3A_28, %dma_wait3A_106] : memref<10240x128xf32, #tpu.memory_space<vmem_shared>> -> memref<128x128xf32, #tpu.memory_space<vmem_shared>>
      %dma_wait3A_108 = arith.constant 0 : i32
      %dma_wait3A_109 = tpu.memref_slice %arg10[%add3A_28, %dma_wait3A_108] : memref<10240x128xf32, #tpu.memory_space<vmem_shared>> -> memref<128x128xf32, #tpu.memory_space<vmem_shared>>
      tpu.wait_dma2 semaphore(%run_scoped3A_101 : memref<!tpu.dma_semaphore, #tpu.memory_space<semaphore_mem>>) src(%arg9 : memref<128x128xf32, #tpu.memory_space<vmem>>) dst(%dma_wait3A_109 : memref<128x128xf32, #tpu.memory_space<vmem_shared>>)
      tpu.yield
    }) : () -> ()
    %mul3A_29 = arith.constant 640 : i32
    %mul3A_30 = arith.muli %arg1, %mul3A_29 : i32
    %add3A_31 = arith.constant 512 : i32
    %add3A_32 = arith.addi %mul3A_30, %add3A_31 : i32
    "tpu.region"() ({
      %run_scoped3A_101 = tpu.sem_alloc : memref<!tpu.dma_semaphore, #tpu.memory_space<semaphore_mem>>
      %dma_start3A_102 = arith.constant 0 : i32
      %dma_start3A_103 = tpu.memref_slice %arg10[%add3A_32, %dma_start3A_102] : memref<10240x128xf32, #tpu.memory_space<vmem_shared>> -> memref<128x128xf32, #tpu.memory_space<vmem_shared>>
      %dma_start3A_104 = arith.constant 0 : i32
      %dma_start3A_105 = tpu.memref_slice %arg10[%add3A_32, %dma_start3A_104] : memref<10240x128xf32, #tpu.memory_space<vmem_shared>> -> memref<128x128xf32, #tpu.memory_space<vmem_shared>>
      tpu.enqueue_dma source(%arg9 : memref<128x128xf32, #tpu.memory_space<vmem>>) target(%dma_start3A_105 : memref<128x128xf32, #tpu.memory_space<vmem_shared>>) target_semaphore(%run_scoped3A_101 : memref<!tpu.dma_semaphore, #tpu.memory_space<semaphore_mem>>)
      %dma_wait3A_106 = arith.constant 0 : i32
      %dma_wait3A_107 = tpu.memref_slice %arg10[%add3A_32, %dma_wait3A_106] : memref<10240x128xf32, #tpu.memory_space<vmem_shared>> -> memref<128x128xf32, #tpu.memory_space<vmem_shared>>
      %dma_wait3A_108 = arith.constant 0 : i32
      %dma_wait3A_109 = tpu.memref_slice %arg10[%add3A_32, %dma_wait3A_108] : memref<10240x128xf32, #tpu.memory_space<vmem_shared>> -> memref<128x128xf32, #tpu.memory_space<vmem_shared>>
      tpu.wait_dma2 semaphore(%run_scoped3A_101 : memref<!tpu.dma_semaphore, #tpu.memory_space<semaphore_mem>>) src(%arg9 : memref<128x128xf32, #tpu.memory_space<vmem>>) dst(%dma_wait3A_109 : memref<128x128xf32, #tpu.memory_space<vmem_shared>>)
      tpu.yield
    }) : () -> ()
    %barrier3A = arith.constant 0 : index
    tpu.barrier barrier_id(%barrier3A)
    %scan3A_33 = arith.constant 0 : i32
    %scan3A_34 = arith.constant 0 : i32
    %scan3A_35 = arith.constant 19 : i32
    %scan3A_36 = arith.addi %scan3A_34, %scan3A_35 : i32
    %scan3A_37 = arith.constant 1 : i32
    scf.for %scan3A_101 = %scan3A_34 to %scan3A_36 step %scan3A_37  : i32 {
      %mul3A_102 = arith.constant 2 : i32
      %mul3A_103 = arith.muli %scan3A_101, %mul3A_102 : i32
      %add3A_104 = arith.constant 1 : i32
      %add3A_105 = arith.addi %mul3A_103, %add3A_104 : i32
      %dma_start3A_106 = arith.constant 0 : i32
      %dma_start3A_107 = tpu.memref_slice %arg6[%add3A_105, %dma_start3A_106] : memref<40x128xi32, #tpu.memory_space<vmem>> -> memref<1x128xi32, #tpu.memory_space<vmem>>
      %dma_start3A_108 = tpu.memref_squeeze %dma_start3A_107 : memref<1x128xi32, #tpu.memory_space<vmem>> -> memref<128xi32, #tpu.memory_space<vmem>>
      %dma_start3A_109 = arith.constant 0 : i32
      %dma_start3A_110 = arith.constant 0 : i32
      %dma_start3A_111 = tpu.memref_slice %arg2[%dma_start3A_109, %dma_start3A_110] : memref<10000x128xf32, #tpu.memory_space<hbm>> -> memref<10000x128xf32, #tpu.memory_space<hbm>>
      tpu.enqueue_indirect_dma source(%dma_start3A_111 : memref<10000x128xf32, #tpu.memory_space<hbm>>) target(%arg9 : memref<128x128xf32, #tpu.memory_space<vmem>>) offsets(%dma_start3A_108 : memref<128xi32, #tpu.memory_space<vmem>>) semaphore(%arg12 : memref<!tpu.dma_semaphore, #tpu.memory_space<semaphore_mem>>)
      %dma_wait3A_112 = arith.constant 0 : i32
      %dma_wait3A_113 = tpu.memref_slice %arg6[%mul3A_103, %dma_wait3A_112] : memref<40x128xi32, #tpu.memory_space<vmem>> -> memref<1x128xi32, #tpu.memory_space<vmem>>
      %dma_wait3A_114 = tpu.memref_squeeze %dma_wait3A_113 : memref<1x128xi32, #tpu.memory_space<vmem>> -> memref<128xi32, #tpu.memory_space<vmem>>
      %dma_wait3A_115 = arith.constant 0 : i32
      %dma_wait3A_116 = arith.constant 0 : i32
      %dma_wait3A_117 = tpu.memref_slice %arg2[%dma_wait3A_115, %dma_wait3A_116] : memref<10000x128xf32, #tpu.memory_space<hbm>> -> memref<10000x128xf32, #tpu.memory_space<hbm>>
      tpu.wait_indirect_dma semaphore(%arg11 : memref<!tpu.dma_semaphore, #tpu.memory_space<semaphore_mem>>) src(%dma_wait3A_117 : memref<10000x128xf32, #tpu.memory_space<hbm>>) dst(%arg8 : memref<128x128xf32, #tpu.memory_space<vmem>>)
      "tpu.region"() ({
        %run_scoped3A_136 = tpu.sem_alloc : memref<!tpu.dma_semaphore, #tpu.memory_space<semaphore_mem>>
        %dma_start3A_137 = arith.constant 0 : i32
        %dma_start3A_138 = tpu.memref_slice %arg7[%mul3A_103, %dma_start3A_137] : memref<40x128xi32, #tpu.memory_space<vmem>> -> memref<1x128xi32, #tpu.memory_space<vmem>>
        %dma_start3A_139 = tpu.memref_squeeze %dma_start3A_138 : memref<1x128xi32, #tpu.memory_space<vmem>> -> memref<128xi32, #tpu.memory_space<vmem>>
        %dma_start3A_140 = arith.constant 0 : i32
        %dma_start3A_141 = arith.constant 0 : i32
        %dma_start3A_142 = tpu.memref_slice %arg10[%dma_start3A_140, %dma_start3A_141] : memref<10240x128xf32, #tpu.memory_space<vmem_shared>> -> memref<10240x128xf32, #tpu.memory_space<vmem_shared>>
        tpu.enqueue_indirect_dma source(%arg8 : memref<128x128xf32, #tpu.memory_space<vmem>>) target(%dma_start3A_142 : memref<10240x128xf32, #tpu.memory_space<vmem_shared>>) offsets(%dma_start3A_139 : memref<128xi32, #tpu.memory_space<vmem>>) semaphore(%run_scoped3A_136 : memref<!tpu.dma_semaphore, #tpu.memory_space<semaphore_mem>>) {add = true}
        %dma_wait3A_143 = arith.constant 0 : i32
        %dma_wait3A_144 = tpu.memref_slice %arg7[%mul3A_103, %dma_wait3A_143] : memref<40x128xi32, #tpu.memory_space<vmem>> -> memref<1x128xi32, #tpu.memory_space<vmem>>
        %dma_wait3A_145 = tpu.memref_squeeze %dma_wait3A_144 : memref<1x128xi32, #tpu.memory_space<vmem>> -> memref<128xi32, #tpu.memory_space<vmem>>
        %dma_wait3A_146 = arith.constant 0 : i32
        %dma_wait3A_147 = arith.constant 0 : i32
        %dma_wait3A_148 = tpu.memref_slice %arg10[%dma_wait3A_146, %dma_wait3A_147] : memref<10240x128xf32, #tpu.memory_space<vmem_shared>> -> memref<10240x128xf32, #tpu.memory_space<vmem_shared>>
        tpu.wait_indirect_dma semaphore(%run_scoped3A_136 : memref<!tpu.dma_semaphore, #tpu.memory_space<semaphore_mem>>) src(%arg8 : memref<128x128xf32, #tpu.memory_space<vmem>>) dst(%dma_wait3A_148 : memref<10240x128xf32, #tpu.memory_space<vmem_shared>>)
        tpu.yield
      }) : () -> ()
      %mul3A_118 = arith.constant 2 : i32
      %mul3A_119 = arith.muli %scan3A_101, %mul3A_118 : i32
      %add3A_120 = arith.constant 1 : i32
      %add3A_121 = arith.addi %mul3A_119, %add3A_120 : i32
      %add3A_122 = arith.constant 1 : i32
      %add3A_123 = arith.addi %add3A_121, %add3A_122 : i32
      %dma_start3A_124 = arith.constant 0 : i32
      %dma_start3A_125 = tpu.memref_slice %arg6[%add3A_123, %dma_start3A_124] : memref<40x128xi32, #tpu.memory_space<vmem>> -> memref<1x128xi32, #tpu.memory_space<vmem>>
      %dma_start3A_126 = tpu.memref_squeeze %dma_start3A_125 : memref<1x128xi32, #tpu.memory_space<vmem>> -> memref<128xi32, #tpu.memory_space<vmem>>
      %dma_start3A_127 = arith.constant 0 : i32
      %dma_start3A_128 = arith.constant 0 : i32
      %dma_start3A_129 = tpu.memref_slice %arg2[%dma_start3A_127, %dma_start3A_128] : memref<10000x128xf32, #tpu.memory_space<hbm>> -> memref<10000x128xf32, #tpu.memory_space<hbm>>
      tpu.enqueue_indirect_dma source(%dma_start3A_129 : memref<10000x128xf32, #tpu.memory_space<hbm>>) target(%arg8 : memref<128x128xf32, #tpu.memory_space<vmem>>) offsets(%dma_start3A_126 : memref<128xi32, #tpu.memory_space<vmem>>) semaphore(%arg11 : memref<!tpu.dma_semaphore, #tpu.memory_space<semaphore_mem>>)
      %dma_wait3A_130 = arith.constant 0 : i32
      %dma_wait3A_131 = tpu.memref_slice %arg6[%add3A_121, %dma_wait3A_130] : memref<40x128xi32, #tpu.memory_space<vmem>> -> memref<1x128xi32, #tpu.memory_space<vmem>>
      %dma_wait3A_132 = tpu.memref_squeeze %dma_wait3A_131 : memref<1x128xi32, #tpu.memory_space<vmem>> -> memref<128xi32, #tpu.memory_space<vmem>>
      %dma_wait3A_133 = arith.constant 0 : i32
      %dma_wait3A_134 = arith.constant 0 : i32
      %dma_wait3A_135 = tpu.memref_slice %arg2[%dma_wait3A_133, %dma_wait3A_134] : memref<10000x128xf32, #tpu.memory_space<hbm>> -> memref<10000x128xf32, #tpu.memory_space<hbm>>
      tpu.wait_indirect_dma semaphore(%arg12 : memref<!tpu.dma_semaphore, #tpu.memory_space<semaphore_mem>>) src(%dma_wait3A_135 : memref<10000x128xf32, #tpu.memory_space<hbm>>) dst(%arg9 : memref<128x128xf32, #tpu.memory_space<vmem>>)
      "tpu.region"() ({
        %run_scoped3A_136 = tpu.sem_alloc : memref<!tpu.dma_semaphore, #tpu.memory_space<semaphore_mem>>
        %dma_start3A_137 = arith.constant 0 : i32
        %dma_start3A_138 = tpu.memref_slice %arg7[%add3A_121, %dma_start3A_137] : memref<40x128xi32, #tpu.memory_space<vmem>> -> memref<1x128xi32, #tpu.memory_space<vmem>>
        %dma_start3A_139 = tpu.memref_squeeze %dma_start3A_138 : memref<1x128xi32, #tpu.memory_space<vmem>> -> memref<128xi32, #tpu.memory_space<vmem>>
        %dma_start3A_140 = arith.constant 0 : i32
        %dma_start3A_141 = arith.constant 0 : i32
        %dma_start3A_142 = tpu.memref_slice %arg10[%dma_start3A_140, %dma_start3A_141] : memref<10240x128xf32, #tpu.memory_space<vmem_shared>> -> memref<10240x128xf32, #tpu.memory_space<vmem_shared>>
        tpu.enqueue_indirect_dma source(%arg9 : memref<128x128xf32, #tpu.memory_space<vmem>>) target(%dma_start3A_142 : memref<10240x128xf32, #tpu.memory_space<vmem_shared>>) offsets(%dma_start3A_139 : memref<128xi32, #tpu.memory_space<vmem>>) semaphore(%run_scoped3A_136 : memref<!tpu.dma_semaphore, #tpu.memory_space<semaphore_mem>>) {add = true}
        %dma_wait3A_143 = arith.constant 0 : i32
        %dma_wait3A_144 = tpu.memref_slice %arg7[%add3A_121, %dma_wait3A_143] : memref<40x128xi32, #tpu.memory_space<vmem>> -> memref<1x128xi32, #tpu.memory_space<vmem>>
        %dma_wait3A_145 = tpu.memref_squeeze %dma_wait3A_144 : memref<1x128xi32, #tpu.memory_space<vmem>> -> memref<128xi32, #tpu.memory_space<vmem>>
        %dma_wait3A_146 = arith.constant 0 : i32
        %dma_wait3A_147 = arith.constant 0 : i32
        %dma_wait3A_148 = tpu.memref_slice %arg10[%dma_wait3A_146, %dma_wait3A_147] : memref<10240x128xf32, #tpu.memory_space<vmem_shared>> -> memref<10240x128xf32, #tpu.memory_space<vmem_shared>>
        tpu.wait_indirect_dma semaphore(%run_scoped3A_136 : memref<!tpu.dma_semaphore, #tpu.memory_space<semaphore_mem>>) src(%arg9 : memref<128x128xf32, #tpu.memory_space<vmem>>) dst(%dma_wait3A_148 : memref<10240x128xf32, #tpu.memory_space<vmem_shared>>)
        tpu.yield
      }) : () -> ()
    }
    %scan3A_38 = arith.constant 19 : i32
    %dma_start3A_39 = arith.constant 39 : i32
    %dma_start3A_40 = arith.constant 0 : i32
    %dma_start3A_41 = tpu.memref_slice %arg6[%dma_start3A_39, %dma_start3A_40] : memref<40x128xi32, #tpu.memory_space<vmem>> -> memref<1x128xi32, #tpu.memory_space<vmem>>
    %dma_start3A_42 = tpu.memref_squeeze %dma_start3A_41 : memref<1x128xi32, #tpu.memory_space<vmem>> -> memref<128xi32, #tpu.memory_space<vmem>>
    %dma_start3A_43 = arith.constant 0 : i32
    %dma_start3A_44 = arith.constant 0 : i32
    %dma_start3A_45 = tpu.memref_slice %arg2[%dma_start3A_43, %dma_start3A_44] : memref<10000x128xf32, #tpu.memory_space<hbm>> -> memref<10000x128xf32, #tpu.memory_space<hbm>>
    tpu.enqueue_indirect_dma source(%dma_start3A_45 : memref<10000x128xf32, #tpu.memory_space<hbm>>) target(%arg9 : memref<128x128xf32, #tpu.memory_space<vmem>>) offsets(%dma_start3A_42 : memref<128xi32, #tpu.memory_space<vmem>>) semaphore(%arg12 : memref<!tpu.dma_semaphore, #tpu.memory_space<semaphore_mem>>)
    %dma_wait3A = arith.constant 38 : i32
    %dma_wait3A_46 = arith.constant 0 : i32
    %dma_wait3A_47 = tpu.memref_slice %arg6[%dma_wait3A, %dma_wait3A_46] : memref<40x128xi32, #tpu.memory_space<vmem>> -> memref<1x128xi32, #tpu.memory_space<vmem>>
    %dma_wait3A_48 = tpu.memref_squeeze %dma_wait3A_47 : memref<1x128xi32, #tpu.memory_space<vmem>> -> memref<128xi32, #tpu.memory_space<vmem>>
    %dma_wait3A_49 = arith.constant 0 : i32
    %dma_wait3A_50 = arith.constant 0 : i32
    %dma_wait3A_51 = tpu.memref_slice %arg2[%dma_wait3A_49, %dma_wait3A_50] : memref<10000x128xf32, #tpu.memory_space<hbm>> -> memref<10000x128xf32, #tpu.memory_space<hbm>>
    tpu.wait_indirect_dma semaphore(%arg11 : memref<!tpu.dma_semaphore, #tpu.memory_space<semaphore_mem>>) src(%dma_wait3A_51 : memref<10000x128xf32, #tpu.memory_space<hbm>>) dst(%arg8 : memref<128x128xf32, #tpu.memory_space<vmem>>)
    %run_scoped3A = arith.constant 38 : i32
    "tpu.region"() ({
      %run_scoped3A_101 = tpu.sem_alloc : memref<!tpu.dma_semaphore, #tpu.memory_space<semaphore_mem>>
      %dma_start3A_102 = arith.constant 0 : i32
      %dma_start3A_103 = tpu.memref_slice %arg7[%run_scoped3A, %dma_start3A_102] : memref<40x128xi32, #tpu.memory_space<vmem>> -> memref<1x128xi32, #tpu.memory_space<vmem>>
      %dma_start3A_104 = tpu.memref_squeeze %dma_start3A_103 : memref<1x128xi32, #tpu.memory_space<vmem>> -> memref<128xi32, #tpu.memory_space<vmem>>
      %dma_start3A_105 = arith.constant 0 : i32
      %dma_start3A_106 = arith.constant 0 : i32
      %dma_start3A_107 = tpu.memref_slice %arg10[%dma_start3A_105, %dma_start3A_106] : memref<10240x128xf32, #tpu.memory_space<vmem_shared>> -> memref<10240x128xf32, #tpu.memory_space<vmem_shared>>
      tpu.enqueue_indirect_dma source(%arg8 : memref<128x128xf32, #tpu.memory_space<vmem>>) target(%dma_start3A_107 : memref<10240x128xf32, #tpu.memory_space<vmem_shared>>) offsets(%dma_start3A_104 : memref<128xi32, #tpu.memory_space<vmem>>) semaphore(%run_scoped3A_101 : memref<!tpu.dma_semaphore, #tpu.memory_space<semaphore_mem>>) {add = true}
      %dma_wait3A_108 = arith.constant 0 : i32
      %dma_wait3A_109 = tpu.memref_slice %arg7[%run_scoped3A, %dma_wait3A_108] : memref<40x128xi32, #tpu.memory_space<vmem>> -> memref<1x128xi32, #tpu.memory_space<vmem>>
      %dma_wait3A_110 = tpu.memref_squeeze %dma_wait3A_109 : memref<1x128xi32, #tpu.memory_space<vmem>> -> memref<128xi32, #tpu.memory_space<vmem>>
      %dma_wait3A_111 = arith.constant 0 : i32
      %dma_wait3A_112 = arith.constant 0 : i32
      %dma_wait3A_113 = tpu.memref_slice %arg10[%dma_wait3A_111, %dma_wait3A_112] : memref<10240x128xf32, #tpu.memory_space<vmem_shared>> -> memref<10240x128xf32, #tpu.memory_space<vmem_shared>>
      tpu.wait_indirect_dma semaphore(%run_scoped3A_101 : memref<!tpu.dma_semaphore, #tpu.memory_space<semaphore_mem>>) src(%arg8 : memref<128x128xf32, #tpu.memory_space<vmem>>) dst(%dma_wait3A_113 : memref<10240x128xf32, #tpu.memory_space<vmem_shared>>)
      tpu.yield
    }) : () -> ()
    %dma_wait3A_52 = arith.constant 39 : i32
    %dma_wait3A_53 = arith.constant 0 : i32
    %dma_wait3A_54 = tpu.memref_slice %arg6[%dma_wait3A_52, %dma_wait3A_53] : memref<40x128xi32, #tpu.memory_space<vmem>> -> memref<1x128xi32, #tpu.memory_space<vmem>>
    %dma_wait3A_55 = tpu.memref_squeeze %dma_wait3A_54 : memref<1x128xi32, #tpu.memory_space<vmem>> -> memref<128xi32, #tpu.memory_space<vmem>>
    %dma_wait3A_56 = arith.constant 0 : i32
    %dma_wait3A_57 = arith.constant 0 : i32
    %dma_wait3A_58 = tpu.memref_slice %arg2[%dma_wait3A_56, %dma_wait3A_57] : memref<10000x128xf32, #tpu.memory_space<hbm>> -> memref<10000x128xf32, #tpu.memory_space<hbm>>
    tpu.wait_indirect_dma semaphore(%arg12 : memref<!tpu.dma_semaphore, #tpu.memory_space<semaphore_mem>>) src(%dma_wait3A_58 : memref<10000x128xf32, #tpu.memory_space<hbm>>) dst(%arg9 : memref<128x128xf32, #tpu.memory_space<vmem>>)
    %run_scoped3A_59 = arith.constant 39 : i32
    "tpu.region"() ({
      %run_scoped3A_101 = tpu.sem_alloc : memref<!tpu.dma_semaphore, #tpu.memory_space<semaphore_mem>>
      %dma_start3A_102 = arith.constant 0 : i32
      %dma_start3A_103 = tpu.memref_slice %arg7[%run_scoped3A_59, %dma_start3A_102] : memref<40x128xi32, #tpu.memory_space<vmem>> -> memref<1x128xi32, #tpu.memory_space<vmem>>
      %dma_start3A_104 = tpu.memref_squeeze %dma_start3A_103 : memref<1x128xi32, #tpu.memory_space<vmem>> -> memref<128xi32, #tpu.memory_space<vmem>>
      %dma_start3A_105 = arith.constant 0 : i32
      %dma_start3A_106 = arith.constant 0 : i32
      %dma_start3A_107 = tpu.memref_slice %arg10[%dma_start3A_105, %dma_start3A_106] : memref<10240x128xf32, #tpu.memory_space<vmem_shared>> -> memref<10240x128xf32, #tpu.memory_space<vmem_shared>>
      tpu.enqueue_indirect_dma source(%arg9 : memref<128x128xf32, #tpu.memory_space<vmem>>) target(%dma_start3A_107 : memref<10240x128xf32, #tpu.memory_space<vmem_shared>>) offsets(%dma_start3A_104 : memref<128xi32, #tpu.memory_space<vmem>>) semaphore(%run_scoped3A_101 : memref<!tpu.dma_semaphore, #tpu.memory_space<semaphore_mem>>) {add = true}
      %dma_wait3A_108 = arith.constant 0 : i32
      %dma_wait3A_109 = tpu.memref_slice %arg7[%run_scoped3A_59, %dma_wait3A_108] : memref<40x128xi32, #tpu.memory_space<vmem>> -> memref<1x128xi32, #tpu.memory_space<vmem>>
      %dma_wait3A_110 = tpu.memref_squeeze %dma_wait3A_109 : memref<1x128xi32, #tpu.memory_space<vmem>> -> memref<128xi32, #tpu.memory_space<vmem>>
      %dma_wait3A_111 = arith.constant 0 : i32
      %dma_wait3A_112 = arith.constant 0 : i32
      %dma_wait3A_113 = tpu.memref_slice %arg10[%dma_wait3A_111, %dma_wait3A_112] : memref<10240x128xf32, #tpu.memory_space<vmem_shared>> -> memref<10240x128xf32, #tpu.memory_space<vmem_shared>>
      tpu.wait_indirect_dma semaphore(%run_scoped3A_101 : memref<!tpu.dma_semaphore, #tpu.memory_space<semaphore_mem>>) src(%arg9 : memref<128x128xf32, #tpu.memory_space<vmem>>) dst(%dma_wait3A_113 : memref<10240x128xf32, #tpu.memory_space<vmem_shared>>)
      tpu.yield
    }) : () -> ()
    "tpu.region"() ({
      %run_scoped3A_101 = tpu.sem_alloc : memref<!tpu.dma_semaphore, #tpu.memory_space<semaphore_mem>>
      %dma_start3A_102 = arith.constant 40 : i32
      %dma_start3A_103 = arith.constant 0 : i32
      %dma_start3A_104 = tpu.memref_slice %arg3[%add3A, %dma_start3A_102, %dma_start3A_103] : memref<32x80x128xi32, #tpu.memory_space<hbm>> -> memref<1x40x128xi32, #tpu.memory_space<hbm>>
      %dma_start3A_105 = tpu.memref_squeeze %dma_start3A_104 : memref<1x40x128xi32, #tpu.memory_space<hbm>> -> memref<40x128xi32, #tpu.memory_space<hbm>>
      %dma_start3A_106 = arith.constant 40 : i32
      %dma_start3A_107 = arith.constant 0 : i32
      %dma_start3A_108 = tpu.memref_slice %arg3[%add3A, %dma_start3A_106, %dma_start3A_107] : memref<32x80x128xi32, #tpu.memory_space<hbm>> -> memref<1x40x128xi32, #tpu.memory_space<hbm>>
      %dma_start3A_109 = tpu.memref_squeeze %dma_start3A_108 : memref<1x40x128xi32, #tpu.memory_space<hbm>> -> memref<40x128xi32, #tpu.memory_space<hbm>>
      tpu.enqueue_dma source(%dma_start3A_109 : memref<40x128xi32, #tpu.memory_space<hbm>>) target(%arg6 : memref<40x128xi32, #tpu.memory_space<vmem>>) target_semaphore(%run_scoped3A_101 : memref<!tpu.dma_semaphore, #tpu.memory_space<semaphore_mem>>)
      %dma_wait3A_110 = arith.constant 40 : i32
      %dma_wait3A_111 = arith.constant 0 : i32
      %dma_wait3A_112 = tpu.memref_slice %arg3[%add3A, %dma_wait3A_110, %dma_wait3A_111] : memref<32x80x128xi32, #tpu.memory_space<hbm>> -> memref<1x40x128xi32, #tpu.memory_space<hbm>>
      %dma_wait3A_113 = tpu.memref_squeeze %dma_wait3A_112 : memref<1x40x128xi32, #tpu.memory_space<hbm>> -> memref<40x128xi32, #tpu.memory_space<hbm>>
      %dma_wait3A_114 = arith.constant 40 : i32
      %dma_wait3A_115 = arith.constant 0 : i32
      %dma_wait3A_116 = tpu.memref_slice %arg3[%add3A, %dma_wait3A_114, %dma_wait3A_115] : memref<32x80x128xi32, #tpu.memory_space<hbm>> -> memref<1x40x128xi32, #tpu.memory_space<hbm>>
      %dma_wait3A_117 = tpu.memref_squeeze %dma_wait3A_116 : memref<1x40x128xi32, #tpu.memory_space<hbm>> -> memref<40x128xi32, #tpu.memory_space<hbm>>
      tpu.wait_dma2 semaphore(%run_scoped3A_101 : memref<!tpu.dma_semaphore, #tpu.memory_space<semaphore_mem>>) src(%dma_wait3A_117 : memref<40x128xi32, #tpu.memory_space<hbm>>) dst(%arg6 : memref<40x128xi32, #tpu.memory_space<vmem>>)
      tpu.yield
    }) : () -> ()
    "tpu.region"() ({
      %run_scoped3A_101 = tpu.sem_alloc : memref<!tpu.dma_semaphore, #tpu.memory_space<semaphore_mem>>
      %dma_start3A_102 = arith.constant 40 : i32
      %dma_start3A_103 = arith.constant 0 : i32
      %dma_start3A_104 = tpu.memref_slice %arg4[%add3A, %dma_start3A_102, %dma_start3A_103] : memref<32x80x128xi32, #tpu.memory_space<hbm>> -> memref<1x40x128xi32, #tpu.memory_space<hbm>>
      %dma_start3A_105 = tpu.memref_squeeze %dma_start3A_104 : memref<1x40x128xi32, #tpu.memory_space<hbm>> -> memref<40x128xi32, #tpu.memory_space<hbm>>
      %dma_start3A_106 = arith.constant 40 : i32
      %dma_start3A_107 = arith.constant 0 : i32
      %dma_start3A_108 = tpu.memref_slice %arg4[%add3A, %dma_start3A_106, %dma_start3A_107] : memref<32x80x128xi32, #tpu.memory_space<hbm>> -> memref<1x40x128xi32, #tpu.memory_space<hbm>>
      %dma_start3A_109 = tpu.memref_squeeze %dma_start3A_108 : memref<1x40x128xi32, #tpu.memory_space<hbm>> -> memref<40x128xi32, #tpu.memory_space<hbm>>
      tpu.enqueue_dma source(%dma_start3A_109 : memref<40x128xi32, #tpu.memory_space<hbm>>) target(%arg7 : memref<40x128xi32, #tpu.memory_space<vmem>>) target_semaphore(%run_scoped3A_101 : memref<!tpu.dma_semaphore, #tpu.memory_space<semaphore_mem>>)
      %dma_wait3A_110 = arith.constant 40 : i32
      %dma_wait3A_111 = arith.constant 0 : i32
      %dma_wait3A_112 = tpu.memref_slice %arg4[%add3A, %dma_wait3A_110, %dma_wait3A_111] : memref<32x80x128xi32, #tpu.memory_space<hbm>> -> memref<1x40x128xi32, #tpu.memory_space<hbm>>
      %dma_wait3A_113 = tpu.memref_squeeze %dma_wait3A_112 : memref<1x40x128xi32, #tpu.memory_space<hbm>> -> memref<40x128xi32, #tpu.memory_space<hbm>>
      %dma_wait3A_114 = arith.constant 40 : i32
      %dma_wait3A_115 = arith.constant 0 : i32
      %dma_wait3A_116 = tpu.memref_slice %arg4[%add3A, %dma_wait3A_114, %dma_wait3A_115] : memref<32x80x128xi32, #tpu.memory_space<hbm>> -> memref<1x40x128xi32, #tpu.memory_space<hbm>>
      %dma_wait3A_117 = tpu.memref_squeeze %dma_wait3A_116 : memref<1x40x128xi32, #tpu.memory_space<hbm>> -> memref<40x128xi32, #tpu.memory_space<hbm>>
      tpu.wait_dma2 semaphore(%run_scoped3A_101 : memref<!tpu.dma_semaphore, #tpu.memory_space<semaphore_mem>>) src(%dma_wait3A_117 : memref<40x128xi32, #tpu.memory_space<hbm>>) dst(%arg7 : memref<40x128xi32, #tpu.memory_space<vmem>>)
      tpu.yield
    }) : () -> ()
    %dma_start3A_60 = arith.constant 0 : i32
    %dma_start3A_61 = arith.constant 0 : i32
    %dma_start3A_62 = tpu.memref_slice %arg6[%dma_start3A_60, %dma_start3A_61] : memref<40x128xi32, #tpu.memory_space<vmem>> -> memref<1x128xi32, #tpu.memory_space<vmem>>
    %dma_start3A_63 = tpu.memref_squeeze %dma_start3A_62 : memref<1x128xi32, #tpu.memory_space<vmem>> -> memref<128xi32, #tpu.memory_space<vmem>>
    %dma_start3A_64 = arith.constant 0 : i32
    %dma_start3A_65 = arith.constant 0 : i32
    %dma_start3A_66 = tpu.memref_slice %arg2[%dma_start3A_64, %dma_start3A_65] : memref<10000x128xf32, #tpu.memory_space<hbm>> -> memref<10000x128xf32, #tpu.memory_space<hbm>>
    tpu.enqueue_indirect_dma source(%dma_start3A_66 : memref<10000x128xf32, #tpu.memory_space<hbm>>) target(%arg8 : memref<128x128xf32, #tpu.memory_space<vmem>>) offsets(%dma_start3A_63 : memref<128xi32, #tpu.memory_space<vmem>>) semaphore(%arg11 : memref<!tpu.dma_semaphore, #tpu.memory_space<semaphore_mem>>)
    %scan3A_67 = arith.constant 0 : i32
    %scan3A_68 = arith.constant 0 : i32
    %scan3A_69 = arith.constant 19 : i32
    %scan3A_70 = arith.addi %scan3A_68, %scan3A_69 : i32
    %scan3A_71 = arith.constant 1 : i32
    scf.for %scan3A_101 = %scan3A_68 to %scan3A_70 step %scan3A_71  : i32 {
      %mul3A_102 = arith.constant 2 : i32
      %mul3A_103 = arith.muli %scan3A_101, %mul3A_102 : i32
      %add3A_104 = arith.constant 1 : i32
      %add3A_105 = arith.addi %mul3A_103, %add3A_104 : i32
      %dma_start3A_106 = arith.constant 0 : i32
      %dma_start3A_107 = tpu.memref_slice %arg6[%add3A_105, %dma_start3A_106] : memref<40x128xi32, #tpu.memory_space<vmem>> -> memref<1x128xi32, #tpu.memory_space<vmem>>
      %dma_start3A_108 = tpu.memref_squeeze %dma_start3A_107 : memref<1x128xi32, #tpu.memory_space<vmem>> -> memref<128xi32, #tpu.memory_space<vmem>>
      %dma_start3A_109 = arith.constant 0 : i32
      %dma_start3A_110 = arith.constant 0 : i32
      %dma_start3A_111 = tpu.memref_slice %arg2[%dma_start3A_109, %dma_start3A_110] : memref<10000x128xf32, #tpu.memory_space<hbm>> -> memref<10000x128xf32, #tpu.memory_space<hbm>>
      tpu.enqueue_indirect_dma source(%dma_start3A_111 : memref<10000x128xf32, #tpu.memory_space<hbm>>) target(%arg9 : memref<128x128xf32, #tpu.memory_space<vmem>>) offsets(%dma_start3A_108 : memref<128xi32, #tpu.memory_space<vmem>>) semaphore(%arg12 : memref<!tpu.dma_semaphore, #tpu.memory_space<semaphore_mem>>)
      %dma_wait3A_112 = arith.constant 0 : i32
      %dma_wait3A_113 = tpu.memref_slice %arg6[%mul3A_103, %dma_wait3A_112] : memref<40x128xi32, #tpu.memory_space<vmem>> -> memref<1x128xi32, #tpu.memory_space<vmem>>
      %dma_wait3A_114 = tpu.memref_squeeze %dma_wait3A_113 : memref<1x128xi32, #tpu.memory_space<vmem>> -> memref<128xi32, #tpu.memory_space<vmem>>
      %dma_wait3A_115 = arith.constant 0 : i32
      %dma_wait3A_116 = arith.constant 0 : i32
      %dma_wait3A_117 = tpu.memref_slice %arg2[%dma_wait3A_115, %dma_wait3A_116] : memref<10000x128xf32, #tpu.memory_space<hbm>> -> memref<10000x128xf32, #tpu.memory_space<hbm>>
      tpu.wait_indirect_dma semaphore(%arg11 : memref<!tpu.dma_semaphore, #tpu.memory_space<semaphore_mem>>) src(%dma_wait3A_117 : memref<10000x128xf32, #tpu.memory_space<hbm>>) dst(%arg8 : memref<128x128xf32, #tpu.memory_space<vmem>>)
      "tpu.region"() ({
        %run_scoped3A_136 = tpu.sem_alloc : memref<!tpu.dma_semaphore, #tpu.memory_space<semaphore_mem>>
        %dma_start3A_137 = arith.constant 0 : i32
        %dma_start3A_138 = tpu.memref_slice %arg7[%mul3A_103, %dma_start3A_137] : memref<40x128xi32, #tpu.memory_space<vmem>> -> memref<1x128xi32, #tpu.memory_space<vmem>>
        %dma_start3A_139 = tpu.memref_squeeze %dma_start3A_138 : memref<1x128xi32, #tpu.memory_space<vmem>> -> memref<128xi32, #tpu.memory_space<vmem>>
        %dma_start3A_140 = arith.constant 0 : i32
        %dma_start3A_141 = arith.constant 0 : i32
        %dma_start3A_142 = tpu.memref_slice %arg10[%dma_start3A_140, %dma_start3A_141] : memref<10240x128xf32, #tpu.memory_space<vmem_shared>> -> memref<10240x128xf32, #tpu.memory_space<vmem_shared>>
        tpu.enqueue_indirect_dma source(%arg8 : memref<128x128xf32, #tpu.memory_space<vmem>>) target(%dma_start3A_142 : memref<10240x128xf32, #tpu.memory_space<vmem_shared>>) offsets(%dma_start3A_139 : memref<128xi32, #tpu.memory_space<vmem>>) semaphore(%run_scoped3A_136 : memref<!tpu.dma_semaphore, #tpu.memory_space<semaphore_mem>>) {add = true}
        %dma_wait3A_143 = arith.constant 0 : i32
        %dma_wait3A_144 = tpu.memref_slice %arg7[%mul3A_103, %dma_wait3A_143] : memref<40x128xi32, #tpu.memory_space<vmem>> -> memref<1x128xi32, #tpu.memory_space<vmem>>
        %dma_wait3A_145 = tpu.memref_squeeze %dma_wait3A_144 : memref<1x128xi32, #tpu.memory_space<vmem>> -> memref<128xi32, #tpu.memory_space<vmem>>
        %dma_wait3A_146 = arith.constant 0 : i32
        %dma_wait3A_147 = arith.constant 0 : i32
        %dma_wait3A_148 = tpu.memref_slice %arg10[%dma_wait3A_146, %dma_wait3A_147] : memref<10240x128xf32, #tpu.memory_space<vmem_shared>> -> memref<10240x128xf32, #tpu.memory_space<vmem_shared>>
        tpu.wait_indirect_dma semaphore(%run_scoped3A_136 : memref<!tpu.dma_semaphore, #tpu.memory_space<semaphore_mem>>) src(%arg8 : memref<128x128xf32, #tpu.memory_space<vmem>>) dst(%dma_wait3A_148 : memref<10240x128xf32, #tpu.memory_space<vmem_shared>>)
        tpu.yield
      }) : () -> ()
      %mul3A_118 = arith.constant 2 : i32
      %mul3A_119 = arith.muli %scan3A_101, %mul3A_118 : i32
      %add3A_120 = arith.constant 1 : i32
      %add3A_121 = arith.addi %mul3A_119, %add3A_120 : i32
      %add3A_122 = arith.constant 1 : i32
      %add3A_123 = arith.addi %add3A_121, %add3A_122 : i32
      %dma_start3A_124 = arith.constant 0 : i32
      %dma_start3A_125 = tpu.memref_slice %arg6[%add3A_123, %dma_start3A_124] : memref<40x128xi32, #tpu.memory_space<vmem>> -> memref<1x128xi32, #tpu.memory_space<vmem>>
      %dma_start3A_126 = tpu.memref_squeeze %dma_start3A_125 : memref<1x128xi32, #tpu.memory_space<vmem>> -> memref<128xi32, #tpu.memory_space<vmem>>
      %dma_start3A_127 = arith.constant 0 : i32
      %dma_start3A_128 = arith.constant 0 : i32
      %dma_start3A_129 = tpu.memref_slice %arg2[%dma_start3A_127, %dma_start3A_128] : memref<10000x128xf32, #tpu.memory_space<hbm>> -> memref<10000x128xf32, #tpu.memory_space<hbm>>
      tpu.enqueue_indirect_dma source(%dma_start3A_129 : memref<10000x128xf32, #tpu.memory_space<hbm>>) target(%arg8 : memref<128x128xf32, #tpu.memory_space<vmem>>) offsets(%dma_start3A_126 : memref<128xi32, #tpu.memory_space<vmem>>) semaphore(%arg11 : memref<!tpu.dma_semaphore, #tpu.memory_space<semaphore_mem>>)
      %dma_wait3A_130 = arith.constant 0 : i32
      %dma_wait3A_131 = tpu.memref_slice %arg6[%add3A_121, %dma_wait3A_130] : memref<40x128xi32, #tpu.memory_space<vmem>> -> memref<1x128xi32, #tpu.memory_space<vmem>>
      %dma_wait3A_132 = tpu.memref_squeeze %dma_wait3A_131 : memref<1x128xi32, #tpu.memory_space<vmem>> -> memref<128xi32, #tpu.memory_space<vmem>>
      %dma_wait3A_133 = arith.constant 0 : i32
      %dma_wait3A_134 = arith.constant 0 : i32
      %dma_wait3A_135 = tpu.memref_slice %arg2[%dma_wait3A_133, %dma_wait3A_134] : memref<10000x128xf32, #tpu.memory_space<hbm>> -> memref<10000x128xf32, #tpu.memory_space<hbm>>
      tpu.wait_indirect_dma semaphore(%arg12 : memref<!tpu.dma_semaphore, #tpu.memory_space<semaphore_mem>>) src(%dma_wait3A_135 : memref<10000x128xf32, #tpu.memory_space<hbm>>) dst(%arg9 : memref<128x128xf32, #tpu.memory_space<vmem>>)
      "tpu.region"() ({
        %run_scoped3A_136 = tpu.sem_alloc : memref<!tpu.dma_semaphore, #tpu.memory_space<semaphore_mem>>
        %dma_start3A_137 = arith.constant 0 : i32
        %dma_start3A_138 = tpu.memref_slice %arg7[%add3A_121, %dma_start3A_137] : memref<40x128xi32, #tpu.memory_space<vmem>> -> memref<1x128xi32, #tpu.memory_space<vmem>>
        %dma_start3A_139 = tpu.memref_squeeze %dma_start3A_138 : memref<1x128xi32, #tpu.memory_space<vmem>> -> memref<128xi32, #tpu.memory_space<vmem>>
        %dma_start3A_140 = arith.constant 0 : i32
        %dma_start3A_141 = arith.constant 0 : i32
        %dma_start3A_142 = tpu.memref_slice %arg10[%dma_start3A_140, %dma_start3A_141] : memref<10240x128xf32, #tpu.memory_space<vmem_shared>> -> memref<10240x128xf32, #tpu.memory_space<vmem_shared>>
        tpu.enqueue_indirect_dma source(%arg9 : memref<128x128xf32, #tpu.memory_space<vmem>>) target(%dma_start3A_142 : memref<10240x128xf32, #tpu.memory_space<vmem_shared>>) offsets(%dma_start3A_139 : memref<128xi32, #tpu.memory_space<vmem>>) semaphore(%run_scoped3A_136 : memref<!tpu.dma_semaphore, #tpu.memory_space<semaphore_mem>>) {add = true}
        %dma_wait3A_143 = arith.constant 0 : i32
        %dma_wait3A_144 = tpu.memref_slice %arg7[%add3A_121, %dma_wait3A_143] : memref<40x128xi32, #tpu.memory_space<vmem>> -> memref<1x128xi32, #tpu.memory_space<vmem>>
        %dma_wait3A_145 = tpu.memref_squeeze %dma_wait3A_144 : memref<1x128xi32, #tpu.memory_space<vmem>> -> memref<128xi32, #tpu.memory_space<vmem>>
        %dma_wait3A_146 = arith.constant 0 : i32
        %dma_wait3A_147 = arith.constant 0 : i32
        %dma_wait3A_148 = tpu.memref_slice %arg10[%dma_wait3A_146, %dma_wait3A_147] : memref<10240x128xf32, #tpu.memory_space<vmem_shared>> -> memref<10240x128xf32, #tpu.memory_space<vmem_shared>>
        tpu.wait_indirect_dma semaphore(%run_scoped3A_136 : memref<!tpu.dma_semaphore, #tpu.memory_space<semaphore_mem>>) src(%arg9 : memref<128x128xf32, #tpu.memory_space<vmem>>) dst(%dma_wait3A_148 : memref<10240x128xf32, #tpu.memory_space<vmem_shared>>)
        tpu.yield
      }) : () -> ()
    }
    %scan3A_72 = arith.constant 19 : i32
    %dma_start3A_73 = arith.constant 39 : i32
    %dma_start3A_74 = arith.constant 0 : i32
    %dma_start3A_75 = tpu.memref_slice %arg6[%dma_start3A_73, %dma_start3A_74] : memref<40x128xi32, #tpu.memory_space<vmem>> -> memref<1x128xi32, #tpu.memory_space<vmem>>
    %dma_start3A_76 = tpu.memref_squeeze %dma_start3A_75 : memref<1x128xi32, #tpu.memory_space<vmem>> -> memref<128xi32, #tpu.memory_space<vmem>>
    %dma_start3A_77 = arith.constant 0 : i32
    %dma_start3A_78 = arith.constant 0 : i32
    %dma_start3A_79 = tpu.memref_slice %arg2[%dma_start3A_77, %dma_start3A_78] : memref<10000x128xf32, #tpu.memory_space<hbm>> -> memref<10000x128xf32, #tpu.memory_space<hbm>>
    tpu.enqueue_indirect_dma source(%dma_start3A_79 : memref<10000x128xf32, #tpu.memory_space<hbm>>) target(%arg9 : memref<128x128xf32, #tpu.memory_space<vmem>>) offsets(%dma_start3A_76 : memref<128xi32, #tpu.memory_space<vmem>>) semaphore(%arg12 : memref<!tpu.dma_semaphore, #tpu.memory_space<semaphore_mem>>)
    %dma_wait3A_80 = arith.constant 38 : i32
    %dma_wait3A_81 = arith.constant 0 : i32
    %dma_wait3A_82 = tpu.memref_slice %arg6[%dma_wait3A_80, %dma_wait3A_81] : memref<40x128xi32, #tpu.memory_space<vmem>> -> memref<1x128xi32, #tpu.memory_space<vmem>>
    %dma_wait3A_83 = tpu.memref_squeeze %dma_wait3A_82 : memref<1x128xi32, #tpu.memory_space<vmem>> -> memref<128xi32, #tpu.memory_space<vmem>>
    %dma_wait3A_84 = arith.constant 0 : i32
    %dma_wait3A_85 = arith.constant 0 : i32
    %dma_wait3A_86 = tpu.memref_slice %arg2[%dma_wait3A_84, %dma_wait3A_85] : memref<10000x128xf32, #tpu.memory_space<hbm>> -> memref<10000x128xf32, #tpu.memory_space<hbm>>
    tpu.wait_indirect_dma semaphore(%arg11 : memref<!tpu.dma_semaphore, #tpu.memory_space<semaphore_mem>>) src(%dma_wait3A_86 : memref<10000x128xf32, #tpu.memory_space<hbm>>) dst(%arg8 : memref<128x128xf32, #tpu.memory_space<vmem>>)
    %run_scoped3A_87 = arith.constant 38 : i32
    "tpu.region"() ({
      %run_scoped3A_101 = tpu.sem_alloc : memref<!tpu.dma_semaphore, #tpu.memory_space<semaphore_mem>>
      %dma_start3A_102 = arith.constant 0 : i32
      %dma_start3A_103 = tpu.memref_slice %arg7[%run_scoped3A_87, %dma_start3A_102] : memref<40x128xi32, #tpu.memory_space<vmem>> -> memref<1x128xi32, #tpu.memory_space<vmem>>
      %dma_start3A_104 = tpu.memref_squeeze %dma_start3A_103 : memref<1x128xi32, #tpu.memory_space<vmem>> -> memref<128xi32, #tpu.memory_space<vmem>>
      %dma_start3A_105 = arith.constant 0 : i32
      %dma_start3A_106 = arith.constant 0 : i32
      %dma_start3A_107 = tpu.memref_slice %arg10[%dma_start3A_105, %dma_start3A_106] : memref<10240x128xf32, #tpu.memory_space<vmem_shared>> -> memref<10240x128xf32, #tpu.memory_space<vmem_shared>>
      tpu.enqueue_indirect_dma source(%arg8 : memref<128x128xf32, #tpu.memory_space<vmem>>) target(%dma_start3A_107 : memref<10240x128xf32, #tpu.memory_space<vmem_shared>>) offsets(%dma_start3A_104 : memref<128xi32, #tpu.memory_space<vmem>>) semaphore(%run_scoped3A_101 : memref<!tpu.dma_semaphore, #tpu.memory_space<semaphore_mem>>) {add = true}
      %dma_wait3A_108 = arith.constant 0 : i32
      %dma_wait3A_109 = tpu.memref_slice %arg7[%run_scoped3A_87, %dma_wait3A_108] : memref<40x128xi32, #tpu.memory_space<vmem>> -> memref<1x128xi32, #tpu.memory_space<vmem>>
      %dma_wait3A_110 = tpu.memref_squeeze %dma_wait3A_109 : memref<1x128xi32, #tpu.memory_space<vmem>> -> memref<128xi32, #tpu.memory_space<vmem>>
      %dma_wait3A_111 = arith.constant 0 : i32
      %dma_wait3A_112 = arith.constant 0 : i32
      %dma_wait3A_113 = tpu.memref_slice %arg10[%dma_wait3A_111, %dma_wait3A_112] : memref<10240x128xf32, #tpu.memory_space<vmem_shared>> -> memref<10240x128xf32, #tpu.memory_space<vmem_shared>>
      tpu.wait_indirect_dma semaphore(%run_scoped3A_101 : memref<!tpu.dma_semaphore, #tpu.memory_space<semaphore_mem>>) src(%arg8 : memref<128x128xf32, #tpu.memory_space<vmem>>) dst(%dma_wait3A_113 : memref<10240x128xf32, #tpu.memory_space<vmem_shared>>)
      tpu.yield
    }) : () -> ()
    %dma_wait3A_88 = arith.constant 39 : i32
    %dma_wait3A_89 = arith.constant 0 : i32
    %dma_wait3A_90 = tpu.memref_slice %arg6[%dma_wait3A_88, %dma_wait3A_89] : memref<40x128xi32, #tpu.memory_space<vmem>> -> memref<1x128xi32, #tpu.memory_space<vmem>>
    %dma_wait3A_91 = tpu.memref_squeeze %dma_wait3A_90 : memref<1x128xi32, #tpu.memory_space<vmem>> -> memref<128xi32, #tpu.memory_space<vmem>>
    %dma_wait3A_92 = arith.constant 0 : i32
    %dma_wait3A_93 = arith.constant 0 : i32
    %dma_wait3A_94 = tpu.memref_slice %arg2[%dma_wait3A_92, %dma_wait3A_93] : memref<10000x128xf32, #tpu.memory_space<hbm>> -> memref<10000x128xf32, #tpu.memory_space<hbm>>
    tpu.wait_indirect_dma semaphore(%arg12 : memref<!tpu.dma_semaphore, #tpu.memory_space<semaphore_mem>>) src(%dma_wait3A_94 : memref<10000x128xf32, #tpu.memory_space<hbm>>) dst(%arg9 : memref<128x128xf32, #tpu.memory_space<vmem>>)
    %run_scoped3A_95 = arith.constant 39 : i32
    "tpu.region"() ({
      %run_scoped3A_101 = tpu.sem_alloc : memref<!tpu.dma_semaphore, #tpu.memory_space<semaphore_mem>>
      %dma_start3A_102 = arith.constant 0 : i32
      %dma_start3A_103 = tpu.memref_slice %arg7[%run_scoped3A_95, %dma_start3A_102] : memref<40x128xi32, #tpu.memory_space<vmem>> -> memref<1x128xi32, #tpu.memory_space<vmem>>
      %dma_start3A_104 = tpu.memref_squeeze %dma_start3A_103 : memref<1x128xi32, #tpu.memory_space<vmem>> -> memref<128xi32, #tpu.memory_space<vmem>>
      %dma_start3A_105 = arith.constant 0 : i32
      %dma_start3A_106 = arith.constant 0 : i32
      %dma_start3A_107 = tpu.memref_slice %arg10[%dma_start3A_105, %dma_start3A_106] : memref<10240x128xf32, #tpu.memory_space<vmem_shared>> -> memref<10240x128xf32, #tpu.memory_space<vmem_shared>>
      tpu.enqueue_indirect_dma source(%arg9 : memref<128x128xf32, #tpu.memory_space<vmem>>) target(%dma_start3A_107 : memref<10240x128xf32, #tpu.memory_space<vmem_shared>>) offsets(%dma_start3A_104 : memref<128xi32, #tpu.memory_space<vmem>>) semaphore(%run_scoped3A_101 : memref<!tpu.dma_semaphore, #tpu.memory_space<semaphore_mem>>) {add = true}
      %dma_wait3A_108 = arith.constant 0 : i32
      %dma_wait3A_109 = tpu.memref_slice %arg7[%run_scoped3A_95, %dma_wait3A_108] : memref<40x128xi32, #tpu.memory_space<vmem>> -> memref<1x128xi32, #tpu.memory_space<vmem>>
      %dma_wait3A_110 = tpu.memref_squeeze %dma_wait3A_109 : memref<1x128xi32, #tpu.memory_space<vmem>> -> memref<128xi32, #tpu.memory_space<vmem>>
      %dma_wait3A_111 = arith.constant 0 : i32
      %dma_wait3A_112 = arith.constant 0 : i32
      %dma_wait3A_113 = tpu.memref_slice %arg10[%dma_wait3A_111, %dma_wait3A_112] : memref<10240x128xf32, #tpu.memory_space<vmem_shared>> -> memref<10240x128xf32, #tpu.memory_space<vmem_shared>>
      tpu.wait_indirect_dma semaphore(%run_scoped3A_101 : memref<!tpu.dma_semaphore, #tpu.memory_space<semaphore_mem>>) src(%arg9 : memref<128x128xf32, #tpu.memory_space<vmem>>) dst(%dma_wait3A_113 : memref<10240x128xf32, #tpu.memory_space<vmem_shared>>)
      tpu.yield
    }) : () -> ()
    %barrier3A_96 = arith.constant 0 : index
    tpu.barrier barrier_id(%barrier3A_96)
    %mul3A_97 = arith.constant 640 : i32
    %mul3A_98 = arith.muli %arg1, %mul3A_97 : i32
    %mul3A_99 = arith.constant 640 : i32
    %mul3A_100 = arith.muli %arg1, %mul3A_99 : i32
    "tpu.region"() ({
      %run_scoped3A_101 = tpu.sem_alloc : memref<!tpu.dma_semaphore, #tpu.memory_space<semaphore_mem>>
      %dma_start3A_102 = arith.constant 0 : i32
      %dma_start3A_103 = tpu.memref_slice %arg5[%arg0, %mul3A_100, %dma_start3A_102] : memref<2x10240x128xf32, #tpu.memory_space<hbm>> -> memref<1x640x128xf32, #tpu.memory_space<hbm>>
      %dma_start3A_104 = tpu.memref_squeeze %dma_start3A_103 : memref<1x640x128xf32, #tpu.memory_space<hbm>> -> memref<640x128xf32, #tpu.memory_space<hbm>>
      %dma_start3A_105 = arith.constant 0 : i32
      %dma_start3A_106 = tpu.memref_slice %arg10[%mul3A_98, %dma_start3A_105] : memref<10240x128xf32, #tpu.memory_space<vmem_shared>> -> memref<640x128xf32, #tpu.memory_space<vmem_shared>>
      tpu.enqueue_dma source(%dma_start3A_106 : memref<640x128xf32, #tpu.memory_space<vmem_shared>>) target(%dma_start3A_104 : memref<640x128xf32, #tpu.memory_space<hbm>>) target_semaphore(%run_scoped3A_101 : memref<!tpu.dma_semaphore, #tpu.memory_space<semaphore_mem>>)
      %dma_wait3A_107 = arith.constant 0 : i32
      %dma_wait3A_108 = tpu.memref_slice %arg5[%arg0, %mul3A_100, %dma_wait3A_107] : memref<2x10240x128xf32, #tpu.memory_space<hbm>> -> memref<1x640x128xf32, #tpu.memory_space<hbm>>
      %dma_wait3A_109 = tpu.memref_squeeze %dma_wait3A_108 : memref<1x640x128xf32, #tpu.memory_space<hbm>> -> memref<640x128xf32, #tpu.memory_space<hbm>>
      %dma_wait3A_110 = arith.constant 0 : i32
      %dma_wait3A_111 = tpu.memref_slice %arg10[%mul3A_98, %dma_wait3A_110] : memref<10240x128xf32, #tpu.memory_space<vmem_shared>> -> memref<640x128xf32, #tpu.memory_space<vmem_shared>>
      tpu.wait_dma2 semaphore(%run_scoped3A_101 : memref<!tpu.dma_semaphore, #tpu.memory_space<semaphore_mem>>) src(%dma_wait3A_111 : memref<640x128xf32, #tpu.memory_space<vmem_shared>>) dst(%dma_wait3A_109 : memref<640x128xf32, #tpu.memory_space<hbm>>)
      tpu.yield
    }) : () -> ()
    return
  }
}

#map = affine_map<(d0, d1) -> (0, 0)>
#map1 = affine_map<(d0, d1) -> (0, 0, 0)>
module attributes {stable_mosaic.version = 14 : i64} {
  func.func @_seg_sum_body(%arg0: i32, %arg1: i32, %arg2: memref<10000x128xf32, #tpu.memory_space<hbm>>, %arg3: memref<32x80x128xi32, #tpu.memory_space<hbm>>, %arg4: memref<32x80x128xi32, #tpu.memory_space<hbm>>, %arg5: memref<2x10240x128xf32, #tpu.memory_space<hbm>>, %arg6: memref<40x128xi32, #tpu.memory_space<vmem>>, %arg7: memref<40x128xi32, #tpu.memory_space<vmem>>, %arg8: memref<128x128xf32, #tpu.memory_space<vmem>>, %arg9: memref<128x128xf32, #tpu.memory_space<vmem>>, %arg10: memref<10240x128xf32, #tpu.memory_space<vmem_shared>>, %arg11: memref<!tpu.dma_semaphore, #tpu.memory_space<semaphore_mem>>, %arg12: memref<!tpu.dma_semaphore, #tpu.memory_space<semaphore_mem>>) attributes {dimension_semantics = [#tpu.dimension_semantics<core_parallel>, #tpu.dimension_semantics<subcore_parallel>], iteration_bounds = array<i64: 2, 16>, scalar_prefetch = 0 : i64, scratch_operands = 7 : i64, tpu.core_type = #tpu.core_type<sc_vector_subcore>, window_params = [{transform_indices = #map}, {transform_indices = #map1}, {transform_indices = #map1}, {transform_indices = #map1}]} {
    %mul3A = arith.constant 2 : i32
    %mul3A_0 = arith.muli %arg1, %mul3A : i32
    %add3A = arith.addi %mul3A_0, %arg0 : i32
    "tpu.region"() ({
      %run_scoped3A_101 = tpu.sem_alloc : memref<!tpu.dma_semaphore, #tpu.memory_space<semaphore_mem>>
      %dma_start3A_102 = arith.constant 0 : i32
      %dma_start3A_103 = arith.constant 0 : i32
      %dma_start3A_104 = tpu.memref_slice %arg3[%add3A, %dma_start3A_102, %dma_start3A_103] : memref<32x80x128xi32, #tpu.memory_space<hbm>> -> memref<1x40x128xi32, #tpu.memory_space<hbm>>
      %dma_start3A_105 = tpu.memref_squeeze %dma_start3A_104 : memref<1x40x128xi32, #tpu.memory_space<hbm>> -> memref<40x128xi32, #tpu.memory_space<hbm>>
      %dma_start3A_106 = arith.constant 0 : i32
      %dma_start3A_107 = arith.constant 0 : i32
      %dma_start3A_108 = tpu.memref_slice %arg3[%add3A, %dma_start3A_106, %dma_start3A_107] : memref<32x80x128xi32, #tpu.memory_space<hbm>> -> memref<1x40x128xi32, #tpu.memory_space<hbm>>
      %dma_start3A_109 = tpu.memref_squeeze %dma_start3A_108 : memref<1x40x128xi32, #tpu.memory_space<hbm>> -> memref<40x128xi32, #tpu.memory_space<hbm>>
      tpu.enqueue_dma source(%dma_start3A_109 : memref<40x128xi32, #tpu.memory_space<hbm>>) target(%arg6 : memref<40x128xi32, #tpu.memory_space<vmem>>) target_semaphore(%run_scoped3A_101 : memref<!tpu.dma_semaphore, #tpu.memory_space<semaphore_mem>>)
      %dma_wait3A_110 = arith.constant 0 : i32
      %dma_wait3A_111 = arith.constant 0 : i32
      %dma_wait3A_112 = tpu.memref_slice %arg3[%add3A, %dma_wait3A_110, %dma_wait3A_111] : memref<32x80x128xi32, #tpu.memory_space<hbm>> -> memref<1x40x128xi32, #tpu.memory_space<hbm>>
      %dma_wait3A_113 = tpu.memref_squeeze %dma_wait3A_112 : memref<1x40x128xi32, #tpu.memory_space<hbm>> -> memref<40x128xi32, #tpu.memory_space<hbm>>
      %dma_wait3A_114 = arith.constant 0 : i32
      %dma_wait3A_115 = arith.constant 0 : i32
      %dma_wait3A_116 = tpu.memref_slice %arg3[%add3A, %dma_wait3A_114, %dma_wait3A_115] : memref<32x80x128xi32, #tpu.memory_space<hbm>> -> memref<1x40x128xi32, #tpu.memory_space<hbm>>
      %dma_wait3A_117 = tpu.memref_squeeze %dma_wait3A_116 : memref<1x40x128xi32, #tpu.memory_space<hbm>> -> memref<40x128xi32, #tpu.memory_space<hbm>>
      tpu.wait_dma2 semaphore(%run_scoped3A_101 : memref<!tpu.dma_semaphore, #tpu.memory_space<semaphore_mem>>) src(%dma_wait3A_117 : memref<40x128xi32, #tpu.memory_space<hbm>>) dst(%arg6 : memref<40x128xi32, #tpu.memory_space<vmem>>)
      tpu.yield
    }) : () -> ()
    "tpu.region"() ({
      %run_scoped3A_101 = tpu.sem_alloc : memref<!tpu.dma_semaphore, #tpu.memory_space<semaphore_mem>>
      %dma_start3A_102 = arith.constant 0 : i32
      %dma_start3A_103 = arith.constant 0 : i32
      %dma_start3A_104 = tpu.memref_slice %arg4[%add3A, %dma_start3A_102, %dma_start3A_103] : memref<32x80x128xi32, #tpu.memory_space<hbm>> -> memref<1x40x128xi32, #tpu.memory_space<hbm>>
      %dma_start3A_105 = tpu.memref_squeeze %dma_start3A_104 : memref<1x40x128xi32, #tpu.memory_space<hbm>> -> memref<40x128xi32, #tpu.memory_space<hbm>>
      %dma_start3A_106 = arith.constant 0 : i32
      %dma_start3A_107 = arith.constant 0 : i32
      %dma_start3A_108 = tpu.memref_slice %arg4[%add3A, %dma_start3A_106, %dma_start3A_107] : memref<32x80x128xi32, #tpu.memory_space<hbm>> -> memref<1x40x128xi32, #tpu.memory_space<hbm>>
      %dma_start3A_109 = tpu.memref_squeeze %dma_start3A_108 : memref<1x40x128xi32, #tpu.memory_space<hbm>> -> memref<40x128xi32, #tpu.memory_space<hbm>>
      tpu.enqueue_dma source(%dma_start3A_109 : memref<40x128xi32, #tpu.memory_space<hbm>>) target(%arg7 : memref<40x128xi32, #tpu.memory_space<vmem>>) target_semaphore(%run_scoped3A_101 : memref<!tpu.dma_semaphore, #tpu.memory_space<semaphore_mem>>)
      %dma_wait3A_110 = arith.constant 0 : i32
      %dma_wait3A_111 = arith.constant 0 : i32
      %dma_wait3A_112 = tpu.memref_slice %arg4[%add3A, %dma_wait3A_110, %dma_wait3A_111] : memref<32x80x128xi32, #tpu.memory_space<hbm>> -> memref<1x40x128xi32, #tpu.memory_space<hbm>>
      %dma_wait3A_113 = tpu.memref_squeeze %dma_wait3A_112 : memref<1x40x128xi32, #tpu.memory_space<hbm>> -> memref<40x128xi32, #tpu.memory_space<hbm>>
      %dma_wait3A_114 = arith.constant 0 : i32
      %dma_wait3A_115 = arith.constant 0 : i32
      %dma_wait3A_116 = tpu.memref_slice %arg4[%add3A, %dma_wait3A_114, %dma_wait3A_115] : memref<32x80x128xi32, #tpu.memory_space<hbm>> -> memref<1x40x128xi32, #tpu.memory_space<hbm>>
      %dma_wait3A_117 = tpu.memref_squeeze %dma_wait3A_116 : memref<1x40x128xi32, #tpu.memory_space<hbm>> -> memref<40x128xi32, #tpu.memory_space<hbm>>
      tpu.wait_dma2 semaphore(%run_scoped3A_101 : memref<!tpu.dma_semaphore, #tpu.memory_space<semaphore_mem>>) src(%dma_wait3A_117 : memref<40x128xi32, #tpu.memory_space<hbm>>) dst(%arg7 : memref<40x128xi32, #tpu.memory_space<vmem>>)
      tpu.yield
    }) : () -> ()
    %dma_start3A = arith.constant 0 : i32
    %dma_start3A_1 = arith.constant 0 : i32
    %dma_start3A_2 = tpu.memref_slice %arg6[%dma_start3A, %dma_start3A_1] : memref<40x128xi32, #tpu.memory_space<vmem>> -> memref<1x128xi32, #tpu.memory_space<vmem>>
    %dma_start3A_3 = tpu.memref_squeeze %dma_start3A_2 : memref<1x128xi32, #tpu.memory_space<vmem>> -> memref<128xi32, #tpu.memory_space<vmem>>
    %dma_start3A_4 = arith.constant 0 : i32
    %dma_start3A_5 = arith.constant 0 : i32
    %dma_start3A_6 = tpu.memref_slice %arg2[%dma_start3A_4, %dma_start3A_5] : memref<10000x128xf32, #tpu.memory_space<hbm>> -> memref<10000x128xf32, #tpu.memory_space<hbm>>
    tpu.enqueue_indirect_dma source(%dma_start3A_6 : memref<10000x128xf32, #tpu.memory_space<hbm>>) target(%arg8 : memref<128x128xf32, #tpu.memory_space<vmem>>) offsets(%dma_start3A_3 : memref<128xi32, #tpu.memory_space<vmem>>) semaphore(%arg11 : memref<!tpu.dma_semaphore, #tpu.memory_space<semaphore_mem>>)
    %broadcast_in_dim3A = arith.constant 0.000000e+00 : f32
    %broadcast_in_dim3A_7 = vector.broadcast %broadcast_in_dim3A : f32 to vector<16xf32>
    %scan3A = arith.constant 0 : i32
    %scan3A_8 = arith.constant 0 : i32
    %scan3A_9 = arith.constant 128 : i32
    %scan3A_10 = arith.addi %scan3A_8, %scan3A_9 : i32
    %scan3A_11 = arith.constant 1 : i32
    scf.for %scan3A_101 = %scan3A_8 to %scan3A_10 step %scan3A_11  : i32 {
      %swap3A = arith.index_cast %scan3A_101 : i32 to index
      %swap3A_102 = arith.constant 0 : index
      %swap3A_103 = tpu.vector_load %arg9[%swap3A, %swap3A_102] {strides = array<i32>} : memref<128x128xf32, #tpu.memory_space<vmem>>, vector<1x16xf32>,
      %swap3A_104 = vector.shape_cast %swap3A_103 : vector<1x16xf32> to vector<16xf32>
      %swap3A_105 = vector.shape_cast %broadcast_in_dim3A_7 : vector<16xf32> to vector<1x16xf32>
      tpu.vector_store %arg9[%swap3A, %swap3A_102], %swap3A_105 {strides = array<i32>} : memref<128x128xf32, #tpu.memory_space<vmem>>, vector<1x16xf32>,
      %swap3A_106 = arith.index_cast %scan3A_101 : i32 to index
      %swap3A_107 = arith.constant 16 : index
      %swap3A_108 = tpu.vector_load %arg9[%swap3A_106, %swap3A_107] {strides = array<i32>} : memref<128x128xf32, #tpu.memory_space<vmem>>, vector<1x16xf32>,
      %swap3A_109 = vector.shape_cast %swap3A_108 : vector<1x16xf32> to vector<16xf32>
      %swap3A_110 = vector.shape_cast %broadcast_in_dim3A_7 : vector<16xf32> to vector<1x16xf32>
      tpu.vector_store %arg9[%swap3A_106, %swap3A_107], %swap3A_110 {strides = array<i32>} : memref<128x128xf32, #tpu.memory_space<vmem>>, vector<1x16xf32>,
      %swap3A_111 = arith.index_cast %scan3A_101 : i32 to index
      %swap3A_112 = arith.constant 32 : index
      %swap3A_113 = tpu.vector_load %arg9[%swap3A_111, %swap3A_112] {strides = array<i32>} : memref<128x128xf32, #tpu.memory_space<vmem>>, vector<1x16xf32>,
      %swap3A_114 = vector.shape_cast %swap3A_113 : vector<1x16xf32> to vector<16xf32>
      %swap3A_115 = vector.shape_cast %broadcast_in_dim3A_7 : vector<16xf32> to vector<1x16xf32>
      tpu.vector_store %arg9[%swap3A_111, %swap3A_112], %swap3A_115 {strides = array<i32>} : memref<128x128xf32, #tpu.memory_space<vmem>>, vector<1x16xf32>,
      %swap3A_116 = arith.index_cast %scan3A_101 : i32 to index
      %swap3A_117 = arith.constant 48 : index
      %swap3A_118 = tpu.vector_load %arg9[%swap3A_116, %swap3A_117] {strides = array<i32>} : memref<128x128xf32, #tpu.memory_space<vmem>>, vector<1x16xf32>,
      %swap3A_119 = vector.shape_cast %swap3A_118 : vector<1x16xf32> to vector<16xf32>
      %swap3A_120 = vector.shape_cast %broadcast_in_dim3A_7 : vector<16xf32> to vector<1x16xf32>
      tpu.vector_store %arg9[%swap3A_116, %swap3A_117], %swap3A_120 {strides = array<i32>} : memref<128x128xf32, #tpu.memory_space<vmem>>, vector<1x16xf32>,
      %swap3A_121 = arith.index_cast %scan3A_101 : i32 to index
      %swap3A_122 = arith.constant 64 : index
      %swap3A_123 = tpu.vector_load %arg9[%swap3A_121, %swap3A_122] {strides = array<i32>} : memref<128x128xf32, #tpu.memory_space<vmem>>, vector<1x16xf32>,
      %swap3A_124 = vector.shape_cast %swap3A_123 : vector<1x16xf32> to vector<16xf32>
      %swap3A_125 = vector.shape_cast %broadcast_in_dim3A_7 : vector<16xf32> to vector<1x16xf32>
      tpu.vector_store %arg9[%swap3A_121, %swap3A_122], %swap3A_125 {strides = array<i32>} : memref<128x128xf32, #tpu.memory_space<vmem>>, vector<1x16xf32>,
      %swap3A_126 = arith.index_cast %scan3A_101 : i32 to index
      %swap3A_127 = arith.constant 80 : index
      %swap3A_128 = tpu.vector_load %arg9[%swap3A_126, %swap3A_127] {strides = array<i32>} : memref<128x128xf32, #tpu.memory_space<vmem>>, vector<1x16xf32>,
      %swap3A_129 = vector.shape_cast %swap3A_128 : vector<1x16xf32> to vector<16xf32>
      %swap3A_130 = vector.shape_cast %broadcast_in_dim3A_7 : vector<16xf32> to vector<1x16xf32>
      tpu.vector_store %arg9[%swap3A_126, %swap3A_127], %swap3A_130 {strides = array<i32>} : memref<128x128xf32, #tpu.memory_space<vmem>>, vector<1x16xf32>,
      %swap3A_131 = arith.index_cast %scan3A_101 : i32 to index
      %swap3A_132 = arith.constant 96 : index
      %swap3A_133 = tpu.vector_load %arg9[%swap3A_131, %swap3A_132] {strides = array<i32>} : memref<128x128xf32, #tpu.memory_space<vmem>>, vector<1x16xf32>,
      %swap3A_134 = vector.shape_cast %swap3A_133 : vector<1x16xf32> to vector<16xf32>
      %swap3A_135 = vector.shape_cast %broadcast_in_dim3A_7 : vector<16xf32> to vector<1x16xf32>
      tpu.vector_store %arg9[%swap3A_131, %swap3A_132], %swap3A_135 {strides = array<i32>} : memref<128x128xf32, #tpu.memory_space<vmem>>, vector<1x16xf32>,
      %swap3A_136 = arith.index_cast %scan3A_101 : i32 to index
      %swap3A_137 = arith.constant 112 : index
      %swap3A_138 = tpu.vector_load %arg9[%swap3A_136, %swap3A_137] {strides = array<i32>} : memref<128x128xf32, #tpu.memory_space<vmem>>, vector<1x16xf32>,
      %swap3A_139 = vector.shape_cast %swap3A_138 : vector<1x16xf32> to vector<16xf32>
      %swap3A_140 = vector.shape_cast %broadcast_in_dim3A_7 : vector<16xf32> to vector<1x16xf32>
      tpu.vector_store %arg9[%swap3A_136, %swap3A_137], %swap3A_140 {strides = array<i32>} : memref<128x128xf32, #tpu.memory_space<vmem>>, vector<1x16xf32>,
    }
    %scan3A_12 = arith.constant 128 : i32
    %mul3A_13 = arith.constant 640 : i32
    %mul3A_14 = arith.muli %arg1, %mul3A_13 : i32
    %add3A_15 = arith.constant 0 : i32
    %add3A_16 = arith.addi %mul3A_14, %add3A_15 : i32
    "tpu.region"() ({
      %run_scoped3A_101 = tpu.sem_alloc : memref<!tpu.dma_semaphore, #tpu.memory_space<semaphore_mem>>
      %dma_start3A_102 = arith.constant 0 : i32
      %dma_start3A_103 = tpu.memref_slice %arg10[%add3A_16, %dma_start3A_102] : memref<10240x128xf32, #tpu.memory_space<vmem_shared>> -> memref<128x128xf32, #tpu.memory_space<vmem_shared>>
      %dma_start3A_104 = arith.constant 0 : i32
      %dma_start3A_105 = tpu.memref_slice %arg10[%add3A_16, %dma_start3A_104] : memref<10240x128xf32, #tpu.memory_space<vmem_shared>> -> memref<128x128xf32, #tpu.memory_space<vmem_shared>>
      tpu.enqueue_dma source(%arg9 : memref<128x128xf32, #tpu.memory_space<vmem>>) target(%dma_start3A_105 : memref<128x128xf32, #tpu.memory_space<vmem_shared>>) target_semaphore(%run_scoped3A_101 : memref<!tpu.dma_semaphore, #tpu.memory_space<semaphore_mem>>)
      %dma_wait3A_106 = arith.constant 0 : i32
      %dma_wait3A_107 = tpu.memref_slice %arg10[%add3A_16, %dma_wait3A_106] : memref<10240x128xf32, #tpu.memory_space<vmem_shared>> -> memref<128x128xf32, #tpu.memory_space<vmem_shared>>
      %dma_wait3A_108 = arith.constant 0 : i32
      %dma_wait3A_109 = tpu.memref_slice %arg10[%add3A_16, %dma_wait3A_108] : memref<10240x128xf32, #tpu.memory_space<vmem_shared>> -> memref<128x128xf32, #tpu.memory_space<vmem_shared>>
      tpu.wait_dma2 semaphore(%run_scoped3A_101 : memref<!tpu.dma_semaphore, #tpu.memory_space<semaphore_mem>>) src(%arg9 : memref<128x128xf32, #tpu.memory_space<vmem>>) dst(%dma_wait3A_109 : memref<128x128xf32, #tpu.memory_space<vmem_shared>>)
      tpu.yield
    }) : () -> ()
    %mul3A_17 = arith.constant 640 : i32
    %mul3A_18 = arith.muli %arg1, %mul3A_17 : i32
    %add3A_19 = arith.constant 128 : i32
    %add3A_20 = arith.addi %mul3A_18, %add3A_19 : i32
    "tpu.region"() ({
      %run_scoped3A_101 = tpu.sem_alloc : memref<!tpu.dma_semaphore, #tpu.memory_space<semaphore_mem>>
      %dma_start3A_102 = arith.constant 0 : i32
      %dma_start3A_103 = tpu.memref_slice %arg10[%add3A_20, %dma_start3A_102] : memref<10240x128xf32, #tpu.memory_space<vmem_shared>> -> memref<128x128xf32, #tpu.memory_space<vmem_shared>>
      %dma_start3A_104 = arith.constant 0 : i32
      %dma_start3A_105 = tpu.memref_slice %arg10[%add3A_20, %dma_start3A_104] : memref<10240x128xf32, #tpu.memory_space<vmem_shared>> -> memref<128x128xf32, #tpu.memory_space<vmem_shared>>
      tpu.enqueue_dma source(%arg9 : memref<128x128xf32, #tpu.memory_space<vmem>>) target(%dma_start3A_105 : memref<128x128xf32, #tpu.memory_space<vmem_shared>>) target_semaphore(%run_scoped3A_101 : memref<!tpu.dma_semaphore, #tpu.memory_space<semaphore_mem>>)
      %dma_wait3A_106 = arith.constant 0 : i32
      %dma_wait3A_107 = tpu.memref_slice %arg10[%add3A_20, %dma_wait3A_106] : memref<10240x128xf32, #tpu.memory_space<vmem_shared>> -> memref<128x128xf32, #tpu.memory_space<vmem_shared>>
      %dma_wait3A_108 = arith.constant 0 : i32
      %dma_wait3A_109 = tpu.memref_slice %arg10[%add3A_20, %dma_wait3A_108] : memref<10240x128xf32, #tpu.memory_space<vmem_shared>> -> memref<128x128xf32, #tpu.memory_space<vmem_shared>>
      tpu.wait_dma2 semaphore(%run_scoped3A_101 : memref<!tpu.dma_semaphore, #tpu.memory_space<semaphore_mem>>) src(%arg9 : memref<128x128xf32, #tpu.memory_space<vmem>>) dst(%dma_wait3A_109 : memref<128x128xf32, #tpu.memory_space<vmem_shared>>)
      tpu.yield
    }) : () -> ()
    %mul3A_21 = arith.constant 640 : i32
    %mul3A_22 = arith.muli %arg1, %mul3A_21 : i32
    %add3A_23 = arith.constant 256 : i32
    %add3A_24 = arith.addi %mul3A_22, %add3A_23 : i32
    "tpu.region"() ({
      %run_scoped3A_101 = tpu.sem_alloc : memref<!tpu.dma_semaphore, #tpu.memory_space<semaphore_mem>>
      %dma_start3A_102 = arith.constant 0 : i32
      %dma_start3A_103 = tpu.memref_slice %arg10[%add3A_24, %dma_start3A_102] : memref<10240x128xf32, #tpu.memory_space<vmem_shared>> -> memref<128x128xf32, #tpu.memory_space<vmem_shared>>
      %dma_start3A_104 = arith.constant 0 : i32
      %dma_start3A_105 = tpu.memref_slice %arg10[%add3A_24, %dma_start3A_104] : memref<10240x128xf32, #tpu.memory_space<vmem_shared>> -> memref<128x128xf32, #tpu.memory_space<vmem_shared>>
      tpu.enqueue_dma source(%arg9 : memref<128x128xf32, #tpu.memory_space<vmem>>) target(%dma_start3A_105 : memref<128x128xf32, #tpu.memory_space<vmem_shared>>) target_semaphore(%run_scoped3A_101 : memref<!tpu.dma_semaphore, #tpu.memory_space<semaphore_mem>>)
      %dma_wait3A_106 = arith.constant 0 : i32
      %dma_wait3A_107 = tpu.memref_slice %arg10[%add3A_24, %dma_wait3A_106] : memref<10240x128xf32, #tpu.memory_space<vmem_shared>> -> memref<128x128xf32, #tpu.memory_space<vmem_shared>>
      %dma_wait3A_108 = arith.constant 0 : i32
      %dma_wait3A_109 = tpu.memref_slice %arg10[%add3A_24, %dma_wait3A_108] : memref<10240x128xf32, #tpu.memory_space<vmem_shared>> -> memref<128x128xf32, #tpu.memory_space<vmem_shared>>
      tpu.wait_dma2 semaphore(%run_scoped3A_101 : memref<!tpu.dma_semaphore, #tpu.memory_space<semaphore_mem>>) src(%arg9 : memref<128x128xf32, #tpu.memory_space<vmem>>) dst(%dma_wait3A_109 : memref<128x128xf32, #tpu.memory_space<vmem_shared>>)
      tpu.yield
    }) : () -> ()
    %mul3A_25 = arith.constant 640 : i32
    %mul3A_26 = arith.muli %arg1, %mul3A_25 : i32
    %add3A_27 = arith.constant 384 : i32
    %add3A_28 = arith.addi %mul3A_26, %add3A_27 : i32
    "tpu.region"() ({
      %run_scoped3A_101 = tpu.sem_alloc : memref<!tpu.dma_semaphore, #tpu.memory_space<semaphore_mem>>
      %dma_start3A_102 = arith.constant 0 : i32
      %dma_start3A_103 = tpu.memref_slice %arg10[%add3A_28, %dma_start3A_102] : memref<10240x128xf32, #tpu.memory_space<vmem_shared>> -> memref<128x128xf32, #tpu.memory_space<vmem_shared>>
      %dma_start3A_104 = arith.constant 0 : i32
      %dma_start3A_105 = tpu.memref_slice %arg10[%add3A_28, %dma_start3A_104] : memref<10240x128xf32, #tpu.memory_space<vmem_shared>> -> memref<128x128xf32, #tpu.memory_space<vmem_shared>>
      tpu.enqueue_dma source(%arg9 : memref<128x128xf32, #tpu.memory_space<vmem>>) target(%dma_start3A_105 : memref<128x128xf32, #tpu.memory_space<vmem_shared>>) target_semaphore(%run_scoped3A_101 : memref<!tpu.dma_semaphore, #tpu.memory_space<semaphore_mem>>)
      %dma_wait3A_106 = arith.constant 0 : i32
      %dma_wait3A_107 = tpu.memref_slice %arg10[%add3A_28, %dma_wait3A_106] : memref<10240x128xf32, #tpu.memory_space<vmem_shared>> -> memref<128x128xf32, #tpu.memory_space<vmem_shared>>
      %dma_wait3A_108 = arith.constant 0 : i32
      %dma_wait3A_109 = tpu.memref_slice %arg10[%add3A_28, %dma_wait3A_108] : memref<10240x128xf32, #tpu.memory_space<vmem_shared>> -> memref<128x128xf32, #tpu.memory_space<vmem_shared>>
      tpu.wait_dma2 semaphore(%run_scoped3A_101 : memref<!tpu.dma_semaphore, #tpu.memory_space<semaphore_mem>>) src(%arg9 : memref<128x128xf32, #tpu.memory_space<vmem>>) dst(%dma_wait3A_109 : memref<128x128xf32, #tpu.memory_space<vmem_shared>>)
      tpu.yield
    }) : () -> ()
    %mul3A_29 = arith.constant 640 : i32
    %mul3A_30 = arith.muli %arg1, %mul3A_29 : i32
    %add3A_31 = arith.constant 512 : i32
    %add3A_32 = arith.addi %mul3A_30, %add3A_31 : i32
    "tpu.region"() ({
      %run_scoped3A_101 = tpu.sem_alloc : memref<!tpu.dma_semaphore, #tpu.memory_space<semaphore_mem>>
      %dma_start3A_102 = arith.constant 0 : i32
      %dma_start3A_103 = tpu.memref_slice %arg10[%add3A_32, %dma_start3A_102] : memref<10240x128xf32, #tpu.memory_space<vmem_shared>> -> memref<128x128xf32, #tpu.memory_space<vmem_shared>>
      %dma_start3A_104 = arith.constant 0 : i32
      %dma_start3A_105 = tpu.memref_slice %arg10[%add3A_32, %dma_start3A_104] : memref<10240x128xf32, #tpu.memory_space<vmem_shared>> -> memref<128x128xf32, #tpu.memory_space<vmem_shared>>
      tpu.enqueue_dma source(%arg9 : memref<128x128xf32, #tpu.memory_space<vmem>>) target(%dma_start3A_105 : memref<128x128xf32, #tpu.memory_space<vmem_shared>>) target_semaphore(%run_scoped3A_101 : memref<!tpu.dma_semaphore, #tpu.memory_space<semaphore_mem>>)
      %dma_wait3A_106 = arith.constant 0 : i32
      %dma_wait3A_107 = tpu.memref_slice %arg10[%add3A_32, %dma_wait3A_106] : memref<10240x128xf32, #tpu.memory_space<vmem_shared>> -> memref<128x128xf32, #tpu.memory_space<vmem_shared>>
      %dma_wait3A_108 = arith.constant 0 : i32
      %dma_wait3A_109 = tpu.memref_slice %arg10[%add3A_32, %dma_wait3A_108] : memref<10240x128xf32, #tpu.memory_space<vmem_shared>> -> memref<128x128xf32, #tpu.memory_space<vmem_shared>>
      tpu.wait_dma2 semaphore(%run_scoped3A_101 : memref<!tpu.dma_semaphore, #tpu.memory_space<semaphore_mem>>) src(%arg9 : memref<128x128xf32, #tpu.memory_space<vmem>>) dst(%dma_wait3A_109 : memref<128x128xf32, #tpu.memory_space<vmem_shared>>)
      tpu.yield
    }) : () -> ()
    %barrier3A = arith.constant 0 : index
    tpu.barrier barrier_id(%barrier3A)
    %scan3A_33 = arith.constant 0 : i32
    %scan3A_34 = arith.constant 0 : i32
    %scan3A_35 = arith.constant 19 : i32
    %scan3A_36 = arith.addi %scan3A_34, %scan3A_35 : i32
    %scan3A_37 = arith.constant 1 : i32
    scf.for %scan3A_101 = %scan3A_34 to %scan3A_36 step %scan3A_37  : i32 {
      %mul3A_102 = arith.constant 2 : i32
      %mul3A_103 = arith.muli %scan3A_101, %mul3A_102 : i32
      %add3A_104 = arith.constant 1 : i32
      %add3A_105 = arith.addi %mul3A_103, %add3A_104 : i32
      %dma_start3A_106 = arith.constant 0 : i32
      %dma_start3A_107 = tpu.memref_slice %arg6[%add3A_105, %dma_start3A_106] : memref<40x128xi32, #tpu.memory_space<vmem>> -> memref<1x128xi32, #tpu.memory_space<vmem>>
      %dma_start3A_108 = tpu.memref_squeeze %dma_start3A_107 : memref<1x128xi32, #tpu.memory_space<vmem>> -> memref<128xi32, #tpu.memory_space<vmem>>
      %dma_start3A_109 = arith.constant 0 : i32
      %dma_start3A_110 = arith.constant 0 : i32
      %dma_start3A_111 = tpu.memref_slice %arg2[%dma_start3A_109, %dma_start3A_110] : memref<10000x128xf32, #tpu.memory_space<hbm>> -> memref<10000x128xf32, #tpu.memory_space<hbm>>
      tpu.enqueue_indirect_dma source(%dma_start3A_111 : memref<10000x128xf32, #tpu.memory_space<hbm>>) target(%arg9 : memref<128x128xf32, #tpu.memory_space<vmem>>) offsets(%dma_start3A_108 : memref<128xi32, #tpu.memory_space<vmem>>) semaphore(%arg12 : memref<!tpu.dma_semaphore, #tpu.memory_space<semaphore_mem>>)
      %dma_wait3A_112 = arith.constant 0 : i32
      %dma_wait3A_113 = tpu.memref_slice %arg6[%mul3A_103, %dma_wait3A_112] : memref<40x128xi32, #tpu.memory_space<vmem>> -> memref<1x128xi32, #tpu.memory_space<vmem>>
      %dma_wait3A_114 = tpu.memref_squeeze %dma_wait3A_113 : memref<1x128xi32, #tpu.memory_space<vmem>> -> memref<128xi32, #tpu.memory_space<vmem>>
      %dma_wait3A_115 = arith.constant 0 : i32
      %dma_wait3A_116 = arith.constant 0 : i32
      %dma_wait3A_117 = tpu.memref_slice %arg2[%dma_wait3A_115, %dma_wait3A_116] : memref<10000x128xf32, #tpu.memory_space<hbm>> -> memref<10000x128xf32, #tpu.memory_space<hbm>>
      tpu.wait_indirect_dma semaphore(%arg11 : memref<!tpu.dma_semaphore, #tpu.memory_space<semaphore_mem>>) src(%dma_wait3A_117 : memref<10000x128xf32, #tpu.memory_space<hbm>>) dst(%arg8 : memref<128x128xf32, #tpu.memory_space<vmem>>)
      "tpu.region"() ({
        %run_scoped3A_136 = tpu.sem_alloc : memref<!tpu.dma_semaphore, #tpu.memory_space<semaphore_mem>>
        %dma_start3A_137 = arith.constant 0 : i32
        %dma_start3A_138 = tpu.memref_slice %arg7[%mul3A_103, %dma_start3A_137] : memref<40x128xi32, #tpu.memory_space<vmem>> -> memref<1x128xi32, #tpu.memory_space<vmem>>
        %dma_start3A_139 = tpu.memref_squeeze %dma_start3A_138 : memref<1x128xi32, #tpu.memory_space<vmem>> -> memref<128xi32, #tpu.memory_space<vmem>>
        %dma_start3A_140 = arith.constant 0 : i32
        %dma_start3A_141 = arith.constant 0 : i32
        %dma_start3A_142 = tpu.memref_slice %arg10[%dma_start3A_140, %dma_start3A_141] : memref<10240x128xf32, #tpu.memory_space<vmem_shared>> -> memref<10240x128xf32, #tpu.memory_space<vmem_shared>>
        tpu.enqueue_indirect_dma source(%arg8 : memref<128x128xf32, #tpu.memory_space<vmem>>) target(%dma_start3A_142 : memref<10240x128xf32, #tpu.memory_space<vmem_shared>>) offsets(%dma_start3A_139 : memref<128xi32, #tpu.memory_space<vmem>>) semaphore(%run_scoped3A_136 : memref<!tpu.dma_semaphore, #tpu.memory_space<semaphore_mem>>) {add = true}
        %dma_wait3A_143 = arith.constant 0 : i32
        %dma_wait3A_144 = tpu.memref_slice %arg7[%mul3A_103, %dma_wait3A_143] : memref<40x128xi32, #tpu.memory_space<vmem>> -> memref<1x128xi32, #tpu.memory_space<vmem>>
        %dma_wait3A_145 = tpu.memref_squeeze %dma_wait3A_144 : memref<1x128xi32, #tpu.memory_space<vmem>> -> memref<128xi32, #tpu.memory_space<vmem>>
        %dma_wait3A_146 = arith.constant 0 : i32
        %dma_wait3A_147 = arith.constant 0 : i32
        %dma_wait3A_148 = tpu.memref_slice %arg10[%dma_wait3A_146, %dma_wait3A_147] : memref<10240x128xf32, #tpu.memory_space<vmem_shared>> -> memref<10240x128xf32, #tpu.memory_space<vmem_shared>>
        tpu.wait_indirect_dma semaphore(%run_scoped3A_136 : memref<!tpu.dma_semaphore, #tpu.memory_space<semaphore_mem>>) src(%arg8 : memref<128x128xf32, #tpu.memory_space<vmem>>) dst(%dma_wait3A_148 : memref<10240x128xf32, #tpu.memory_space<vmem_shared>>)
        tpu.yield
      }) : () -> ()
      %mul3A_118 = arith.constant 2 : i32
      %mul3A_119 = arith.muli %scan3A_101, %mul3A_118 : i32
      %add3A_120 = arith.constant 1 : i32
      %add3A_121 = arith.addi %mul3A_119, %add3A_120 : i32
      %add3A_122 = arith.constant 1 : i32
      %add3A_123 = arith.addi %add3A_121, %add3A_122 : i32
      %dma_start3A_124 = arith.constant 0 : i32
      %dma_start3A_125 = tpu.memref_slice %arg6[%add3A_123, %dma_start3A_124] : memref<40x128xi32, #tpu.memory_space<vmem>> -> memref<1x128xi32, #tpu.memory_space<vmem>>
      %dma_start3A_126 = tpu.memref_squeeze %dma_start3A_125 : memref<1x128xi32, #tpu.memory_space<vmem>> -> memref<128xi32, #tpu.memory_space<vmem>>
      %dma_start3A_127 = arith.constant 0 : i32
      %dma_start3A_128 = arith.constant 0 : i32
      %dma_start3A_129 = tpu.memref_slice %arg2[%dma_start3A_127, %dma_start3A_128] : memref<10000x128xf32, #tpu.memory_space<hbm>> -> memref<10000x128xf32, #tpu.memory_space<hbm>>
      tpu.enqueue_indirect_dma source(%dma_start3A_129 : memref<10000x128xf32, #tpu.memory_space<hbm>>) target(%arg8 : memref<128x128xf32, #tpu.memory_space<vmem>>) offsets(%dma_start3A_126 : memref<128xi32, #tpu.memory_space<vmem>>) semaphore(%arg11 : memref<!tpu.dma_semaphore, #tpu.memory_space<semaphore_mem>>)
      %dma_wait3A_130 = arith.constant 0 : i32
      %dma_wait3A_131 = tpu.memref_slice %arg6[%add3A_121, %dma_wait3A_130] : memref<40x128xi32, #tpu.memory_space<vmem>> -> memref<1x128xi32, #tpu.memory_space<vmem>>
      %dma_wait3A_132 = tpu.memref_squeeze %dma_wait3A_131 : memref<1x128xi32, #tpu.memory_space<vmem>> -> memref<128xi32, #tpu.memory_space<vmem>>
      %dma_wait3A_133 = arith.constant 0 : i32
      %dma_wait3A_134 = arith.constant 0 : i32
      %dma_wait3A_135 = tpu.memref_slice %arg2[%dma_wait3A_133, %dma_wait3A_134] : memref<10000x128xf32, #tpu.memory_space<hbm>> -> memref<10000x128xf32, #tpu.memory_space<hbm>>
      tpu.wait_indirect_dma semaphore(%arg12 : memref<!tpu.dma_semaphore, #tpu.memory_space<semaphore_mem>>) src(%dma_wait3A_135 : memref<10000x128xf32, #tpu.memory_space<hbm>>) dst(%arg9 : memref<128x128xf32, #tpu.memory_space<vmem>>)
      "tpu.region"() ({
        %run_scoped3A_136 = tpu.sem_alloc : memref<!tpu.dma_semaphore, #tpu.memory_space<semaphore_mem>>
        %dma_start3A_137 = arith.constant 0 : i32
        %dma_start3A_138 = tpu.memref_slice %arg7[%add3A_121, %dma_start3A_137] : memref<40x128xi32, #tpu.memory_space<vmem>> -> memref<1x128xi32, #tpu.memory_space<vmem>>
        %dma_start3A_139 = tpu.memref_squeeze %dma_start3A_138 : memref<1x128xi32, #tpu.memory_space<vmem>> -> memref<128xi32, #tpu.memory_space<vmem>>
        %dma_start3A_140 = arith.constant 0 : i32
        %dma_start3A_141 = arith.constant 0 : i32
        %dma_start3A_142 = tpu.memref_slice %arg10[%dma_start3A_140, %dma_start3A_141] : memref<10240x128xf32, #tpu.memory_space<vmem_shared>> -> memref<10240x128xf32, #tpu.memory_space<vmem_shared>>
        tpu.enqueue_indirect_dma source(%arg9 : memref<128x128xf32, #tpu.memory_space<vmem>>) target(%dma_start3A_142 : memref<10240x128xf32, #tpu.memory_space<vmem_shared>>) offsets(%dma_start3A_139 : memref<128xi32, #tpu.memory_space<vmem>>) semaphore(%run_scoped3A_136 : memref<!tpu.dma_semaphore, #tpu.memory_space<semaphore_mem>>) {add = true}
        %dma_wait3A_143 = arith.constant 0 : i32
        %dma_wait3A_144 = tpu.memref_slice %arg7[%add3A_121, %dma_wait3A_143] : memref<40x128xi32, #tpu.memory_space<vmem>> -> memref<1x128xi32, #tpu.memory_space<vmem>>
        %dma_wait3A_145 = tpu.memref_squeeze %dma_wait3A_144 : memref<1x128xi32, #tpu.memory_space<vmem>> -> memref<128xi32, #tpu.memory_space<vmem>>
        %dma_wait3A_146 = arith.constant 0 : i32
        %dma_wait3A_147 = arith.constant 0 : i32
        %dma_wait3A_148 = tpu.memref_slice %arg10[%dma_wait3A_146, %dma_wait3A_147] : memref<10240x128xf32, #tpu.memory_space<vmem_shared>> -> memref<10240x128xf32, #tpu.memory_space<vmem_shared>>
        tpu.wait_indirect_dma semaphore(%run_scoped3A_136 : memref<!tpu.dma_semaphore, #tpu.memory_space<semaphore_mem>>) src(%arg9 : memref<128x128xf32, #tpu.memory_space<vmem>>) dst(%dma_wait3A_148 : memref<10240x128xf32, #tpu.memory_space<vmem_shared>>)
        tpu.yield
      }) : () -> ()
    }
    %scan3A_38 = arith.constant 19 : i32
    %dma_start3A_39 = arith.constant 39 : i32
    %dma_start3A_40 = arith.constant 0 : i32
    %dma_start3A_41 = tpu.memref_slice %arg6[%dma_start3A_39, %dma_start3A_40] : memref<40x128xi32, #tpu.memory_space<vmem>> -> memref<1x128xi32, #tpu.memory_space<vmem>>
    %dma_start3A_42 = tpu.memref_squeeze %dma_start3A_41 : memref<1x128xi32, #tpu.memory_space<vmem>> -> memref<128xi32, #tpu.memory_space<vmem>>
    %dma_start3A_43 = arith.constant 0 : i32
    %dma_start3A_44 = arith.constant 0 : i32
    %dma_start3A_45 = tpu.memref_slice %arg2[%dma_start3A_43, %dma_start3A_44] : memref<10000x128xf32, #tpu.memory_space<hbm>> -> memref<10000x128xf32, #tpu.memory_space<hbm>>
    tpu.enqueue_indirect_dma source(%dma_start3A_45 : memref<10000x128xf32, #tpu.memory_space<hbm>>) target(%arg9 : memref<128x128xf32, #tpu.memory_space<vmem>>) offsets(%dma_start3A_42 : memref<128xi32, #tpu.memory_space<vmem>>) semaphore(%arg12 : memref<!tpu.dma_semaphore, #tpu.memory_space<semaphore_mem>>)
    %dma_wait3A = arith.constant 38 : i32
    %dma_wait3A_46 = arith.constant 0 : i32
    %dma_wait3A_47 = tpu.memref_slice %arg6[%dma_wait3A, %dma_wait3A_46] : memref<40x128xi32, #tpu.memory_space<vmem>> -> memref<1x128xi32, #tpu.memory_space<vmem>>
    %dma_wait3A_48 = tpu.memref_squeeze %dma_wait3A_47 : memref<1x128xi32, #tpu.memory_space<vmem>> -> memref<128xi32, #tpu.memory_space<vmem>>
    %dma_wait3A_49 = arith.constant 0 : i32
    %dma_wait3A_50 = arith.constant 0 : i32
    %dma_wait3A_51 = tpu.memref_slice %arg2[%dma_wait3A_49, %dma_wait3A_50] : memref<10000x128xf32, #tpu.memory_space<hbm>> -> memref<10000x128xf32, #tpu.memory_space<hbm>>
    tpu.wait_indirect_dma semaphore(%arg11 : memref<!tpu.dma_semaphore, #tpu.memory_space<semaphore_mem>>) src(%dma_wait3A_51 : memref<10000x128xf32, #tpu.memory_space<hbm>>) dst(%arg8 : memref<128x128xf32, #tpu.memory_space<vmem>>)
    %run_scoped3A = arith.constant 38 : i32
    "tpu.region"() ({
      %run_scoped3A_101 = tpu.sem_alloc : memref<!tpu.dma_semaphore, #tpu.memory_space<semaphore_mem>>
      %dma_start3A_102 = arith.constant 0 : i32
      %dma_start3A_103 = tpu.memref_slice %arg7[%run_scoped3A, %dma_start3A_102] : memref<40x128xi32, #tpu.memory_space<vmem>> -> memref<1x128xi32, #tpu.memory_space<vmem>>
      %dma_start3A_104 = tpu.memref_squeeze %dma_start3A_103 : memref<1x128xi32, #tpu.memory_space<vmem>> -> memref<128xi32, #tpu.memory_space<vmem>>
      %dma_start3A_105 = arith.constant 0 : i32
      %dma_start3A_106 = arith.constant 0 : i32
      %dma_start3A_107 = tpu.memref_slice %arg10[%dma_start3A_105, %dma_start3A_106] : memref<10240x128xf32, #tpu.memory_space<vmem_shared>> -> memref<10240x128xf32, #tpu.memory_space<vmem_shared>>
      tpu.enqueue_indirect_dma source(%arg8 : memref<128x128xf32, #tpu.memory_space<vmem>>) target(%dma_start3A_107 : memref<10240x128xf32, #tpu.memory_space<vmem_shared>>) offsets(%dma_start3A_104 : memref<128xi32, #tpu.memory_space<vmem>>) semaphore(%run_scoped3A_101 : memref<!tpu.dma_semaphore, #tpu.memory_space<semaphore_mem>>) {add = true}
      %dma_wait3A_108 = arith.constant 0 : i32
      %dma_wait3A_109 = tpu.memref_slice %arg7[%run_scoped3A, %dma_wait3A_108] : memref<40x128xi32, #tpu.memory_space<vmem>> -> memref<1x128xi32, #tpu.memory_space<vmem>>
      %dma_wait3A_110 = tpu.memref_squeeze %dma_wait3A_109 : memref<1x128xi32, #tpu.memory_space<vmem>> -> memref<128xi32, #tpu.memory_space<vmem>>
      %dma_wait3A_111 = arith.constant 0 : i32
      %dma_wait3A_112 = arith.constant 0 : i32
      %dma_wait3A_113 = tpu.memref_slice %arg10[%dma_wait3A_111, %dma_wait3A_112] : memref<10240x128xf32, #tpu.memory_space<vmem_shared>> -> memref<10240x128xf32, #tpu.memory_space<vmem_shared>>
      tpu.wait_indirect_dma semaphore(%run_scoped3A_101 : memref<!tpu.dma_semaphore, #tpu.memory_space<semaphore_mem>>) src(%arg8 : memref<128x128xf32, #tpu.memory_space<vmem>>) dst(%dma_wait3A_113 : memref<10240x128xf32, #tpu.memory_space<vmem_shared>>)
      tpu.yield
    }) : () -> ()
    %dma_wait3A_52 = arith.constant 39 : i32
    %dma_wait3A_53 = arith.constant 0 : i32
    %dma_wait3A_54 = tpu.memref_slice %arg6[%dma_wait3A_52, %dma_wait3A_53] : memref<40x128xi32, #tpu.memory_space<vmem>> -> memref<1x128xi32, #tpu.memory_space<vmem>>
    %dma_wait3A_55 = tpu.memref_squeeze %dma_wait3A_54 : memref<1x128xi32, #tpu.memory_space<vmem>> -> memref<128xi32, #tpu.memory_space<vmem>>
    %dma_wait3A_56 = arith.constant 0 : i32
    %dma_wait3A_57 = arith.constant 0 : i32
    %dma_wait3A_58 = tpu.memref_slice %arg2[%dma_wait3A_56, %dma_wait3A_57] : memref<10000x128xf32, #tpu.memory_space<hbm>> -> memref<10000x128xf32, #tpu.memory_space<hbm>>
    tpu.wait_indirect_dma semaphore(%arg12 : memref<!tpu.dma_semaphore, #tpu.memory_space<semaphore_mem>>) src(%dma_wait3A_58 : memref<10000x128xf32, #tpu.memory_space<hbm>>) dst(%arg9 : memref<128x128xf32, #tpu.memory_space<vmem>>)
    %run_scoped3A_59 = arith.constant 39 : i32
    "tpu.region"() ({
      %run_scoped3A_101 = tpu.sem_alloc : memref<!tpu.dma_semaphore, #tpu.memory_space<semaphore_mem>>
      %dma_start3A_102 = arith.constant 0 : i32
      %dma_start3A_103 = tpu.memref_slice %arg7[%run_scoped3A_59, %dma_start3A_102] : memref<40x128xi32, #tpu.memory_space<vmem>> -> memref<1x128xi32, #tpu.memory_space<vmem>>
      %dma_start3A_104 = tpu.memref_squeeze %dma_start3A_103 : memref<1x128xi32, #tpu.memory_space<vmem>> -> memref<128xi32, #tpu.memory_space<vmem>>
      %dma_start3A_105 = arith.constant 0 : i32
      %dma_start3A_106 = arith.constant 0 : i32
      %dma_start3A_107 = tpu.memref_slice %arg10[%dma_start3A_105, %dma_start3A_106] : memref<10240x128xf32, #tpu.memory_space<vmem_shared>> -> memref<10240x128xf32, #tpu.memory_space<vmem_shared>>
      tpu.enqueue_indirect_dma source(%arg9 : memref<128x128xf32, #tpu.memory_space<vmem>>) target(%dma_start3A_107 : memref<10240x128xf32, #tpu.memory_space<vmem_shared>>) offsets(%dma_start3A_104 : memref<128xi32, #tpu.memory_space<vmem>>) semaphore(%run_scoped3A_101 : memref<!tpu.dma_semaphore, #tpu.memory_space<semaphore_mem>>) {add = true}
      %dma_wait3A_108 = arith.constant 0 : i32
      %dma_wait3A_109 = tpu.memref_slice %arg7[%run_scoped3A_59, %dma_wait3A_108] : memref<40x128xi32, #tpu.memory_space<vmem>> -> memref<1x128xi32, #tpu.memory_space<vmem>>
      %dma_wait3A_110 = tpu.memref_squeeze %dma_wait3A_109 : memref<1x128xi32, #tpu.memory_space<vmem>> -> memref<128xi32, #tpu.memory_space<vmem>>
      %dma_wait3A_111 = arith.constant 0 : i32
      %dma_wait3A_112 = arith.constant 0 : i32
      %dma_wait3A_113 = tpu.memref_slice %arg10[%dma_wait3A_111, %dma_wait3A_112] : memref<10240x128xf32, #tpu.memory_space<vmem_shared>> -> memref<10240x128xf32, #tpu.memory_space<vmem_shared>>
      tpu.wait_indirect_dma semaphore(%run_scoped3A_101 : memref<!tpu.dma_semaphore, #tpu.memory_space<semaphore_mem>>) src(%arg9 : memref<128x128xf32, #tpu.memory_space<vmem>>) dst(%dma_wait3A_113 : memref<10240x128xf32, #tpu.memory_space<vmem_shared>>)
      tpu.yield
    }) : () -> ()
    "tpu.region"() ({
      %run_scoped3A_101 = tpu.sem_alloc : memref<!tpu.dma_semaphore, #tpu.memory_space<semaphore_mem>>
      %dma_start3A_102 = arith.constant 40 : i32
      %dma_start3A_103 = arith.constant 0 : i32
      %dma_start3A_104 = tpu.memref_slice %arg3[%add3A, %dma_start3A_102, %dma_start3A_103] : memref<32x80x128xi32, #tpu.memory_space<hbm>> -> memref<1x40x128xi32, #tpu.memory_space<hbm>>
      %dma_start3A_105 = tpu.memref_squeeze %dma_start3A_104 : memref<1x40x128xi32, #tpu.memory_space<hbm>> -> memref<40x128xi32, #tpu.memory_space<hbm>>
      %dma_start3A_106 = arith.constant 40 : i32
      %dma_start3A_107 = arith.constant 0 : i32
      %dma_start3A_108 = tpu.memref_slice %arg3[%add3A, %dma_start3A_106, %dma_start3A_107] : memref<32x80x128xi32, #tpu.memory_space<hbm>> -> memref<1x40x128xi32, #tpu.memory_space<hbm>>
      %dma_start3A_109 = tpu.memref_squeeze %dma_start3A_108 : memref<1x40x128xi32, #tpu.memory_space<hbm>> -> memref<40x128xi32, #tpu.memory_space<hbm>>
      tpu.enqueue_dma source(%dma_start3A_109 : memref<40x128xi32, #tpu.memory_space<hbm>>) target(%arg6 : memref<40x128xi32, #tpu.memory_space<vmem>>) target_semaphore(%run_scoped3A_101 : memref<!tpu.dma_semaphore, #tpu.memory_space<semaphore_mem>>)
      %dma_wait3A_110 = arith.constant 40 : i32
      %dma_wait3A_111 = arith.constant 0 : i32
      %dma_wait3A_112 = tpu.memref_slice %arg3[%add3A, %dma_wait3A_110, %dma_wait3A_111] : memref<32x80x128xi32, #tpu.memory_space<hbm>> -> memref<1x40x128xi32, #tpu.memory_space<hbm>>
      %dma_wait3A_113 = tpu.memref_squeeze %dma_wait3A_112 : memref<1x40x128xi32, #tpu.memory_space<hbm>> -> memref<40x128xi32, #tpu.memory_space<hbm>>
      %dma_wait3A_114 = arith.constant 40 : i32
      %dma_wait3A_115 = arith.constant 0 : i32
      %dma_wait3A_116 = tpu.memref_slice %arg3[%add3A, %dma_wait3A_114, %dma_wait3A_115] : memref<32x80x128xi32, #tpu.memory_space<hbm>> -> memref<1x40x128xi32, #tpu.memory_space<hbm>>
      %dma_wait3A_117 = tpu.memref_squeeze %dma_wait3A_116 : memref<1x40x128xi32, #tpu.memory_space<hbm>> -> memref<40x128xi32, #tpu.memory_space<hbm>>
      tpu.wait_dma2 semaphore(%run_scoped3A_101 : memref<!tpu.dma_semaphore, #tpu.memory_space<semaphore_mem>>) src(%dma_wait3A_117 : memref<40x128xi32, #tpu.memory_space<hbm>>) dst(%arg6 : memref<40x128xi32, #tpu.memory_space<vmem>>)
      tpu.yield
    }) : () -> ()
    "tpu.region"() ({
      %run_scoped3A_101 = tpu.sem_alloc : memref<!tpu.dma_semaphore, #tpu.memory_space<semaphore_mem>>
      %dma_start3A_102 = arith.constant 40 : i32
      %dma_start3A_103 = arith.constant 0 : i32
      %dma_start3A_104 = tpu.memref_slice %arg4[%add3A, %dma_start3A_102, %dma_start3A_103] : memref<32x80x128xi32, #tpu.memory_space<hbm>> -> memref<1x40x128xi32, #tpu.memory_space<hbm>>
      %dma_start3A_105 = tpu.memref_squeeze %dma_start3A_104 : memref<1x40x128xi32, #tpu.memory_space<hbm>> -> memref<40x128xi32, #tpu.memory_space<hbm>>
      %dma_start3A_106 = arith.constant 40 : i32
      %dma_start3A_107 = arith.constant 0 : i32
      %dma_start3A_108 = tpu.memref_slice %arg4[%add3A, %dma_start3A_106, %dma_start3A_107] : memref<32x80x128xi32, #tpu.memory_space<hbm>> -> memref<1x40x128xi32, #tpu.memory_space<hbm>>
      %dma_start3A_109 = tpu.memref_squeeze %dma_start3A_108 : memref<1x40x128xi32, #tpu.memory_space<hbm>> -> memref<40x128xi32, #tpu.memory_space<hbm>>
      tpu.enqueue_dma source(%dma_start3A_109 : memref<40x128xi32, #tpu.memory_space<hbm>>) target(%arg7 : memref<40x128xi32, #tpu.memory_space<vmem>>) target_semaphore(%run_scoped3A_101 : memref<!tpu.dma_semaphore, #tpu.memory_space<semaphore_mem>>)
      %dma_wait3A_110 = arith.constant 40 : i32
      %dma_wait3A_111 = arith.constant 0 : i32
      %dma_wait3A_112 = tpu.memref_slice %arg4[%add3A, %dma_wait3A_110, %dma_wait3A_111] : memref<32x80x128xi32, #tpu.memory_space<hbm>> -> memref<1x40x128xi32, #tpu.memory_space<hbm>>
      %dma_wait3A_113 = tpu.memref_squeeze %dma_wait3A_112 : memref<1x40x128xi32, #tpu.memory_space<hbm>> -> memref<40x128xi32, #tpu.memory_space<hbm>>
      %dma_wait3A_114 = arith.constant 40 : i32
      %dma_wait3A_115 = arith.constant 0 : i32
      %dma_wait3A_116 = tpu.memref_slice %arg4[%add3A, %dma_wait3A_114, %dma_wait3A_115] : memref<32x80x128xi32, #tpu.memory_space<hbm>> -> memref<1x40x128xi32, #tpu.memory_space<hbm>>
      %dma_wait3A_117 = tpu.memref_squeeze %dma_wait3A_116 : memref<1x40x128xi32, #tpu.memory_space<hbm>> -> memref<40x128xi32, #tpu.memory_space<hbm>>
      tpu.wait_dma2 semaphore(%run_scoped3A_101 : memref<!tpu.dma_semaphore, #tpu.memory_space<semaphore_mem>>) src(%dma_wait3A_117 : memref<40x128xi32, #tpu.memory_space<hbm>>) dst(%arg7 : memref<40x128xi32, #tpu.memory_space<vmem>>)
      tpu.yield
    }) : () -> ()
    %dma_start3A_60 = arith.constant 0 : i32
    %dma_start3A_61 = arith.constant 0 : i32
    %dma_start3A_62 = tpu.memref_slice %arg6[%dma_start3A_60, %dma_start3A_61] : memref<40x128xi32, #tpu.memory_space<vmem>> -> memref<1x128xi32, #tpu.memory_space<vmem>>
    %dma_start3A_63 = tpu.memref_squeeze %dma_start3A_62 : memref<1x128xi32, #tpu.memory_space<vmem>> -> memref<128xi32, #tpu.memory_space<vmem>>
    %dma_start3A_64 = arith.constant 0 : i32
    %dma_start3A_65 = arith.constant 0 : i32
    %dma_start3A_66 = tpu.memref_slice %arg2[%dma_start3A_64, %dma_start3A_65] : memref<10000x128xf32, #tpu.memory_space<hbm>> -> memref<10000x128xf32, #tpu.memory_space<hbm>>
    tpu.enqueue_indirect_dma source(%dma_start3A_66 : memref<10000x128xf32, #tpu.memory_space<hbm>>) target(%arg8 : memref<128x128xf32, #tpu.memory_space<vmem>>) offsets(%dma_start3A_63 : memref<128xi32, #tpu.memory_space<vmem>>) semaphore(%arg11 : memref<!tpu.dma_semaphore, #tpu.memory_space<semaphore_mem>>)
    %scan3A_67 = arith.constant 0 : i32
    %scan3A_68 = arith.constant 0 : i32
    %scan3A_69 = arith.constant 19 : i32
    %scan3A_70 = arith.addi %scan3A_68, %scan3A_69 : i32
    %scan3A_71 = arith.constant 1 : i32
    scf.for %scan3A_101 = %scan3A_68 to %scan3A_70 step %scan3A_71  : i32 {
      %mul3A_102 = arith.constant 2 : i32
      %mul3A_103 = arith.muli %scan3A_101, %mul3A_102 : i32
      %add3A_104 = arith.constant 1 : i32
      %add3A_105 = arith.addi %mul3A_103, %add3A_104 : i32
      %dma_start3A_106 = arith.constant 0 : i32
      %dma_start3A_107 = tpu.memref_slice %arg6[%add3A_105, %dma_start3A_106] : memref<40x128xi32, #tpu.memory_space<vmem>> -> memref<1x128xi32, #tpu.memory_space<vmem>>
      %dma_start3A_108 = tpu.memref_squeeze %dma_start3A_107 : memref<1x128xi32, #tpu.memory_space<vmem>> -> memref<128xi32, #tpu.memory_space<vmem>>
      %dma_start3A_109 = arith.constant 0 : i32
      %dma_start3A_110 = arith.constant 0 : i32
      %dma_start3A_111 = tpu.memref_slice %arg2[%dma_start3A_109, %dma_start3A_110] : memref<10000x128xf32, #tpu.memory_space<hbm>> -> memref<10000x128xf32, #tpu.memory_space<hbm>>
      tpu.enqueue_indirect_dma source(%dma_start3A_111 : memref<10000x128xf32, #tpu.memory_space<hbm>>) target(%arg9 : memref<128x128xf32, #tpu.memory_space<vmem>>) offsets(%dma_start3A_108 : memref<128xi32, #tpu.memory_space<vmem>>) semaphore(%arg12 : memref<!tpu.dma_semaphore, #tpu.memory_space<semaphore_mem>>)
      %dma_wait3A_112 = arith.constant 0 : i32
      %dma_wait3A_113 = tpu.memref_slice %arg6[%mul3A_103, %dma_wait3A_112] : memref<40x128xi32, #tpu.memory_space<vmem>> -> memref<1x128xi32, #tpu.memory_space<vmem>>
      %dma_wait3A_114 = tpu.memref_squeeze %dma_wait3A_113 : memref<1x128xi32, #tpu.memory_space<vmem>> -> memref<128xi32, #tpu.memory_space<vmem>>
      %dma_wait3A_115 = arith.constant 0 : i32
      %dma_wait3A_116 = arith.constant 0 : i32
      %dma_wait3A_117 = tpu.memref_slice %arg2[%dma_wait3A_115, %dma_wait3A_116] : memref<10000x128xf32, #tpu.memory_space<hbm>> -> memref<10000x128xf32, #tpu.memory_space<hbm>>
      tpu.wait_indirect_dma semaphore(%arg11 : memref<!tpu.dma_semaphore, #tpu.memory_space<semaphore_mem>>) src(%dma_wait3A_117 : memref<10000x128xf32, #tpu.memory_space<hbm>>) dst(%arg8 : memref<128x128xf32, #tpu.memory_space<vmem>>)
      "tpu.region"() ({
        %run_scoped3A_136 = tpu.sem_alloc : memref<!tpu.dma_semaphore, #tpu.memory_space<semaphore_mem>>
        %dma_start3A_137 = arith.constant 0 : i32
        %dma_start3A_138 = tpu.memref_slice %arg7[%mul3A_103, %dma_start3A_137] : memref<40x128xi32, #tpu.memory_space<vmem>> -> memref<1x128xi32, #tpu.memory_space<vmem>>
        %dma_start3A_139 = tpu.memref_squeeze %dma_start3A_138 : memref<1x128xi32, #tpu.memory_space<vmem>> -> memref<128xi32, #tpu.memory_space<vmem>>
        %dma_start3A_140 = arith.constant 0 : i32
        %dma_start3A_141 = arith.constant 0 : i32
        %dma_start3A_142 = tpu.memref_slice %arg10[%dma_start3A_140, %dma_start3A_141] : memref<10240x128xf32, #tpu.memory_space<vmem_shared>> -> memref<10240x128xf32, #tpu.memory_space<vmem_shared>>
        tpu.enqueue_indirect_dma source(%arg8 : memref<128x128xf32, #tpu.memory_space<vmem>>) target(%dma_start3A_142 : memref<10240x128xf32, #tpu.memory_space<vmem_shared>>) offsets(%dma_start3A_139 : memref<128xi32, #tpu.memory_space<vmem>>) semaphore(%run_scoped3A_136 : memref<!tpu.dma_semaphore, #tpu.memory_space<semaphore_mem>>) {add = true}
        %dma_wait3A_143 = arith.constant 0 : i32
        %dma_wait3A_144 = tpu.memref_slice %arg7[%mul3A_103, %dma_wait3A_143] : memref<40x128xi32, #tpu.memory_space<vmem>> -> memref<1x128xi32, #tpu.memory_space<vmem>>
        %dma_wait3A_145 = tpu.memref_squeeze %dma_wait3A_144 : memref<1x128xi32, #tpu.memory_space<vmem>> -> memref<128xi32, #tpu.memory_space<vmem>>
        %dma_wait3A_146 = arith.constant 0 : i32
        %dma_wait3A_147 = arith.constant 0 : i32
        %dma_wait3A_148 = tpu.memref_slice %arg10[%dma_wait3A_146, %dma_wait3A_147] : memref<10240x128xf32, #tpu.memory_space<vmem_shared>> -> memref<10240x128xf32, #tpu.memory_space<vmem_shared>>
        tpu.wait_indirect_dma semaphore(%run_scoped3A_136 : memref<!tpu.dma_semaphore, #tpu.memory_space<semaphore_mem>>) src(%arg8 : memref<128x128xf32, #tpu.memory_space<vmem>>) dst(%dma_wait3A_148 : memref<10240x128xf32, #tpu.memory_space<vmem_shared>>)
        tpu.yield
      }) : () -> ()
      %mul3A_118 = arith.constant 2 : i32
      %mul3A_119 = arith.muli %scan3A_101, %mul3A_118 : i32
      %add3A_120 = arith.constant 1 : i32
      %add3A_121 = arith.addi %mul3A_119, %add3A_120 : i32
      %add3A_122 = arith.constant 1 : i32
      %add3A_123 = arith.addi %add3A_121, %add3A_122 : i32
      %dma_start3A_124 = arith.constant 0 : i32
      %dma_start3A_125 = tpu.memref_slice %arg6[%add3A_123, %dma_start3A_124] : memref<40x128xi32, #tpu.memory_space<vmem>> -> memref<1x128xi32, #tpu.memory_space<vmem>>
      %dma_start3A_126 = tpu.memref_squeeze %dma_start3A_125 : memref<1x128xi32, #tpu.memory_space<vmem>> -> memref<128xi32, #tpu.memory_space<vmem>>
      %dma_start3A_127 = arith.constant 0 : i32
      %dma_start3A_128 = arith.constant 0 : i32
      %dma_start3A_129 = tpu.memref_slice %arg2[%dma_start3A_127, %dma_start3A_128] : memref<10000x128xf32, #tpu.memory_space<hbm>> -> memref<10000x128xf32, #tpu.memory_space<hbm>>
      tpu.enqueue_indirect_dma source(%dma_start3A_129 : memref<10000x128xf32, #tpu.memory_space<hbm>>) target(%arg8 : memref<128x128xf32, #tpu.memory_space<vmem>>) offsets(%dma_start3A_126 : memref<128xi32, #tpu.memory_space<vmem>>) semaphore(%arg11 : memref<!tpu.dma_semaphore, #tpu.memory_space<semaphore_mem>>)
      %dma_wait3A_130 = arith.constant 0 : i32
      %dma_wait3A_131 = tpu.memref_slice %arg6[%add3A_121, %dma_wait3A_130] : memref<40x128xi32, #tpu.memory_space<vmem>> -> memref<1x128xi32, #tpu.memory_space<vmem>>
      %dma_wait3A_132 = tpu.memref_squeeze %dma_wait3A_131 : memref<1x128xi32, #tpu.memory_space<vmem>> -> memref<128xi32, #tpu.memory_space<vmem>>
      %dma_wait3A_133 = arith.constant 0 : i32
      %dma_wait3A_134 = arith.constant 0 : i32
      %dma_wait3A_135 = tpu.memref_slice %arg2[%dma_wait3A_133, %dma_wait3A_134] : memref<10000x128xf32, #tpu.memory_space<hbm>> -> memref<10000x128xf32, #tpu.memory_space<hbm>>
      tpu.wait_indirect_dma semaphore(%arg12 : memref<!tpu.dma_semaphore, #tpu.memory_space<semaphore_mem>>) src(%dma_wait3A_135 : memref<10000x128xf32, #tpu.memory_space<hbm>>) dst(%arg9 : memref<128x128xf32, #tpu.memory_space<vmem>>)
      "tpu.region"() ({
        %run_scoped3A_136 = tpu.sem_alloc : memref<!tpu.dma_semaphore, #tpu.memory_space<semaphore_mem>>
        %dma_start3A_137 = arith.constant 0 : i32
        %dma_start3A_138 = tpu.memref_slice %arg7[%add3A_121, %dma_start3A_137] : memref<40x128xi32, #tpu.memory_space<vmem>> -> memref<1x128xi32, #tpu.memory_space<vmem>>
        %dma_start3A_139 = tpu.memref_squeeze %dma_start3A_138 : memref<1x128xi32, #tpu.memory_space<vmem>> -> memref<128xi32, #tpu.memory_space<vmem>>
        %dma_start3A_140 = arith.constant 0 : i32
        %dma_start3A_141 = arith.constant 0 : i32
        %dma_start3A_142 = tpu.memref_slice %arg10[%dma_start3A_140, %dma_start3A_141] : memref<10240x128xf32, #tpu.memory_space<vmem_shared>> -> memref<10240x128xf32, #tpu.memory_space<vmem_shared>>
        tpu.enqueue_indirect_dma source(%arg9 : memref<128x128xf32, #tpu.memory_space<vmem>>) target(%dma_start3A_142 : memref<10240x128xf32, #tpu.memory_space<vmem_shared>>) offsets(%dma_start3A_139 : memref<128xi32, #tpu.memory_space<vmem>>) semaphore(%run_scoped3A_136 : memref<!tpu.dma_semaphore, #tpu.memory_space<semaphore_mem>>) {add = true}
        %dma_wait3A_143 = arith.constant 0 : i32
        %dma_wait3A_144 = tpu.memref_slice %arg7[%add3A_121, %dma_wait3A_143] : memref<40x128xi32, #tpu.memory_space<vmem>> -> memref<1x128xi32, #tpu.memory_space<vmem>>
        %dma_wait3A_145 = tpu.memref_squeeze %dma_wait3A_144 : memref<1x128xi32, #tpu.memory_space<vmem>> -> memref<128xi32, #tpu.memory_space<vmem>>
        %dma_wait3A_146 = arith.constant 0 : i32
        %dma_wait3A_147 = arith.constant 0 : i32
        %dma_wait3A_148 = tpu.memref_slice %arg10[%dma_wait3A_146, %dma_wait3A_147] : memref<10240x128xf32, #tpu.memory_space<vmem_shared>> -> memref<10240x128xf32, #tpu.memory_space<vmem_shared>>
        tpu.wait_indirect_dma semaphore(%run_scoped3A_136 : memref<!tpu.dma_semaphore, #tpu.memory_space<semaphore_mem>>) src(%arg9 : memref<128x128xf32, #tpu.memory_space<vmem>>) dst(%dma_wait3A_148 : memref<10240x128xf32, #tpu.memory_space<vmem_shared>>)
        tpu.yield
      }) : () -> ()
    }
    %scan3A_72 = arith.constant 19 : i32
    %dma_start3A_73 = arith.constant 39 : i32
    %dma_start3A_74 = arith.constant 0 : i32
    %dma_start3A_75 = tpu.memref_slice %arg6[%dma_start3A_73, %dma_start3A_74] : memref<40x128xi32, #tpu.memory_space<vmem>> -> memref<1x128xi32, #tpu.memory_space<vmem>>
    %dma_start3A_76 = tpu.memref_squeeze %dma_start3A_75 : memref<1x128xi32, #tpu.memory_space<vmem>> -> memref<128xi32, #tpu.memory_space<vmem>>
    %dma_start3A_77 = arith.constant 0 : i32
    %dma_start3A_78 = arith.constant 0 : i32
    %dma_start3A_79 = tpu.memref_slice %arg2[%dma_start3A_77, %dma_start3A_78] : memref<10000x128xf32, #tpu.memory_space<hbm>> -> memref<10000x128xf32, #tpu.memory_space<hbm>>
    tpu.enqueue_indirect_dma source(%dma_start3A_79 : memref<10000x128xf32, #tpu.memory_space<hbm>>) target(%arg9 : memref<128x128xf32, #tpu.memory_space<vmem>>) offsets(%dma_start3A_76 : memref<128xi32, #tpu.memory_space<vmem>>) semaphore(%arg12 : memref<!tpu.dma_semaphore, #tpu.memory_space<semaphore_mem>>)
    %dma_wait3A_80 = arith.constant 38 : i32
    %dma_wait3A_81 = arith.constant 0 : i32
    %dma_wait3A_82 = tpu.memref_slice %arg6[%dma_wait3A_80, %dma_wait3A_81] : memref<40x128xi32, #tpu.memory_space<vmem>> -> memref<1x128xi32, #tpu.memory_space<vmem>>
    %dma_wait3A_83 = tpu.memref_squeeze %dma_wait3A_82 : memref<1x128xi32, #tpu.memory_space<vmem>> -> memref<128xi32, #tpu.memory_space<vmem>>
    %dma_wait3A_84 = arith.constant 0 : i32
    %dma_wait3A_85 = arith.constant 0 : i32
    %dma_wait3A_86 = tpu.memref_slice %arg2[%dma_wait3A_84, %dma_wait3A_85] : memref<10000x128xf32, #tpu.memory_space<hbm>> -> memref<10000x128xf32, #tpu.memory_space<hbm>>
    tpu.wait_indirect_dma semaphore(%arg11 : memref<!tpu.dma_semaphore, #tpu.memory_space<semaphore_mem>>) src(%dma_wait3A_86 : memref<10000x128xf32, #tpu.memory_space<hbm>>) dst(%arg8 : memref<128x128xf32, #tpu.memory_space<vmem>>)
    %run_scoped3A_87 = arith.constant 38 : i32
    "tpu.region"() ({
      %run_scoped3A_101 = tpu.sem_alloc : memref<!tpu.dma_semaphore, #tpu.memory_space<semaphore_mem>>
      %dma_start3A_102 = arith.constant 0 : i32
      %dma_start3A_103 = tpu.memref_slice %arg7[%run_scoped3A_87, %dma_start3A_102] : memref<40x128xi32, #tpu.memory_space<vmem>> -> memref<1x128xi32, #tpu.memory_space<vmem>>
      %dma_start3A_104 = tpu.memref_squeeze %dma_start3A_103 : memref<1x128xi32, #tpu.memory_space<vmem>> -> memref<128xi32, #tpu.memory_space<vmem>>
      %dma_start3A_105 = arith.constant 0 : i32
      %dma_start3A_106 = arith.constant 0 : i32
      %dma_start3A_107 = tpu.memref_slice %arg10[%dma_start3A_105, %dma_start3A_106] : memref<10240x128xf32, #tpu.memory_space<vmem_shared>> -> memref<10240x128xf32, #tpu.memory_space<vmem_shared>>
      tpu.enqueue_indirect_dma source(%arg8 : memref<128x128xf32, #tpu.memory_space<vmem>>) target(%dma_start3A_107 : memref<10240x128xf32, #tpu.memory_space<vmem_shared>>) offsets(%dma_start3A_104 : memref<128xi32, #tpu.memory_space<vmem>>) semaphore(%run_scoped3A_101 : memref<!tpu.dma_semaphore, #tpu.memory_space<semaphore_mem>>) {add = true}
      %dma_wait3A_108 = arith.constant 0 : i32
      %dma_wait3A_109 = tpu.memref_slice %arg7[%run_scoped3A_87, %dma_wait3A_108] : memref<40x128xi32, #tpu.memory_space<vmem>> -> memref<1x128xi32, #tpu.memory_space<vmem>>
      %dma_wait3A_110 = tpu.memref_squeeze %dma_wait3A_109 : memref<1x128xi32, #tpu.memory_space<vmem>> -> memref<128xi32, #tpu.memory_space<vmem>>
      %dma_wait3A_111 = arith.constant 0 : i32
      %dma_wait3A_112 = arith.constant 0 : i32
      %dma_wait3A_113 = tpu.memref_slice %arg10[%dma_wait3A_111, %dma_wait3A_112] : memref<10240x128xf32, #tpu.memory_space<vmem_shared>> -> memref<10240x128xf32, #tpu.memory_space<vmem_shared>>
      tpu.wait_indirect_dma semaphore(%run_scoped3A_101 : memref<!tpu.dma_semaphore, #tpu.memory_space<semaphore_mem>>) src(%arg8 : memref<128x128xf32, #tpu.memory_space<vmem>>) dst(%dma_wait3A_113 : memref<10240x128xf32, #tpu.memory_space<vmem_shared>>)
      tpu.yield
    }) : () -> ()
    %dma_wait3A_88 = arith.constant 39 : i32
    %dma_wait3A_89 = arith.constant 0 : i32
    %dma_wait3A_90 = tpu.memref_slice %arg6[%dma_wait3A_88, %dma_wait3A_89] : memref<40x128xi32, #tpu.memory_space<vmem>> -> memref<1x128xi32, #tpu.memory_space<vmem>>
    %dma_wait3A_91 = tpu.memref_squeeze %dma_wait3A_90 : memref<1x128xi32, #tpu.memory_space<vmem>> -> memref<128xi32, #tpu.memory_space<vmem>>
    %dma_wait3A_92 = arith.constant 0 : i32
    %dma_wait3A_93 = arith.constant 0 : i32
    %dma_wait3A_94 = tpu.memref_slice %arg2[%dma_wait3A_92, %dma_wait3A_93] : memref<10000x128xf32, #tpu.memory_space<hbm>> -> memref<10000x128xf32, #tpu.memory_space<hbm>>
    tpu.wait_indirect_dma semaphore(%arg12 : memref<!tpu.dma_semaphore, #tpu.memory_space<semaphore_mem>>) src(%dma_wait3A_94 : memref<10000x128xf32, #tpu.memory_space<hbm>>) dst(%arg9 : memref<128x128xf32, #tpu.memory_space<vmem>>)
    %run_scoped3A_95 = arith.constant 39 : i32
    "tpu.region"() ({
      %run_scoped3A_101 = tpu.sem_alloc : memref<!tpu.dma_semaphore, #tpu.memory_space<semaphore_mem>>
      %dma_start3A_102 = arith.constant 0 : i32
      %dma_start3A_103 = tpu.memref_slice %arg7[%run_scoped3A_95, %dma_start3A_102] : memref<40x128xi32, #tpu.memory_space<vmem>> -> memref<1x128xi32, #tpu.memory_space<vmem>>
      %dma_start3A_104 = tpu.memref_squeeze %dma_start3A_103 : memref<1x128xi32, #tpu.memory_space<vmem>> -> memref<128xi32, #tpu.memory_space<vmem>>
      %dma_start3A_105 = arith.constant 0 : i32
      %dma_start3A_106 = arith.constant 0 : i32
      %dma_start3A_107 = tpu.memref_slice %arg10[%dma_start3A_105, %dma_start3A_106] : memref<10240x128xf32, #tpu.memory_space<vmem_shared>> -> memref<10240x128xf32, #tpu.memory_space<vmem_shared>>
      tpu.enqueue_indirect_dma source(%arg9 : memref<128x128xf32, #tpu.memory_space<vmem>>) target(%dma_start3A_107 : memref<10240x128xf32, #tpu.memory_space<vmem_shared>>) offsets(%dma_start3A_104 : memref<128xi32, #tpu.memory_space<vmem>>) semaphore(%run_scoped3A_101 : memref<!tpu.dma_semaphore, #tpu.memory_space<semaphore_mem>>) {add = true}
      %dma_wait3A_108 = arith.constant 0 : i32
      %dma_wait3A_109 = tpu.memref_slice %arg7[%run_scoped3A_95, %dma_wait3A_108] : memref<40x128xi32, #tpu.memory_space<vmem>> -> memref<1x128xi32, #tpu.memory_space<vmem>>
      %dma_wait3A_110 = tpu.memref_squeeze %dma_wait3A_109 : memref<1x128xi32, #tpu.memory_space<vmem>> -> memref<128xi32, #tpu.memory_space<vmem>>
      %dma_wait3A_111 = arith.constant 0 : i32
      %dma_wait3A_112 = arith.constant 0 : i32
      %dma_wait3A_113 = tpu.memref_slice %arg10[%dma_wait3A_111, %dma_wait3A_112] : memref<10240x128xf32, #tpu.memory_space<vmem_shared>> -> memref<10240x128xf32, #tpu.memory_space<vmem_shared>>
      tpu.wait_indirect_dma semaphore(%run_scoped3A_101 : memref<!tpu.dma_semaphore, #tpu.memory_space<semaphore_mem>>) src(%arg9 : memref<128x128xf32, #tpu.memory_space<vmem>>) dst(%dma_wait3A_113 : memref<10240x128xf32, #tpu.memory_space<vmem_shared>>)
      tpu.yield
    }) : () -> ()
    %barrier3A_96 = arith.constant 0 : index
    tpu.barrier barrier_id(%barrier3A_96)
    %mul3A_97 = arith.constant 640 : i32
    %mul3A_98 = arith.muli %arg1, %mul3A_97 : i32
    %mul3A_99 = arith.constant 640 : i32
    %mul3A_100 = arith.muli %arg1, %mul3A_99 : i32
    "tpu.region"() ({
      %run_scoped3A_101 = tpu.sem_alloc : memref<!tpu.dma_semaphore, #tpu.memory_space<semaphore_mem>>
      %dma_start3A_102 = arith.constant 0 : i32
      %dma_start3A_103 = tpu.memref_slice %arg5[%arg0, %mul3A_100, %dma_start3A_102] : memref<2x10240x128xf32, #tpu.memory_space<hbm>> -> memref<1x640x128xf32, #tpu.memory_space<hbm>>
      %dma_start3A_104 = tpu.memref_squeeze %dma_start3A_103 : memref<1x640x128xf32, #tpu.memory_space<hbm>> -> memref<640x128xf32, #tpu.memory_space<hbm>>
      %dma_start3A_105 = arith.constant 0 : i32
      %dma_start3A_106 = tpu.memref_slice %arg10[%mul3A_98, %dma_start3A_105] : memref<10240x128xf32, #tpu.memory_space<vmem_shared>> -> memref<640x128xf32, #tpu.memory_space<vmem_shared>>
      tpu.enqueue_dma source(%dma_start3A_106 : memref<640x128xf32, #tpu.memory_space<vmem_shared>>) target(%dma_start3A_104 : memref<640x128xf32, #tpu.memory_space<hbm>>) target_semaphore(%run_scoped3A_101 : memref<!tpu.dma_semaphore, #tpu.memory_space<semaphore_mem>>)
      %dma_wait3A_107 = arith.constant 0 : i32
      %dma_wait3A_108 = tpu.memref_slice %arg5[%arg0, %mul3A_100, %dma_wait3A_107] : memref<2x10240x128xf32, #tpu.memory_space<hbm>> -> memref<1x640x128xf32, #tpu.memory_space<hbm>>
      %dma_wait3A_109 = tpu.memref_squeeze %dma_wait3A_108 : memref<1x640x128xf32, #tpu.memory_space<hbm>> -> memref<640x128xf32, #tpu.memory_space<hbm>>
      %dma_wait3A_110 = arith.constant 0 : i32
      %dma_wait3A_111 = tpu.memref_slice %arg10[%mul3A_98, %dma_wait3A_110] : memref<10240x128xf32, #tpu.memory_space<vmem_shared>> -> memref<640x128xf32, #tpu.memory_space<vmem_shared>>
      tpu.wait_dma2 semaphore(%run_scoped3A_101 : memref<!tpu.dma_semaphore, #tpu.memory_space<semaphore_mem>>) src(%dma_wait3A_111 : memref<640x128xf32, #tpu.memory_space<vmem_shared>>) dst(%dma_wait3A_109 : memref<640x128xf32, #tpu.memory_space<hbm>>)
      tpu.yield
    }) : () -> ()
    return
  }
}

module attributes {stable_mosaic.version = 14 : i64} {
  func.func @_mlp_body(%arg0: i32, %arg1: memref<1x1xf32, #tpu.memory_space<smem>>, %arg2: memref<2000x128xf32, #tpu.memory_space<vmem>>, %arg3: memref<2x2000x128xf32, #tpu.memory_space<vmem>>, %arg4: memref<128x256xf32, #tpu.memory_space<vmem>>, %arg5: memref<1x256xf32, #tpu.memory_space<vmem>>, %arg6: memref<256x128xf32, #tpu.memory_space<vmem>>, %arg7: memref<1x128xf32, #tpu.memory_space<vmem>>, %arg8: memref<2000x128xf32, #tpu.memory_space<vmem>>) attributes {dimension_semantics = [#tpu.dimension_semantics<arbitrary>], iteration_bounds = array<i64: 5>, scalar_prefetch = 0 : i64, scratch_operands = 0 : i64, tpu.core_type = #tpu.core_type<tc>, window_params = [{transform_indices = @transform_0, window_bounds = array<i64: 1, 1>}, {transform_indices = @transform_1, window_bounds = array<i64: 2000, 128>}, {transform_indices = @transform_2, window_bounds = array<i64: 2, 2000, 128>}, {pipeline_mode = #tpu.pipeline_mode<synchronous>, transform_indices = @transform_3, window_bounds = array<i64: 128, 256>}, {pipeline_mode = #tpu.pipeline_mode<synchronous>, transform_indices = @transform_4, window_bounds = array<i64: 1, 256>}, {pipeline_mode = #tpu.pipeline_mode<synchronous>, transform_indices = @transform_5, window_bounds = array<i64: 256, 128>}, {pipeline_mode = #tpu.pipeline_mode<synchronous>, transform_indices = @transform_6, window_bounds = array<i64: 1, 128>}, {transform_indices = @transform_7, window_bounds = array<i64: 2000, 128>}]} {
    %get3A = arith.constant 0 : index
    %get3A_0 = arith.constant 0 : index
    %get3A_1 = vector.load %arg2[%get3A, %get3A_0] : memref<2000x128xf32, #tpu.memory_space<vmem>>, vector<2000x128xf32>
    %get3A_2 = arith.constant 0 : index
    %get3A_3 = arith.constant 0 : index
    %get3A_4 = memref.load %arg1[%get3A_2, %get3A_3] : memref<1x1xf32, #tpu.memory_space<smem>>
    %mul3A = vector.broadcast %get3A_4 : f32 to vector<2000x128xf32>
    %mul3A_5 = arith.mulf %get3A_1, %mul3A : vector<2000x128xf32>
    %get3A_6 = arith.constant 0 : index
    %get3A_7 = arith.constant 0 : index
    %get3A_8 = arith.constant 0 : index
    %get3A_9 = vector.load %arg3[%get3A_6, %get3A_7, %get3A_8] : memref<2x2000x128xf32, #tpu.memory_space<vmem>>, vector<1x2000x128xf32>
    %get3A_10 = vector.shape_cast %get3A_9 : vector<1x2000x128xf32> to vector<2000x128xf32>
    %add3A = arith.addf %mul3A_5, %get3A_10 : vector<2000x128xf32>
    %get3A_11 = arith.constant 1 : index
    %get3A_12 = arith.constant 0 : index
    %get3A_13 = arith.constant 0 : index
    %get3A_14 = vector.load %arg3[%get3A_11, %get3A_12, %get3A_13] : memref<2x2000x128xf32, #tpu.memory_space<vmem>>, vector<1x2000x128xf32>
    %get3A_15 = vector.shape_cast %get3A_14 : vector<1x2000x128xf32> to vector<2000x128xf32>
    %add3A_16 = arith.addf %add3A, %get3A_15 : vector<2000x128xf32>
    %get3A_17 = arith.constant 0 : index
    %get3A_18 = arith.constant 0 : index
    %get3A_19 = vector.load %arg4[%get3A_17, %get3A_18] : memref<128x256xf32, #tpu.memory_space<vmem>>, vector<128x256xf32>
    %dot_general3A = arith.constant dense<0.000000e+00> : vector<2000x256xf32>
    %dot_general3A_20 = tpu.matmul %add3A_16, %get3A_19, %dot_general3A {dimension_numbers = #tpu.dot_dimension_numbers<[1], [0], [0], [1], [0, 0, 1, 1], [], []>, transpose_lhs_hint = false} : vector<2000x128xf32>, vector<128x256xf32>, vector<2000x256xf32> -> vector<2000x256xf32>
    %get3A_21 = arith.constant 0 : index
    %get3A_22 = arith.constant 0 : index
    %get3A_23 = vector.load %arg5[%get3A_21, %get3A_22] : memref<1x256xf32, #tpu.memory_space<vmem>>, vector<1x256xf32>
    %add3A_24 = vector.broadcast %get3A_23 : vector<1x256xf32> to vector<2000x256xf32>
    %add3A_25 = arith.addf %dot_general3A_20, %add3A_24 : vector<2000x256xf32>
    %max3A = arith.constant 0.000000e+00 : f32
    %max3A_26 = vector.broadcast %max3A : f32 to vector<2000x256xf32>
    %max3A_27 = arith.maximumf %add3A_25, %max3A_26 : vector<2000x256xf32>
    %get3A_28 = arith.constant 0 : index
    %get3A_29 = arith.constant 0 : index
    %get3A_30 = vector.load %arg6[%get3A_28, %get3A_29] : memref<256x128xf32, #tpu.memory_space<vmem>>, vector<256x128xf32>
    %dot_general3A_31 = arith.constant dense<0.000000e+00> : vector<2000x128xf32>
    %dot_general3A_32 = tpu.matmul %max3A_27, %get3A_30, %dot_general3A_31 {dimension_numbers = #tpu.dot_dimension_numbers<[1], [0], [0], [1], [0, 0, 1, 1], [], []>, transpose_lhs_hint = false} : vector<2000x256xf32>, vector<256x128xf32>, vector<2000x128xf32> -> vector<2000x128xf32>
    %get3A_33 = arith.constant 0 : index
    %get3A_34 = arith.constant 0 : index
    %get3A_35 = vector.load %arg7[%get3A_33, %get3A_34] : memref<1x128xf32, #tpu.memory_space<vmem>>, vector<1x128xf32>
    %add3A_36 = vector.broadcast %get3A_35 : vector<1x128xf32> to vector<2000x128xf32>
    %add3A_37 = arith.addf %dot_general3A_32, %add3A_36 : vector<2000x128xf32>
    %max3A_38 = arith.constant 0.000000e+00 : f32
    %max3A_39 = vector.broadcast %max3A_38 : f32 to vector<2000x128xf32>
    %max3A_40 = arith.maximumf %add3A_37, %max3A_39 : vector<2000x128xf32>
    %swap3A = arith.constant 0 : index
    %swap3A_41 = arith.constant 0 : index
    %swap3A_42 = vector.load %arg8[%swap3A, %swap3A_41] : memref<2000x128xf32, #tpu.memory_space<vmem>>, vector<2000x128xf32>
    tpu.vector_store %arg8[%swap3A, %swap3A_41], %max3A_40 {strides = array<i32>} : memref<2000x128xf32, #tpu.memory_space<vmem>>, vector<2000x128xf32>,
    return
  }
  func.func @transform_0(%arg0: i32) -> (i32, i32) {
    %c0_i32 = arith.constant 0 : i32
    %c0_i32_0 = arith.constant 0 : i32
    %c0_i32_1 = arith.constant 0 : i32
    return %c0_i32, %c0_i32_0 : i32, i32
  }
  func.func @transform_1(%arg0: i32) -> (i32, i32) {
    %c0_i32 = arith.constant 0 : i32
    %c0_i32_0 = arith.constant 0 : i32
    return %arg0, %c0_i32 : i32, i32
  }
  func.func @transform_2(%arg0: i32) -> (i32, i32, i32) {
    %c0_i32 = arith.constant 0 : i32
    %c0_i32_0 = arith.constant 0 : i32
    %c0_i32_1 = arith.constant 0 : i32
    return %c0_i32, %arg0, %c0_i32_0 : i32, i32, i32
  }
  func.func @transform_3(%arg0: i32) -> (i32, i32) {
    %c0_i32 = arith.constant 0 : i32
    %c0_i32_0 = arith.constant 0 : i32
    %c0_i32_1 = arith.constant 0 : i32
    return %c0_i32, %c0_i32_0 : i32, i32
  }
  func.func @transform_4(%arg0: i32) -> (i32, i32) {
    %c0_i32 = arith.constant 0 : i32
    %c0_i32_0 = arith.constant 0 : i32
    %c0_i32_1 = arith.constant 0 : i32
    return %c0_i32, %c0_i32_0 : i32, i32
  }
  func.func @transform_5(%arg0: i32) -> (i32, i32) {
    %c0_i32 = arith.constant 0 : i32
    %c0_i32_0 = arith.constant 0 : i32
    %c0_i32_1 = arith.constant 0 : i32
    return %c0_i32, %c0_i32_0 : i32, i32
  }
  func.func @transform_6(%arg0: i32) -> (i32, i32) {
    %c0_i32 = arith.constant 0 : i32
    %c0_i32_0 = arith.constant 0 : i32
    %c0_i32_1 = arith.constant 0 : i32
    return %c0_i32, %c0_i32_0 : i32, i32
  }
  func.func @transform_7(%arg0: i32) -> (i32, i32) {
    %c0_i32 = arith.constant 0 : i32
    %c0_i32_0 = arith.constant 0 : i32
    return %arg0, %c0_i32 : i32, i32
  }
}

module attributes {stable_mosaic.version = 14 : i64} {
  func.func @_mlp_body(%arg0: i32, %arg1: memref<1x1xf32, #tpu.memory_space<smem>>, %arg2: memref<2000x128xf32, #tpu.memory_space<vmem>>, %arg3: memref<2x2000x128xf32, #tpu.memory_space<vmem>>, %arg4: memref<128x256xf32, #tpu.memory_space<vmem>>, %arg5: memref<1x256xf32, #tpu.memory_space<vmem>>, %arg6: memref<256x128xf32, #tpu.memory_space<vmem>>, %arg7: memref<1x128xf32, #tpu.memory_space<vmem>>, %arg8: memref<2000x128xf32, #tpu.memory_space<vmem>>) attributes {dimension_semantics = [#tpu.dimension_semantics<arbitrary>], iteration_bounds = array<i64: 5>, scalar_prefetch = 0 : i64, scratch_operands = 0 : i64, tpu.core_type = #tpu.core_type<tc>, window_params = [{transform_indices = @transform_0, window_bounds = array<i64: 1, 1>}, {transform_indices = @transform_1, window_bounds = array<i64: 2000, 128>}, {transform_indices = @transform_2, window_bounds = array<i64: 2, 2000, 128>}, {pipeline_mode = #tpu.pipeline_mode<synchronous>, transform_indices = @transform_3, window_bounds = array<i64: 128, 256>}, {pipeline_mode = #tpu.pipeline_mode<synchronous>, transform_indices = @transform_4, window_bounds = array<i64: 1, 256>}, {pipeline_mode = #tpu.pipeline_mode<synchronous>, transform_indices = @transform_5, window_bounds = array<i64: 256, 128>}, {pipeline_mode = #tpu.pipeline_mode<synchronous>, transform_indices = @transform_6, window_bounds = array<i64: 1, 128>}, {transform_indices = @transform_7, window_bounds = array<i64: 2000, 128>}]} {
    %get3A = arith.constant 0 : index
    %get3A_0 = arith.constant 0 : index
    %get3A_1 = vector.load %arg2[%get3A, %get3A_0] : memref<2000x128xf32, #tpu.memory_space<vmem>>, vector<2000x128xf32>
    %get3A_2 = arith.constant 0 : index
    %get3A_3 = arith.constant 0 : index
    %get3A_4 = memref.load %arg1[%get3A_2, %get3A_3] : memref<1x1xf32, #tpu.memory_space<smem>>
    %mul3A = vector.broadcast %get3A_4 : f32 to vector<2000x128xf32>
    %mul3A_5 = arith.mulf %get3A_1, %mul3A : vector<2000x128xf32>
    %get3A_6 = arith.constant 0 : index
    %get3A_7 = arith.constant 0 : index
    %get3A_8 = arith.constant 0 : index
    %get3A_9 = vector.load %arg3[%get3A_6, %get3A_7, %get3A_8] : memref<2x2000x128xf32, #tpu.memory_space<vmem>>, vector<1x2000x128xf32>
    %get3A_10 = vector.shape_cast %get3A_9 : vector<1x2000x128xf32> to vector<2000x128xf32>
    %add3A = arith.addf %mul3A_5, %get3A_10 : vector<2000x128xf32>
    %get3A_11 = arith.constant 1 : index
    %get3A_12 = arith.constant 0 : index
    %get3A_13 = arith.constant 0 : index
    %get3A_14 = vector.load %arg3[%get3A_11, %get3A_12, %get3A_13] : memref<2x2000x128xf32, #tpu.memory_space<vmem>>, vector<1x2000x128xf32>
    %get3A_15 = vector.shape_cast %get3A_14 : vector<1x2000x128xf32> to vector<2000x128xf32>
    %add3A_16 = arith.addf %add3A, %get3A_15 : vector<2000x128xf32>
    %get3A_17 = arith.constant 0 : index
    %get3A_18 = arith.constant 0 : index
    %get3A_19 = vector.load %arg4[%get3A_17, %get3A_18] : memref<128x256xf32, #tpu.memory_space<vmem>>, vector<128x256xf32>
    %dot_general3A = arith.constant dense<0.000000e+00> : vector<2000x256xf32>
    %dot_general3A_20 = tpu.matmul %add3A_16, %get3A_19, %dot_general3A {dimension_numbers = #tpu.dot_dimension_numbers<[1], [0], [0], [1], [0, 0, 1, 1], [], []>, transpose_lhs_hint = false} : vector<2000x128xf32>, vector<128x256xf32>, vector<2000x256xf32> -> vector<2000x256xf32>
    %get3A_21 = arith.constant 0 : index
    %get3A_22 = arith.constant 0 : index
    %get3A_23 = vector.load %arg5[%get3A_21, %get3A_22] : memref<1x256xf32, #tpu.memory_space<vmem>>, vector<1x256xf32>
    %add3A_24 = vector.broadcast %get3A_23 : vector<1x256xf32> to vector<2000x256xf32>
    %add3A_25 = arith.addf %dot_general3A_20, %add3A_24 : vector<2000x256xf32>
    %max3A = arith.constant 0.000000e+00 : f32
    %max3A_26 = vector.broadcast %max3A : f32 to vector<2000x256xf32>
    %max3A_27 = arith.maximumf %add3A_25, %max3A_26 : vector<2000x256xf32>
    %get3A_28 = arith.constant 0 : index
    %get3A_29 = arith.constant 0 : index
    %get3A_30 = vector.load %arg6[%get3A_28, %get3A_29] : memref<256x128xf32, #tpu.memory_space<vmem>>, vector<256x128xf32>
    %dot_general3A_31 = arith.constant dense<0.000000e+00> : vector<2000x128xf32>
    %dot_general3A_32 = tpu.matmul %max3A_27, %get3A_30, %dot_general3A_31 {dimension_numbers = #tpu.dot_dimension_numbers<[1], [0], [0], [1], [0, 0, 1, 1], [], []>, transpose_lhs_hint = false} : vector<2000x256xf32>, vector<256x128xf32>, vector<2000x128xf32> -> vector<2000x128xf32>
    %get3A_33 = arith.constant 0 : index
    %get3A_34 = arith.constant 0 : index
    %get3A_35 = vector.load %arg7[%get3A_33, %get3A_34] : memref<1x128xf32, #tpu.memory_space<vmem>>, vector<1x128xf32>
    %add3A_36 = vector.broadcast %get3A_35 : vector<1x128xf32> to vector<2000x128xf32>
    %add3A_37 = arith.addf %dot_general3A_32, %add3A_36 : vector<2000x128xf32>
    %swap3A = arith.constant 0 : index
    %swap3A_38 = arith.constant 0 : index
    %swap3A_39 = vector.load %arg8[%swap3A, %swap3A_38] : memref<2000x128xf32, #tpu.memory_space<vmem>>, vector<2000x128xf32>
    tpu.vector_store %arg8[%swap3A, %swap3A_38], %add3A_37 {strides = array<i32>} : memref<2000x128xf32, #tpu.memory_space<vmem>>, vector<2000x128xf32>,
    return
  }
  func.func @transform_0(%arg0: i32) -> (i32, i32) {
    %c0_i32 = arith.constant 0 : i32
    %c0_i32_0 = arith.constant 0 : i32
    %c0_i32_1 = arith.constant 0 : i32
    return %c0_i32, %c0_i32_0 : i32, i32
  }
  func.func @transform_1(%arg0: i32) -> (i32, i32) {
    %c0_i32 = arith.constant 0 : i32
    %c0_i32_0 = arith.constant 0 : i32
    return %arg0, %c0_i32 : i32, i32
  }
  func.func @transform_2(%arg0: i32) -> (i32, i32, i32) {
    %c0_i32 = arith.constant 0 : i32
    %c0_i32_0 = arith.constant 0 : i32
    %c0_i32_1 = arith.constant 0 : i32
    return %c0_i32, %arg0, %c0_i32_0 : i32, i32, i32
  }
  func.func @transform_3(%arg0: i32) -> (i32, i32) {
    %c0_i32 = arith.constant 0 : i32
    %c0_i32_0 = arith.constant 0 : i32
    %c0_i32_1 = arith.constant 0 : i32
    return %c0_i32, %c0_i32_0 : i32, i32
  }
  func.func @transform_4(%arg0: i32) -> (i32, i32) {
    %c0_i32 = arith.constant 0 : i32
    %c0_i32_0 = arith.constant 0 : i32
    %c0_i32_1 = arith.constant 0 : i32
    return %c0_i32, %c0_i32_0 : i32, i32
  }
  func.func @transform_5(%arg0: i32) -> (i32, i32) {
    %c0_i32 = arith.constant 0 : i32
    %c0_i32_0 = arith.constant 0 : i32
    %c0_i32_1 = arith.constant 0 : i32
    return %c0_i32, %c0_i32_0 : i32, i32
  }
  func.func @transform_6(%arg0: i32) -> (i32, i32) {
    %c0_i32 = arith.constant 0 : i32
    %c0_i32_0 = arith.constant 0 : i32
    %c0_i32_1 = arith.constant 0 : i32
    return %c0_i32, %c0_i32_0 : i32, i32
  }
  func.func @transform_7(%arg0: i32) -> (i32, i32) {
    %c0_i32 = arith.constant 0 : i32
    %c0_i32_0 = arith.constant 0 : i32
    return %arg0, %c0_i32 : i32, i32
  }
}

module attributes {stable_mosaic.version = 14 : i64} {
  func.func @_final_body(%arg0: i32, %arg1: memref<2000x128xf32, #tpu.memory_space<vmem>>, %arg2: memref<1x1x2000xi32, #tpu.memory_space<vmem>>, %arg3: memref<128x128xf32, #tpu.memory_space<vmem>>, %arg4: memref<1x128xf32, #tpu.memory_space<vmem>>, %arg5: memref<128x128xf32, #tpu.memory_space<vmem>>, %arg6: memref<1x128xf32, #tpu.memory_space<vmem>>, %arg7: memref<64x128xf32, #tpu.memory_space<vmem>>, %arg8: memref<64x128xf32, #tpu.memory_space<vmem>>, %arg9: memref<64x128xf32, #tpu.memory_space<vmem>>) attributes {dimension_semantics = [#tpu.dimension_semantics<arbitrary>], iteration_bounds = array<i64: 5>, scalar_prefetch = 0 : i64, scratch_operands = 2 : i64, tpu.core_type = #tpu.core_type<tc>, window_params = [{transform_indices = @transform_0, window_bounds = array<i64: 2000, 128>}, {transform_indices = @transform_1, window_bounds = array<i64: 1, 1, 2000>}, {pipeline_mode = #tpu.pipeline_mode<synchronous>, transform_indices = @transform_2, window_bounds = array<i64: 128, 128>}, {pipeline_mode = #tpu.pipeline_mode<synchronous>, transform_indices = @transform_3, window_bounds = array<i64: 1, 128>}, {pipeline_mode = #tpu.pipeline_mode<synchronous>, transform_indices = @transform_4, window_bounds = array<i64: 128, 128>}, {pipeline_mode = #tpu.pipeline_mode<synchronous>, transform_indices = @transform_5, window_bounds = array<i64: 1, 128>}, {pipeline_mode = #tpu.pipeline_mode<synchronous>, transform_indices = @transform_6, window_bounds = array<i64: 64, 128>}]} {
    %eq3A = arith.constant 0 : i32
    %eq3A_0 = arith.cmpi eq, %arg0, %eq3A : i32
    %convert_element_type3A = arith.extui %eq3A_0 : i1 to i32
    %cond3A = arith.constant 0 : i32
    %cond3A_1 = arith.cmpi ne, %convert_element_type3A, %cond3A : i32
    scf.if %cond3A_1 {
      %broadcast_in_dim3A_48 = arith.constant 0.000000e+00 : f32
      %broadcast_in_dim3A_49 = vector.broadcast %broadcast_in_dim3A_48 : f32 to vector<64x128xf32>
      %swap3A_50 = arith.constant 0 : index
      %swap3A_51 = arith.constant 0 : index
      %swap3A_52 = vector.load %arg8[%swap3A_50, %swap3A_51] : memref<64x128xf32, #tpu.memory_space<vmem>>, vector<64x128xf32>
      tpu.vector_store %arg8[%swap3A_50, %swap3A_51], %broadcast_in_dim3A_49 {strides = array<i32>} : memref<64x128xf32, #tpu.memory_space<vmem>>, vector<64x128xf32>,
      %broadcast_in_dim3A_53 = arith.constant 0.000000e+00 : f32
      %broadcast_in_dim3A_54 = vector.broadcast %broadcast_in_dim3A_53 : f32 to vector<64x128xf32>
      %swap3A_55 = arith.constant 0 : index
      %swap3A_56 = arith.constant 0 : index
      %swap3A_57 = vector.load %arg9[%swap3A_55, %swap3A_56] : memref<64x128xf32, #tpu.memory_space<vmem>>, vector<64x128xf32>
      tpu.vector_store %arg9[%swap3A_55, %swap3A_56], %broadcast_in_dim3A_54 {strides = array<i32>} : memref<64x128xf32, #tpu.memory_space<vmem>>, vector<64x128xf32>,
    } else {
    }
    %get3A = arith.constant 0 : index
    %get3A_2 = arith.constant 0 : index
    %get3A_3 = vector.load %arg1[%get3A, %get3A_2] : memref<2000x128xf32, #tpu.memory_space<vmem>>, vector<2000x128xf32>
    %get3A_4 = arith.constant 0 : index
    %get3A_5 = arith.constant 0 : index
    %get3A_6 = vector.load %arg3[%get3A_4, %get3A_5] : memref<128x128xf32, #tpu.memory_space<vmem>>, vector<128x128xf32>
    %dot_general3A = arith.constant dense<0.000000e+00> : vector<2000x128xf32>
    %dot_general3A_7 = tpu.matmul %get3A_3, %get3A_6, %dot_general3A {dimension_numbers = #tpu.dot_dimension_numbers<[1], [0], [0], [1], [0, 0, 1, 1], [], []>, transpose_lhs_hint = false} : vector<2000x128xf32>, vector<128x128xf32>, vector<2000x128xf32> -> vector<2000x128xf32>
    %get3A_8 = arith.constant 0 : index
    %get3A_9 = arith.constant 0 : index
    %get3A_10 = vector.load %arg4[%get3A_8, %get3A_9] : memref<1x128xf32, #tpu.memory_space<vmem>>, vector<1x128xf32>
    %add3A = vector.broadcast %get3A_10 : vector<1x128xf32> to vector<2000x128xf32>
    %add3A_11 = arith.addf %dot_general3A_7, %add3A : vector<2000x128xf32>
    %max3A = arith.constant 0.000000e+00 : f32
    %max3A_12 = vector.broadcast %max3A : f32 to vector<2000x128xf32>
    %max3A_13 = arith.maximumf %add3A_11, %max3A_12 : vector<2000x128xf32>
    %get3A_14 = arith.constant 0 : index
    %get3A_15 = arith.constant 0 : index
    %get3A_16 = arith.constant 0 : index
    %get3A_17 = vector.load %arg2[%get3A_14, %get3A_15, %get3A_16] : memref<1x1x2000xi32, #tpu.memory_space<vmem>>, vector<1x1x2000xi32>
    %get3A_18 = vector.shape_cast %get3A_17 : vector<1x1x2000xi32> to vector<2000xi32>
    %iota3A = tpu.iota {dimensions = array<i32: 0>} : vector<64x2000xi32>
    %broadcast_in_dim3A = vector.shape_cast %get3A_18 : vector<2000xi32> to vector<1x2000xi32>
    %eq3A_19 = vector.broadcast %broadcast_in_dim3A : vector<1x2000xi32> to vector<64x2000xi32>
    %eq3A_20 = arith.cmpi eq, %iota3A, %eq3A_19 : vector<64x2000xi32>
    %jit3A = arith.constant 1.000000e+00 : f32
    %jit3A_21 = arith.constant 0.000000e+00 : f32
    %broadcast_in_dim3A_22 = vector.broadcast %jit3A : f32 to vector<64x2000xf32>
    %broadcast_in_dim3A_23 = vector.broadcast %jit3A_21 : f32 to vector<64x2000xf32>
    %select_n3A = arith.select %eq3A_20, %broadcast_in_dim3A_22, %broadcast_in_dim3A_23 : vector<64x2000xi1>, vector<64x2000xf32>
    %get3A_24 = arith.constant 0 : index
    %get3A_25 = arith.constant 0 : index
    %get3A_26 = vector.load %arg8[%get3A_24, %get3A_25] : memref<64x128xf32, #tpu.memory_space<vmem>>, vector<64x128xf32>
    %dot_general3A_27 = arith.constant dense<0.000000e+00> : vector<64x128xf32>
    %dot_general3A_28 = tpu.matmul %select_n3A, %max3A_13, %dot_general3A_27 {dimension_numbers = #tpu.dot_dimension_numbers<[1], [0], [0], [1], [0, 0, 1, 1], [], []>, transpose_lhs_hint = false} : vector<64x2000xf32>, vector<2000x128xf32>, vector<64x128xf32> -> vector<64x128xf32>
    %add3A_29 = arith.addf %get3A_26, %dot_general3A_28 : vector<64x128xf32>
    %swap3A = arith.constant 0 : index
    %swap3A_30 = arith.constant 0 : index
    %swap3A_31 = vector.load %arg8[%swap3A, %swap3A_30] : memref<64x128xf32, #tpu.memory_space<vmem>>, vector<64x128xf32>
    tpu.vector_store %arg8[%swap3A, %swap3A_30], %add3A_29 {strides = array<i32>} : memref<64x128xf32, #tpu.memory_space<vmem>>, vector<64x128xf32>,
    %get3A_32 = arith.constant 0 : index
    %get3A_33 = arith.constant 0 : index
    %get3A_34 = vector.load %arg9[%get3A_32, %get3A_33] : memref<64x128xf32, #tpu.memory_space<vmem>>, vector<64x128xf32>
    %broadcast_in_dim3A_35 = arith.constant 1.000000e+00 : f32
    %broadcast_in_dim3A_36 = vector.broadcast %broadcast_in_dim3A_35 : f32 to vector<2000x128xf32>
    %dot_general3A_37 = arith.constant dense<0.000000e+00> : vector<64x128xf32>
    %dot_general3A_38 = tpu.matmul %select_n3A, %broadcast_in_dim3A_36, %dot_general3A_37 {dimension_numbers = #tpu.dot_dimension_numbers<[1], [0], [0], [1], [0, 0, 1, 1], [], []>, transpose_lhs_hint = false} : vector<64x2000xf32>, vector<2000x128xf32>, vector<64x128xf32> -> vector<64x128xf32>
    %add3A_39 = arith.addf %get3A_34, %dot_general3A_38 : vector<64x128xf32>
    %swap3A_40 = arith.constant 0 : index
    %swap3A_41 = arith.constant 0 : index
    %swap3A_42 = vector.load %arg9[%swap3A_40, %swap3A_41] : memref<64x128xf32, #tpu.memory_space<vmem>>, vector<64x128xf32>
    tpu.vector_store %arg9[%swap3A_40, %swap3A_41], %add3A_39 {strides = array<i32>} : memref<64x128xf32, #tpu.memory_space<vmem>>, vector<64x128xf32>,
    %eq3A_43 = arith.constant 4 : i32
    %eq3A_44 = arith.cmpi eq, %arg0, %eq3A_43 : i32
    %convert_element_type3A_45 = arith.extui %eq3A_44 : i1 to i32
    %cond3A_46 = arith.constant 0 : i32
    %cond3A_47 = arith.cmpi ne, %convert_element_type3A_45, %cond3A_46 : i32
    scf.if %cond3A_47 {
      %get3A_48 = arith.constant 0 : index
      %get3A_49 = arith.constant 0 : index
      %get3A_50 = vector.load %arg8[%get3A_48, %get3A_49] : memref<64x128xf32, #tpu.memory_space<vmem>>, vector<64x128xf32>
      %get3A_51 = arith.constant 0 : index
      %get3A_52 = arith.constant 0 : index
      %get3A_53 = vector.load %arg9[%get3A_51, %get3A_52] : memref<64x128xf32, #tpu.memory_space<vmem>>, vector<64x128xf32>
      %max3A_54 = arith.constant 1.000000e+00 : f32
      %max3A_55 = vector.broadcast %max3A_54 : f32 to vector<64x128xf32>
      %max3A_56 = arith.maximumf %get3A_53, %max3A_55 : vector<64x128xf32>
      %div3A = arith.divf %get3A_50, %max3A_56 : vector<64x128xf32>
      %get3A_57 = arith.constant 0 : index
      %get3A_58 = arith.constant 0 : index
      %get3A_59 = vector.load %arg5[%get3A_57, %get3A_58] : memref<128x128xf32, #tpu.memory_space<vmem>>, vector<128x128xf32>
      %dot_general3A_60 = arith.constant dense<0.000000e+00> : vector<64x128xf32>
      %dot_general3A_61 = tpu.matmul %div3A, %get3A_59, %dot_general3A_60 {dimension_numbers = #tpu.dot_dimension_numbers<[1], [0], [0], [1], [0, 0, 1, 1], [], []>, transpose_lhs_hint = false} : vector<64x128xf32>, vector<128x128xf32>, vector<64x128xf32> -> vector<64x128xf32>
      %get3A_62 = arith.constant 0 : index
      %get3A_63 = arith.constant 0 : index
      %get3A_64 = vector.load %arg6[%get3A_62, %get3A_63] : memref<1x128xf32, #tpu.memory_space<vmem>>, vector<1x128xf32>
      %add3A_65 = vector.broadcast %get3A_64 : vector<1x128xf32> to vector<64x128xf32>
      %add3A_66 = arith.addf %dot_general3A_61, %add3A_65 : vector<64x128xf32>
      %swap3A_67 = arith.constant 0 : index
      %swap3A_68 = arith.constant 0 : index
      %swap3A_69 = vector.load %arg7[%swap3A_67, %swap3A_68] : memref<64x128xf32, #tpu.memory_space<vmem>>, vector<64x128xf32>
      tpu.vector_store %arg7[%swap3A_67, %swap3A_68], %add3A_66 {strides = array<i32>} : memref<64x128xf32, #tpu.memory_space<vmem>>, vector<64x128xf32>,
    } else {
    }
    return
  }
  func.func @transform_0(%arg0: i32) -> (i32, i32) {
    %c0_i32 = arith.constant 0 : i32
    %c0_i32_0 = arith.constant 0 : i32
    return %arg0, %c0_i32 : i32, i32
  }
  func.func @transform_1(%arg0: i32) -> (i32, i32, i32) {
    %c0_i32 = arith.constant 0 : i32
    %c0_i32_0 = arith.constant 0 : i32
    %c0_i32_1 = arith.constant 0 : i32
    return %arg0, %c0_i32, %c0_i32_0 : i32, i32, i32
  }
  func.func @transform_2(%arg0: i32) -> (i32, i32) {
    %c0_i32 = arith.constant 0 : i32
    %c0_i32_0 = arith.constant 0 : i32
    %c0_i32_1 = arith.constant 0 : i32
    return %c0_i32, %c0_i32_0 : i32, i32
  }
  func.func @transform_3(%arg0: i32) -> (i32, i32) {
    %c0_i32 = arith.constant 0 : i32
    %c0_i32_0 = arith.constant 0 : i32
    %c0_i32_1 = arith.constant 0 : i32
    return %c0_i32, %c0_i32_0 : i32, i32
  }
  func.func @transform_4(%arg0: i32) -> (i32, i32) {
    %c0_i32 = arith.constant 0 : i32
    %c0_i32_0 = arith.constant 0 : i32
    %c0_i32_1 = arith.constant 0 : i32
    return %c0_i32, %c0_i32_0 : i32, i32
  }
  func.func @transform_5(%arg0: i32) -> (i32, i32) {
    %c0_i32 = arith.constant 0 : i32
    %c0_i32_0 = arith.constant 0 : i32
    %c0_i32_1 = arith.constant 0 : i32
    return %c0_i32, %c0_i32_0 : i32, i32
  }
  func.func @transform_6(%arg0: i32) -> (i32, i32) {
    %c0_i32 = arith.constant 0 : i32
    %c0_i32_0 = arith.constant 0 : i32
    %c0_i32_1 = arith.constant 0 : i32
    return %c0_i32, %c0_i32_0 : i32, i32
  }
}

</mosaic_0001>

<sc_bundles>
// kernel: kernel.13.cloned.1.call-start
scs
__scs_entry_jumppad:
0x0: {  	(pc) =	sbr.rel $0x88, $3  }
0x1: {  	(tag) =	ssettag $0x0;
	lr =	simm.s32 $0x1  }
0x2: {  	[smem:$0x3F95] =	sst lr;
	_ =	strace $0xD0000000  }
0x3: {  	_ = 	snop  }
0x4: {  	_ = 	snop  }
0x5: {  	_ = 	snop  }
0x6: {  	_ = 	snop  }
0x7: {  	_ = 	snop  }
__scs_overlays_trampoline_lowered:
0x8: {  	[smem:$0x3FA4] =	sst s0  }
0x9: {  	[smem:$0x3FA5] =	sst s1  }
0xa: {  	[smem:$0x3FA6] =	sst s2  }
0xb: {  	[smem:$0x3FA7] =	sst s3  }
0xc: {  	[smem:$0x3FA8] =	sst s4  }
0xd: {  	[smem:$0x3FA9] =	sst s5  }
0xe: {  	[smem:$0x3FAA] =	sst s6  }
0xf: {  	[smem:$0x3FAB] =	sst s7  }
0x10: {  	[smem:$0x3FAC] =	sst s8  }
0x11: {  	[smem:$0x3FAD] =	sst s9;
	s0 =	simm.s32 @!p0 $0x0  }
0x12: {  	s1 =	sld [smem:$0x3F93];
	s0 =	simm.s32 @p0 $0x1  }
0x13: {  	[smem:$0x3FAE] =	sst s0;
	s0 =	simm.s32 @!p1 $0x0  }
0x14: {  	s2 =	sld [smem:$0x3F92];
	s0 =	simm.s32 @p1 $0x1  }
0x15: {  	[smem:$0x3FAF] =	sst s0;
	s0 =	simm.s32 @!p2 $0x0  }
0x16: {  	s3 =	sld [smem:$0x3FDB];
	s0 =	simm.s32 @p2 $0x1  }
0x17: {  	s4 =	simm.s32 $0x1BF5;
	[smem:$0x3FB1] =	sst s0  }
0x18: {  	s0 =	sld [smem:$0x3F94];
	_ =	swait.ge [sflag:s4], $0x0  }
0x19: {  	s7 =	sld [smem:$0x3F95]  }
0x1a: {  	s8 =	sadd.s32 $0xFFFFE003, lr  }
0x1b: {  	s9 =	sadd.s32 $0xFFFFFEF7, lr;
	s5 =	simm.s32 $0xFFFFFFFF;
	p2 =	slt.u32 s8, $0xFFFFF086  }
0x1c: {  	p1 =	slt.u32 s9, $0xF7A;
	s5 =	simm.s32 @!p2 $0x0  }
0x1d: {  	s5 =	simm.s32 @p1 $0x1;
	p0 =	seq.s32 s7, s2  }
0x1e: {  	s7 =	smul.u32 @!p0 $0xF7A, s2;
	p2 =	seq.s32 @!p0 s5, $0x0  }
0x1f: {  	s9 =	smul.u32 $0xF7A, s1;
	s8 =	simm.s32 @!p0 $0x1BF5;
	p2 =	por !p2, p0  }
0x20: {  	[sflag:s8] =	ssyncset.s32 @!p0 $0xFFFFF086;
	s6 =	sadd.s32 @!p0 s3, s7;
	s7 =	simm.s32 @!p0 $0x108  }
0x21: {  	s3 =	sadd.s32 s3, s9;
	s6 =	sadd.s32 @!p0 $0x88, s6;
	s7 =	simm.s32 @p2 $0x1082  }
0x22: {  	[simem:s7], [sflag:s8] =	dma.local @!p0 [hbm:s6], $0xF7A  }
0x23: {  	s9 =	sor.u32 $0xD0000000, s2;
	s6 =	simm.s32 $0x108;
	_ =	swait.ge @!p0 [sflag:s8], $0x0  }
0x24: {  	s3 =	sadd.s32 $0x88, s3;
	s6 =	simm.s32 @!p1 $0x1082;
	[sflag:s4] =	ssyncset.s32 $0xFFFFF086  }
0x25: {  	[simem:s6], [sflag:s4] =	dma.local [hbm:s3], $0xF7A  }
0x26: {  	[smem:$0x3F95] =	sst s1;
	(tag) =	ssettag s2;
	_ =	strace s9  }
0x27: {  	s1 =	sld [smem:$0x3FA5]  }
0x28: {  	s2 =	sld [smem:$0x3FA6]  }
0x29: {  	s4 =	sld [smem:$0x3FA8]  }
0x2a: {  	p0 =	seq.s32 s5, $0x0;
	s5 =	sld [smem:$0x3FA9]  }
0x2b: {  	s6 =	sld [smem:$0x3FAA]  }
0x2c: {  	s7 =	sld [smem:$0x3FAB]  }
0x2d: {  	s3 =	simm.s32 $0x108;
	s8 =	sld [smem:$0x3FAC]  }
0x2e: {  	s3 =	simm.s32 @!p0 $0x1082;
	s9 =	sld [smem:$0x3FAD]  }
0x2f: {  	lr =	sadd.s32 s0, s3;
	s0 =	sld [smem:$0x3FA4]  }
0x30: {  	s3 =	sld [smem:$0x3FA7]  }
0x31: {  	[smem:$0x3FB0] =	sst s10  }
0x32: {  	s10 =	sld [smem:$0x3FAE];
	_ =	sdelay $0x3  }
0x33: {  	p0 =	seq.s32 s10, $0x1;
	s10 =	sld [smem:$0x3FB0];
	_ =	sdelay $0x3  }
0x34: {  	[smem:$0x3FB0] =	sst s10  }
0x35: {  	s10 =	sld [smem:$0x3FAF];
	_ =	sdelay $0x3  }
0x36: {  	p1 =	seq.s32 s10, $0x1;
	s10 =	sld [smem:$0x3FB0];
	_ =	sdelay $0x3  }
0x37: {  	[smem:$0x3FB0] =	sst s10  }
0x38: {  	s10 =	sld [smem:$0x3FB1]  }
0x39: {  	_ = 	snop;
	(pc) =	sbr.ind lr, $3  }
0x3a: {  	_ = 	snop  }
0x3b: {  	_ = 	snop  }
0x3c: {  	p2 =	seq.s32 s10, $0x1;
	s10 =	sld [smem:$0x3FB0]  }
0x3d: {  	_ =	shalt  }
0x3e: {  	_ =	shalt  }
0x3f: {  	_ =	shalt  }
0x40: {  	_ =	shalt  }
0x41: {  	_ =	shalt  }
0x42: {  	_ =	shalt  }
0x43: {  	_ =	shalt  }
0x44: {  	_ =	shalt  }
0x45: {  	_ =	shalt  }
0x46: {  	_ =	shalt  }
0x47: {  	_ =	shalt  }
0x48: {  	_ =	shalt  }
0x49: {  	_ =	shalt  }
0x4a: {  	_ =	shalt  }
0x4b: {  	_ =	shalt  }
0x4c: {  	_ =	shalt  }
0x4d: {  	_ =	shalt  }
0x4e: {  	_ =	shalt  }
0x4f: {  	_ =	shalt  }
0x50: {  	_ =	shalt  }
0x51: {  	_ =	shalt  }
0x52: {  	_ =	shalt  }
0x53: {  	_ =	shalt  }
0x54: {  	_ =	shalt  }
0x55: {  	_ =	shalt  }
0x56: {  	_ =	shalt  }
0x57: {  	_ =	shalt  }
0x58: {  	_ =	shalt  }
0x59: {  	_ =	shalt  }
0x5a: {  	_ =	shalt  }
0x5b: {  	_ =	shalt  }
0x5c: {  	_ =	shalt  }
0x5d: {  	_ =	shalt  }
0x5e: {  	_ =	shalt  }
0x5f: {  	_ =	shalt  }
0x60: {  	_ =	shalt  }
0x61: {  	_ =	shalt  }
0x62: {  	_ =	shalt  }
0x63: {  	_ =	shalt  }
0x64: {  	_ =	shalt  }
0x65: {  	_ =	shalt  }
0x66: {  	_ =	shalt  }
0x67: {  	_ =	shalt  }
0x68: {  	_ =	shalt  }
0x69: {  	_ =	shalt  }
0x6a: {  	_ =	shalt  }
0x6b: {  	_ =	shalt  }
0x6c: {  	_ =	shalt  }
0x6d: {  	_ =	shalt  }
0x6e: {  	_ =	shalt  }
0x6f: {  	_ =	shalt  }
0x70: {  	_ =	shalt  }
0x71: {  	_ =	shalt  }
0x72: {  	_ =	shalt  }
0x73: {  	_ =	shalt  }
0x74: {  	_ =	shalt  }
0x75: {  	_ =	shalt  }
0x76: {  	_ =	shalt  }
0x77: {  	_ =	shalt  }
0x78: {  	_ =	shalt  }
0x79: {  	_ =	shalt  }
0x7a: {  	_ =	shalt  }
0x7b: {  	_ =	shalt  }
0x7c: {  	_ =	shalt  }
0x7d: {  	_ =	shalt  }
0x7e: {  	_ =	shalt  }
0x7f: {  	_ =	shalt  }
0x80: {  	_ =	shalt  }
0x81: {  	_ =	shalt  }
0x82: {  	_ =	shalt  }
0x83: {  	_ =	shalt  }
0x84: {  	_ =	shalt  }
0x85: {  	_ =	shalt  }
0x86: {  	_ =	shalt  }
0x87: {  	_ =	shalt  }
.Lfunc_end0:
.L_simem_size_0:
called_computation_lowered:
.L_overlay_start_0:
0x88: {  	s2 =	sld [smem:$0x3FD9]  }
0x89: {  	s3 =	sld [smem:$0x3FFE];
	_ =	sdelay $0x1  }
0x8a: {  	s1 =	srdreg.scid  }
0x8b: {  	s0 =	sand.u32 $0x1, s1  }
0x8c: {  	s17 =	sshll.u32 s0, $0xA;
	s2 =	sadd.s32 s3, s2  }
0x8d: {  	s2 =	sadd.s32 s2, s17  }
0x8e: {  	[smem:$0x3FBC] =	sst s2  }
0x8f: {  	_ = 	snop  }
0x90: {  	s2 =	sld [smem:$0x3FC9];
	(tm) =	ssettm $0x1  }
0x91: {  	s18 =	sld [smem:$0x3FFB];
	_ =	sdelay $0x3  }
0x92: {  	_ =	strace s18  }
0x93: {  	s3 =	sld [smem:$0x3FFC];
	_ =	sdelay $0x3  }
0x94: {  	_ =	strace s3  }
0x95: {  	s3 =	sld [smem:$0x3FFD];
	_ =	sdelay $0x3  }
0x96: {  	_ =	strace s3  }
0x97: {  	_ =	strace $0x8FFFFFFF  }
0x98: {  	s19 =	sld [smem:$0x3FDB];
	_ =	sdelay $0x1  }
0x99: {  	s4 =	simm.s32 $_scs_section_size  }
0x9a: {  	s5 =	simm.s32 $_size__tile_overlayer_lowered;
	s6 =	simm.s32 $_tile_overlayer_lowered  }
0x9b: {  	s22 =	simm.s32 $0x1BFF;
	s21 =	sshll.u32 s6, $0x1;
	s3 =	sadd.s32 s4, s19  }
0x9c: {  	s7 =	simm.s32 $0x0;
	s20 =	sshll.u32 s5, $0x1;
	s5 =	sadd.s32 s21, s3  }
0x9d: {  	[timem:s7], [sflag:s22] =	dma.local [hbm:s5], s20  }
0x9e: {  	_ =	swait.ge [sflag:s22], s20  }
0x9f: {  	s4 =	ssub.s32 $0x0, s20;
	[sflag:s22] =	ssyncset.done $0x0  }
0xa0: {  	[sflag:s22] =	ssyncadd.s32 s4;
	_ =	sdelay $0x1  }
0xa1: {  	s23 =	simm.s32 $0x1B8B  }
0xa2: {  	_ =	swait.ge [sflag:s23], $0x1  }
0xa3: {  	[sflag:s23] =	ssyncset.done $0x0  }
0xa4: {  	s25 =	simm.s32 $0x1B8E;
	s24 =	sld [smem:$0x3FFE];
	[sflag:s23] =	ssyncadd.s32 $0xFFFFFFFF  }
0xa5: {  	s26 =	simm.s32 $execute0_lowered;
	[smem:$0x3FD2] =	sst s25  }
0xa6: {  	s5 =	sshll.u32 s26, $0x1;
	_ =	strace $0x80000046;
	[dreg:$0x1] =	wrdreg $0xFFFFFFFF  }
0xa7: {  	s28 =	simm.s32 $_size_execute0_lowered;
	s3 =	sadd.s32 s3, s5;
	[dreg:$0x0] =	wrdreg $0x0  }
0xa8: {  	s5 =	sshll.u32 s28, $0x1;
	[dreg:$0x2] =	wrdreg s3  }
0xa9: {  	[dreg:$0x3] =	wrdreg s5  }
0xaa: {  	[dreg:$0x4] =	wrdreg $0xC0  }
0xab: {  	_ =	task [dreg:s7], $0x5FFFF  }
0xac: {  	[dreg:$0x1] =	wrdreg $0xFFFFFFFF  }
0xad: {  	[dreg:$0x0] =	wrdreg $0x60  }
0xae: {  	[dreg:$0x2] =	wrdreg s2  }
0xaf: {  	[dreg:$0x3] =	wrdreg s24  }
0xb0: {  	[dreg:$0x4] =	wrdreg $0xA8000  }
0xb1: {  	[dreg:$0x5] =	wrdreg $0x9  }
0xb2: {  	_ =	task.clear_ibuf [dreg:s7], $0x6FFFF;
	_ =	strace $0x90000046  }
0xb3: {  	s29 =	simm.s32 $0x9;
	_ =	strace $0x80000048  }
0xb4: {  	_ =	swait.ge [sflag:s29], $0x1  }
0xb5: {  	[sflag:s29] =	ssyncadd.s32 $0xFFFFFFFF  }
0xb6: {  	_ =	strace $0x90000048  }
0xb7: {  	_ =	sfence  }
0xb8: {  	s30 =	sld [smem:$0x0];
	_ =	sdelay $0x2  }
0xb9: {  	s31 =	sshll.u32 s1, $0xD;
	s1 =	sshrl.u32 s1, $0x2  }
0xba: {  	s3 =	sand.u32 $0x4000, s31;
	s1 =	sadd.s32 s1, s30  }
0xbb: {  	s0 =	sor.u32 s3, s0;
	s1 =	sshll.u32 s1, $0x11  }
0xbc: {  	s0 =	sor.u32 s1, s0  }
0xbd: {  	s0 =	sadd.s32 $0x8F2B, s0  }
0xbe: {  	[sflag:s0] =	ssyncadd.remote.s32 $0x1  }
0xbf: {  	_ =	sfence.sel $0xFFFF  }
0xc0: {  	[dreg:$0x0] =	wrdreg $0xFFFFFFFF;
	(pc) =	sbr.abs _section_cstart, $3  }
0xc1: {  	[dreg:$0x1] =	wrdreg $0xFFFFFFFF  }
0xc2: {  	_ =	task.clear_ibuf [dreg:s7], $0x2FFFF;
	_ =	strace $0x9FFFFFFF  }
0xc3: {  	(tm) =	ssettm $0x7FFFFFFF  }
tec
execute0_lowered:
.L_overlay_start_1:
0x0: {  	(tag) =	ssettag $0x1  }
0x1: {  	s1 =	rddreg [dreg:$0x0]  }
0x2: {  	s5 =	rddreg [dreg:$0x1]  }
0x3: {  	s3 =	rddreg [dreg:$0x2]  }
0x4: {  	s2 =	srdreg.scid;
	s4 =	simm.s32 $0x0;
	s17 =	simm.s32 $0x1400  }
0x5: {  	s18 =	simm.s32 $0x80;
	s19 =	simm.s32 $0x2800;
	s20 =	simm.s32 $0x6800  }
0x6: {  	s21 =	simm.s32 $0x1;
	s22 =	simm.s32 $0x2;
	s23 =	simm.s32 $0x1380  }
0x7: {  	s24 =	simm.s32 $0x2700;
	s25 =	simm.s32 $0x2780;
	s26 =	simm.s32 $0x0  }
0x8: {  	s6 =	sand.u32 $0x1, s2;
	s2 =	stileid.u32;
	[smem:$0x7FF] =	sst s4  }
0x9: {  	s12 =	sadd.s32 $0x5000, s5;
	s13 =	sadd.s32 $0xF000, s5;
	s7 =	smul.u32 $0x140000, s6  }
0xa: {  	s8 =	smul.u32 $0x14000, s2;
	s9 =	sshll.u32 s2, $0x1;
	_ =	strace $0x80000047  }
0xb: {  	s29 =	smul.u32 $0x50000, s2;
	s30 =	ssub.s32 $0x2, s6;
	s9 =	sor.u32 s6, s9  }
0xc: {  	s6 =	sshrl.u32 s30, $0x1;
	s7 =	sadd.s32 s8, s7;
	s28 =	smul.u32 $0x2800, s9  }
0xd: {  	s31 =	sshrl.u32 s29, $0x2;
	s16 =	ssub.s32 s30, s6;
	s7 =	sshrl.u32 s7, $0x3  }
0xe: {  	s6 =	sadd.s32 s31, s3;
	s14 =	sadd.s32 s7, s5;
	s15 =	sshrl.u32 s28, $0x3  }
0xf: {  	s8 =	sadd.s32 $0x4000, s6;
	s9 =	sadd.s32 $0x8000, s6;
	s10 =	sadd.s32 $0xC000, s6  }
0x10: {  	s5 =	sadd.s32 s12, s15;
	s7 =	sadd.s32 s13, s15;
	s15 =	sadd.s32 $0x280, s15  }
0x11: {  	s11 =	sadd.s32 $0x10000, s6;
	s14 =	sadd.s32 $0x19000, s14;
	s12 =	sadd.s32 s12, s15  }
0x12: {  	v0 =	vimm.f32 $0.0e+00;
	s13 =	sadd.s32 s13, s15;
	s15 =	smax.u32 s16, $0x1;
	s16 =	simm.s32 $0x3  }
.LBB2_1:
0x13: {  	[tilespmem:s4], [sflag:$0x3] =	stream.linear.gather [hbm4b:s5+s4], $0x1400, $0x38;
	[tilespmem:$0x1E800] =	vst v63  }
0x14: {  	_ =	swait.ge [sflag:s16], $0x1400  }
0x15: {  	[sflag:s16] =	ssyncset.done $0x0  }
0x16: {  	[sflag:s16] =	ssyncadd.s32 $0xFFFFEC00  }
0x17: {  	[tilespmem:s17], [sflag:$0x3] =	stream.linear.gather [hbm4b:s7+s4], $0x1400, $0x38;
	[tilespmem:$0x1E800] =	vst v63  }
0x18: {  	_ =	swait.ge [sflag:s16], $0x1400  }
0x19: {  	[sflag:s16] =	ssyncset.done $0x0  }
0x1a: {  	s28 =	simm.s32 $0x0;
	s29 =	simm.s32 $0x200;
	[sflag:s16] =	ssyncadd.s32 $0xFFFFEC00  }
0x1b: {  	[tilespmem:s19], [sflag:$0x1] =	stream.indirect.gather [hbm4b:s1+s18], $0x80, s4, s18, $0xb8;
	[tilespmem:$0x1E800] =	vst v63  }
.LBB2_2:
0x1c: {  	p0 =	sne.s32 s29, $0xFE00;
	[tilespmem:s28+$0x6870] =	vst v0  }
0x1d: {  	[tilespmem:s28+$0x6800] =	vst v0  }
0x1e: {  	[tilespmem:s28+$0x6810] =	vst v0  }
.Ltmp0:
0x1f: {  	[tilespmem:s28+$0x6820] =	vst v0;
	(pc) =	sbr.rel @p0 .LBB2_2-.Ltmp0, $4  }
0x20: {  	[tilespmem:s28+$0x6830] =	vst v0  }
0x21: {  	[tilespmem:s28+$0x6840] =	vst v0  }
0x22: {  	[tilespmem:s28+$0x6850] =	vst v0  }
0x23: {  	[tilespmem:s28+$0x6860] =	vst v0;
	s28 =	sshra.s32 s29, $0x2;
	s29 =	sadd.s32 $0x200, s29  }
0x24: {  	[tilespmem:s28+$0x6870] =	vst v0  }
0x25: {  	[tilespmem:s28+$0x6800] =	vst v0  }
0x26: {  	[tilespmem:s28+$0x6810] =	vst v0  }
0x27: {  	[tilespmem:s28+$0x6820] =	vst v0  }
0x28: {  	[tilespmem:s28+$0x6830] =	vst v0  }
0x29: {  	[tilespmem:s28+$0x6840] =	vst v0  }
0x2a: {  	[tilespmem:s28+$0x6850] =	vst v0  }
0x2b: {  	[tilespmem:s28+$0x6860] =	vst v0  }
0x2c: {  	[spmem:s6] =	stream.linear.scatter [tilespmem:s20], [sflag:$0x3], $0x4000, $0x38;
	[tilespmem:$0x1E800] =	vst v63  }
0x2d: {  	_ =	swait.ge [sflag:s16], $0x4000  }
0x2e: {  	[sflag:s16] =	ssyncset.done $0x0  }
0x2f: {  	[sflag:s16] =	ssyncadd.s32 $0xFFFFC000  }
0x30: {  	[spmem:s8] =	stream.linear.scatter [tilespmem:s20], [sflag:$0x3], $0x4000, $0x38;
	[tilespmem:$0x1E800] =	vst v63  }
0x31: {  	_ =	swait.ge [sflag:s16], $0x4000  }
0x32: {  	[sflag:s16] =	ssyncset.done $0x0  }
0x33: {  	[sflag:s16] =	ssyncadd.s32 $0xFFFFC000  }
0x34: {  	[spmem:s9] =	stream.linear.scatter [tilespmem:s20], [sflag:$0x3], $0x4000, $0x38;
	[tilespmem:$0x1E800] =	vst v63  }
0x35: {  	_ =	swait.ge [sflag:s16], $0x4000  }
0x36: {  	[sflag:s16] =	ssyncset.done $0x0  }
0x37: {  	[sflag:s16] =	ssyncadd.s32 $0xFFFFC000  }
0x38: {  	[spmem:s10] =	stream.linear.scatter [tilespmem:s20], [sflag:$0x3], $0x4000, $0x38;
	[tilespmem:$0x1E800] =	vst v63  }
0x39: {  	_ =	swait.ge [sflag:s16], $0x4000  }
0x3a: {  	[sflag:s16] =	ssyncset.done $0x0  }
0x3b: {  	[sflag:s16] =	ssyncadd.s32 $0xFFFFC000  }
0x3c: {  	[spmem:s11] =	stream.linear.scatter [tilespmem:s20], [sflag:$0x3], $0x4000, $0x38;
	[tilespmem:$0x1E800] =	vst v63  }
0x3d: {  	_ =	swait.ge [sflag:s16], $0x4000  }
0x3e: {  	[sflag:s16] =	ssyncset.done $0x0  }
0x3f: {  	[sflag:s16] =	ssyncadd.s32 $0xFFFFC000  }
0x40: {  	s28 =	simm.s32 $0x80;
	[bflag:$0x0] =	sbarrier.arrive $0xFFFF  }
0x41: {  	[tilespmem:s20], [sflag:$0x2] =	stream.indirect.gather [hbm4b:s1+s18], $0x80, s28, s18, $0xb8;
	[tilespmem:$0x1E800] =	vst v63  }
0x42: {  	_ =	swait.ge [sflag:s21], $0x4000  }
0x43: {  	[sflag:s21] =	ssyncset.done $0x0  }
0x44: {  	s28 =	simm.s32 $0x1400;
	[sflag:s21] =	ssyncadd.s32 $0xFFFFC000  }
0x45: {  	[spmem:s3] =	stream.indirect.scatter.add.f32 [tilespmem:s19], [sflag:$0x3], $0x80, s28, s18, $0xb8;
	[tilespmem:$0x1E800] =	vst v63  }
0x46: {  	_ =	swait.ge [sflag:s16], $0x4000  }
0x47: {  	[sflag:s16] =	ssyncset.done $0x0  }
0x48: {  	s28 =	simm.s32 $0x100;
	[sflag:s16] =	ssyncadd.s32 $0xFFFFC000  }
0x49: {  	[tilespmem:s19], [sflag:$0x1] =	stream.indirect.gather [hbm4b:s1+s18], $0x80, s28, s18, $0xb8;
	[tilespmem:$0x1E800] =	vst v63  }
0x4a: {  	_ =	swait.ge [sflag:s22], $0x4000  }
0x4b: {  	[sflag:s22] =	ssyncset.done $0x0  }
0x4c: {  	s28 =	simm.s32 $0x1480;
	[sflag:s22] =	ssyncadd.s32 $0xFFFFC000  }
0x4d: {  	[spmem:s3] =	stream.indirect.scatter.add.f32 [tilespmem:s20], [sflag:$0x3], $0x80, s28, s18, $0xb8;
	[tilespmem:$0x1E800] =	vst v63  }
0x4e: {  	_ =	swait.ge [sflag:s16], $0x4000  }
0x4f: {  	s29 =	simm.s32 $0x800;
	s28 =	simm.s32 $0x100;
	[sflag:s16] =	ssyncset.done $0x0  }
.LBB2_4:
0x50: {  	s30 =	sadd.s32 $0x80, s28  }
0x51: {  	[sflag:s16] =	ssyncadd.s32 $0xFFFFC000;
	s31 =	smov.u32 s29;
	s0 =	sadd.s32 $0x400, s29  }
0x52: {  	[tilespmem:s20], [sflag:$0x2] =	stream.indirect.gather [hbm4b:s1+s18], $0x80, s30, s18, $0xb8;
	[tilespmem:$0x1E800] =	vst v63  }
0x53: {  	p0 =	sne.s32 s29, $0x4800;
	_ =	swait.ge [sflag:s21], $0x4000  }
0x54: {  	[sflag:s21] =	ssyncset.done $0x0  }
0x55: {  	s29 =	sadd.s32 $0x1400, s28;
	[sflag:s21] =	ssyncadd.s32 $0xFFFFC000  }
0x56: {  	[spmem:s3] =	stream.indirect.scatter.add.f32 [tilespmem:s19], [sflag:$0x3], $0x80, s29, s18, $0xb8;
	[tilespmem:$0x1E800] =	vst v63  }
0x57: {  	_ =	swait.ge [sflag:s16], $0x4000  }
0x58: {  	[sflag:s16] =	ssyncset.done $0x0  }
0x59: {  	s29 =	sadd.s32 $0x100, s28;
	[sflag:s16] =	ssyncadd.s32 $0xFFFFC000  }
0x5a: {  	[tilespmem:s19], [sflag:$0x1] =	stream.indirect.gather [hbm4b:s1+s18], $0x80, s29, s18, $0xb8;
	[tilespmem:$0x1E800] =	vst v63  }
0x5b: {  	_ =	swait.ge [sflag:s22], $0x4000  }
.Ltmp1:
0x5c: {  	[sflag:s22] =	ssyncset.done $0x0;
	(pc) =	sbr.rel @p0 .LBB2_4-.Ltmp1, $4  }
0x5d: {  	s28 =	sadd.s32 $0x1480, s28;
	[sflag:s22] =	ssyncadd.s32 $0xFFFFC000  }
0x5e: {  	[spmem:s3] =	stream.indirect.scatter.add.f32 [tilespmem:s20], [sflag:$0x3], $0x80, s28, s18, $0xb8;
	[tilespmem:$0x1E800] =	vst v63  }
0x5f: {  	_ =	swait.ge [sflag:s16], $0x4000  }
0x60: {  	s29 =	smov.u32 s0;
	s28 =	sshra.s32 s31, $0x2;
	[sflag:s16] =	ssyncset.done $0x0  }
0x61: {  	s0 =	sadd.s32 $0x80, s28;
	[sflag:s16] =	ssyncadd.s32 $0xFFFFC000  }
0x62: {  	[tilespmem:s20], [sflag:$0x2] =	stream.indirect.gather [hbm4b:s1+s18], $0x80, s0, s18, $0xb8;
	[tilespmem:$0x1E800] =	vst v63  }
0x63: {  	_ =	swait.ge [sflag:s21], $0x4000  }
0x64: {  	[sflag:s21] =	ssyncset.done $0x0  }
0x65: {  	s30 =	sadd.s32 $0x1400, s28;
	[sflag:s21] =	ssyncadd.s32 $0xFFFFC000  }
0x66: {  	[spmem:s3] =	stream.indirect.scatter.add.f32 [tilespmem:s19], [sflag:$0x3], $0x80, s30, s18, $0xb8;
	[tilespmem:$0x1E800] =	vst v63  }
0x67: {  	_ =	swait.ge [sflag:s16], $0x4000  }
0x68: {  	[sflag:s16] =	ssyncset.done $0x0  }
0x69: {  	s31 =	sadd.s32 $0x100, s28;
	[sflag:s16] =	ssyncadd.s32 $0xFFFFC000  }
0x6a: {  	[tilespmem:s19], [sflag:$0x1] =	stream.indirect.gather [hbm4b:s1+s18], $0x80, s31, s18, $0xb8;
	[tilespmem:$0x1E800] =	vst v63  }
0x6b: {  	_ =	swait.ge [sflag:s22], $0x4000  }
0x6c: {  	[sflag:s22] =	ssyncset.done $0x0  }
0x6d: {  	s30 =	sadd.s32 $0x1480, s28;
	[sflag:s22] =	ssyncadd.s32 $0xFFFFC000  }
0x6e: {  	[spmem:s3] =	stream.indirect.scatter.add.f32 [tilespmem:s20], [sflag:$0x3], $0x80, s30, s18, $0xb8;
	[tilespmem:$0x1E800] =	vst v63  }
0x6f: {  	_ =	swait.ge [sflag:s16], $0x4000  }
0x70: {  	[sflag:s16] =	ssyncset.done $0x0  }
0x71: {  	[sflag:s16] =	ssyncadd.s32 $0xFFFFC000  }
0x72: {  	[tilespmem:s20], [sflag:$0x2] =	stream.indirect.gather [hbm4b:s1+s18], $0x80, s23, s18, $0xb8;
	[tilespmem:$0x1E800] =	vst v63  }
0x73: {  	_ =	swait.ge [sflag:s21], $0x4000  }
0x74: {  	[sflag:s21] =	ssyncset.done $0x0  }
0x75: {  	[sflag:s21] =	ssyncadd.s32 $0xFFFFC000  }
0x76: {  	[spmem:s3] =	stream.indirect.scatter.add.f32 [tilespmem:s19], [sflag:$0x3], $0x80, s24, s18, $0xb8;
	[tilespmem:$0x1E800] =	vst v63  }
0x77: {  	_ =	swait.ge [sflag:s16], $0x4000  }
0x78: {  	[sflag:s16] =	ssyncset.done $0x0  }
0x79: {  	[sflag:s16] =	ssyncadd.s32 $0xFFFFC000  }
0x7a: {  	_ =	swait.ge [sflag:s22], $0x4000  }
0x7b: {  	[sflag:s22] =	ssyncset.done $0x0  }
0x7c: {  	[sflag:s22] =	ssyncadd.s32 $0xFFFFC000  }
0x7d: {  	[spmem:s3] =	stream.indirect.scatter.add.f32 [tilespmem:s20], [sflag:$0x3], $0x80, s25, s18, $0xb8;
	[tilespmem:$0x1E800] =	vst v63  }
0x7e: {  	_ =	swait.ge [sflag:s16], $0x4000  }
0x7f: {  	[sflag:s16] =	ssyncset.done $0x0  }
0x80: {  	s31 =	simm.s32 $0x0;
	[sflag:s16] =	ssyncadd.s32 $0xFFFFC000  }
0x81: {  	[tilespmem:s31], [sflag:$0x3] =	stream.linear.gather [hbm4b:s12+s31], $0x1400, $0x38;
	[tilespmem:$0x1E800] =	vst v63  }
0x82: {  	_ =	swait.ge [sflag:s16], $0x1400  }
0x83: {  	[sflag:s16] =	ssyncset.done $0x0  }
0x84: {  	[sflag:s16] =	ssyncadd.s32 $0xFFFFEC00  }
0x85: {  	[tilespmem:s17], [sflag:$0x3] =	stream.linear.gather [hbm4b:s13+s31], $0x1400, $0x38;
	[tilespmem:$0x1E800] =	vst v63  }
0x86: {  	_ =	swait.ge [sflag:s16], $0x1400  }
0x87: {  	[sflag:s16] =	ssyncset.done $0x0  }
0x88: {  	[sflag:s16] =	ssyncadd.s32 $0xFFFFEC00  }
0x89: {  	[tilespmem:s19], [sflag:$0x1] =	stream.indirect.gather [hbm4b:s1+s18], $0x80, s31, s18, $0xb8;
	[tilespmem:$0x1E800] =	vst v63  }
0x8a: {  	s30 =	simm.s32 $0x80  }
0x8b: {  	[tilespmem:s20], [sflag:$0x2] =	stream.indirect.gather [hbm4b:s1+s18], $0x80, s30, s18, $0xb8;
	[tilespmem:$0x1E800] =	vst v63  }
0x8c: {  	_ =	swait.ge [sflag:s21], $0x4000  }
0x8d: {  	[sflag:s21] =	ssyncset.done $0x0  }
0x8e: {  	s31 =	simm.s32 $0x1400;
	[sflag:s21] =	ssyncadd.s32 $0xFFFFC000  }
0x8f: {  	[spmem:s3] =	stream.indirect.scatter.add.f32 [tilespmem:s19], [sflag:$0x3], $0x80, s31, s18, $0xb8;
	[tilespmem:$0x1E800] =	vst v63  }
0x90: {  	_ =	swait.ge [sflag:s16], $0x4000  }
0x91: {  	[sflag:s16] =	ssyncset.done $0x0  }
0x92: {  	s30 =	simm.s32 $0x100;
	[sflag:s16] =	ssyncadd.s32 $0xFFFFC000  }
0x93: {  	[tilespmem:s19], [sflag:$0x1] =	stream.indirect.gather [hbm4b:s1+s18], $0x80, s30, s18, $0xb8;
	[tilespmem:$0x1E800] =	vst v63  }
0x94: {  	_ =	swait.ge [sflag:s22], $0x4000  }
0x95: {  	[sflag:s22] =	ssyncset.done $0x0  }
0x96: {  	s31 =	simm.s32 $0x1480;
	[sflag:s22] =	ssyncadd.s32 $0xFFFFC000  }
0x97: {  	[spmem:s3] =	stream.indirect.scatter.add.f32 [tilespmem:s20], [sflag:$0x3], $0x80, s31, s18, $0xb8;
	[tilespmem:$0x1E800] =	vst v63  }
0x98: {  	_ =	swait.ge [sflag:s16], $0x4000  }
0x99: {  	s29 =	simm.s32 $0x800;
	s28 =	simm.s32 $0x100;
	[sflag:s16] =	ssyncset.done $0x0  }
.LBB2_6:
0x9a: {  	s0 =	sadd.s32 $0x80, s28  }
0x9b: {  	[sflag:s16] =	ssyncadd.s32 $0xFFFFC000;
	s30 =	smov.u32 s29;
	s31 =	sadd.s32 $0x400, s29  }
0x9c: {  	[tilespmem:s20], [sflag:$0x2] =	stream.indirect.gather [hbm4b:s1+s18], $0x80, s0, s18, $0xb8;
	[tilespmem:$0x1E800] =	vst v63  }
0x9d: {  	p0 =	sne.s32 s29, $0x4800;
	_ =	swait.ge [sflag:s21], $0x4000  }
0x9e: {  	[sflag:s21] =	ssyncset.done $0x0  }
0x9f: {  	s0 =	sadd.s32 $0x1400, s28;
	[sflag:s21] =	ssyncadd.s32 $0xFFFFC000  }
0xa0: {  	[spmem:s3] =	stream.indirect.scatter.add.f32 [tilespmem:s19], [sflag:$0x3], $0x80, s0, s18, $0xb8;
	[tilespmem:$0x1E800] =	vst v63  }
0xa1: {  	_ =	swait.ge [sflag:s16], $0x4000  }
0xa2: {  	[sflag:s16] =	ssyncset.done $0x0  }
0xa3: {  	s0 =	sadd.s32 $0x100, s28;
	[sflag:s16] =	ssyncadd.s32 $0xFFFFC000  }
0xa4: {  	[tilespmem:s19], [sflag:$0x1] =	stream.indirect.gather [hbm4b:s1+s18], $0x80, s0, s18, $0xb8;
	[tilespmem:$0x1E800] =	vst v63  }
0xa5: {  	_ =	swait.ge [sflag:s22], $0x4000  }
.Ltmp2:
0xa6: {  	[sflag:s22] =	ssyncset.done $0x0;
	(pc) =	sbr.rel @p0 .LBB2_6-.Ltmp2, $4  }
0xa7: {  	s0 =	sadd.s32 $0x1480, s28;
	[sflag:s22] =	ssyncadd.s32 $0xFFFFC000  }
0xa8: {  	[spmem:s3] =	stream.indirect.scatter.add.f32 [tilespmem:s20], [sflag:$0x3], $0x80, s0, s18, $0xb8;
	[tilespmem:$0x1E800] =	vst v63  }
0xa9: {  	_ =	swait.ge [sflag:s16], $0x4000  }
0xaa: {  	s29 =	smov.u32 s31;
	s28 =	sshra.s32 s30, $0x2;
	[sflag:s16] =	ssyncset.done $0x0  }
0xab: {  	s0 =	sadd.s32 $0x80, s28;
	[sflag:s16] =	ssyncadd.s32 $0xFFFFC000  }
0xac: {  	[tilespmem:s20], [sflag:$0x2] =	stream.indirect.gather [hbm4b:s1+s18], $0x80, s0, s18, $0xb8;
	[tilespmem:$0x1E800] =	vst v63  }
0xad: {  	_ =	swait.ge [sflag:s21], $0x4000  }
0xae: {  	[sflag:s21] =	ssyncset.done $0x0  }
0xaf: {  	s30 =	sadd.s32 $0x1400, s28;
	[sflag:s21] =	ssyncadd.s32 $0xFFFFC000  }
0xb0: {  	[spmem:s3] =	stream.indirect.scatter.add.f32 [tilespmem:s19], [sflag:$0x3], $0x80, s30, s18, $0xb8;
	[tilespmem:$0x1E800] =	vst v63  }
0xb1: {  	_ =	swait.ge [sflag:s16], $0x4000  }
0xb2: {  	[sflag:s16] =	ssyncset.done $0x0  }
0xb3: {  	s31 =	sadd.s32 $0x100, s28;
	[sflag:s16] =	ssyncadd.s32 $0xFFFFC000  }
0xb4: {  	[tilespmem:s19], [sflag:$0x1] =	stream.indirect.gather [hbm4b:s1+s18], $0x80, s31, s18, $0xb8;
	[tilespmem:$0x1E800] =	vst v63  }
0xb5: {  	_ =	swait.ge [sflag:s22], $0x4000  }
0xb6: {  	[sflag:s22] =	ssyncset.done $0x0  }
0xb7: {  	s29 =	sadd.s32 $0x1480, s28;
	[sflag:s22] =	ssyncadd.s32 $0xFFFFC000  }
0xb8: {  	[spmem:s3] =	stream.indirect.scatter.add.f32 [tilespmem:s20], [sflag:$0x3], $0x80, s29, s18, $0xb8;
	[tilespmem:$0x1E800] =	vst v63  }
0xb9: {  	_ =	swait.ge [sflag:s16], $0x4000  }
0xba: {  	[sflag:s16] =	ssyncset.done $0x0  }
0xbb: {  	[sflag:s16] =	ssyncadd.s32 $0xFFFFC000  }
0xbc: {  	[tilespmem:s20], [sflag:$0x2] =	stream.indirect.gather [hbm4b:s1+s18], $0x80, s23, s18, $0xb8;
	[tilespmem:$0x1E800] =	vst v63  }
0xbd: {  	_ =	swait.ge [sflag:s21], $0x4000  }
0xbe: {  	[sflag:s21] =	ssyncset.done $0x0  }
0xbf: {  	[sflag:s21] =	ssyncadd.s32 $0xFFFFC000  }
0xc0: {  	[spmem:s3] =	stream.indirect.scatter.add.f32 [tilespmem:s19], [sflag:$0x3], $0x80, s24, s18, $0xb8;
	[tilespmem:$0x1E800] =	vst v63  }
0xc1: {  	_ =	swait.ge [sflag:s16], $0x4000  }
0xc2: {  	[sflag:s16] =	ssyncset.done $0x0  }
0xc3: {  	[sflag:s16] =	ssyncadd.s32 $0xFFFFC000  }
0xc4: {  	_ =	swait.ge [sflag:s22], $0x4000  }
0xc5: {  	[sflag:s22] =	ssyncset.done $0x0  }
0xc6: {  	[sflag:s22] =	ssyncadd.s32 $0xFFFFC000  }
0xc7: {  	[spmem:s3] =	stream.indirect.scatter.add.f32 [tilespmem:s20], [sflag:$0x3], $0x80, s25, s18, $0xb8;
	[tilespmem:$0x1E800] =	vst v63  }
0xc8: {  	_ =	swait.ge [sflag:s16], $0x4000  }
0xc9: {  	s26 =	sadd.s32 $0x1, s26;
	s30 =	sshll.u32 s2, $0x6;
	[sflag:s16] =	ssyncset.done $0x0  }
0xca: {  	p0 =	sne.s32 s26, s15;
	s0 =	sor.u32 $0x1C03, s30;
	[sflag:s16] =	ssyncadd.s32 $0xFFFFC000  }
.Ltmp3:
0xcb: {  	s31 =	sshrl.u32 s6, $0x3;
	[bflag:$0x0] =	sbarrier.arrive $0xFFFF;
	(pc) =	sbr.rel @p0 .LBB2_1-.Ltmp3, $4  }
0xcc: {  	[hbm:s14], [sflag:s0] =	dma.local [spmem:s31], $0x2800  }
0xcd: {  	_ =	swait.ge [sflag:s16], $0x2800  }
0xce: {  	[sflag:s16] =	ssyncset.done $0x0  }
0xcf: {  	[sflag:s16] =	ssyncadd.s32 $0xFFFFD800  }
0xd0: {  	_ =	sfence.sel $0x180000  }
0xd1: {  	[bflag:$0x0] =	sbarrier.arrive $0xFFFF  }
0xd2: {  	_ =	strace $0x90000047  }
0xd3: {  	[bflag:$0x2] =	sbarrier.arrive $0xFFFF  }
0xd4: {  	p0 =	sne.s32 s2, $0x0;
	s0 =	rddreg [dreg:$0x3]  }
0xd5: {  	s0 =	sadd.s32 @!p0 $0x100000, s0  }
0xd6: {  	[sflag:s0] =	ssyncadd.tile.s32 @!p0 $0x1;
	_ =	shalt  }
.Lfunc_end2:
_tile_overlayer_lowered:
.L_overlay_start_2:
0xd7: {  	(tag) =	ssettag $0x2  }
0xd8: {  	s0 =	rddreg [dreg:$0x0];
	s2 =	stileid.u32  }
0xd9: {  	s1 =	rddreg [dreg:$0x1];
	p0 =	sne.s32 s2, $0x0  }
0xda: {  	s3 =	rddreg [dreg:$0x2];
	[bflag:$0x3] =	sbarrier.arrive $0xFFFF;
	s2 =	simm.s32 @!p0 $0x1C03  }
0xdb: {  	[timem:s3], [sflag:s2] =	dma.local @!p0 [hbm:s0], s1  }
0xdc: {  	s0 =	simm.s32 @!p0 $0x3  }
0xdd: {  	_ =	swait.ge @!p0 [sflag:s0], s1  }
0xde: {  	s1 =	ssub.s32 @!p0 $0x0, s1;
	[sflag:s0] =	ssyncset.done @!p0 $0x0  }
0xdf: {  	[sflag:s0] =	ssyncadd.s32 @!p0 s1  }
0xe0: {  	[bflag:$0x3] =	sbarrier.arrive $0xFFFF  }
0xe1: {  	_ =	shalt  }

// kernel: kernel.16.cloned.1.call-start
scs
__scs_entry_jumppad:
0x0: {  	(pc) =	sbr.rel $0x88, $3  }
0x1: {  	(tag) =	ssettag $0x0;
	lr =	simm.s32 $0x1  }
0x2: {  	[smem:$0x3F95] =	sst lr;
	_ =	strace $0xD0000000  }
0x3: {  	_ = 	snop  }
0x4: {  	_ = 	snop  }
0x5: {  	_ = 	snop  }
0x6: {  	_ = 	snop  }
0x7: {  	_ = 	snop  }
__scs_overlays_trampoline_lowered:
0x8: {  	[smem:$0x3FA4] =	sst s0  }
0x9: {  	[smem:$0x3FA5] =	sst s1  }
0xa: {  	[smem:$0x3FA6] =	sst s2  }
0xb: {  	[smem:$0x3FA7] =	sst s3  }
0xc: {  	[smem:$0x3FA8] =	sst s4  }
0xd: {  	[smem:$0x3FA9] =	sst s5  }
0xe: {  	[smem:$0x3FAA] =	sst s6  }
0xf: {  	[smem:$0x3FAB] =	sst s7  }
0x10: {  	[smem:$0x3FAC] =	sst s8  }
0x11: {  	[smem:$0x3FAD] =	sst s9;
	s0 =	simm.s32 @!p0 $0x0  }
0x12: {  	s1 =	sld [smem:$0x3F93];
	s0 =	simm.s32 @p0 $0x1  }
0x13: {  	[smem:$0x3FAE] =	sst s0;
	s0 =	simm.s32 @!p1 $0x0  }
0x14: {  	s2 =	sld [smem:$0x3F92];
	s0 =	simm.s32 @p1 $0x1  }
0x15: {  	[smem:$0x3FAF] =	sst s0;
	s0 =	simm.s32 @!p2 $0x0  }
0x16: {  	s3 =	sld [smem:$0x3FDB];
	s0 =	simm.s32 @p2 $0x1  }
0x17: {  	s4 =	simm.s32 $0x1BF5;
	[smem:$0x3FB1] =	sst s0  }
0x18: {  	s0 =	sld [smem:$0x3F94];
	_ =	swait.ge [sflag:s4], $0x0  }
0x19: {  	s7 =	sld [smem:$0x3F95]  }
0x1a: {  	s8 =	sadd.s32 $0xFFFFE003, lr  }
0x1b: {  	s9 =	sadd.s32 $0xFFFFFEF7, lr;
	s5 =	simm.s32 $0xFFFFFFFF;
	p2 =	slt.u32 s8, $0xFFFFF086  }
0x1c: {  	p1 =	slt.u32 s9, $0xF7A;
	s5 =	simm.s32 @!p2 $0x0  }
0x1d: {  	s5 =	simm.s32 @p1 $0x1;
	p0 =	seq.s32 s7, s2  }
0x1e: {  	s7 =	smul.u32 @!p0 $0xF7A, s2;
	p2 =	seq.s32 @!p0 s5, $0x0  }
0x1f: {  	s9 =	smul.u32 $0xF7A, s1;
	s8 =	simm.s32 @!p0 $0x1BF5;
	p2 =	por !p2, p0  }
0x20: {  	[sflag:s8] =	ssyncset.s32 @!p0 $0xFFFFF086;
	s6 =	sadd.s32 @!p0 s3, s7;
	s7 =	simm.s32 @!p0 $0x108  }
0x21: {  	s3 =	sadd.s32 s3, s9;
	s6 =	sadd.s32 @!p0 $0x88, s6;
	s7 =	simm.s32 @p2 $0x1082  }
0x22: {  	[simem:s7], [sflag:s8] =	dma.local @!p0 [hbm:s6], $0xF7A  }
0x23: {  	s9 =	sor.u32 $0xD0000000, s2;
	s6 =	simm.s32 $0x108;
	_ =	swait.ge @!p0 [sflag:s8], $0x0  }
0x24: {  	s3 =	sadd.s32 $0x88, s3;
	s6 =	simm.s32 @!p1 $0x1082;
	[sflag:s4] =	ssyncset.s32 $0xFFFFF086  }
0x25: {  	[simem:s6], [sflag:s4] =	dma.local [hbm:s3], $0xF7A  }
0x26: {  	[smem:$0x3F95] =	sst s1;
	(tag) =	ssettag s2;
	_ =	strace s9  }
0x27: {  	s1 =	sld [smem:$0x3FA5]  }
0x28: {  	s2 =	sld [smem:$0x3FA6]  }
0x29: {  	s4 =	sld [smem:$0x3FA8]  }
0x2a: {  	p0 =	seq.s32 s5, $0x0;
	s5 =	sld [smem:$0x3FA9]  }
0x2b: {  	s6 =	sld [smem:$0x3FAA]  }
0x2c: {  	s7 =	sld [smem:$0x3FAB]  }
0x2d: {  	s3 =	simm.s32 $0x108;
	s8 =	sld [smem:$0x3FAC]  }
0x2e: {  	s3 =	simm.s32 @!p0 $0x1082;
	s9 =	sld [smem:$0x3FAD]  }
0x2f: {  	lr =	sadd.s32 s0, s3;
	s0 =	sld [smem:$0x3FA4]  }
0x30: {  	s3 =	sld [smem:$0x3FA7]  }
0x31: {  	[smem:$0x3FB0] =	sst s10  }
0x32: {  	s10 =	sld [smem:$0x3FAE];
	_ =	sdelay $0x3  }
0x33: {  	p0 =	seq.s32 s10, $0x1;
	s10 =	sld [smem:$0x3FB0];
	_ =	sdelay $0x3  }
0x34: {  	[smem:$0x3FB0] =	sst s10  }
0x35: {  	s10 =	sld [smem:$0x3FAF];
	_ =	sdelay $0x3  }
0x36: {  	p1 =	seq.s32 s10, $0x1;
	s10 =	sld [smem:$0x3FB0];
	_ =	sdelay $0x3  }
0x37: {  	[smem:$0x3FB0] =	sst s10  }
0x38: {  	s10 =	sld [smem:$0x3FB1]  }
0x39: {  	_ = 	snop;
	(pc) =	sbr.ind lr, $3  }
0x3a: {  	_ = 	snop  }
0x3b: {  	_ = 	snop  }
0x3c: {  	p2 =	seq.s32 s10, $0x1;
	s10 =	sld [smem:$0x3FB0]  }
0x3d: {  	_ =	shalt  }
0x3e: {  	_ =	shalt  }
0x3f: {  	_ =	shalt  }
0x40: {  	_ =	shalt  }
0x41: {  	_ =	shalt  }
0x42: {  	_ =	shalt  }
0x43: {  	_ =	shalt  }
0x44: {  	_ =	shalt  }
0x45: {  	_ =	shalt  }
0x46: {  	_ =	shalt  }
0x47: {  	_ =	shalt  }
0x48: {  	_ =	shalt  }
0x49: {  	_ =	shalt  }
0x4a: {  	_ =	shalt  }
0x4b: {  	_ =	shalt  }
0x4c: {  	_ =	shalt  }
0x4d: {  	_ =	shalt  }
0x4e: {  	_ =	shalt  }
0x4f: {  	_ =	shalt  }
0x50: {  	_ =	shalt  }
0x51: {  	_ =	shalt  }
0x52: {  	_ =	shalt  }
0x53: {  	_ =	shalt  }
0x54: {  	_ =	shalt  }
0x55: {  	_ =	shalt  }
0x56: {  	_ =	shalt  }
0x57: {  	_ =	shalt  }
0x58: {  	_ =	shalt  }
0x59: {  	_ =	shalt  }
0x5a: {  	_ =	shalt  }
0x5b: {  	_ =	shalt  }
0x5c: {  	_ =	shalt  }
0x5d: {  	_ =	shalt  }
0x5e: {  	_ =	shalt  }
0x5f: {  	_ =	shalt  }
0x60: {  	_ =	shalt  }
0x61: {  	_ =	shalt  }
0x62: {  	_ =	shalt  }
0x63: {  	_ =	shalt  }
0x64: {  	_ =	shalt  }
0x65: {  	_ =	shalt  }
0x66: {  	_ =	shalt  }
0x67: {  	_ =	shalt  }
0x68: {  	_ =	shalt  }
0x69: {  	_ =	shalt  }
0x6a: {  	_ =	shalt  }
0x6b: {  	_ =	shalt  }
0x6c: {  	_ =	shalt  }
0x6d: {  	_ =	shalt  }
0x6e: {  	_ =	shalt  }
0x6f: {  	_ =	shalt  }
0x70: {  	_ =	shalt  }
0x71: {  	_ =	shalt  }
0x72: {  	_ =	shalt  }
0x73: {  	_ =	shalt  }
0x74: {  	_ =	shalt  }
0x75: {  	_ =	shalt  }
0x76: {  	_ =	shalt  }
0x77: {  	_ =	shalt  }
0x78: {  	_ =	shalt  }
0x79: {  	_ =	shalt  }
0x7a: {  	_ =	shalt  }
0x7b: {  	_ =	shalt  }
0x7c: {  	_ =	shalt  }
0x7d: {  	_ =	shalt  }
0x7e: {  	_ =	shalt  }
0x7f: {  	_ =	shalt  }
0x80: {  	_ =	shalt  }
0x81: {  	_ =	shalt  }
0x82: {  	_ =	shalt  }
0x83: {  	_ =	shalt  }
0x84: {  	_ =	shalt  }
0x85: {  	_ =	shalt  }
0x86: {  	_ =	shalt  }
0x87: {  	_ =	shalt  }
.Lfunc_end0:
.L_simem_size_0:
called_computation.1_lowered:
.L_overlay_start_0:
0x88: {  	s2 =	sld [smem:$0x3FD9]  }
0x89: {  	s3 =	sld [smem:$0x3FFE];
	_ =	sdelay $0x1  }
0x8a: {  	s1 =	srdreg.scid  }
0x8b: {  	s0 =	sand.u32 $0x1, s1  }
0x8c: {  	s16 =	sshll.u32 s0, $0xA;
	s2 =	sadd.s32 s3, s2  }
0x8d: {  	s2 =	sadd.s32 s2, s16  }
0x8e: {  	[smem:$0x3FBC] =	sst s2  }
0x8f: {  	_ = 	snop  }
0x90: {  	(tm) =	ssettm $0x1  }
0x91: {  	s17 =	sld [smem:$0x3FFB];
	_ =	sdelay $0x3  }
0x92: {  	_ =	strace s17  }
0x93: {  	s2 =	sld [smem:$0x3FFC];
	_ =	sdelay $0x3  }
0x94: {  	_ =	strace s2  }
0x95: {  	s2 =	sld [smem:$0x3FFD];
	_ =	sdelay $0x3  }
0x96: {  	_ =	strace s2  }
0x97: {  	_ =	strace $0x8FFFFFFF  }
0x98: {  	s18 =	sld [smem:$0x3FDB];
	_ =	sdelay $0x1  }
0x99: {  	s19 =	simm.s32 $_scs_section_size  }
0x9a: {  	s4 =	simm.s32 $_size__tile_overlayer_lowered;
	s5 =	simm.s32 $_tile_overlayer_lowered  }
0x9b: {  	s22 =	simm.s32 $0x1BFF;
	s21 =	sshll.u32 s5, $0x1;
	s2 =	sadd.s32 s19, s18  }
0x9c: {  	s6 =	simm.s32 $0x0;
	s20 =	sshll.u32 s4, $0x1;
	s4 =	sadd.s32 s21, s2  }
0x9d: {  	[timem:s6], [sflag:s22] =	dma.local [hbm:s4], s20  }
0x9e: {  	_ =	swait.ge [sflag:s22], s20  }
0x9f: {  	s3 =	ssub.s32 $0x0, s20;
	[sflag:s22] =	ssyncset.done $0x0  }
0xa0: {  	[sflag:s22] =	ssyncadd.s32 s3;
	_ =	sdelay $0x1  }
0xa1: {  	s23 =	simm.s32 $0x1B8B  }
0xa2: {  	_ =	swait.ge [sflag:s23], $0x1  }
0xa3: {  	[sflag:s23] =	ssyncset.done $0x0  }
0xa4: {  	s25 =	simm.s32 $0x1B8E;
	s24 =	sld [smem:$0x3FFE];
	[sflag:s23] =	ssyncadd.s32 $0xFFFFFFFF  }
0xa5: {  	s26 =	simm.s32 $execute0_lowered;
	[smem:$0x3FD2] =	sst s25  }
0xa6: {  	s4 =	sshll.u32 s26, $0x1;
	_ =	strace $0x80000049;
	[dreg:$0x1] =	wrdreg $0xFFFFFFFF  }
0xa7: {  	s28 =	simm.s32 $_size_execute0_lowered;
	s2 =	sadd.s32 s2, s4;
	[dreg:$0x0] =	wrdreg $0x0  }
0xa8: {  	s4 =	sshll.u32 s28, $0x1;
	[dreg:$0x2] =	wrdreg s2  }
0xa9: {  	[dreg:$0x3] =	wrdreg s4  }
0xaa: {  	[dreg:$0x4] =	wrdreg $0xC0  }
0xab: {  	_ =	task [dreg:s6], $0x5FFFF  }
0xac: {  	[dreg:$0x1] =	wrdreg $0xFFFFFFFF  }
0xad: {  	[dreg:$0x0] =	wrdreg $0x60  }
0xae: {  	[dreg:$0x2] =	wrdreg s24  }
0xaf: {  	[dreg:$0x3] =	wrdreg $0xA8000  }
0xb0: {  	[dreg:$0x4] =	wrdreg $0x9  }
0xb1: {  	_ =	task.clear_ibuf [dreg:s6], $0x5FFFF;
	_ =	strace $0x90000049  }
0xb2: {  	s29 =	simm.s32 $0x9;
	_ =	strace $0x8000004B  }
0xb3: {  	_ =	swait.ge [sflag:s29], $0x1  }
0xb4: {  	[sflag:s29] =	ssyncadd.s32 $0xFFFFFFFF  }
0xb5: {  	_ =	strace $0x9000004B  }
0xb6: {  	_ =	sfence  }
0xb7: {  	s30 =	sld [smem:$0x0];
	_ =	sdelay $0x2  }
0xb8: {  	s31 =	sshll.u32 s1, $0xD;
	s1 =	sshrl.u32 s1, $0x2  }
0xb9: {  	s3 =	sand.u32 $0x4000, s31;
	s1 =	sadd.s32 s1, s30  }
0xba: {  	s0 =	sor.u32 s3, s0;
	s1 =	sshll.u32 s1, $0x11  }
0xbb: {  	s0 =	sor.u32 s1, s0  }
0xbc: {  	s0 =	sadd.s32 $0x8F2B, s0  }
0xbd: {  	[sflag:s0] =	ssyncadd.remote.s32 $0x1  }
0xbe: {  	_ =	sfence.sel $0xFFFF  }
0xbf: {  	[dreg:$0x0] =	wrdreg $0xFFFFFFFF;
	(pc) =	sbr.abs _section_cstart, $3  }
0xc0: {  	[dreg:$0x1] =	wrdreg $0xFFFFFFFF  }
0xc1: {  	_ =	task.clear_ibuf [dreg:s6], $0x2FFFF;
	_ =	strace $0x9FFFFFFF  }
0xc2: {  	(tm) =	ssettm $0x7FFFFFFF  }
0xc3: {  	_ =	shalt  }
tec
execute0_lowered:
.L_overlay_start_1:
0x0: {  	(tag) =	ssettag $0x1  }
0x1: {  	s5 =	rddreg [dreg:$0x0]  }
0x2: {  	s1 =	rddreg [dreg:$0x1];
	s2 =	srdreg.scid  }
0x3: {  	s3 =	simm.s32 $0x0;
	s17 =	simm.s32 $0x1400;
	s18 =	simm.s32 $0x80  }
0x4: {  	s19 =	simm.s32 $0x2800;
	s20 =	simm.s32 $0x6800;
	s21 =	simm.s32 $0x1  }
0x5: {  	s22 =	simm.s32 $0x2;
	s23 =	simm.s32 $0x1380;
	s24 =	simm.s32 $0x2700  }
0x6: {  	s25 =	simm.s32 $0x2780;
	s6 =	sand.u32 $0x1, s2;
	s2 =	stileid.u32  }
0x7: {  	s26 =	simm.s32 $0x0;
	[smem:$0x7FF] =	sst s3;
	s7 =	smul.u32 $0x140000, s6  }
0x8: {  	s12 =	sadd.s32 $0x5000, s5;
	s13 =	sadd.s32 $0xF000, s5;
	s8 =	smul.u32 $0x14000, s2  }
0x9: {  	s4 =	sshll.u32 s2, $0x1;
	_ =	strace $0x8000004A;
	s29 =	smul.u32 $0x50000, s2  }
0xa: {  	s30 =	ssub.s32 $0x2, s6;
	s9 =	sor.u32 s6, s4;
	s4 =	sadd.s32 $0x19000, s5  }
0xb: {  	s6 =	sshrl.u32 s30, $0x1;
	s7 =	sadd.s32 s8, s7;
	s28 =	smul.u32 $0x2800, s9  }
0xc: {  	s31 =	sshrl.u32 s29, $0x2;
	s16 =	ssub.s32 s30, s6;
	s7 =	sshrl.u32 s7, $0x3  }
0xd: {  	s6 =	sadd.s32 s31, s1;
	s14 =	sadd.s32 s7, s5;
	s15 =	sshrl.u32 s28, $0x3  }
0xe: {  	s8 =	sadd.s32 $0x4000, s6;
	s9 =	sadd.s32 $0x8000, s6;
	s10 =	sadd.s32 $0xC000, s6  }
0xf: {  	s5 =	sadd.s32 s12, s15;
	s7 =	sadd.s32 s13, s15;
	s15 =	sadd.s32 $0x280, s15  }
0x10: {  	s11 =	sadd.s32 $0x10000, s6;
	s14 =	sadd.s32 $0x69800, s14;
	s12 =	sadd.s32 s12, s15  }
0x11: {  	v0 =	vimm.f32 $0.0e+00;
	s13 =	sadd.s32 s13, s15;
	s15 =	smax.u32 s16, $0x1;
	s16 =	simm.s32 $0x3  }
.LBB2_1:
0x12: {  	[tilespmem:s3], [sflag:$0x3] =	stream.linear.gather [hbm4b:s5+s3], $0x1400, $0x38;
	[tilespmem:$0x1E800] =	vst v63  }
0x13: {  	_ =	swait.ge [sflag:s16], $0x1400  }
0x14: {  	[sflag:s16] =	ssyncset.done $0x0  }
0x15: {  	[sflag:s16] =	ssyncadd.s32 $0xFFFFEC00  }
0x16: {  	[tilespmem:s17], [sflag:$0x3] =	stream.linear.gather [hbm4b:s7+s3], $0x1400, $0x38;
	[tilespmem:$0x1E800] =	vst v63  }
0x17: {  	_ =	swait.ge [sflag:s16], $0x1400  }
0x18: {  	[sflag:s16] =	ssyncset.done $0x0  }
0x19: {  	s28 =	simm.s32 $0x0;
	s29 =	simm.s32 $0x200;
	[sflag:s16] =	ssyncadd.s32 $0xFFFFEC00  }
0x1a: {  	[tilespmem:s19], [sflag:$0x1] =	stream.indirect.gather [hbm4b:s4+s18], $0x80, s3, s18, $0xb8;
	[tilespmem:$0x1E800] =	vst v63  }
.LBB2_2:
0x1b: {  	p0 =	sne.s32 s29, $0xFE00;
	[tilespmem:s28+$0x6870] =	vst v0  }
0x1c: {  	[tilespmem:s28+$0x6800] =	vst v0  }
0x1d: {  	[tilespmem:s28+$0x6810] =	vst v0  }
.Ltmp0:
0x1e: {  	[tilespmem:s28+$0x6820] =	vst v0;
	(pc) =	sbr.rel @p0 .LBB2_2-.Ltmp0, $4  }
0x1f: {  	[tilespmem:s28+$0x6830] =	vst v0  }
0x20: {  	[tilespmem:s28+$0x6840] =	vst v0  }
0x21: {  	[tilespmem:s28+$0x6850] =	vst v0  }
0x22: {  	[tilespmem:s28+$0x6860] =	vst v0;
	s28 =	sshra.s32 s29, $0x2;
	s29 =	sadd.s32 $0x200, s29  }
0x23: {  	[tilespmem:s28+$0x6870] =	vst v0  }
0x24: {  	[tilespmem:s28+$0x6800] =	vst v0  }
0x25: {  	[tilespmem:s28+$0x6810] =	vst v0  }
0x26: {  	[tilespmem:s28+$0x6820] =	vst v0  }
0x27: {  	[tilespmem:s28+$0x6830] =	vst v0  }
0x28: {  	[tilespmem:s28+$0x6840] =	vst v0  }
0x29: {  	[tilespmem:s28+$0x6850] =	vst v0  }
0x2a: {  	[tilespmem:s28+$0x6860] =	vst v0  }
0x2b: {  	[spmem:s6] =	stream.linear.scatter [tilespmem:s20], [sflag:$0x3], $0x4000, $0x38;
	[tilespmem:$0x1E800] =	vst v63  }
0x2c: {  	_ =	swait.ge [sflag:s16], $0x4000  }
0x2d: {  	[sflag:s16] =	ssyncset.done $0x0  }
0x2e: {  	[sflag:s16] =	ssyncadd.s32 $0xFFFFC000  }
0x2f: {  	[spmem:s8] =	stream.linear.scatter [tilespmem:s20], [sflag:$0x3], $0x4000, $0x38;
	[tilespmem:$0x1E800] =	vst v63  }
0x30: {  	_ =	swait.ge [sflag:s16], $0x4000  }
0x31: {  	[sflag:s16] =	ssyncset.done $0x0  }
0x32: {  	[sflag:s16] =	ssyncadd.s32 $0xFFFFC000  }
0x33: {  	[spmem:s9] =	stream.linear.scatter [tilespmem:s20], [sflag:$0x3], $0x4000, $0x38;
	[tilespmem:$0x1E800] =	vst v63  }
0x34: {  	_ =	swait.ge [sflag:s16], $0x4000  }
0x35: {  	[sflag:s16] =	ssyncset.done $0x0  }
0x36: {  	[sflag:s16] =	ssyncadd.s32 $0xFFFFC000  }
0x37: {  	[spmem:s10] =	stream.linear.scatter [tilespmem:s20], [sflag:$0x3], $0x4000, $0x38;
	[tilespmem:$0x1E800] =	vst v63  }
0x38: {  	_ =	swait.ge [sflag:s16], $0x4000  }
0x39: {  	[sflag:s16] =	ssyncset.done $0x0  }
0x3a: {  	[sflag:s16] =	ssyncadd.s32 $0xFFFFC000  }
0x3b: {  	[spmem:s11] =	stream.linear.scatter [tilespmem:s20], [sflag:$0x3], $0x4000, $0x38;
	[tilespmem:$0x1E800] =	vst v63  }
0x3c: {  	_ =	swait.ge [sflag:s16], $0x4000  }
0x3d: {  	[sflag:s16] =	ssyncset.done $0x0  }
0x3e: {  	[sflag:s16] =	ssyncadd.s32 $0xFFFFC000  }
0x3f: {  	s28 =	simm.s32 $0x80;
	[bflag:$0x0] =	sbarrier.arrive $0xFFFF  }
0x40: {  	[tilespmem:s20], [sflag:$0x2] =	stream.indirect.gather [hbm4b:s4+s18], $0x80, s28, s18, $0xb8;
	[tilespmem:$0x1E800] =	vst v63  }
0x41: {  	_ =	swait.ge [sflag:s21], $0x4000  }
0x42: {  	[sflag:s21] =	ssyncset.done $0x0  }
0x43: {  	s28 =	simm.s32 $0x1400;
	[sflag:s21] =	ssyncadd.s32 $0xFFFFC000  }
0x44: {  	[spmem:s1] =	stream.indirect.scatter.add.f32 [tilespmem:s19], [sflag:$0x3], $0x80, s28, s18, $0xb8;
	[tilespmem:$0x1E800] =	vst v63  }
0x45: {  	_ =	swait.ge [sflag:s16], $0x4000  }
0x46: {  	[sflag:s16] =	ssyncset.done $0x0  }
0x47: {  	s28 =	simm.s32 $0x100;
	[sflag:s16] =	ssyncadd.s32 $0xFFFFC000  }
0x48: {  	[tilespmem:s19], [sflag:$0x1] =	stream.indirect.gather [hbm4b:s4+s18], $0x80, s28, s18, $0xb8;
	[tilespmem:$0x1E800] =	vst v63  }
0x49: {  	_ =	swait.ge [sflag:s22], $0x4000  }
0x4a: {  	[sflag:s22] =	ssyncset.done $0x0  }
0x4b: {  	s28 =	simm.s32 $0x1480;
	[sflag:s22] =	ssyncadd.s32 $0xFFFFC000  }
0x4c: {  	[spmem:s1] =	stream.indirect.scatter.add.f32 [tilespmem:s20], [sflag:$0x3], $0x80, s28, s18, $0xb8;
	[tilespmem:$0x1E800] =	vst v63  }
0x4d: {  	_ =	swait.ge [sflag:s16], $0x4000  }
0x4e: {  	s29 =	simm.s32 $0x800;
	s28 =	simm.s32 $0x100;
	[sflag:s16] =	ssyncset.done $0x0  }
.LBB2_4:
0x4f: {  	s30 =	sadd.s32 $0x80, s28  }
0x50: {  	[sflag:s16] =	ssyncadd.s32 $0xFFFFC000;
	s31 =	smov.u32 s29;
	s0 =	sadd.s32 $0x400, s29  }
0x51: {  	[tilespmem:s20], [sflag:$0x2] =	stream.indirect.gather [hbm4b:s4+s18], $0x80, s30, s18, $0xb8;
	[tilespmem:$0x1E800] =	vst v63  }
0x52: {  	p0 =	sne.s32 s29, $0x4800;
	_ =	swait.ge [sflag:s21], $0x4000  }
0x53: {  	[sflag:s21] =	ssyncset.done $0x0  }
0x54: {  	s29 =	sadd.s32 $0x1400, s28;
	[sflag:s21] =	ssyncadd.s32 $0xFFFFC000  }
0x55: {  	[spmem:s1] =	stream.indirect.scatter.add.f32 [tilespmem:s19], [sflag:$0x3], $0x80, s29, s18, $0xb8;
	[tilespmem:$0x1E800] =	vst v63  }
0x56: {  	_ =	swait.ge [sflag:s16], $0x4000  }
0x57: {  	[sflag:s16] =	ssyncset.done $0x0  }
0x58: {  	s29 =	sadd.s32 $0x100, s28;
	[sflag:s16] =	ssyncadd.s32 $0xFFFFC000  }
0x59: {  	[tilespmem:s19], [sflag:$0x1] =	stream.indirect.gather [hbm4b:s4+s18], $0x80, s29, s18, $0xb8;
	[tilespmem:$0x1E800] =	vst v63  }
0x5a: {  	_ =	swait.ge [sflag:s22], $0x4000  }
.Ltmp1:
0x5b: {  	[sflag:s22] =	ssyncset.done $0x0;
	(pc) =	sbr.rel @p0 .LBB2_4-.Ltmp1, $4  }
0x5c: {  	s28 =	sadd.s32 $0x1480, s28;
	[sflag:s22] =	ssyncadd.s32 $0xFFFFC000  }
0x5d: {  	[spmem:s1] =	stream.indirect.scatter.add.f32 [tilespmem:s20], [sflag:$0x3], $0x80, s28, s18, $0xb8;
	[tilespmem:$0x1E800] =	vst v63  }
0x5e: {  	_ =	swait.ge [sflag:s16], $0x4000  }
0x5f: {  	s29 =	smov.u32 s0;
	s28 =	sshra.s32 s31, $0x2;
	[sflag:s16] =	ssyncset.done $0x0  }
0x60: {  	s0 =	sadd.s32 $0x80, s28;
	[sflag:s16] =	ssyncadd.s32 $0xFFFFC000  }
0x61: {  	[tilespmem:s20], [sflag:$0x2] =	stream.indirect.gather [hbm4b:s4+s18], $0x80, s0, s18, $0xb8;
	[tilespmem:$0x1E800] =	vst v63  }
0x62: {  	_ =	swait.ge [sflag:s21], $0x4000  }
0x63: {  	[sflag:s21] =	ssyncset.done $0x0  }
0x64: {  	s30 =	sadd.s32 $0x1400, s28;
	[sflag:s21] =	ssyncadd.s32 $0xFFFFC000  }
0x65: {  	[spmem:s1] =	stream.indirect.scatter.add.f32 [tilespmem:s19], [sflag:$0x3], $0x80, s30, s18, $0xb8;
	[tilespmem:$0x1E800] =	vst v63  }
0x66: {  	_ =	swait.ge [sflag:s16], $0x4000  }
0x67: {  	[sflag:s16] =	ssyncset.done $0x0  }
0x68: {  	s31 =	sadd.s32 $0x100, s28;
	[sflag:s16] =	ssyncadd.s32 $0xFFFFC000  }
0x69: {  	[tilespmem:s19], [sflag:$0x1] =	stream.indirect.gather [hbm4b:s4+s18], $0x80, s31, s18, $0xb8;
	[tilespmem:$0x1E800] =	vst v63  }
0x6a: {  	_ =	swait.ge [sflag:s22], $0x4000  }
0x6b: {  	[sflag:s22] =	ssyncset.done $0x0  }
0x6c: {  	s30 =	sadd.s32 $0x1480, s28;
	[sflag:s22] =	ssyncadd.s32 $0xFFFFC000  }
0x6d: {  	[spmem:s1] =	stream.indirect.scatter.add.f32 [tilespmem:s20], [sflag:$0x3], $0x80, s30, s18, $0xb8;
	[tilespmem:$0x1E800] =	vst v63  }
0x6e: {  	_ =	swait.ge [sflag:s16], $0x4000  }
0x6f: {  	[sflag:s16] =	ssyncset.done $0x0  }
0x70: {  	[sflag:s16] =	ssyncadd.s32 $0xFFFFC000  }
0x71: {  	[tilespmem:s20], [sflag:$0x2] =	stream.indirect.gather [hbm4b:s4+s18], $0x80, s23, s18, $0xb8;
	[tilespmem:$0x1E800] =	vst v63  }
0x72: {  	_ =	swait.ge [sflag:s21], $0x4000  }
0x73: {  	[sflag:s21] =	ssyncset.done $0x0  }
0x74: {  	[sflag:s21] =	ssyncadd.s32 $0xFFFFC000  }
0x75: {  	[spmem:s1] =	stream.indirect.scatter.add.f32 [tilespmem:s19], [sflag:$0x3], $0x80, s24, s18, $0xb8;
	[tilespmem:$0x1E800] =	vst v63  }
0x76: {  	_ =	swait.ge [sflag:s16], $0x4000  }
0x77: {  	[sflag:s16] =	ssyncset.done $0x0  }
0x78: {  	[sflag:s16] =	ssyncadd.s32 $0xFFFFC000  }
0x79: {  	_ =	swait.ge [sflag:s22], $0x4000  }
0x7a: {  	[sflag:s22] =	ssyncset.done $0x0  }
0x7b: {  	[sflag:s22] =	ssyncadd.s32 $0xFFFFC000  }
0x7c: {  	[spmem:s1] =	stream.indirect.scatter.add.f32 [tilespmem:s20], [sflag:$0x3], $0x80, s25, s18, $0xb8;
	[tilespmem:$0x1E800] =	vst v63  }
0x7d: {  	_ =	swait.ge [sflag:s16], $0x4000  }
0x7e: {  	[sflag:s16] =	ssyncset.done $0x0  }
0x7f: {  	s31 =	simm.s32 $0x0;
	[sflag:s16] =	ssyncadd.s32 $0xFFFFC000  }
0x80: {  	[tilespmem:s31], [sflag:$0x3] =	stream.linear.gather [hbm4b:s12+s31], $0x1400, $0x38;
	[tilespmem:$0x1E800] =	vst v63  }
0x81: {  	_ =	swait.ge [sflag:s16], $0x1400  }
0x82: {  	[sflag:s16] =	ssyncset.done $0x0  }
0x83: {  	[sflag:s16] =	ssyncadd.s32 $0xFFFFEC00  }
0x84: {  	[tilespmem:s17], [sflag:$0x3] =	stream.linear.gather [hbm4b:s13+s31], $0x1400, $0x38;
	[tilespmem:$0x1E800] =	vst v63  }
0x85: {  	_ =	swait.ge [sflag:s16], $0x1400  }
0x86: {  	[sflag:s16] =	ssyncset.done $0x0  }
0x87: {  	[sflag:s16] =	ssyncadd.s32 $0xFFFFEC00  }
0x88: {  	[tilespmem:s19], [sflag:$0x1] =	stream.indirect.gather [hbm4b:s4+s18], $0x80, s31, s18, $0xb8;
	[tilespmem:$0x1E800] =	vst v63  }
0x89: {  	s30 =	simm.s32 $0x80  }
0x8a: {  	[tilespmem:s20], [sflag:$0x2] =	stream.indirect.gather [hbm4b:s4+s18], $0x80, s30, s18, $0xb8;
	[tilespmem:$0x1E800] =	vst v63  }
0x8b: {  	_ =	swait.ge [sflag:s21], $0x4000  }
0x8c: {  	[sflag:s21] =	ssyncset.done $0x0  }
0x8d: {  	s31 =	simm.s32 $0x1400;
	[sflag:s21] =	ssyncadd.s32 $0xFFFFC000  }
0x8e: {  	[spmem:s1] =	stream.indirect.scatter.add.f32 [tilespmem:s19], [sflag:$0x3], $0x80, s31, s18, $0xb8;
	[tilespmem:$0x1E800] =	vst v63  }
0x8f: {  	_ =	swait.ge [sflag:s16], $0x4000  }
0x90: {  	[sflag:s16] =	ssyncset.done $0x0  }
0x91: {  	s30 =	simm.s32 $0x100;
	[sflag:s16] =	ssyncadd.s32 $0xFFFFC000  }
0x92: {  	[tilespmem:s19], [sflag:$0x1] =	stream.indirect.gather [hbm4b:s4+s18], $0x80, s30, s18, $0xb8;
	[tilespmem:$0x1E800] =	vst v63  }
0x93: {  	_ =	swait.ge [sflag:s22], $0x4000  }
0x94: {  	[sflag:s22] =	ssyncset.done $0x0  }
0x95: {  	s31 =	simm.s32 $0x1480;
	[sflag:s22] =	ssyncadd.s32 $0xFFFFC000  }
0x96: {  	[spmem:s1] =	stream.indirect.scatter.add.f32 [tilespmem:s20], [sflag:$0x3], $0x80, s31, s18, $0xb8;
	[tilespmem:$0x1E800] =	vst v63  }
0x97: {  	_ =	swait.ge [sflag:s16], $0x4000  }
0x98: {  	s29 =	simm.s32 $0x800;
	s28 =	simm.s32 $0x100;
	[sflag:s16] =	ssyncset.done $0x0  }
.LBB2_6:
0x99: {  	s0 =	sadd.s32 $0x80, s28  }
0x9a: {  	[sflag:s16] =	ssyncadd.s32 $0xFFFFC000;
	s30 =	smov.u32 s29;
	s31 =	sadd.s32 $0x400, s29  }
0x9b: {  	[tilespmem:s20], [sflag:$0x2] =	stream.indirect.gather [hbm4b:s4+s18], $0x80, s0, s18, $0xb8;
	[tilespmem:$0x1E800] =	vst v63  }
0x9c: {  	p0 =	sne.s32 s29, $0x4800;
	_ =	swait.ge [sflag:s21], $0x4000  }
0x9d: {  	[sflag:s21] =	ssyncset.done $0x0  }
0x9e: {  	s0 =	sadd.s32 $0x1400, s28;
	[sflag:s21] =	ssyncadd.s32 $0xFFFFC000  }
0x9f: {  	[spmem:s1] =	stream.indirect.scatter.add.f32 [tilespmem:s19], [sflag:$0x3], $0x80, s0, s18, $0xb8;
	[tilespmem:$0x1E800] =	vst v63  }
0xa0: {  	_ =	swait.ge [sflag:s16], $0x4000  }
0xa1: {  	[sflag:s16] =	ssyncset.done $0x0  }
0xa2: {  	s0 =	sadd.s32 $0x100, s28;
	[sflag:s16] =	ssyncadd.s32 $0xFFFFC000  }
0xa3: {  	[tilespmem:s19], [sflag:$0x1] =	stream.indirect.gather [hbm4b:s4+s18], $0x80, s0, s18, $0xb8;
	[tilespmem:$0x1E800] =	vst v63  }
0xa4: {  	_ =	swait.ge [sflag:s22], $0x4000  }
.Ltmp2:
0xa5: {  	[sflag:s22] =	ssyncset.done $0x0;
	(pc) =	sbr.rel @p0 .LBB2_6-.Ltmp2, $4  }
0xa6: {  	s0 =	sadd.s32 $0x1480, s28;
	[sflag:s22] =	ssyncadd.s32 $0xFFFFC000  }
0xa7: {  	[spmem:s1] =	stream.indirect.scatter.add.f32 [tilespmem:s20], [sflag:$0x3], $0x80, s0, s18, $0xb8;
	[tilespmem:$0x1E800] =	vst v63  }
0xa8: {  	_ =	swait.ge [sflag:s16], $0x4000  }
0xa9: {  	s29 =	smov.u32 s31;
	s28 =	sshra.s32 s30, $0x2;
	[sflag:s16] =	ssyncset.done $0x0  }
0xaa: {  	s0 =	sadd.s32 $0x80, s28;
	[sflag:s16] =	ssyncadd.s32 $0xFFFFC000  }
0xab: {  	[tilespmem:s20], [sflag:$0x2] =	stream.indirect.gather [hbm4b:s4+s18], $0x80, s0, s18, $0xb8;
	[tilespmem:$0x1E800] =	vst v63  }
0xac: {  	_ =	swait.ge [sflag:s21], $0x4000  }
0xad: {  	[sflag:s21] =	ssyncset.done $0x0  }
0xae: {  	s30 =	sadd.s32 $0x1400, s28;
	[sflag:s21] =	ssyncadd.s32 $0xFFFFC000  }
0xaf: {  	[spmem:s1] =	stream.indirect.scatter.add.f32 [tilespmem:s19], [sflag:$0x3], $0x80, s30, s18, $0xb8;
	[tilespmem:$0x1E800] =	vst v63  }
0xb0: {  	_ =	swait.ge [sflag:s16], $0x4000  }
0xb1: {  	[sflag:s16] =	ssyncset.done $0x0  }
0xb2: {  	s31 =	sadd.s32 $0x100, s28;
	[sflag:s16] =	ssyncadd.s32 $0xFFFFC000  }
0xb3: {  	[tilespmem:s19], [sflag:$0x1] =	stream.indirect.gather [hbm4b:s4+s18], $0x80, s31, s18, $0xb8;
	[tilespmem:$0x1E800] =	vst v63  }
0xb4: {  	_ =	swait.ge [sflag:s22], $0x4000  }
0xb5: {  	[sflag:s22] =	ssyncset.done $0x0  }
0xb6: {  	s29 =	sadd.s32 $0x1480, s28;
	[sflag:s22] =	ssyncadd.s32 $0xFFFFC000  }
0xb7: {  	[spmem:s1] =	stream.indirect.scatter.add.f32 [tilespmem:s20], [sflag:$0x3], $0x80, s29, s18, $0xb8;
	[tilespmem:$0x1E800] =	vst v63  }
0xb8: {  	_ =	swait.ge [sflag:s16], $0x4000  }
0xb9: {  	[sflag:s16] =	ssyncset.done $0x0  }
0xba: {  	[sflag:s16] =	ssyncadd.s32 $0xFFFFC000  }
0xbb: {  	[tilespmem:s20], [sflag:$0x2] =	stream.indirect.gather [hbm4b:s4+s18], $0x80, s23, s18, $0xb8;
	[tilespmem:$0x1E800] =	vst v63  }
0xbc: {  	_ =	swait.ge [sflag:s21], $0x4000  }
0xbd: {  	[sflag:s21] =	ssyncset.done $0x0  }
0xbe: {  	[sflag:s21] =	ssyncadd.s32 $0xFFFFC000  }
0xbf: {  	[spmem:s1] =	stream.indirect.scatter.add.f32 [tilespmem:s19], [sflag:$0x3], $0x80, s24, s18, $0xb8;
	[tilespmem:$0x1E800] =	vst v63  }
0xc0: {  	_ =	swait.ge [sflag:s16], $0x4000  }
0xc1: {  	[sflag:s16] =	ssyncset.done $0x0  }
0xc2: {  	[sflag:s16] =	ssyncadd.s32 $0xFFFFC000  }
0xc3: {  	_ =	swait.ge [sflag:s22], $0x4000  }
0xc4: {  	[sflag:s22] =	ssyncset.done $0x0  }
0xc5: {  	[sflag:s22] =	ssyncadd.s32 $0xFFFFC000  }
0xc6: {  	[spmem:s1] =	stream.indirect.scatter.add.f32 [tilespmem:s20], [sflag:$0x3], $0x80, s25, s18, $0xb8;
	[tilespmem:$0x1E800] =	vst v63  }
0xc7: {  	_ =	swait.ge [sflag:s16], $0x4000  }
0xc8: {  	s26 =	sadd.s32 $0x1, s26;
	s30 =	sshll.u32 s2, $0x6;
	[sflag:s16] =	ssyncset.done $0x0  }
0xc9: {  	p0 =	sne.s32 s26, s15;
	s0 =	sor.u32 $0x1C03, s30;
	[sflag:s16] =	ssyncadd.s32 $0xFFFFC000  }
.Ltmp3:
0xca: {  	s31 =	sshrl.u32 s6, $0x3;
	[bflag:$0x0] =	sbarrier.arrive $0xFFFF;
	(pc) =	sbr.rel @p0 .LBB2_1-.Ltmp3, $4  }
0xcb: {  	[hbm:s14], [sflag:s0] =	dma.local [spmem:s31], $0x2800  }
0xcc: {  	_ =	swait.ge [sflag:s16], $0x2800  }
0xcd: {  	[sflag:s16] =	ssyncset.done $0x0  }
0xce: {  	[sflag:s16] =	ssyncadd.s32 $0xFFFFD800  }
0xcf: {  	_ =	sfence.sel $0x180000  }
0xd0: {  	[bflag:$0x0] =	sbarrier.arrive $0xFFFF  }
0xd1: {  	_ =	strace $0x9000004A  }
0xd2: {  	[bflag:$0x2] =	sbarrier.arrive $0xFFFF  }
0xd3: {  	p0 =	sne.s32 s2, $0x0;
	s0 =	rddreg [dreg:$0x2]  }
0xd4: {  	s0 =	sadd.s32 @!p0 $0x100000, s0  }
0xd5: {  	[sflag:s0] =	ssyncadd.tile.s32 @!p0 $0x1;
	_ =	shalt  }
.Lfunc_end2:
_tile_overlayer_lowered:
.L_overlay_start_2:
0xd6: {  	(tag) =	ssettag $0x2  }
0xd7: {  	s0 =	rddreg [dreg:$0x0];
	s2 =	stileid.u32  }
0xd8: {  	s1 =	rddreg [dreg:$0x1];
	p0 =	sne.s32 s2, $0x0  }
0xd9: {  	s3 =	rddreg [dreg:$0x2];
	[bflag:$0x3] =	sbarrier.arrive $0xFFFF;
	s2 =	simm.s32 @!p0 $0x1C03  }
0xda: {  	[timem:s3], [sflag:s2] =	dma.local @!p0 [hbm:s0], s1  }
0xdb: {  	s0 =	simm.s32 @!p0 $0x3  }
0xdc: {  	_ =	swait.ge @!p0 [sflag:s0], s1  }
0xdd: {  	s1 =	ssub.s32 @!p0 $0x0, s1;
	[sflag:s0] =	ssyncset.done @!p0 $0x0  }
0xde: {  	[sflag:s0] =	ssyncadd.s32 @!p0 s1  }
0xdf: {  	[bflag:$0x3] =	sbarrier.arrive $0xFFFF  }
0xe0: {  	_ =	shalt  }

// kernel: kernel.19.cloned.1.call-start
scs
__scs_entry_jumppad:
0x0: {  	(pc) =	sbr.rel $0x88, $3  }
0x1: {  	(tag) =	ssettag $0x0;
	lr =	simm.s32 $0x1  }
0x2: {  	[smem:$0x3F95] =	sst lr;
	_ =	strace $0xD0000000  }
0x3: {  	_ = 	snop  }
0x4: {  	_ = 	snop  }
0x5: {  	_ = 	snop  }
0x6: {  	_ = 	snop  }
0x7: {  	_ = 	snop  }
__scs_overlays_trampoline_lowered:
0x8: {  	[smem:$0x3FA4] =	sst s0  }
0x9: {  	[smem:$0x3FA5] =	sst s1  }
0xa: {  	[smem:$0x3FA6] =	sst s2  }
0xb: {  	[smem:$0x3FA7] =	sst s3  }
0xc: {  	[smem:$0x3FA8] =	sst s4  }
0xd: {  	[smem:$0x3FA9] =	sst s5  }
0xe: {  	[smem:$0x3FAA] =	sst s6  }
0xf: {  	[smem:$0x3FAB] =	sst s7  }
0x10: {  	[smem:$0x3FAC] =	sst s8  }
0x11: {  	[smem:$0x3FAD] =	sst s9;
	s0 =	simm.s32 @!p0 $0x0  }
0x12: {  	s1 =	sld [smem:$0x3F93];
	s0 =	simm.s32 @p0 $0x1  }
0x13: {  	[smem:$0x3FAE] =	sst s0;
	s0 =	simm.s32 @!p1 $0x0  }
0x14: {  	s2 =	sld [smem:$0x3F92];
	s0 =	simm.s32 @p1 $0x1  }
0x15: {  	[smem:$0x3FAF] =	sst s0;
	s0 =	simm.s32 @!p2 $0x0  }
0x16: {  	s3 =	sld [smem:$0x3FDB];
	s0 =	simm.s32 @p2 $0x1  }
0x17: {  	s4 =	simm.s32 $0x1BF5;
	[smem:$0x3FB1] =	sst s0  }
0x18: {  	s0 =	sld [smem:$0x3F94];
	_ =	swait.ge [sflag:s4], $0x0  }
0x19: {  	s7 =	sld [smem:$0x3F95]  }
0x1a: {  	s8 =	sadd.s32 $0xFFFFE003, lr  }
0x1b: {  	s9 =	sadd.s32 $0xFFFFFEF7, lr;
	s5 =	simm.s32 $0xFFFFFFFF;
	p2 =	slt.u32 s8, $0xFFFFF086  }
0x1c: {  	p1 =	slt.u32 s9, $0xF7A;
	s5 =	simm.s32 @!p2 $0x0  }
0x1d: {  	s5 =	simm.s32 @p1 $0x1;
	p0 =	seq.s32 s7, s2  }
0x1e: {  	s7 =	smul.u32 @!p0 $0xF7A, s2;
	p2 =	seq.s32 @!p0 s5, $0x0  }
0x1f: {  	s9 =	smul.u32 $0xF7A, s1;
	s8 =	simm.s32 @!p0 $0x1BF5;
	p2 =	por !p2, p0  }
0x20: {  	[sflag:s8] =	ssyncset.s32 @!p0 $0xFFFFF086;
	s6 =	sadd.s32 @!p0 s3, s7;
	s7 =	simm.s32 @!p0 $0x108  }
0x21: {  	s3 =	sadd.s32 s3, s9;
	s6 =	sadd.s32 @!p0 $0x88, s6;
	s7 =	simm.s32 @p2 $0x1082  }
0x22: {  	[simem:s7], [sflag:s8] =	dma.local @!p0 [hbm:s6], $0xF7A  }
0x23: {  	s9 =	sor.u32 $0xD0000000, s2;
	s6 =	simm.s32 $0x108;
	_ =	swait.ge @!p0 [sflag:s8], $0x0  }
0x24: {  	s3 =	sadd.s32 $0x88, s3;
	s6 =	simm.s32 @!p1 $0x1082;
	[sflag:s4] =	ssyncset.s32 $0xFFFFF086  }
0x25: {  	[simem:s6], [sflag:s4] =	dma.local [hbm:s3], $0xF7A  }
0x26: {  	[smem:$0x3F95] =	sst s1;
	(tag) =	ssettag s2;
	_ =	strace s9  }
0x27: {  	s1 =	sld [smem:$0x3FA5]  }
0x28: {  	s2 =	sld [smem:$0x3FA6]  }
0x29: {  	s4 =	sld [smem:$0x3FA8]  }
0x2a: {  	p0 =	seq.s32 s5, $0x0;
	s5 =	sld [smem:$0x3FA9]  }
0x2b: {  	s6 =	sld [smem:$0x3FAA]  }
0x2c: {  	s7 =	sld [smem:$0x3FAB]  }
0x2d: {  	s3 =	simm.s32 $0x108;
	s8 =	sld [smem:$0x3FAC]  }
0x2e: {  	s3 =	simm.s32 @!p0 $0x1082;
	s9 =	sld [smem:$0x3FAD]  }
0x2f: {  	lr =	sadd.s32 s0, s3;
	s0 =	sld [smem:$0x3FA4]  }
0x30: {  	s3 =	sld [smem:$0x3FA7]  }
0x31: {  	[smem:$0x3FB0] =	sst s10  }
0x32: {  	s10 =	sld [smem:$0x3FAE];
	_ =	sdelay $0x3  }
0x33: {  	p0 =	seq.s32 s10, $0x1;
	s10 =	sld [smem:$0x3FB0];
	_ =	sdelay $0x3  }
0x34: {  	[smem:$0x3FB0] =	sst s10  }
0x35: {  	s10 =	sld [smem:$0x3FAF];
	_ =	sdelay $0x3  }
0x36: {  	p1 =	seq.s32 s10, $0x1;
	s10 =	sld [smem:$0x3FB0];
	_ =	sdelay $0x3  }
0x37: {  	[smem:$0x3FB0] =	sst s10  }
0x38: {  	s10 =	sld [smem:$0x3FB1]  }
0x39: {  	_ = 	snop;
	(pc) =	sbr.ind lr, $3  }
0x3a: {  	_ = 	snop  }
0x3b: {  	_ = 	snop  }
0x3c: {  	p2 =	seq.s32 s10, $0x1;
	s10 =	sld [smem:$0x3FB0]  }
0x3d: {  	_ =	shalt  }
0x3e: {  	_ =	shalt  }
0x3f: {  	_ =	shalt  }
0x40: {  	_ =	shalt  }
0x41: {  	_ =	shalt  }
0x42: {  	_ =	shalt  }
0x43: {  	_ =	shalt  }
0x44: {  	_ =	shalt  }
0x45: {  	_ =	shalt  }
0x46: {  	_ =	shalt  }
0x47: {  	_ =	shalt  }
0x48: {  	_ =	shalt  }
0x49: {  	_ =	shalt  }
0x4a: {  	_ =	shalt  }
0x4b: {  	_ =	shalt  }
0x4c: {  	_ =	shalt  }
0x4d: {  	_ =	shalt  }
0x4e: {  	_ =	shalt  }
0x4f: {  	_ =	shalt  }
0x50: {  	_ =	shalt  }
0x51: {  	_ =	shalt  }
0x52: {  	_ =	shalt  }
0x53: {  	_ =	shalt  }
0x54: {  	_ =	shalt  }
0x55: {  	_ =	shalt  }
0x56: {  	_ =	shalt  }
0x57: {  	_ =	shalt  }
0x58: {  	_ =	shalt  }
0x59: {  	_ =	shalt  }
0x5a: {  	_ =	shalt  }
0x5b: {  	_ =	shalt  }
0x5c: {  	_ =	shalt  }
0x5d: {  	_ =	shalt  }
0x5e: {  	_ =	shalt  }
0x5f: {  	_ =	shalt  }
0x60: {  	_ =	shalt  }
0x61: {  	_ =	shalt  }
0x62: {  	_ =	shalt  }
0x63: {  	_ =	shalt  }
0x64: {  	_ =	shalt  }
0x65: {  	_ =	shalt  }
0x66: {  	_ =	shalt  }
0x67: {  	_ =	shalt  }
0x68: {  	_ =	shalt  }
0x69: {  	_ =	shalt  }
0x6a: {  	_ =	shalt  }
0x6b: {  	_ =	shalt  }
0x6c: {  	_ =	shalt  }
0x6d: {  	_ =	shalt  }
0x6e: {  	_ =	shalt  }
0x6f: {  	_ =	shalt  }
0x70: {  	_ =	shalt  }
0x71: {  	_ =	shalt  }
0x72: {  	_ =	shalt  }
0x73: {  	_ =	shalt  }
0x74: {  	_ =	shalt  }
0x75: {  	_ =	shalt  }
0x76: {  	_ =	shalt  }
0x77: {  	_ =	shalt  }
0x78: {  	_ =	shalt  }
0x79: {  	_ =	shalt  }
0x7a: {  	_ =	shalt  }
0x7b: {  	_ =	shalt  }
0x7c: {  	_ =	shalt  }
0x7d: {  	_ =	shalt  }
0x7e: {  	_ =	shalt  }
0x7f: {  	_ =	shalt  }
0x80: {  	_ =	shalt  }
0x81: {  	_ =	shalt  }
0x82: {  	_ =	shalt  }
0x83: {  	_ =	shalt  }
0x84: {  	_ =	shalt  }
0x85: {  	_ =	shalt  }
0x86: {  	_ =	shalt  }
0x87: {  	_ =	shalt  }
.Lfunc_end0:
.L_simem_size_0:
called_computation.2_lowered:
.L_overlay_start_0:
0x88: {  	s2 =	sld [smem:$0x3FD9]  }
0x89: {  	s3 =	sld [smem:$0x3FFE];
	_ =	sdelay $0x1  }
0x8a: {  	s1 =	srdreg.scid  }
0x8b: {  	s0 =	sand.u32 $0x1, s1  }
0x8c: {  	s16 =	sshll.u32 s0, $0xA;
	s2 =	sadd.s32 s3, s2  }
0x8d: {  	s2 =	sadd.s32 s2, s16  }
0x8e: {  	[smem:$0x3FBC] =	sst s2  }
0x8f: {  	_ = 	snop  }
0x90: {  	(tm) =	ssettm $0x1  }
0x91: {  	s17 =	sld [smem:$0x3FFB];
	_ =	sdelay $0x3  }
0x92: {  	_ =	strace s17  }
0x93: {  	s2 =	sld [smem:$0x3FFC];
	_ =	sdelay $0x3  }
0x94: {  	_ =	strace s2  }
0x95: {  	s2 =	sld [smem:$0x3FFD];
	_ =	sdelay $0x3  }
0x96: {  	_ =	strace s2  }
0x97: {  	_ =	strace $0x8FFFFFFF  }
0x98: {  	s18 =	sld [smem:$0x3FDB];
	_ =	sdelay $0x1  }
0x99: {  	s19 =	simm.s32 $_scs_section_size  }
0x9a: {  	s4 =	simm.s32 $_size__tile_overlayer_lowered;
	s5 =	simm.s32 $_tile_overlayer_lowered  }
0x9b: {  	s22 =	simm.s32 $0x1BFF;
	s21 =	sshll.u32 s5, $0x1;
	s2 =	sadd.s32 s19, s18  }
0x9c: {  	s6 =	simm.s32 $0x0;
	s20 =	sshll.u32 s4, $0x1;
	s4 =	sadd.s32 s21, s2  }
0x9d: {  	[timem:s6], [sflag:s22] =	dma.local [hbm:s4], s20  }
0x9e: {  	_ =	swait.ge [sflag:s22], s20  }
0x9f: {  	s3 =	ssub.s32 $0x0, s20;
	[sflag:s22] =	ssyncset.done $0x0  }
0xa0: {  	[sflag:s22] =	ssyncadd.s32 s3;
	_ =	sdelay $0x1  }
0xa1: {  	s23 =	simm.s32 $0x1B8B  }
0xa2: {  	_ =	swait.ge [sflag:s23], $0x1  }
0xa3: {  	[sflag:s23] =	ssyncset.done $0x0  }
0xa4: {  	s25 =	simm.s32 $0x1B8E;
	s24 =	sld [smem:$0x3FFE];
	[sflag:s23] =	ssyncadd.s32 $0xFFFFFFFF  }
0xa5: {  	s26 =	simm.s32 $execute0_lowered;
	[smem:$0x3FD2] =	sst s25  }
0xa6: {  	s4 =	sshll.u32 s26, $0x1;
	_ =	strace $0x8000004C;
	[dreg:$0x1] =	wrdreg $0xFFFFFFFF  }
0xa7: {  	s28 =	simm.s32 $_size_execute0_lowered;
	s2 =	sadd.s32 s2, s4;
	[dreg:$0x0] =	wrdreg $0x0  }
0xa8: {  	s4 =	sshll.u32 s28, $0x1;
	[dreg:$0x2] =	wrdreg s2  }
0xa9: {  	[dreg:$0x3] =	wrdreg s4  }
0xaa: {  	[dreg:$0x4] =	wrdreg $0xC0  }
0xab: {  	_ =	task [dreg:s6], $0x5FFFF  }
0xac: {  	[dreg:$0x1] =	wrdreg $0xFFFFFFFF  }
0xad: {  	[dreg:$0x0] =	wrdreg $0x60  }
0xae: {  	[dreg:$0x2] =	wrdreg s24  }
0xaf: {  	[dreg:$0x3] =	wrdreg $0xA8000  }
0xb0: {  	[dreg:$0x4] =	wrdreg $0x9  }
0xb1: {  	_ =	task.clear_ibuf [dreg:s6], $0x5FFFF;
	_ =	strace $0x9000004C  }
0xb2: {  	s29 =	simm.s32 $0x9;
	_ =	strace $0x8000004E  }
0xb3: {  	_ =	swait.ge [sflag:s29], $0x1  }
0xb4: {  	[sflag:s29] =	ssyncadd.s32 $0xFFFFFFFF  }
0xb5: {  	_ =	strace $0x9000004E  }
0xb6: {  	_ =	sfence  }
0xb7: {  	s30 =	sld [smem:$0x0];
	_ =	sdelay $0x2  }
0xb8: {  	s31 =	sshll.u32 s1, $0xD;
	s1 =	sshrl.u32 s1, $0x2  }
0xb9: {  	s3 =	sand.u32 $0x4000, s31;
	s1 =	sadd.s32 s1, s30  }
0xba: {  	s0 =	sor.u32 s3, s0;
	s1 =	sshll.u32 s1, $0x11  }
0xbb: {  	s0 =	sor.u32 s1, s0  }
0xbc: {  	s0 =	sadd.s32 $0x8F2B, s0  }
0xbd: {  	[sflag:s0] =	ssyncadd.remote.s32 $0x1  }
0xbe: {  	_ =	sfence.sel $0xFFFF  }
0xbf: {  	[dreg:$0x0] =	wrdreg $0xFFFFFFFF;
	(pc) =	sbr.abs _section_cstart, $3  }
0xc0: {  	[dreg:$0x1] =	wrdreg $0xFFFFFFFF  }
0xc1: {  	_ =	task.clear_ibuf [dreg:s6], $0x2FFFF;
	_ =	strace $0x9FFFFFFF  }
0xc2: {  	(tm) =	ssettm $0x7FFFFFFF  }
0xc3: {  	_ =	shalt  }
tec
execute0_lowered:
.L_overlay_start_1:
0x0: {  	(tag) =	ssettag $0x1  }
0x1: {  	s5 =	rddreg [dreg:$0x0]  }
0x2: {  	s1 =	rddreg [dreg:$0x1];
	s2 =	srdreg.scid  }
0x3: {  	s3 =	simm.s32 $0x0;
	s17 =	simm.s32 $0x1400;
	s18 =	simm.s32 $0x80  }
0x4: {  	s19 =	simm.s32 $0x2800;
	s20 =	simm.s32 $0x6800;
	s21 =	simm.s32 $0x1  }
0x5: {  	s22 =	simm.s32 $0x2;
	s23 =	simm.s32 $0x1380;
	s24 =	simm.s32 $0x2700  }
0x6: {  	s25 =	simm.s32 $0x2780;
	s6 =	sand.u32 $0x1, s2;
	s2 =	stileid.u32  }
0x7: {  	s26 =	simm.s32 $0x0;
	[smem:$0x7FF] =	sst s3;
	s7 =	smul.u32 $0x140000, s6  }
0x8: {  	s12 =	sadd.s32 $0x5000, s5;
	s13 =	sadd.s32 $0xF000, s5;
	s8 =	smul.u32 $0x14000, s2  }
0x9: {  	s4 =	sshll.u32 s2, $0x1;
	_ =	strace $0x8000004D;
	s29 =	smul.u32 $0x50000, s2  }
0xa: {  	s30 =	ssub.s32 $0x2, s6;
	s9 =	sor.u32 s6, s4;
	s4 =	sadd.s32 $0x19000, s5  }
0xb: {  	s6 =	sshrl.u32 s30, $0x1;
	s7 =	sadd.s32 s8, s7;
	s28 =	smul.u32 $0x2800, s9  }
0xc: {  	s31 =	sshrl.u32 s29, $0x2;
	s16 =	ssub.s32 s30, s6;
	s7 =	sshrl.u32 s7, $0x3  }
0xd: {  	s6 =	sadd.s32 s31, s1;
	s14 =	sadd.s32 s7, s5;
	s15 =	sshrl.u32 s28, $0x3  }
0xe: {  	s8 =	sadd.s32 $0x4000, s6;
	s9 =	sadd.s32 $0x8000, s6;
	s10 =	sadd.s32 $0xC000, s6  }
0xf: {  	s5 =	sadd.s32 s12, s15;
	s7 =	sadd.s32 s13, s15;
	s15 =	sadd.s32 $0x280, s15  }
0x10: {  	s11 =	sadd.s32 $0x10000, s6;
	s14 =	sadd.s32 $0x69800, s14;
	s12 =	sadd.s32 s12, s15  }
0x11: {  	v0 =	vimm.f32 $0.0e+00;
	s13 =	sadd.s32 s13, s15;
	s15 =	smax.u32 s16, $0x1;
	s16 =	simm.s32 $0x3  }
.LBB2_1:
0x12: {  	[tilespmem:s3], [sflag:$0x3] =	stream.linear.gather [hbm4b:s5+s3], $0x1400, $0x38;
	[tilespmem:$0x1E800] =	vst v63  }
0x13: {  	_ =	swait.ge [sflag:s16], $0x1400  }
0x14: {  	[sflag:s16] =	ssyncset.done $0x0  }
0x15: {  	[sflag:s16] =	ssyncadd.s32 $0xFFFFEC00  }
0x16: {  	[tilespmem:s17], [sflag:$0x3] =	stream.linear.gather [hbm4b:s7+s3], $0x1400, $0x38;
	[tilespmem:$0x1E800] =	vst v63  }
0x17: {  	_ =	swait.ge [sflag:s16], $0x1400  }
0x18: {  	[sflag:s16] =	ssyncset.done $0x0  }
0x19: {  	s28 =	simm.s32 $0x0;
	s29 =	simm.s32 $0x200;
	[sflag:s16] =	ssyncadd.s32 $0xFFFFEC00  }
0x1a: {  	[tilespmem:s19], [sflag:$0x1] =	stream.indirect.gather [hbm4b:s4+s18], $0x80, s3, s18, $0xb8;
	[tilespmem:$0x1E800] =	vst v63  }
.LBB2_2:
0x1b: {  	p0 =	sne.s32 s29, $0xFE00;
	[tilespmem:s28+$0x6870] =	vst v0  }
0x1c: {  	[tilespmem:s28+$0x6800] =	vst v0  }
0x1d: {  	[tilespmem:s28+$0x6810] =	vst v0  }
.Ltmp0:
0x1e: {  	[tilespmem:s28+$0x6820] =	vst v0;
	(pc) =	sbr.rel @p0 .LBB2_2-.Ltmp0, $4  }
0x1f: {  	[tilespmem:s28+$0x6830] =	vst v0  }
0x20: {  	[tilespmem:s28+$0x6840] =	vst v0  }
0x21: {  	[tilespmem:s28+$0x6850] =	vst v0  }
0x22: {  	[tilespmem:s28+$0x6860] =	vst v0;
	s28 =	sshra.s32 s29, $0x2;
	s29 =	sadd.s32 $0x200, s29  }
0x23: {  	[tilespmem:s28+$0x6870] =	vst v0  }
0x24: {  	[tilespmem:s28+$0x6800] =	vst v0  }
0x25: {  	[tilespmem:s28+$0x6810] =	vst v0  }
0x26: {  	[tilespmem:s28+$0x6820] =	vst v0  }
0x27: {  	[tilespmem:s28+$0x6830] =	vst v0  }
0x28: {  	[tilespmem:s28+$0x6840] =	vst v0  }
0x29: {  	[tilespmem:s28+$0x6850] =	vst v0  }
0x2a: {  	[tilespmem:s28+$0x6860] =	vst v0  }
0x2b: {  	[spmem:s6] =	stream.linear.scatter [tilespmem:s20], [sflag:$0x3], $0x4000, $0x38;
	[tilespmem:$0x1E800] =	vst v63  }
0x2c: {  	_ =	swait.ge [sflag:s16], $0x4000  }
0x2d: {  	[sflag:s16] =	ssyncset.done $0x0  }
0x2e: {  	[sflag:s16] =	ssyncadd.s32 $0xFFFFC000  }
0x2f: {  	[spmem:s8] =	stream.linear.scatter [tilespmem:s20], [sflag:$0x3], $0x4000, $0x38;
	[tilespmem:$0x1E800] =	vst v63  }
0x30: {  	_ =	swait.ge [sflag:s16], $0x4000  }
0x31: {  	[sflag:s16] =	ssyncset.done $0x0  }
0x32: {  	[sflag:s16] =	ssyncadd.s32 $0xFFFFC000  }
0x33: {  	[spmem:s9] =	stream.linear.scatter [tilespmem:s20], [sflag:$0x3], $0x4000, $0x38;
	[tilespmem:$0x1E800] =	vst v63  }
0x34: {  	_ =	swait.ge [sflag:s16], $0x4000  }
0x35: {  	[sflag:s16] =	ssyncset.done $0x0  }
0x36: {  	[sflag:s16] =	ssyncadd.s32 $0xFFFFC000  }
0x37: {  	[spmem:s10] =	stream.linear.scatter [tilespmem:s20], [sflag:$0x3], $0x4000, $0x38;
	[tilespmem:$0x1E800] =	vst v63  }
0x38: {  	_ =	swait.ge [sflag:s16], $0x4000  }
0x39: {  	[sflag:s16] =	ssyncset.done $0x0  }
0x3a: {  	[sflag:s16] =	ssyncadd.s32 $0xFFFFC000  }
0x3b: {  	[spmem:s11] =	stream.linear.scatter [tilespmem:s20], [sflag:$0x3], $0x4000, $0x38;
	[tilespmem:$0x1E800] =	vst v63  }
0x3c: {  	_ =	swait.ge [sflag:s16], $0x4000  }
0x3d: {  	[sflag:s16] =	ssyncset.done $0x0  }
0x3e: {  	[sflag:s16] =	ssyncadd.s32 $0xFFFFC000  }
0x3f: {  	s28 =	simm.s32 $0x80;
	[bflag:$0x0] =	sbarrier.arrive $0xFFFF  }
0x40: {  	[tilespmem:s20], [sflag:$0x2] =	stream.indirect.gather [hbm4b:s4+s18], $0x80, s28, s18, $0xb8;
	[tilespmem:$0x1E800] =	vst v63  }
0x41: {  	_ =	swait.ge [sflag:s21], $0x4000  }
0x42: {  	[sflag:s21] =	ssyncset.done $0x0  }
0x43: {  	s28 =	simm.s32 $0x1400;
	[sflag:s21] =	ssyncadd.s32 $0xFFFFC000  }
0x44: {  	[spmem:s1] =	stream.indirect.scatter.add.f32 [tilespmem:s19], [sflag:$0x3], $0x80, s28, s18, $0xb8;
	[tilespmem:$0x1E800] =	vst v63  }
0x45: {  	_ =	swait.ge [sflag:s16], $0x4000  }
0x46: {  	[sflag:s16] =	ssyncset.done $0x0  }
0x47: {  	s28 =	simm.s32 $0x100;
	[sflag:s16] =	ssyncadd.s32 $0xFFFFC000  }
0x48: {  	[tilespmem:s19], [sflag:$0x1] =	stream.indirect.gather [hbm4b:s4+s18], $0x80, s28, s18, $0xb8;
	[tilespmem:$0x1E800] =	vst v63  }
0x49: {  	_ =	swait.ge [sflag:s22], $0x4000  }
0x4a: {  	[sflag:s22] =	ssyncset.done $0x0  }
0x4b: {  	s28 =	simm.s32 $0x1480;
	[sflag:s22] =	ssyncadd.s32 $0xFFFFC000  }
0x4c: {  	[spmem:s1] =	stream.indirect.scatter.add.f32 [tilespmem:s20], [sflag:$0x3], $0x80, s28, s18, $0xb8;
	[tilespmem:$0x1E800] =	vst v63  }
0x4d: {  	_ =	swait.ge [sflag:s16], $0x4000  }
0x4e: {  	s29 =	simm.s32 $0x800;
	s28 =	simm.s32 $0x100;
	[sflag:s16] =	ssyncset.done $0x0  }
.LBB2_4:
0x4f: {  	s30 =	sadd.s32 $0x80, s28  }
0x50: {  	[sflag:s16] =	ssyncadd.s32 $0xFFFFC000;
	s31 =	smov.u32 s29;
	s0 =	sadd.s32 $0x400, s29  }
0x51: {  	[tilespmem:s20], [sflag:$0x2] =	stream.indirect.gather [hbm4b:s4+s18], $0x80, s30, s18, $0xb8;
	[tilespmem:$0x1E800] =	vst v63  }
0x52: {  	p0 =	sne.s32 s29, $0x4800;
	_ =	swait.ge [sflag:s21], $0x4000  }
0x53: {  	[sflag:s21] =	ssyncset.done $0x0  }
0x54: {  	s29 =	sadd.s32 $0x1400, s28;
	[sflag:s21] =	ssyncadd.s32 $0xFFFFC000  }
0x55: {  	[spmem:s1] =	stream.indirect.scatter.add.f32 [tilespmem:s19], [sflag:$0x3], $0x80, s29, s18, $0xb8;
	[tilespmem:$0x1E800] =	vst v63  }
0x56: {  	_ =	swait.ge [sflag:s16], $0x4000  }
0x57: {  	[sflag:s16] =	ssyncset.done $0x0  }
0x58: {  	s29 =	sadd.s32 $0x100, s28;
	[sflag:s16] =	ssyncadd.s32 $0xFFFFC000  }
0x59: {  	[tilespmem:s19], [sflag:$0x1] =	stream.indirect.gather [hbm4b:s4+s18], $0x80, s29, s18, $0xb8;
	[tilespmem:$0x1E800] =	vst v63  }
0x5a: {  	_ =	swait.ge [sflag:s22], $0x4000  }
.Ltmp1:
0x5b: {  	[sflag:s22] =	ssyncset.done $0x0;
	(pc) =	sbr.rel @p0 .LBB2_4-.Ltmp1, $4  }
0x5c: {  	s28 =	sadd.s32 $0x1480, s28;
	[sflag:s22] =	ssyncadd.s32 $0xFFFFC000  }
0x5d: {  	[spmem:s1] =	stream.indirect.scatter.add.f32 [tilespmem:s20], [sflag:$0x3], $0x80, s28, s18, $0xb8;
	[tilespmem:$0x1E800] =	vst v63  }
0x5e: {  	_ =	swait.ge [sflag:s16], $0x4000  }
0x5f: {  	s29 =	smov.u32 s0;
	s28 =	sshra.s32 s31, $0x2;
	[sflag:s16] =	ssyncset.done $0x0  }
0x60: {  	s0 =	sadd.s32 $0x80, s28;
	[sflag:s16] =	ssyncadd.s32 $0xFFFFC000  }
0x61: {  	[tilespmem:s20], [sflag:$0x2] =	stream.indirect.gather [hbm4b:s4+s18], $0x80, s0, s18, $0xb8;
	[tilespmem:$0x1E800] =	vst v63  }
0x62: {  	_ =	swait.ge [sflag:s21], $0x4000  }
0x63: {  	[sflag:s21] =	ssyncset.done $0x0  }
0x64: {  	s30 =	sadd.s32 $0x1400, s28;
	[sflag:s21] =	ssyncadd.s32 $0xFFFFC000  }
0x65: {  	[spmem:s1] =	stream.indirect.scatter.add.f32 [tilespmem:s19], [sflag:$0x3], $0x80, s30, s18, $0xb8;
	[tilespmem:$0x1E800] =	vst v63  }
0x66: {  	_ =	swait.ge [sflag:s16], $0x4000  }
0x67: {  	[sflag:s16] =	ssyncset.done $0x0  }
0x68: {  	s31 =	sadd.s32 $0x100, s28;
	[sflag:s16] =	ssyncadd.s32 $0xFFFFC000  }
0x69: {  	[tilespmem:s19], [sflag:$0x1] =	stream.indirect.gather [hbm4b:s4+s18], $0x80, s31, s18, $0xb8;
	[tilespmem:$0x1E800] =	vst v63  }
0x6a: {  	_ =	swait.ge [sflag:s22], $0x4000  }
0x6b: {  	[sflag:s22] =	ssyncset.done $0x0  }
0x6c: {  	s30 =	sadd.s32 $0x1480, s28;
	[sflag:s22] =	ssyncadd.s32 $0xFFFFC000  }
0x6d: {  	[spmem:s1] =	stream.indirect.scatter.add.f32 [tilespmem:s20], [sflag:$0x3], $0x80, s30, s18, $0xb8;
	[tilespmem:$0x1E800] =	vst v63  }
0x6e: {  	_ =	swait.ge [sflag:s16], $0x4000  }
0x6f: {  	[sflag:s16] =	ssyncset.done $0x0  }
0x70: {  	[sflag:s16] =	ssyncadd.s32 $0xFFFFC000  }
0x71: {  	[tilespmem:s20], [sflag:$0x2] =	stream.indirect.gather [hbm4b:s4+s18], $0x80, s23, s18, $0xb8;
	[tilespmem:$0x1E800] =	vst v63  }
0x72: {  	_ =	swait.ge [sflag:s21], $0x4000  }
0x73: {  	[sflag:s21] =	ssyncset.done $0x0  }
0x74: {  	[sflag:s21] =	ssyncadd.s32 $0xFFFFC000  }
0x75: {  	[spmem:s1] =	stream.indirect.scatter.add.f32 [tilespmem:s19], [sflag:$0x3], $0x80, s24, s18, $0xb8;
	[tilespmem:$0x1E800] =	vst v63  }
0x76: {  	_ =	swait.ge [sflag:s16], $0x4000  }
0x77: {  	[sflag:s16] =	ssyncset.done $0x0  }
0x78: {  	[sflag:s16] =	ssyncadd.s32 $0xFFFFC000  }
0x79: {  	_ =	swait.ge [sflag:s22], $0x4000  }
0x7a: {  	[sflag:s22] =	ssyncset.done $0x0  }
0x7b: {  	[sflag:s22] =	ssyncadd.s32 $0xFFFFC000  }
0x7c: {  	[spmem:s1] =	stream.indirect.scatter.add.f32 [tilespmem:s20], [sflag:$0x3], $0x80, s25, s18, $0xb8;
	[tilespmem:$0x1E800] =	vst v63  }
0x7d: {  	_ =	swait.ge [sflag:s16], $0x4000  }
0x7e: {  	[sflag:s16] =	ssyncset.done $0x0  }
0x7f: {  	s31 =	simm.s32 $0x0;
	[sflag:s16] =	ssyncadd.s32 $0xFFFFC000  }
0x80: {  	[tilespmem:s31], [sflag:$0x3] =	stream.linear.gather [hbm4b:s12+s31], $0x1400, $0x38;
	[tilespmem:$0x1E800] =	vst v63  }
0x81: {  	_ =	swait.ge [sflag:s16], $0x1400  }
0x82: {  	[sflag:s16] =	ssyncset.done $0x0  }
0x83: {  	[sflag:s16] =	ssyncadd.s32 $0xFFFFEC00  }
0x84: {  	[tilespmem:s17], [sflag:$0x3] =	stream.linear.gather [hbm4b:s13+s31], $0x1400, $0x38;
	[tilespmem:$0x1E800] =	vst v63  }
0x85: {  	_ =	swait.ge [sflag:s16], $0x1400  }
0x86: {  	[sflag:s16] =	ssyncset.done $0x0  }
0x87: {  	[sflag:s16] =	ssyncadd.s32 $0xFFFFEC00  }
0x88: {  	[tilespmem:s19], [sflag:$0x1] =	stream.indirect.gather [hbm4b:s4+s18], $0x80, s31, s18, $0xb8;
	[tilespmem:$0x1E800] =	vst v63  }
0x89: {  	s30 =	simm.s32 $0x80  }
0x8a: {  	[tilespmem:s20], [sflag:$0x2] =	stream.indirect.gather [hbm4b:s4+s18], $0x80, s30, s18, $0xb8;
	[tilespmem:$0x1E800] =	vst v63  }
0x8b: {  	_ =	swait.ge [sflag:s21], $0x4000  }
0x8c: {  	[sflag:s21] =	ssyncset.done $0x0  }
0x8d: {  	s31 =	simm.s32 $0x1400;
	[sflag:s21] =	ssyncadd.s32 $0xFFFFC000  }
0x8e: {  	[spmem:s1] =	stream.indirect.scatter.add.f32 [tilespmem:s19], [sflag:$0x3], $0x80, s31, s18, $0xb8;
	[tilespmem:$0x1E800] =	vst v63  }
0x8f: {  	_ =	swait.ge [sflag:s16], $0x4000  }
0x90: {  	[sflag:s16] =	ssyncset.done $0x0  }
0x91: {  	s30 =	simm.s32 $0x100;
	[sflag:s16] =	ssyncadd.s32 $0xFFFFC000  }
0x92: {  	[tilespmem:s19], [sflag:$0x1] =	stream.indirect.gather [hbm4b:s4+s18], $0x80, s30, s18, $0xb8;
	[tilespmem:$0x1E800] =	vst v63  }
0x93: {  	_ =	swait.ge [sflag:s22], $0x4000  }
0x94: {  	[sflag:s22] =	ssyncset.done $0x0  }
0x95: {  	s31 =	simm.s32 $0x1480;
	[sflag:s22] =	ssyncadd.s32 $0xFFFFC000  }
0x96: {  	[spmem:s1] =	stream.indirect.scatter.add.f32 [tilespmem:s20], [sflag:$0x3], $0x80, s31, s18, $0xb8;
	[tilespmem:$0x1E800] =	vst v63  }
0x97: {  	_ =	swait.ge [sflag:s16], $0x4000  }
0x98: {  	s29 =	simm.s32 $0x800;
	s28 =	simm.s32 $0x100;
	[sflag:s16] =	ssyncset.done $0x0  }
.LBB2_6:
0x99: {  	s0 =	sadd.s32 $0x80, s28  }
0x9a: {  	[sflag:s16] =	ssyncadd.s32 $0xFFFFC000;
	s30 =	smov.u32 s29;
	s31 =	sadd.s32 $0x400, s29  }
0x9b: {  	[tilespmem:s20], [sflag:$0x2] =	stream.indirect.gather [hbm4b:s4+s18], $0x80, s0, s18, $0xb8;
	[tilespmem:$0x1E800] =	vst v63  }
0x9c: {  	p0 =	sne.s32 s29, $0x4800;
	_ =	swait.ge [sflag:s21], $0x4000  }
0x9d: {  	[sflag:s21] =	ssyncset.done $0x0  }
0x9e: {  	s0 =	sadd.s32 $0x1400, s28;
	[sflag:s21] =	ssyncadd.s32 $0xFFFFC000  }
0x9f: {  	[spmem:s1] =	stream.indirect.scatter.add.f32 [tilespmem:s19], [sflag:$0x3], $0x80, s0, s18, $0xb8;
	[tilespmem:$0x1E800] =	vst v63  }
0xa0: {  	_ =	swait.ge [sflag:s16], $0x4000  }
0xa1: {  	[sflag:s16] =	ssyncset.done $0x0  }
0xa2: {  	s0 =	sadd.s32 $0x100, s28;
	[sflag:s16] =	ssyncadd.s32 $0xFFFFC000  }
0xa3: {  	[tilespmem:s19], [sflag:$0x1] =	stream.indirect.gather [hbm4b:s4+s18], $0x80, s0, s18, $0xb8;
	[tilespmem:$0x1E800] =	vst v63  }
0xa4: {  	_ =	swait.ge [sflag:s22], $0x4000  }
.Ltmp2:
0xa5: {  	[sflag:s22] =	ssyncset.done $0x0;
	(pc) =	sbr.rel @p0 .LBB2_6-.Ltmp2, $4  }
0xa6: {  	s0 =	sadd.s32 $0x1480, s28;
	[sflag:s22] =	ssyncadd.s32 $0xFFFFC000  }
0xa7: {  	[spmem:s1] =	stream.indirect.scatter.add.f32 [tilespmem:s20], [sflag:$0x3], $0x80, s0, s18, $0xb8;
	[tilespmem:$0x1E800] =	vst v63  }
0xa8: {  	_ =	swait.ge [sflag:s16], $0x4000  }
0xa9: {  	s29 =	smov.u32 s31;
	s28 =	sshra.s32 s30, $0x2;
	[sflag:s16] =	ssyncset.done $0x0  }
0xaa: {  	s0 =	sadd.s32 $0x80, s28;
	[sflag:s16] =	ssyncadd.s32 $0xFFFFC000  }
0xab: {  	[tilespmem:s20], [sflag:$0x2] =	stream.indirect.gather [hbm4b:s4+s18], $0x80, s0, s18, $0xb8;
	[tilespmem:$0x1E800] =	vst v63  }
0xac: {  	_ =	swait.ge [sflag:s21], $0x4000  }
0xad: {  	[sflag:s21] =	ssyncset.done $0x0  }
0xae: {  	s30 =	sadd.s32 $0x1400, s28;
	[sflag:s21] =	ssyncadd.s32 $0xFFFFC000  }
0xaf: {  	[spmem:s1] =	stream.indirect.scatter.add.f32 [tilespmem:s19], [sflag:$0x3], $0x80, s30, s18, $0xb8;
	[tilespmem:$0x1E800] =	vst v63  }
0xb0: {  	_ =	swait.ge [sflag:s16], $0x4000  }
0xb1: {  	[sflag:s16] =	ssyncset.done $0x0  }
0xb2: {  	s31 =	sadd.s32 $0x100, s28;
	[sflag:s16] =	ssyncadd.s32 $0xFFFFC000  }
0xb3: {  	[tilespmem:s19], [sflag:$0x1] =	stream.indirect.gather [hbm4b:s4+s18], $0x80, s31, s18, $0xb8;
	[tilespmem:$0x1E800] =	vst v63  }
0xb4: {  	_ =	swait.ge [sflag:s22], $0x4000  }
0xb5: {  	[sflag:s22] =	ssyncset.done $0x0  }
0xb6: {  	s29 =	sadd.s32 $0x1480, s28;
	[sflag:s22] =	ssyncadd.s32 $0xFFFFC000  }
0xb7: {  	[spmem:s1] =	stream.indirect.scatter.add.f32 [tilespmem:s20], [sflag:$0x3], $0x80, s29, s18, $0xb8;
	[tilespmem:$0x1E800] =	vst v63  }
0xb8: {  	_ =	swait.ge [sflag:s16], $0x4000  }
0xb9: {  	[sflag:s16] =	ssyncset.done $0x0  }
0xba: {  	[sflag:s16] =	ssyncadd.s32 $0xFFFFC000  }
0xbb: {  	[tilespmem:s20], [sflag:$0x2] =	stream.indirect.gather [hbm4b:s4+s18], $0x80, s23, s18, $0xb8;
	[tilespmem:$0x1E800] =	vst v63  }
0xbc: {  	_ =	swait.ge [sflag:s21], $0x4000  }
0xbd: {  	[sflag:s21] =	ssyncset.done $0x0  }
0xbe: {  	[sflag:s21] =	ssyncadd.s32 $0xFFFFC000  }
0xbf: {  	[spmem:s1] =	stream.indirect.scatter.add.f32 [tilespmem:s19], [sflag:$0x3], $0x80, s24, s18, $0xb8;
	[tilespmem:$0x1E800] =	vst v63  }
0xc0: {  	_ =	swait.ge [sflag:s16], $0x4000  }
0xc1: {  	[sflag:s16] =	ssyncset.done $0x0  }
0xc2: {  	[sflag:s16] =	ssyncadd.s32 $0xFFFFC000  }
0xc3: {  	_ =	swait.ge [sflag:s22], $0x4000  }
0xc4: {  	[sflag:s22] =	ssyncset.done $0x0  }
0xc5: {  	[sflag:s22] =	ssyncadd.s32 $0xFFFFC000  }
0xc6: {  	[spmem:s1] =	stream.indirect.scatter.add.f32 [tilespmem:s20], [sflag:$0x3], $0x80, s25, s18, $0xb8;
	[tilespmem:$0x1E800] =	vst v63  }
0xc7: {  	_ =	swait.ge [sflag:s16], $0x4000  }
0xc8: {  	s26 =	sadd.s32 $0x1, s26;
	s30 =	sshll.u32 s2, $0x6;
	[sflag:s16] =	ssyncset.done $0x0  }
0xc9: {  	p0 =	sne.s32 s26, s15;
	s0 =	sor.u32 $0x1C03, s30;
	[sflag:s16] =	ssyncadd.s32 $0xFFFFC000  }
.Ltmp3:
0xca: {  	s31 =	sshrl.u32 s6, $0x3;
	[bflag:$0x0] =	sbarrier.arrive $0xFFFF;
	(pc) =	sbr.rel @p0 .LBB2_1-.Ltmp3, $4  }
0xcb: {  	[hbm:s14], [sflag:s0] =	dma.local [spmem:s31], $0x2800  }
0xcc: {  	_ =	swait.ge [sflag:s16], $0x2800  }
0xcd: {  	[sflag:s16] =	ssyncset.done $0x0  }
0xce: {  	[sflag:s16] =	ssyncadd.s32 $0xFFFFD800  }
0xcf: {  	_ =	sfence.sel $0x180000  }
0xd0: {  	[bflag:$0x0] =	sbarrier.arrive $0xFFFF  }
0xd1: {  	_ =	strace $0x9000004D  }
0xd2: {  	[bflag:$0x2] =	sbarrier.arrive $0xFFFF  }
0xd3: {  	p0 =	sne.s32 s2, $0x0;
	s0 =	rddreg [dreg:$0x2]  }
0xd4: {  	s0 =	sadd.s32 @!p0 $0x100000, s0  }
0xd5: {  	[sflag:s0] =	ssyncadd.tile.s32 @!p0 $0x1;
	_ =	shalt  }
.Lfunc_end2:
_tile_overlayer_lowered:
.L_overlay_start_2:
0xd6: {  	(tag) =	ssettag $0x2  }
0xd7: {  	s0 =	rddreg [dreg:$0x0];
	s2 =	stileid.u32  }
0xd8: {  	s1 =	rddreg [dreg:$0x1];
	p0 =	sne.s32 s2, $0x0  }
0xd9: {  	s3 =	rddreg [dreg:$0x2];
	[bflag:$0x3] =	sbarrier.arrive $0xFFFF;
	s2 =	simm.s32 @!p0 $0x1C03  }
0xda: {  	[timem:s3], [sflag:s2] =	dma.local @!p0 [hbm:s0], s1  }
0xdb: {  	s0 =	simm.s32 @!p0 $0x3  }
0xdc: {  	_ =	swait.ge @!p0 [sflag:s0], s1  }
0xdd: {  	s1 =	ssub.s32 @!p0 $0x0, s1;
	[sflag:s0] =	ssyncset.done @!p0 $0x0  }
0xde: {  	[sflag:s0] =	ssyncadd.s32 @!p0 s1  }
0xdf: {  	[bflag:$0x3] =	sbarrier.arrive $0xFFFF  }
0xe0: {  	_ =	shalt  }

// kernel: kernel.22.cloned.1.call-start
scs
__scs_entry_jumppad:
0x0: {  	(pc) =	sbr.rel $0x88, $3  }
0x1: {  	(tag) =	ssettag $0x0;
	lr =	simm.s32 $0x1  }
0x2: {  	[smem:$0x3F95] =	sst lr;
	_ =	strace $0xD0000000  }
0x3: {  	_ = 	snop  }
0x4: {  	_ = 	snop  }
0x5: {  	_ = 	snop  }
0x6: {  	_ = 	snop  }
0x7: {  	_ = 	snop  }
__scs_overlays_trampoline_lowered:
0x8: {  	[smem:$0x3FA4] =	sst s0  }
0x9: {  	[smem:$0x3FA5] =	sst s1  }
0xa: {  	[smem:$0x3FA6] =	sst s2  }
0xb: {  	[smem:$0x3FA7] =	sst s3  }
0xc: {  	[smem:$0x3FA8] =	sst s4  }
0xd: {  	[smem:$0x3FA9] =	sst s5  }
0xe: {  	[smem:$0x3FAA] =	sst s6  }
0xf: {  	[smem:$0x3FAB] =	sst s7  }
0x10: {  	[smem:$0x3FAC] =	sst s8  }
0x11: {  	[smem:$0x3FAD] =	sst s9;
	s0 =	simm.s32 @!p0 $0x0  }
0x12: {  	s1 =	sld [smem:$0x3F93];
	s0 =	simm.s32 @p0 $0x1  }
0x13: {  	[smem:$0x3FAE] =	sst s0;
	s0 =	simm.s32 @!p1 $0x0  }
0x14: {  	s2 =	sld [smem:$0x3F92];
	s0 =	simm.s32 @p1 $0x1  }
0x15: {  	[smem:$0x3FAF] =	sst s0;
	s0 =	simm.s32 @!p2 $0x0  }
0x16: {  	s3 =	sld [smem:$0x3FDB];
	s0 =	simm.s32 @p2 $0x1  }
0x17: {  	s4 =	simm.s32 $0x1BF5;
	[smem:$0x3FB1] =	sst s0  }
0x18: {  	s0 =	sld [smem:$0x3F94];
	_ =	swait.ge [sflag:s4], $0x0  }
0x19: {  	s7 =	sld [smem:$0x3F95]  }
0x1a: {  	s8 =	sadd.s32 $0xFFFFE003, lr  }
0x1b: {  	s9 =	sadd.s32 $0xFFFFFEF7, lr;
	s5 =	simm.s32 $0xFFFFFFFF;
	p2 =	slt.u32 s8, $0xFFFFF086  }
0x1c: {  	p1 =	slt.u32 s9, $0xF7A;
	s5 =	simm.s32 @!p2 $0x0  }
0x1d: {  	s5 =	simm.s32 @p1 $0x1;
	p0 =	seq.s32 s7, s2  }
0x1e: {  	s7 =	smul.u32 @!p0 $0xF7A, s2;
	p2 =	seq.s32 @!p0 s5, $0x0  }
0x1f: {  	s9 =	smul.u32 $0xF7A, s1;
	s8 =	simm.s32 @!p0 $0x1BF5;
	p2 =	por !p2, p0  }
0x20: {  	[sflag:s8] =	ssyncset.s32 @!p0 $0xFFFFF086;
	s6 =	sadd.s32 @!p0 s3, s7;
	s7 =	simm.s32 @!p0 $0x108  }
0x21: {  	s3 =	sadd.s32 s3, s9;
	s6 =	sadd.s32 @!p0 $0x88, s6;
	s7 =	simm.s32 @p2 $0x1082  }
0x22: {  	[simem:s7], [sflag:s8] =	dma.local @!p0 [hbm:s6], $0xF7A  }
0x23: {  	s9 =	sor.u32 $0xD0000000, s2;
	s6 =	simm.s32 $0x108;
	_ =	swait.ge @!p0 [sflag:s8], $0x0  }
0x24: {  	s3 =	sadd.s32 $0x88, s3;
	s6 =	simm.s32 @!p1 $0x1082;
	[sflag:s4] =	ssyncset.s32 $0xFFFFF086  }
0x25: {  	[simem:s6], [sflag:s4] =	dma.local [hbm:s3], $0xF7A  }
0x26: {  	[smem:$0x3F95] =	sst s1;
	(tag) =	ssettag s2;
	_ =	strace s9  }
0x27: {  	s1 =	sld [smem:$0x3FA5]  }
0x28: {  	s2 =	sld [smem:$0x3FA6]  }
0x29: {  	s4 =	sld [smem:$0x3FA8]  }
0x2a: {  	p0 =	seq.s32 s5, $0x0;
	s5 =	sld [smem:$0x3FA9]  }
0x2b: {  	s6 =	sld [smem:$0x3FAA]  }
0x2c: {  	s7 =	sld [smem:$0x3FAB]  }
0x2d: {  	s3 =	simm.s32 $0x108;
	s8 =	sld [smem:$0x3FAC]  }
0x2e: {  	s3 =	simm.s32 @!p0 $0x1082;
	s9 =	sld [smem:$0x3FAD]  }
0x2f: {  	lr =	sadd.s32 s0, s3;
	s0 =	sld [smem:$0x3FA4]  }
0x30: {  	s3 =	sld [smem:$0x3FA7]  }
0x31: {  	[smem:$0x3FB0] =	sst s10  }
0x32: {  	s10 =	sld [smem:$0x3FAE];
	_ =	sdelay $0x3  }
0x33: {  	p0 =	seq.s32 s10, $0x1;
	s10 =	sld [smem:$0x3FB0];
	_ =	sdelay $0x3  }
0x34: {  	[smem:$0x3FB0] =	sst s10  }
0x35: {  	s10 =	sld [smem:$0x3FAF];
	_ =	sdelay $0x3  }
0x36: {  	p1 =	seq.s32 s10, $0x1;
	s10 =	sld [smem:$0x3FB0];
	_ =	sdelay $0x3  }
0x37: {  	[smem:$0x3FB0] =	sst s10  }
0x38: {  	s10 =	sld [smem:$0x3FB1]  }
0x39: {  	_ = 	snop;
	(pc) =	sbr.ind lr, $3  }
0x3a: {  	_ = 	snop  }
0x3b: {  	_ = 	snop  }
0x3c: {  	p2 =	seq.s32 s10, $0x1;
	s10 =	sld [smem:$0x3FB0]  }
0x3d: {  	_ =	shalt  }
0x3e: {  	_ =	shalt  }
0x3f: {  	_ =	shalt  }
0x40: {  	_ =	shalt  }
0x41: {  	_ =	shalt  }
0x42: {  	_ =	shalt  }
0x43: {  	_ =	shalt  }
0x44: {  	_ =	shalt  }
0x45: {  	_ =	shalt  }
0x46: {  	_ =	shalt  }
0x47: {  	_ =	shalt  }
0x48: {  	_ =	shalt  }
0x49: {  	_ =	shalt  }
0x4a: {  	_ =	shalt  }
0x4b: {  	_ =	shalt  }
0x4c: {  	_ =	shalt  }
0x4d: {  	_ =	shalt  }
0x4e: {  	_ =	shalt  }
0x4f: {  	_ =	shalt  }
0x50: {  	_ =	shalt  }
0x51: {  	_ =	shalt  }
0x52: {  	_ =	shalt  }
0x53: {  	_ =	shalt  }
0x54: {  	_ =	shalt  }
0x55: {  	_ =	shalt  }
0x56: {  	_ =	shalt  }
0x57: {  	_ =	shalt  }
0x58: {  	_ =	shalt  }
0x59: {  	_ =	shalt  }
0x5a: {  	_ =	shalt  }
0x5b: {  	_ =	shalt  }
0x5c: {  	_ =	shalt  }
0x5d: {  	_ =	shalt  }
0x5e: {  	_ =	shalt  }
0x5f: {  	_ =	shalt  }
0x60: {  	_ =	shalt  }
0x61: {  	_ =	shalt  }
0x62: {  	_ =	shalt  }
0x63: {  	_ =	shalt  }
0x64: {  	_ =	shalt  }
0x65: {  	_ =	shalt  }
0x66: {  	_ =	shalt  }
0x67: {  	_ =	shalt  }
0x68: {  	_ =	shalt  }
0x69: {  	_ =	shalt  }
0x6a: {  	_ =	shalt  }
0x6b: {  	_ =	shalt  }
0x6c: {  	_ =	shalt  }
0x6d: {  	_ =	shalt  }
0x6e: {  	_ =	shalt  }
0x6f: {  	_ =	shalt  }
0x70: {  	_ =	shalt  }
0x71: {  	_ =	shalt  }
0x72: {  	_ =	shalt  }
0x73: {  	_ =	shalt  }
0x74: {  	_ =	shalt  }
0x75: {  	_ =	shalt  }
0x76: {  	_ =	shalt  }
0x77: {  	_ =	shalt  }
0x78: {  	_ =	shalt  }
0x79: {  	_ =	shalt  }
0x7a: {  	_ =	shalt  }
0x7b: {  	_ =	shalt  }
0x7c: {  	_ =	shalt  }
0x7d: {  	_ =	shalt  }
0x7e: {  	_ =	shalt  }
0x7f: {  	_ =	shalt  }
0x80: {  	_ =	shalt  }
0x81: {  	_ =	shalt  }
0x82: {  	_ =	shalt  }
0x83: {  	_ =	shalt  }
0x84: {  	_ =	shalt  }
0x85: {  	_ =	shalt  }
0x86: {  	_ =	shalt  }
0x87: {  	_ =	shalt  }
.Lfunc_end0:
.L_simem_size_0:
called_computation.3_lowered:
.L_overlay_start_0:
0x88: {  	s2 =	sld [smem:$0x3FD9]  }
0x89: {  	s3 =	sld [smem:$0x3FFE];
	_ =	sdelay $0x1  }
0x8a: {  	s1 =	srdreg.scid  }
0x8b: {  	s0 =	sand.u32 $0x1, s1  }
0x8c: {  	s16 =	sshll.u32 s0, $0xA;
	s2 =	sadd.s32 s3, s2  }
0x8d: {  	s2 =	sadd.s32 s2, s16  }
0x8e: {  	[smem:$0x3FBC] =	sst s2  }
0x8f: {  	_ = 	snop  }
0x90: {  	(tm) =	ssettm $0x1  }
0x91: {  	s17 =	sld [smem:$0x3FFB];
	_ =	sdelay $0x3  }
0x92: {  	_ =	strace s17  }
0x93: {  	s2 =	sld [smem:$0x3FFC];
	_ =	sdelay $0x3  }
0x94: {  	_ =	strace s2  }
0x95: {  	s2 =	sld [smem:$0x3FFD];
	_ =	sdelay $0x3  }
0x96: {  	_ =	strace s2  }
0x97: {  	_ =	strace $0x8FFFFFFF  }
0x98: {  	s18 =	sld [smem:$0x3FDB];
	_ =	sdelay $0x1  }
0x99: {  	s19 =	simm.s32 $_scs_section_size  }
0x9a: {  	s4 =	simm.s32 $_size__tile_overlayer_lowered;
	s5 =	simm.s32 $_tile_overlayer_lowered  }
0x9b: {  	s22 =	simm.s32 $0x1BFF;
	s21 =	sshll.u32 s5, $0x1;
	s2 =	sadd.s32 s19, s18  }
0x9c: {  	s6 =	simm.s32 $0x0;
	s20 =	sshll.u32 s4, $0x1;
	s4 =	sadd.s32 s21, s2  }
0x9d: {  	[timem:s6], [sflag:s22] =	dma.local [hbm:s4], s20  }
0x9e: {  	_ =	swait.ge [sflag:s22], s20  }
0x9f: {  	s3 =	ssub.s32 $0x0, s20;
	[sflag:s22] =	ssyncset.done $0x0  }
0xa0: {  	[sflag:s22] =	ssyncadd.s32 s3;
	_ =	sdelay $0x1  }
0xa1: {  	s23 =	simm.s32 $0x1B8B  }
0xa2: {  	_ =	swait.ge [sflag:s23], $0x1  }
0xa3: {  	[sflag:s23] =	ssyncset.done $0x0  }
0xa4: {  	s25 =	simm.s32 $0x1B8E;
	s24 =	sld [smem:$0x3FFE];
	[sflag:s23] =	ssyncadd.s32 $0xFFFFFFFF  }
0xa5: {  	s26 =	simm.s32 $execute0_lowered;
	[smem:$0x3FD2] =	sst s25  }
0xa6: {  	s4 =	sshll.u32 s26, $0x1;
	_ =	strace $0x8000004F;
	[dreg:$0x1] =	wrdreg $0xFFFFFFFF  }
0xa7: {  	s28 =	simm.s32 $_size_execute0_lowered;
	s2 =	sadd.s32 s2, s4;
	[dreg:$0x0] =	wrdreg $0x0  }
0xa8: {  	s4 =	sshll.u32 s28, $0x1;
	[dreg:$0x2] =	wrdreg s2  }
0xa9: {  	[dreg:$0x3] =	wrdreg s4  }
0xaa: {  	[dreg:$0x4] =	wrdreg $0xC0  }
0xab: {  	_ =	task [dreg:s6], $0x5FFFF  }
0xac: {  	[dreg:$0x1] =	wrdreg $0xFFFFFFFF  }
0xad: {  	[dreg:$0x0] =	wrdreg $0x60  }
0xae: {  	[dreg:$0x2] =	wrdreg s24  }
0xaf: {  	[dreg:$0x3] =	wrdreg $0xA8000  }
0xb0: {  	[dreg:$0x4] =	wrdreg $0x9  }
0xb1: {  	_ =	task.clear_ibuf [dreg:s6], $0x5FFFF;
	_ =	strace $0x9000004F  }
0xb2: {  	s29 =	simm.s32 $0x9;
	_ =	strace $0x80000051  }
0xb3: {  	_ =	swait.ge [sflag:s29], $0x1  }
0xb4: {  	[sflag:s29] =	ssyncadd.s32 $0xFFFFFFFF  }
0xb5: {  	_ =	strace $0x90000051  }
0xb6: {  	_ =	sfence  }
0xb7: {  	s30 =	sld [smem:$0x0];
	_ =	sdelay $0x2  }
0xb8: {  	s31 =	sshll.u32 s1, $0xD;
	s1 =	sshrl.u32 s1, $0x2  }
0xb9: {  	s3 =	sand.u32 $0x4000, s31;
	s1 =	sadd.s32 s1, s30  }
0xba: {  	s0 =	sor.u32 s3, s0;
	s1 =	sshll.u32 s1, $0x11  }
0xbb: {  	s0 =	sor.u32 s1, s0  }
0xbc: {  	s0 =	sadd.s32 $0x8F2B, s0  }
0xbd: {  	[sflag:s0] =	ssyncadd.remote.s32 $0x1  }
0xbe: {  	_ =	sfence.sel $0xFFFF  }
0xbf: {  	[dreg:$0x0] =	wrdreg $0xFFFFFFFF;
	(pc) =	sbr.abs _section_cstart, $3  }
0xc0: {  	[dreg:$0x1] =	wrdreg $0xFFFFFFFF  }
0xc1: {  	_ =	task.clear_ibuf [dreg:s6], $0x2FFFF;
	_ =	strace $0x9FFFFFFF  }
0xc2: {  	(tm) =	ssettm $0x7FFFFFFF  }
0xc3: {  	_ =	shalt  }
tec
execute0_lowered:
.L_overlay_start_1:
0x0: {  	(tag) =	ssettag $0x1  }
0x1: {  	s5 =	rddreg [dreg:$0x0]  }
0x2: {  	s1 =	rddreg [dreg:$0x1];
	s2 =	srdreg.scid  }
0x3: {  	s3 =	simm.s32 $0x0;
	s17 =	simm.s32 $0x1400;
	s18 =	simm.s32 $0x80  }
0x4: {  	s19 =	simm.s32 $0x2800;
	s20 =	simm.s32 $0x6800;
	s21 =	simm.s32 $0x1  }
0x5: {  	s22 =	simm.s32 $0x2;
	s23 =	simm.s32 $0x1380;
	s24 =	simm.s32 $0x2700  }
0x6: {  	s25 =	simm.s32 $0x2780;
	s6 =	sand.u32 $0x1, s2;
	s2 =	stileid.u32  }
0x7: {  	s26 =	simm.s32 $0x0;
	[smem:$0x7FF] =	sst s3;
	s7 =	smul.u32 $0x140000, s6  }
0x8: {  	s12 =	sadd.s32 $0x5000, s5;
	s13 =	sadd.s32 $0xF000, s5;
	s8 =	smul.u32 $0x14000, s2  }
0x9: {  	s4 =	sshll.u32 s2, $0x1;
	_ =	strace $0x80000050;
	s29 =	smul.u32 $0x50000, s2  }
0xa: {  	s30 =	ssub.s32 $0x2, s6;
	s9 =	sor.u32 s6, s4;
	s4 =	sadd.s32 $0x19000, s5  }
0xb: {  	s6 =	sshrl.u32 s30, $0x1;
	s7 =	sadd.s32 s8, s7;
	s28 =	smul.u32 $0x2800, s9  }
0xc: {  	s31 =	sshrl.u32 s29, $0x2;
	s16 =	ssub.s32 s30, s6;
	s7 =	sshrl.u32 s7, $0x3  }
0xd: {  	s6 =	sadd.s32 s31, s1;
	s14 =	sadd.s32 s7, s5;
	s15 =	sshrl.u32 s28, $0x3  }
0xe: {  	s8 =	sadd.s32 $0x4000, s6;
	s9 =	sadd.s32 $0x8000, s6;
	s10 =	sadd.s32 $0xC000, s6  }
0xf: {  	s5 =	sadd.s32 s12, s15;
	s7 =	sadd.s32 s13, s15;
	s15 =	sadd.s32 $0x280, s15  }
0x10: {  	s11 =	sadd.s32 $0x10000, s6;
	s14 =	sadd.s32 $0x69800, s14;
	s12 =	sadd.s32 s12, s15  }
0x11: {  	v0 =	vimm.f32 $0.0e+00;
	s13 =	sadd.s32 s13, s15;
	s15 =	smax.u32 s16, $0x1;
	s16 =	simm.s32 $0x3  }
.LBB2_1:
0x12: {  	[tilespmem:s3], [sflag:$0x3] =	stream.linear.gather [hbm4b:s5+s3], $0x1400, $0x38;
	[tilespmem:$0x1E800] =	vst v63  }
0x13: {  	_ =	swait.ge [sflag:s16], $0x1400  }
0x14: {  	[sflag:s16] =	ssyncset.done $0x0  }
0x15: {  	[sflag:s16] =	ssyncadd.s32 $0xFFFFEC00  }
0x16: {  	[tilespmem:s17], [sflag:$0x3] =	stream.linear.gather [hbm4b:s7+s3], $0x1400, $0x38;
	[tilespmem:$0x1E800] =	vst v63  }
0x17: {  	_ =	swait.ge [sflag:s16], $0x1400  }
0x18: {  	[sflag:s16] =	ssyncset.done $0x0  }
0x19: {  	s28 =	simm.s32 $0x0;
	s29 =	simm.s32 $0x200;
	[sflag:s16] =	ssyncadd.s32 $0xFFFFEC00  }
0x1a: {  	[tilespmem:s19], [sflag:$0x1] =	stream.indirect.gather [hbm4b:s4+s18], $0x80, s3, s18, $0xb8;
	[tilespmem:$0x1E800] =	vst v63  }
.LBB2_2:
0x1b: {  	p0 =	sne.s32 s29, $0xFE00;
	[tilespmem:s28+$0x6870] =	vst v0  }
0x1c: {  	[tilespmem:s28+$0x6800] =	vst v0  }
0x1d: {  	[tilespmem:s28+$0x6810] =	vst v0  }
.Ltmp0:
0x1e: {  	[tilespmem:s28+$0x6820] =	vst v0;
	(pc) =	sbr.rel @p0 .LBB2_2-.Ltmp0, $4  }
0x1f: {  	[tilespmem:s28+$0x6830] =	vst v0  }
0x20: {  	[tilespmem:s28+$0x6840] =	vst v0  }
0x21: {  	[tilespmem:s28+$0x6850] =	vst v0  }
0x22: {  	[tilespmem:s28+$0x6860] =	vst v0;
	s28 =	sshra.s32 s29, $0x2;
	s29 =	sadd.s32 $0x200, s29  }
0x23: {  	[tilespmem:s28+$0x6870] =	vst v0  }
0x24: {  	[tilespmem:s28+$0x6800] =	vst v0  }
0x25: {  	[tilespmem:s28+$0x6810] =	vst v0  }
0x26: {  	[tilespmem:s28+$0x6820] =	vst v0  }
0x27: {  	[tilespmem:s28+$0x6830] =	vst v0  }
0x28: {  	[tilespmem:s28+$0x6840] =	vst v0  }
0x29: {  	[tilespmem:s28+$0x6850] =	vst v0  }
0x2a: {  	[tilespmem:s28+$0x6860] =	vst v0  }
0x2b: {  	[spmem:s6] =	stream.linear.scatter [tilespmem:s20], [sflag:$0x3], $0x4000, $0x38;
	[tilespmem:$0x1E800] =	vst v63  }
0x2c: {  	_ =	swait.ge [sflag:s16], $0x4000  }
0x2d: {  	[sflag:s16] =	ssyncset.done $0x0  }
0x2e: {  	[sflag:s16] =	ssyncadd.s32 $0xFFFFC000  }
0x2f: {  	[spmem:s8] =	stream.linear.scatter [tilespmem:s20], [sflag:$0x3], $0x4000, $0x38;
	[tilespmem:$0x1E800] =	vst v63  }
0x30: {  	_ =	swait.ge [sflag:s16], $0x4000  }
0x31: {  	[sflag:s16] =	ssyncset.done $0x0  }
0x32: {  	[sflag:s16] =	ssyncadd.s32 $0xFFFFC000  }
0x33: {  	[spmem:s9] =	stream.linear.scatter [tilespmem:s20], [sflag:$0x3], $0x4000, $0x38;
	[tilespmem:$0x1E800] =	vst v63  }
0x34: {  	_ =	swait.ge [sflag:s16], $0x4000  }
0x35: {  	[sflag:s16] =	ssyncset.done $0x0  }
0x36: {  	[sflag:s16] =	ssyncadd.s32 $0xFFFFC000  }
0x37: {  	[spmem:s10] =	stream.linear.scatter [tilespmem:s20], [sflag:$0x3], $0x4000, $0x38;
	[tilespmem:$0x1E800] =	vst v63  }
0x38: {  	_ =	swait.ge [sflag:s16], $0x4000  }
0x39: {  	[sflag:s16] =	ssyncset.done $0x0  }
0x3a: {  	[sflag:s16] =	ssyncadd.s32 $0xFFFFC000  }
0x3b: {  	[spmem:s11] =	stream.linear.scatter [tilespmem:s20], [sflag:$0x3], $0x4000, $0x38;
	[tilespmem:$0x1E800] =	vst v63  }
0x3c: {  	_ =	swait.ge [sflag:s16], $0x4000  }
0x3d: {  	[sflag:s16] =	ssyncset.done $0x0  }
0x3e: {  	[sflag:s16] =	ssyncadd.s32 $0xFFFFC000  }
0x3f: {  	s28 =	simm.s32 $0x80;
	[bflag:$0x0] =	sbarrier.arrive $0xFFFF  }
0x40: {  	[tilespmem:s20], [sflag:$0x2] =	stream.indirect.gather [hbm4b:s4+s18], $0x80, s28, s18, $0xb8;
	[tilespmem:$0x1E800] =	vst v63  }
0x41: {  	_ =	swait.ge [sflag:s21], $0x4000  }
0x42: {  	[sflag:s21] =	ssyncset.done $0x0  }
0x43: {  	s28 =	simm.s32 $0x1400;
	[sflag:s21] =	ssyncadd.s32 $0xFFFFC000  }
0x44: {  	[spmem:s1] =	stream.indirect.scatter.add.f32 [tilespmem:s19], [sflag:$0x3], $0x80, s28, s18, $0xb8;
	[tilespmem:$0x1E800] =	vst v63  }
0x45: {  	_ =	swait.ge [sflag:s16], $0x4000  }
0x46: {  	[sflag:s16] =	ssyncset.done $0x0  }
0x47: {  	s28 =	simm.s32 $0x100;
	[sflag:s16] =	ssyncadd.s32 $0xFFFFC000  }
0x48: {  	[tilespmem:s19], [sflag:$0x1] =	stream.indirect.gather [hbm4b:s4+s18], $0x80, s28, s18, $0xb8;
	[tilespmem:$0x1E800] =	vst v63  }
0x49: {  	_ =	swait.ge [sflag:s22], $0x4000  }
0x4a: {  	[sflag:s22] =	ssyncset.done $0x0  }
0x4b: {  	s28 =	simm.s32 $0x1480;
	[sflag:s22] =	ssyncadd.s32 $0xFFFFC000  }
0x4c: {  	[spmem:s1] =	stream.indirect.scatter.add.f32 [tilespmem:s20], [sflag:$0x3], $0x80, s28, s18, $0xb8;
	[tilespmem:$0x1E800] =	vst v63  }
0x4d: {  	_ =	swait.ge [sflag:s16], $0x4000  }
0x4e: {  	s29 =	simm.s32 $0x800;
	s28 =	simm.s32 $0x100;
	[sflag:s16] =	ssyncset.done $0x0  }
.LBB2_4:
0x4f: {  	s30 =	sadd.s32 $0x80, s28  }
0x50: {  	[sflag:s16] =	ssyncadd.s32 $0xFFFFC000;
	s31 =	smov.u32 s29;
	s0 =	sadd.s32 $0x400, s29  }
0x51: {  	[tilespmem:s20], [sflag:$0x2] =	stream.indirect.gather [hbm4b:s4+s18], $0x80, s30, s18, $0xb8;
	[tilespmem:$0x1E800] =	vst v63  }
0x52: {  	p0 =	sne.s32 s29, $0x4800;
	_ =	swait.ge [sflag:s21], $0x4000  }
0x53: {  	[sflag:s21] =	ssyncset.done $0x0  }
0x54: {  	s29 =	sadd.s32 $0x1400, s28;
	[sflag:s21] =	ssyncadd.s32 $0xFFFFC000  }
0x55: {  	[spmem:s1] =	stream.indirect.scatter.add.f32 [tilespmem:s19], [sflag:$0x3], $0x80, s29, s18, $0xb8;
	[tilespmem:$0x1E800] =	vst v63  }
0x56: {  	_ =	swait.ge [sflag:s16], $0x4000  }
0x57: {  	[sflag:s16] =	ssyncset.done $0x0  }
0x58: {  	s29 =	sadd.s32 $0x100, s28;
	[sflag:s16] =	ssyncadd.s32 $0xFFFFC000  }
0x59: {  	[tilespmem:s19], [sflag:$0x1] =	stream.indirect.gather [hbm4b:s4+s18], $0x80, s29, s18, $0xb8;
	[tilespmem:$0x1E800] =	vst v63  }
0x5a: {  	_ =	swait.ge [sflag:s22], $0x4000  }
.Ltmp1:
0x5b: {  	[sflag:s22] =	ssyncset.done $0x0;
	(pc) =	sbr.rel @p0 .LBB2_4-.Ltmp1, $4  }
0x5c: {  	s28 =	sadd.s32 $0x1480, s28;
	[sflag:s22] =	ssyncadd.s32 $0xFFFFC000  }
0x5d: {  	[spmem:s1] =	stream.indirect.scatter.add.f32 [tilespmem:s20], [sflag:$0x3], $0x80, s28, s18, $0xb8;
	[tilespmem:$0x1E800] =	vst v63  }
0x5e: {  	_ =	swait.ge [sflag:s16], $0x4000  }
0x5f: {  	s29 =	smov.u32 s0;
	s28 =	sshra.s32 s31, $0x2;
	[sflag:s16] =	ssyncset.done $0x0  }
0x60: {  	s0 =	sadd.s32 $0x80, s28;
	[sflag:s16] =	ssyncadd.s32 $0xFFFFC000  }
0x61: {  	[tilespmem:s20], [sflag:$0x2] =	stream.indirect.gather [hbm4b:s4+s18], $0x80, s0, s18, $0xb8;
	[tilespmem:$0x1E800] =	vst v63  }
0x62: {  	_ =	swait.ge [sflag:s21], $0x4000  }
0x63: {  	[sflag:s21] =	ssyncset.done $0x0  }
0x64: {  	s30 =	sadd.s32 $0x1400, s28;
	[sflag:s21] =	ssyncadd.s32 $0xFFFFC000  }
0x65: {  	[spmem:s1] =	stream.indirect.scatter.add.f32 [tilespmem:s19], [sflag:$0x3], $0x80, s30, s18, $0xb8;
	[tilespmem:$0x1E800] =	vst v63  }
0x66: {  	_ =	swait.ge [sflag:s16], $0x4000  }
0x67: {  	[sflag:s16] =	ssyncset.done $0x0  }
0x68: {  	s31 =	sadd.s32 $0x100, s28;
	[sflag:s16] =	ssyncadd.s32 $0xFFFFC000  }
0x69: {  	[tilespmem:s19], [sflag:$0x1] =	stream.indirect.gather [hbm4b:s4+s18], $0x80, s31, s18, $0xb8;
	[tilespmem:$0x1E800] =	vst v63  }
0x6a: {  	_ =	swait.ge [sflag:s22], $0x4000  }
0x6b: {  	[sflag:s22] =	ssyncset.done $0x0  }
0x6c: {  	s30 =	sadd.s32 $0x1480, s28;
	[sflag:s22] =	ssyncadd.s32 $0xFFFFC000  }
0x6d: {  	[spmem:s1] =	stream.indirect.scatter.add.f32 [tilespmem:s20], [sflag:$0x3], $0x80, s30, s18, $0xb8;
	[tilespmem:$0x1E800] =	vst v63  }
0x6e: {  	_ =	swait.ge [sflag:s16], $0x4000  }
0x6f: {  	[sflag:s16] =	ssyncset.done $0x0  }
0x70: {  	[sflag:s16] =	ssyncadd.s32 $0xFFFFC000  }
0x71: {  	[tilespmem:s20], [sflag:$0x2] =	stream.indirect.gather [hbm4b:s4+s18], $0x80, s23, s18, $0xb8;
	[tilespmem:$0x1E800] =	vst v63  }
0x72: {  	_ =	swait.ge [sflag:s21], $0x4000  }
0x73: {  	[sflag:s21] =	ssyncset.done $0x0  }
0x74: {  	[sflag:s21] =	ssyncadd.s32 $0xFFFFC000  }
0x75: {  	[spmem:s1] =	stream.indirect.scatter.add.f32 [tilespmem:s19], [sflag:$0x3], $0x80, s24, s18, $0xb8;
	[tilespmem:$0x1E800] =	vst v63  }
0x76: {  	_ =	swait.ge [sflag:s16], $0x4000  }
0x77: {  	[sflag:s16] =	ssyncset.done $0x0  }
0x78: {  	[sflag:s16] =	ssyncadd.s32 $0xFFFFC000  }
0x79: {  	_ =	swait.ge [sflag:s22], $0x4000  }
0x7a: {  	[sflag:s22] =	ssyncset.done $0x0  }
0x7b: {  	[sflag:s22] =	ssyncadd.s32 $0xFFFFC000  }
0x7c: {  	[spmem:s1] =	stream.indirect.scatter.add.f32 [tilespmem:s20], [sflag:$0x3], $0x80, s25, s18, $0xb8;
	[tilespmem:$0x1E800] =	vst v63  }
0x7d: {  	_ =	swait.ge [sflag:s16], $0x4000  }
0x7e: {  	[sflag:s16] =	ssyncset.done $0x0  }
0x7f: {  	s31 =	simm.s32 $0x0;
	[sflag:s16] =	ssyncadd.s32 $0xFFFFC000  }
0x80: {  	[tilespmem:s31], [sflag:$0x3] =	stream.linear.gather [hbm4b:s12+s31], $0x1400, $0x38;
	[tilespmem:$0x1E800] =	vst v63  }
0x81: {  	_ =	swait.ge [sflag:s16], $0x1400  }
0x82: {  	[sflag:s16] =	ssyncset.done $0x0  }
0x83: {  	[sflag:s16] =	ssyncadd.s32 $0xFFFFEC00  }
0x84: {  	[tilespmem:s17], [sflag:$0x3] =	stream.linear.gather [hbm4b:s13+s31], $0x1400, $0x38;
	[tilespmem:$0x1E800] =	vst v63  }
0x85: {  	_ =	swait.ge [sflag:s16], $0x1400  }
0x86: {  	[sflag:s16] =	ssyncset.done $0x0  }
0x87: {  	[sflag:s16] =	ssyncadd.s32 $0xFFFFEC00  }
0x88: {  	[tilespmem:s19], [sflag:$0x1] =	stream.indirect.gather [hbm4b:s4+s18], $0x80, s31, s18, $0xb8;
	[tilespmem:$0x1E800] =	vst v63  }
0x89: {  	s30 =	simm.s32 $0x80  }
0x8a: {  	[tilespmem:s20], [sflag:$0x2] =	stream.indirect.gather [hbm4b:s4+s18], $0x80, s30, s18, $0xb8;
	[tilespmem:$0x1E800] =	vst v63  }
0x8b: {  	_ =	swait.ge [sflag:s21], $0x4000  }
0x8c: {  	[sflag:s21] =	ssyncset.done $0x0  }
0x8d: {  	s31 =	simm.s32 $0x1400;
	[sflag:s21] =	ssyncadd.s32 $0xFFFFC000  }
0x8e: {  	[spmem:s1] =	stream.indirect.scatter.add.f32 [tilespmem:s19], [sflag:$0x3], $0x80, s31, s18, $0xb8;
	[tilespmem:$0x1E800] =	vst v63  }
0x8f: {  	_ =	swait.ge [sflag:s16], $0x4000  }
0x90: {  	[sflag:s16] =	ssyncset.done $0x0  }
0x91: {  	s30 =	simm.s32 $0x100;
	[sflag:s16] =	ssyncadd.s32 $0xFFFFC000  }
0x92: {  	[tilespmem:s19], [sflag:$0x1] =	stream.indirect.gather [hbm4b:s4+s18], $0x80, s30, s18, $0xb8;
	[tilespmem:$0x1E800] =	vst v63  }
0x93: {  	_ =	swait.ge [sflag:s22], $0x4000  }
0x94: {  	[sflag:s22] =	ssyncset.done $0x0  }
0x95: {  	s31 =	simm.s32 $0x1480;
	[sflag:s22] =	ssyncadd.s32 $0xFFFFC000  }
0x96: {  	[spmem:s1] =	stream.indirect.scatter.add.f32 [tilespmem:s20], [sflag:$0x3], $0x80, s31, s18, $0xb8;
	[tilespmem:$0x1E800] =	vst v63  }
0x97: {  	_ =	swait.ge [sflag:s16], $0x4000  }
0x98: {  	s29 =	simm.s32 $0x800;
	s28 =	simm.s32 $0x100;
	[sflag:s16] =	ssyncset.done $0x0  }
.LBB2_6:
0x99: {  	s0 =	sadd.s32 $0x80, s28  }
0x9a: {  	[sflag:s16] =	ssyncadd.s32 $0xFFFFC000;
	s30 =	smov.u32 s29;
	s31 =	sadd.s32 $0x400, s29  }
0x9b: {  	[tilespmem:s20], [sflag:$0x2] =	stream.indirect.gather [hbm4b:s4+s18], $0x80, s0, s18, $0xb8;
	[tilespmem:$0x1E800] =	vst v63  }
0x9c: {  	p0 =	sne.s32 s29, $0x4800;
	_ =	swait.ge [sflag:s21], $0x4000  }
0x9d: {  	[sflag:s21] =	ssyncset.done $0x0  }
0x9e: {  	s0 =	sadd.s32 $0x1400, s28;
	[sflag:s21] =	ssyncadd.s32 $0xFFFFC000  }
0x9f: {  	[spmem:s1] =	stream.indirect.scatter.add.f32 [tilespmem:s19], [sflag:$0x3], $0x80, s0, s18, $0xb8;
	[tilespmem:$0x1E800] =	vst v63  }
0xa0: {  	_ =	swait.ge [sflag:s16], $0x4000  }
0xa1: {  	[sflag:s16] =	ssyncset.done $0x0  }
0xa2: {  	s0 =	sadd.s32 $0x100, s28;
	[sflag:s16] =	ssyncadd.s32 $0xFFFFC000  }
0xa3: {  	[tilespmem:s19], [sflag:$0x1] =	stream.indirect.gather [hbm4b:s4+s18], $0x80, s0, s18, $0xb8;
	[tilespmem:$0x1E800] =	vst v63  }
0xa4: {  	_ =	swait.ge [sflag:s22], $0x4000  }
.Ltmp2:
0xa5: {  	[sflag:s22] =	ssyncset.done $0x0;
	(pc) =	sbr.rel @p0 .LBB2_6-.Ltmp2, $4  }
0xa6: {  	s0 =	sadd.s32 $0x1480, s28;
	[sflag:s22] =	ssyncadd.s32 $0xFFFFC000  }
0xa7: {  	[spmem:s1] =	stream.indirect.scatter.add.f32 [tilespmem:s20], [sflag:$0x3], $0x80, s0, s18, $0xb8;
	[tilespmem:$0x1E800] =	vst v63  }
0xa8: {  	_ =	swait.ge [sflag:s16], $0x4000  }
0xa9: {  	s29 =	smov.u32 s31;
	s28 =	sshra.s32 s30, $0x2;
	[sflag:s16] =	ssyncset.done $0x0  }
0xaa: {  	s0 =	sadd.s32 $0x80, s28;
	[sflag:s16] =	ssyncadd.s32 $0xFFFFC000  }
0xab: {  	[tilespmem:s20], [sflag:$0x2] =	stream.indirect.gather [hbm4b:s4+s18], $0x80, s0, s18, $0xb8;
	[tilespmem:$0x1E800] =	vst v63  }
0xac: {  	_ =	swait.ge [sflag:s21], $0x4000  }
0xad: {  	[sflag:s21] =	ssyncset.done $0x0  }
0xae: {  	s30 =	sadd.s32 $0x1400, s28;
	[sflag:s21] =	ssyncadd.s32 $0xFFFFC000  }
0xaf: {  	[spmem:s1] =	stream.indirect.scatter.add.f32 [tilespmem:s19], [sflag:$0x3], $0x80, s30, s18, $0xb8;
	[tilespmem:$0x1E800] =	vst v63  }
0xb0: {  	_ =	swait.ge [sflag:s16], $0x4000  }
0xb1: {  	[sflag:s16] =	ssyncset.done $0x0  }
0xb2: {  	s31 =	sadd.s32 $0x100, s28;
	[sflag:s16] =	ssyncadd.s32 $0xFFFFC000  }
0xb3: {  	[tilespmem:s19], [sflag:$0x1] =	stream.indirect.gather [hbm4b:s4+s18], $0x80, s31, s18, $0xb8;
	[tilespmem:$0x1E800] =	vst v63  }
0xb4: {  	_ =	swait.ge [sflag:s22], $0x4000  }
0xb5: {  	[sflag:s22] =	ssyncset.done $0x0  }
0xb6: {  	s29 =	sadd.s32 $0x1480, s28;
	[sflag:s22] =	ssyncadd.s32 $0xFFFFC000  }
0xb7: {  	[spmem:s1] =	stream.indirect.scatter.add.f32 [tilespmem:s20], [sflag:$0x3], $0x80, s29, s18, $0xb8;
	[tilespmem:$0x1E800] =	vst v63  }
0xb8: {  	_ =	swait.ge [sflag:s16], $0x4000  }
0xb9: {  	[sflag:s16] =	ssyncset.done $0x0  }
0xba: {  	[sflag:s16] =	ssyncadd.s32 $0xFFFFC000  }
0xbb: {  	[tilespmem:s20], [sflag:$0x2] =	stream.indirect.gather [hbm4b:s4+s18], $0x80, s23, s18, $0xb8;
	[tilespmem:$0x1E800] =	vst v63  }
0xbc: {  	_ =	swait.ge [sflag:s21], $0x4000  }
0xbd: {  	[sflag:s21] =	ssyncset.done $0x0  }
0xbe: {  	[sflag:s21] =	ssyncadd.s32 $0xFFFFC000  }
0xbf: {  	[spmem:s1] =	stream.indirect.scatter.add.f32 [tilespmem:s19], [sflag:$0x3], $0x80, s24, s18, $0xb8;
	[tilespmem:$0x1E800] =	vst v63  }
0xc0: {  	_ =	swait.ge [sflag:s16], $0x4000  }
0xc1: {  	[sflag:s16] =	ssyncset.done $0x0  }
0xc2: {  	[sflag:s16] =	ssyncadd.s32 $0xFFFFC000  }
0xc3: {  	_ =	swait.ge [sflag:s22], $0x4000  }
0xc4: {  	[sflag:s22] =	ssyncset.done $0x0  }
0xc5: {  	[sflag:s22] =	ssyncadd.s32 $0xFFFFC000  }
0xc6: {  	[spmem:s1] =	stream.indirect.scatter.add.f32 [tilespmem:s20], [sflag:$0x3], $0x80, s25, s18, $0xb8;
	[tilespmem:$0x1E800] =	vst v63  }
0xc7: {  	_ =	swait.ge [sflag:s16], $0x4000  }
0xc8: {  	s26 =	sadd.s32 $0x1, s26;
	s30 =	sshll.u32 s2, $0x6;
	[sflag:s16] =	ssyncset.done $0x0  }
0xc9: {  	p0 =	sne.s32 s26, s15;
	s0 =	sor.u32 $0x1C03, s30;
	[sflag:s16] =	ssyncadd.s32 $0xFFFFC000  }
.Ltmp3:
0xca: {  	s31 =	sshrl.u32 s6, $0x3;
	[bflag:$0x0] =	sbarrier.arrive $0xFFFF;
	(pc) =	sbr.rel @p0 .LBB2_1-.Ltmp3, $4  }
0xcb: {  	[hbm:s14], [sflag:s0] =	dma.local [spmem:s31], $0x2800  }
0xcc: {  	_ =	swait.ge [sflag:s16], $0x2800  }
0xcd: {  	[sflag:s16] =	ssyncset.done $0x0  }
0xce: {  	[sflag:s16] =	ssyncadd.s32 $0xFFFFD800  }
0xcf: {  	_ =	sfence.sel $0x180000  }
0xd0: {  	[bflag:$0x0] =	sbarrier.arrive $0xFFFF  }
0xd1: {  	_ =	strace $0x90000050  }
0xd2: {  	[bflag:$0x2] =	sbarrier.arrive $0xFFFF  }
0xd3: {  	p0 =	sne.s32 s2, $0x0;
	s0 =	rddreg [dreg:$0x2]  }
0xd4: {  	s0 =	sadd.s32 @!p0 $0x100000, s0  }
0xd5: {  	[sflag:s0] =	ssyncadd.tile.s32 @!p0 $0x1;
	_ =	shalt  }
.Lfunc_end2:
_tile_overlayer_lowered:
.L_overlay_start_2:
0xd6: {  	(tag) =	ssettag $0x2  }
0xd7: {  	s0 =	rddreg [dreg:$0x0];
	s2 =	stileid.u32  }
0xd8: {  	s1 =	rddreg [dreg:$0x1];
	p0 =	sne.s32 s2, $0x0  }
0xd9: {  	s3 =	rddreg [dreg:$0x2];
	[bflag:$0x3] =	sbarrier.arrive $0xFFFF;
	s2 =	simm.s32 @!p0 $0x1C03  }
0xda: {  	[timem:s3], [sflag:s2] =	dma.local @!p0 [hbm:s0], s1  }
0xdb: {  	s0 =	simm.s32 @!p0 $0x3  }
0xdc: {  	_ =	swait.ge @!p0 [sflag:s0], s1  }
0xdd: {  	s1 =	ssub.s32 @!p0 $0x0, s1;
	[sflag:s0] =	ssyncset.done @!p0 $0x0  }
0xde: {  	[sflag:s0] =	ssyncadd.s32 @!p0 s1  }
0xdf: {  	[bflag:$0x3] =	sbarrier.arrive $0xFFFF  }
0xe0: {  	_ =	shalt  }

// kernel: kernel.25.cloned.1.call-start
scs
__scs_entry_jumppad:
0x0: {  	(pc) =	sbr.rel $0x88, $3  }
0x1: {  	(tag) =	ssettag $0x0;
	lr =	simm.s32 $0x1  }
0x2: {  	[smem:$0x3F95] =	sst lr;
	_ =	strace $0xD0000000  }
0x3: {  	_ = 	snop  }
0x4: {  	_ = 	snop  }
0x5: {  	_ = 	snop  }
0x6: {  	_ = 	snop  }
0x7: {  	_ = 	snop  }
__scs_overlays_trampoline_lowered:
0x8: {  	[smem:$0x3FA4] =	sst s0  }
0x9: {  	[smem:$0x3FA5] =	sst s1  }
0xa: {  	[smem:$0x3FA6] =	sst s2  }
0xb: {  	[smem:$0x3FA7] =	sst s3  }
0xc: {  	[smem:$0x3FA8] =	sst s4  }
0xd: {  	[smem:$0x3FA9] =	sst s5  }
0xe: {  	[smem:$0x3FAA] =	sst s6  }
0xf: {  	[smem:$0x3FAB] =	sst s7  }
0x10: {  	[smem:$0x3FAC] =	sst s8  }
0x11: {  	[smem:$0x3FAD] =	sst s9;
	s0 =	simm.s32 @!p0 $0x0  }
0x12: {  	s1 =	sld [smem:$0x3F93];
	s0 =	simm.s32 @p0 $0x1  }
0x13: {  	[smem:$0x3FAE] =	sst s0;
	s0 =	simm.s32 @!p1 $0x0  }
0x14: {  	s2 =	sld [smem:$0x3F92];
	s0 =	simm.s32 @p1 $0x1  }
0x15: {  	[smem:$0x3FAF] =	sst s0;
	s0 =	simm.s32 @!p2 $0x0  }
0x16: {  	s3 =	sld [smem:$0x3FDB];
	s0 =	simm.s32 @p2 $0x1  }
0x17: {  	s4 =	simm.s32 $0x1BF5;
	[smem:$0x3FB1] =	sst s0  }
0x18: {  	s0 =	sld [smem:$0x3F94];
	_ =	swait.ge [sflag:s4], $0x0  }
0x19: {  	s7 =	sld [smem:$0x3F95]  }
0x1a: {  	s8 =	sadd.s32 $0xFFFFE003, lr  }
0x1b: {  	s9 =	sadd.s32 $0xFFFFFEF7, lr;
	s5 =	simm.s32 $0xFFFFFFFF;
	p2 =	slt.u32 s8, $0xFFFFF086  }
0x1c: {  	p1 =	slt.u32 s9, $0xF7A;
	s5 =	simm.s32 @!p2 $0x0  }
0x1d: {  	s5 =	simm.s32 @p1 $0x1;
	p0 =	seq.s32 s7, s2  }
0x1e: {  	s7 =	smul.u32 @!p0 $0xF7A, s2;
	p2 =	seq.s32 @!p0 s5, $0x0  }
0x1f: {  	s9 =	smul.u32 $0xF7A, s1;
	s8 =	simm.s32 @!p0 $0x1BF5;
	p2 =	por !p2, p0  }
0x20: {  	[sflag:s8] =	ssyncset.s32 @!p0 $0xFFFFF086;
	s6 =	sadd.s32 @!p0 s3, s7;
	s7 =	simm.s32 @!p0 $0x108  }
0x21: {  	s3 =	sadd.s32 s3, s9;
	s6 =	sadd.s32 @!p0 $0x88, s6;
	s7 =	simm.s32 @p2 $0x1082  }
0x22: {  	[simem:s7], [sflag:s8] =	dma.local @!p0 [hbm:s6], $0xF7A  }
0x23: {  	s9 =	sor.u32 $0xD0000000, s2;
	s6 =	simm.s32 $0x108;
	_ =	swait.ge @!p0 [sflag:s8], $0x0  }
0x24: {  	s3 =	sadd.s32 $0x88, s3;
	s6 =	simm.s32 @!p1 $0x1082;
	[sflag:s4] =	ssyncset.s32 $0xFFFFF086  }
0x25: {  	[simem:s6], [sflag:s4] =	dma.local [hbm:s3], $0xF7A  }
0x26: {  	[smem:$0x3F95] =	sst s1;
	(tag) =	ssettag s2;
	_ =	strace s9  }
0x27: {  	s1 =	sld [smem:$0x3FA5]  }
0x28: {  	s2 =	sld [smem:$0x3FA6]  }
0x29: {  	s4 =	sld [smem:$0x3FA8]  }
0x2a: {  	p0 =	seq.s32 s5, $0x0;
	s5 =	sld [smem:$0x3FA9]  }
0x2b: {  	s6 =	sld [smem:$0x3FAA]  }
0x2c: {  	s7 =	sld [smem:$0x3FAB]  }
0x2d: {  	s3 =	simm.s32 $0x108;
	s8 =	sld [smem:$0x3FAC]  }
0x2e: {  	s3 =	simm.s32 @!p0 $0x1082;
	s9 =	sld [smem:$0x3FAD]  }
0x2f: {  	lr =	sadd.s32 s0, s3;
	s0 =	sld [smem:$0x3FA4]  }
0x30: {  	s3 =	sld [smem:$0x3FA7]  }
0x31: {  	[smem:$0x3FB0] =	sst s10  }
0x32: {  	s10 =	sld [smem:$0x3FAE];
	_ =	sdelay $0x3  }
0x33: {  	p0 =	seq.s32 s10, $0x1;
	s10 =	sld [smem:$0x3FB0];
	_ =	sdelay $0x3  }
0x34: {  	[smem:$0x3FB0] =	sst s10  }
0x35: {  	s10 =	sld [smem:$0x3FAF];
	_ =	sdelay $0x3  }
0x36: {  	p1 =	seq.s32 s10, $0x1;
	s10 =	sld [smem:$0x3FB0];
	_ =	sdelay $0x3  }
0x37: {  	[smem:$0x3FB0] =	sst s10  }
0x38: {  	s10 =	sld [smem:$0x3FB1]  }
0x39: {  	_ = 	snop;
	(pc) =	sbr.ind lr, $3  }
0x3a: {  	_ = 	snop  }
0x3b: {  	_ = 	snop  }
0x3c: {  	p2 =	seq.s32 s10, $0x1;
	s10 =	sld [smem:$0x3FB0]  }
0x3d: {  	_ =	shalt  }
0x3e: {  	_ =	shalt  }
0x3f: {  	_ =	shalt  }
0x40: {  	_ =	shalt  }
0x41: {  	_ =	shalt  }
0x42: {  	_ =	shalt  }
0x43: {  	_ =	shalt  }
0x44: {  	_ =	shalt  }
0x45: {  	_ =	shalt  }
0x46: {  	_ =	shalt  }
0x47: {  	_ =	shalt  }
0x48: {  	_ =	shalt  }
0x49: {  	_ =	shalt  }
0x4a: {  	_ =	shalt  }
0x4b: {  	_ =	shalt  }
0x4c: {  	_ =	shalt  }
0x4d: {  	_ =	shalt  }
0x4e: {  	_ =	shalt  }
0x4f: {  	_ =	shalt  }
0x50: {  	_ =	shalt  }
0x51: {  	_ =	shalt  }
0x52: {  	_ =	shalt  }
0x53: {  	_ =	shalt  }
0x54: {  	_ =	shalt  }
0x55: {  	_ =	shalt  }
0x56: {  	_ =	shalt  }
0x57: {  	_ =	shalt  }
0x58: {  	_ =	shalt  }
0x59: {  	_ =	shalt  }
0x5a: {  	_ =	shalt  }
0x5b: {  	_ =	shalt  }
0x5c: {  	_ =	shalt  }
0x5d: {  	_ =	shalt  }
0x5e: {  	_ =	shalt  }
0x5f: {  	_ =	shalt  }
0x60: {  	_ =	shalt  }
0x61: {  	_ =	shalt  }
0x62: {  	_ =	shalt  }
0x63: {  	_ =	shalt  }
0x64: {  	_ =	shalt  }
0x65: {  	_ =	shalt  }
0x66: {  	_ =	shalt  }
0x67: {  	_ =	shalt  }
0x68: {  	_ =	shalt  }
0x69: {  	_ =	shalt  }
0x6a: {  	_ =	shalt  }
0x6b: {  	_ =	shalt  }
0x6c: {  	_ =	shalt  }
0x6d: {  	_ =	shalt  }
0x6e: {  	_ =	shalt  }
0x6f: {  	_ =	shalt  }
0x70: {  	_ =	shalt  }
0x71: {  	_ =	shalt  }
0x72: {  	_ =	shalt  }
0x73: {  	_ =	shalt  }
0x74: {  	_ =	shalt  }
0x75: {  	_ =	shalt  }
0x76: {  	_ =	shalt  }
0x77: {  	_ =	shalt  }
0x78: {  	_ =	shalt  }
0x79: {  	_ =	shalt  }
0x7a: {  	_ =	shalt  }
0x7b: {  	_ =	shalt  }
0x7c: {  	_ =	shalt  }
0x7d: {  	_ =	shalt  }
0x7e: {  	_ =	shalt  }
0x7f: {  	_ =	shalt  }
0x80: {  	_ =	shalt  }
0x81: {  	_ =	shalt  }
0x82: {  	_ =	shalt  }
0x83: {  	_ =	shalt  }
0x84: {  	_ =	shalt  }
0x85: {  	_ =	shalt  }
0x86: {  	_ =	shalt  }
0x87: {  	_ =	shalt  }
.Lfunc_end0:
.L_simem_size_0:
called_computation.4_lowered:
.L_overlay_start_0:
0x88: {  	s2 =	sld [smem:$0x3FD9]  }
0x89: {  	s3 =	sld [smem:$0x3FFE];
	_ =	sdelay $0x1  }
0x8a: {  	s1 =	srdreg.scid  }
0x8b: {  	s0 =	sand.u32 $0x1, s1  }
0x8c: {  	s16 =	sshll.u32 s0, $0xA;
	s2 =	sadd.s32 s3, s2  }
0x8d: {  	s2 =	sadd.s32 s2, s16  }
0x8e: {  	[smem:$0x3FBC] =	sst s2  }
0x8f: {  	_ = 	snop  }
0x90: {  	(tm) =	ssettm $0x1  }
0x91: {  	s17 =	sld [smem:$0x3FFB];
	_ =	sdelay $0x3  }
0x92: {  	_ =	strace s17  }
0x93: {  	s2 =	sld [smem:$0x3FFC];
	_ =	sdelay $0x3  }
0x94: {  	_ =	strace s2  }
0x95: {  	s2 =	sld [smem:$0x3FFD];
	_ =	sdelay $0x3  }
0x96: {  	_ =	strace s2  }
0x97: {  	_ =	strace $0x8FFFFFFF  }
0x98: {  	s18 =	sld [smem:$0x3FDB];
	_ =	sdelay $0x1  }
0x99: {  	s19 =	simm.s32 $_scs_section_size  }
0x9a: {  	s4 =	simm.s32 $_size__tile_overlayer_lowered;
	s5 =	simm.s32 $_tile_overlayer_lowered  }
0x9b: {  	s22 =	simm.s32 $0x1BFF;
	s21 =	sshll.u32 s5, $0x1;
	s2 =	sadd.s32 s19, s18  }
0x9c: {  	s6 =	simm.s32 $0x0;
	s20 =	sshll.u32 s4, $0x1;
	s4 =	sadd.s32 s21, s2  }
0x9d: {  	[timem:s6], [sflag:s22] =	dma.local [hbm:s4], s20  }
0x9e: {  	_ =	swait.ge [sflag:s22], s20  }
0x9f: {  	s3 =	ssub.s32 $0x0, s20;
	[sflag:s22] =	ssyncset.done $0x0  }
0xa0: {  	[sflag:s22] =	ssyncadd.s32 s3;
	_ =	sdelay $0x1  }
0xa1: {  	s23 =	simm.s32 $0x1B8B  }
0xa2: {  	_ =	swait.ge [sflag:s23], $0x1  }
0xa3: {  	[sflag:s23] =	ssyncset.done $0x0  }
0xa4: {  	s25 =	simm.s32 $0x1B8E;
	s24 =	sld [smem:$0x3FFE];
	[sflag:s23] =	ssyncadd.s32 $0xFFFFFFFF  }
0xa5: {  	s26 =	simm.s32 $execute0_lowered;
	[smem:$0x3FD2] =	sst s25  }
0xa6: {  	s4 =	sshll.u32 s26, $0x1;
	_ =	strace $0x80000052;
	[dreg:$0x1] =	wrdreg $0xFFFFFFFF  }
0xa7: {  	s28 =	simm.s32 $_size_execute0_lowered;
	s2 =	sadd.s32 s2, s4;
	[dreg:$0x0] =	wrdreg $0x0  }
0xa8: {  	s4 =	sshll.u32 s28, $0x1;
	[dreg:$0x2] =	wrdreg s2  }
0xa9: {  	[dreg:$0x3] =	wrdreg s4  }
0xaa: {  	[dreg:$0x4] =	wrdreg $0xC0  }
0xab: {  	_ =	task [dreg:s6], $0x5FFFF  }
0xac: {  	[dreg:$0x1] =	wrdreg $0xFFFFFFFF  }
0xad: {  	[dreg:$0x0] =	wrdreg $0x60  }
0xae: {  	[dreg:$0x2] =	wrdreg s24  }
0xaf: {  	[dreg:$0x3] =	wrdreg $0xA8000  }
0xb0: {  	[dreg:$0x4] =	wrdreg $0x9  }
0xb1: {  	_ =	task.clear_ibuf [dreg:s6], $0x5FFFF;
	_ =	strace $0x90000052  }
0xb2: {  	s29 =	simm.s32 $0x9;
	_ =	strace $0x80000054  }
0xb3: {  	_ =	swait.ge [sflag:s29], $0x1  }
0xb4: {  	[sflag:s29] =	ssyncadd.s32 $0xFFFFFFFF  }
0xb5: {  	_ =	strace $0x90000054  }
0xb6: {  	_ =	sfence  }
0xb7: {  	s30 =	sld [smem:$0x0];
	_ =	sdelay $0x2  }
0xb8: {  	s31 =	sshll.u32 s1, $0xD;
	s1 =	sshrl.u32 s1, $0x2  }
0xb9: {  	s3 =	sand.u32 $0x4000, s31;
	s1 =	sadd.s32 s1, s30  }
0xba: {  	s0 =	sor.u32 s3, s0;
	s1 =	sshll.u32 s1, $0x11  }
0xbb: {  	s0 =	sor.u32 s1, s0  }
0xbc: {  	s0 =	sadd.s32 $0x8F2B, s0  }
0xbd: {  	[sflag:s0] =	ssyncadd.remote.s32 $0x1  }
0xbe: {  	_ =	sfence.sel $0xFFFF  }
0xbf: {  	[dreg:$0x0] =	wrdreg $0xFFFFFFFF;
	(pc) =	sbr.abs _section_cstart, $3  }
0xc0: {  	[dreg:$0x1] =	wrdreg $0xFFFFFFFF  }
0xc1: {  	_ =	task.clear_ibuf [dreg:s6], $0x2FFFF;
	_ =	strace $0x9FFFFFFF  }
0xc2: {  	(tm) =	ssettm $0x7FFFFFFF  }
0xc3: {  	_ =	shalt  }
tec
execute0_lowered:
.L_overlay_start_1:
0x0: {  	(tag) =	ssettag $0x1  }
0x1: {  	s5 =	rddreg [dreg:$0x0]  }
0x2: {  	s1 =	rddreg [dreg:$0x1];
	s2 =	srdreg.scid  }
0x3: {  	s3 =	simm.s32 $0x0;
	s17 =	simm.s32 $0x1400;
	s18 =	simm.s32 $0x80  }
0x4: {  	s19 =	simm.s32 $0x2800;
	s20 =	simm.s32 $0x6800;
	s21 =	simm.s32 $0x1  }
0x5: {  	s22 =	simm.s32 $0x2;
	s23 =	simm.s32 $0x1380;
	s24 =	simm.s32 $0x2700  }
0x6: {  	s25 =	simm.s32 $0x2780;
	s6 =	sand.u32 $0x1, s2;
	s2 =	stileid.u32  }
0x7: {  	s26 =	simm.s32 $0x0;
	[smem:$0x7FF] =	sst s3;
	s7 =	smul.u32 $0x140000, s6  }
0x8: {  	s12 =	sadd.s32 $0x5000, s5;
	s13 =	sadd.s32 $0xF000, s5;
	s8 =	smul.u32 $0x14000, s2  }
0x9: {  	s4 =	sshll.u32 s2, $0x1;
	_ =	strace $0x80000053;
	s29 =	smul.u32 $0x50000, s2  }
0xa: {  	s30 =	ssub.s32 $0x2, s6;
	s9 =	sor.u32 s6, s4;
	s4 =	sadd.s32 $0x19000, s5  }
0xb: {  	s6 =	sshrl.u32 s30, $0x1;
	s7 =	sadd.s32 s8, s7;
	s28 =	smul.u32 $0x2800, s9  }
0xc: {  	s31 =	sshrl.u32 s29, $0x2;
	s16 =	ssub.s32 s30, s6;
	s7 =	sshrl.u32 s7, $0x3  }
0xd: {  	s6 =	sadd.s32 s31, s1;
	s14 =	sadd.s32 s7, s5;
	s15 =	sshrl.u32 s28, $0x3  }
0xe: {  	s8 =	sadd.s32 $0x4000, s6;
	s9 =	sadd.s32 $0x8000, s6;
	s10 =	sadd.s32 $0xC000, s6  }
0xf: {  	s5 =	sadd.s32 s12, s15;
	s7 =	sadd.s32 s13, s15;
	s15 =	sadd.s32 $0x280, s15  }
0x10: {  	s11 =	sadd.s32 $0x10000, s6;
	s14 =	sadd.s32 $0x69800, s14;
	s12 =	sadd.s32 s12, s15  }
0x11: {  	v0 =	vimm.f32 $0.0e+00;
	s13 =	sadd.s32 s13, s15;
	s15 =	smax.u32 s16, $0x1;
	s16 =	simm.s32 $0x3  }
.LBB2_1:
0x12: {  	[tilespmem:s3], [sflag:$0x3] =	stream.linear.gather [hbm4b:s5+s3], $0x1400, $0x38;
	[tilespmem:$0x1E800] =	vst v63  }
0x13: {  	_ =	swait.ge [sflag:s16], $0x1400  }
0x14: {  	[sflag:s16] =	ssyncset.done $0x0  }
0x15: {  	[sflag:s16] =	ssyncadd.s32 $0xFFFFEC00  }
0x16: {  	[tilespmem:s17], [sflag:$0x3] =	stream.linear.gather [hbm4b:s7+s3], $0x1400, $0x38;
	[tilespmem:$0x1E800] =	vst v63  }
0x17: {  	_ =	swait.ge [sflag:s16], $0x1400  }
0x18: {  	[sflag:s16] =	ssyncset.done $0x0  }
0x19: {  	s28 =	simm.s32 $0x0;
	s29 =	simm.s32 $0x200;
	[sflag:s16] =	ssyncadd.s32 $0xFFFFEC00  }
0x1a: {  	[tilespmem:s19], [sflag:$0x1] =	stream.indirect.gather [hbm4b:s4+s18], $0x80, s3, s18, $0xb8;
	[tilespmem:$0x1E800] =	vst v63  }
.LBB2_2:
0x1b: {  	p0 =	sne.s32 s29, $0xFE00;
	[tilespmem:s28+$0x6870] =	vst v0  }
0x1c: {  	[tilespmem:s28+$0x6800] =	vst v0  }
0x1d: {  	[tilespmem:s28+$0x6810] =	vst v0  }
.Ltmp0:
0x1e: {  	[tilespmem:s28+$0x6820] =	vst v0;
	(pc) =	sbr.rel @p0 .LBB2_2-.Ltmp0, $4  }
0x1f: {  	[tilespmem:s28+$0x6830] =	vst v0  }
0x20: {  	[tilespmem:s28+$0x6840] =	vst v0  }
0x21: {  	[tilespmem:s28+$0x6850] =	vst v0  }
0x22: {  	[tilespmem:s28+$0x6860] =	vst v0;
	s28 =	sshra.s32 s29, $0x2;
	s29 =	sadd.s32 $0x200, s29  }
0x23: {  	[tilespmem:s28+$0x6870] =	vst v0  }
0x24: {  	[tilespmem:s28+$0x6800] =	vst v0  }
0x25: {  	[tilespmem:s28+$0x6810] =	vst v0  }
0x26: {  	[tilespmem:s28+$0x6820] =	vst v0  }
0x27: {  	[tilespmem:s28+$0x6830] =	vst v0  }
0x28: {  	[tilespmem:s28+$0x6840] =	vst v0  }
0x29: {  	[tilespmem:s28+$0x6850] =	vst v0  }
0x2a: {  	[tilespmem:s28+$0x6860] =	vst v0  }
0x2b: {  	[spmem:s6] =	stream.linear.scatter [tilespmem:s20], [sflag:$0x3], $0x4000, $0x38;
	[tilespmem:$0x1E800] =	vst v63  }
0x2c: {  	_ =	swait.ge [sflag:s16], $0x4000  }
0x2d: {  	[sflag:s16] =	ssyncset.done $0x0  }
0x2e: {  	[sflag:s16] =	ssyncadd.s32 $0xFFFFC000  }
0x2f: {  	[spmem:s8] =	stream.linear.scatter [tilespmem:s20], [sflag:$0x3], $0x4000, $0x38;
	[tilespmem:$0x1E800] =	vst v63  }
0x30: {  	_ =	swait.ge [sflag:s16], $0x4000  }
0x31: {  	[sflag:s16] =	ssyncset.done $0x0  }
0x32: {  	[sflag:s16] =	ssyncadd.s32 $0xFFFFC000  }
0x33: {  	[spmem:s9] =	stream.linear.scatter [tilespmem:s20], [sflag:$0x3], $0x4000, $0x38;
	[tilespmem:$0x1E800] =	vst v63  }
0x34: {  	_ =	swait.ge [sflag:s16], $0x4000  }
0x35: {  	[sflag:s16] =	ssyncset.done $0x0  }
0x36: {  	[sflag:s16] =	ssyncadd.s32 $0xFFFFC000  }
0x37: {  	[spmem:s10] =	stream.linear.scatter [tilespmem:s20], [sflag:$0x3], $0x4000, $0x38;
	[tilespmem:$0x1E800] =	vst v63  }
0x38: {  	_ =	swait.ge [sflag:s16], $0x4000  }
0x39: {  	[sflag:s16] =	ssyncset.done $0x0  }
0x3a: {  	[sflag:s16] =	ssyncadd.s32 $0xFFFFC000  }
0x3b: {  	[spmem:s11] =	stream.linear.scatter [tilespmem:s20], [sflag:$0x3], $0x4000, $0x38;
	[tilespmem:$0x1E800] =	vst v63  }
0x3c: {  	_ =	swait.ge [sflag:s16], $0x4000  }
0x3d: {  	[sflag:s16] =	ssyncset.done $0x0  }
0x3e: {  	[sflag:s16] =	ssyncadd.s32 $0xFFFFC000  }
0x3f: {  	s28 =	simm.s32 $0x80;
	[bflag:$0x0] =	sbarrier.arrive $0xFFFF  }
0x40: {  	[tilespmem:s20], [sflag:$0x2] =	stream.indirect.gather [hbm4b:s4+s18], $0x80, s28, s18, $0xb8;
	[tilespmem:$0x1E800] =	vst v63  }
0x41: {  	_ =	swait.ge [sflag:s21], $0x4000  }
0x42: {  	[sflag:s21] =	ssyncset.done $0x0  }
0x43: {  	s28 =	simm.s32 $0x1400;
	[sflag:s21] =	ssyncadd.s32 $0xFFFFC000  }
0x44: {  	[spmem:s1] =	stream.indirect.scatter.add.f32 [tilespmem:s19], [sflag:$0x3], $0x80, s28, s18, $0xb8;
	[tilespmem:$0x1E800] =	vst v63  }
0x45: {  	_ =	swait.ge [sflag:s16], $0x4000  }
0x46: {  	[sflag:s16] =	ssyncset.done $0x0  }
0x47: {  	s28 =	simm.s32 $0x100;
	[sflag:s16] =	ssyncadd.s32 $0xFFFFC000  }
0x48: {  	[tilespmem:s19], [sflag:$0x1] =	stream.indirect.gather [hbm4b:s4+s18], $0x80, s28, s18, $0xb8;
	[tilespmem:$0x1E800] =	vst v63  }
0x49: {  	_ =	swait.ge [sflag:s22], $0x4000  }
0x4a: {  	[sflag:s22] =	ssyncset.done $0x0  }
0x4b: {  	s28 =	simm.s32 $0x1480;
	[sflag:s22] =	ssyncadd.s32 $0xFFFFC000  }
0x4c: {  	[spmem:s1] =	stream.indirect.scatter.add.f32 [tilespmem:s20], [sflag:$0x3], $0x80, s28, s18, $0xb8;
	[tilespmem:$0x1E800] =	vst v63  }
0x4d: {  	_ =	swait.ge [sflag:s16], $0x4000  }
0x4e: {  	s29 =	simm.s32 $0x800;
	s28 =	simm.s32 $0x100;
	[sflag:s16] =	ssyncset.done $0x0  }
.LBB2_4:
0x4f: {  	s30 =	sadd.s32 $0x80, s28  }
0x50: {  	[sflag:s16] =	ssyncadd.s32 $0xFFFFC000;
	s31 =	smov.u32 s29;
	s0 =	sadd.s32 $0x400, s29  }
0x51: {  	[tilespmem:s20], [sflag:$0x2] =	stream.indirect.gather [hbm4b:s4+s18], $0x80, s30, s18, $0xb8;
	[tilespmem:$0x1E800] =	vst v63  }
0x52: {  	p0 =	sne.s32 s29, $0x4800;
	_ =	swait.ge [sflag:s21], $0x4000  }
0x53: {  	[sflag:s21] =	ssyncset.done $0x0  }
0x54: {  	s29 =	sadd.s32 $0x1400, s28;
	[sflag:s21] =	ssyncadd.s32 $0xFFFFC000  }
0x55: {  	[spmem:s1] =	stream.indirect.scatter.add.f32 [tilespmem:s19], [sflag:$0x3], $0x80, s29, s18, $0xb8;
	[tilespmem:$0x1E800] =	vst v63  }
0x56: {  	_ =	swait.ge [sflag:s16], $0x4000  }
0x57: {  	[sflag:s16] =	ssyncset.done $0x0  }
0x58: {  	s29 =	sadd.s32 $0x100, s28;
	[sflag:s16] =	ssyncadd.s32 $0xFFFFC000  }
0x59: {  	[tilespmem:s19], [sflag:$0x1] =	stream.indirect.gather [hbm4b:s4+s18], $0x80, s29, s18, $0xb8;
	[tilespmem:$0x1E800] =	vst v63  }
0x5a: {  	_ =	swait.ge [sflag:s22], $0x4000  }
.Ltmp1:
0x5b: {  	[sflag:s22] =	ssyncset.done $0x0;
	(pc) =	sbr.rel @p0 .LBB2_4-.Ltmp1, $4  }
0x5c: {  	s28 =	sadd.s32 $0x1480, s28;
	[sflag:s22] =	ssyncadd.s32 $0xFFFFC000  }
0x5d: {  	[spmem:s1] =	stream.indirect.scatter.add.f32 [tilespmem:s20], [sflag:$0x3], $0x80, s28, s18, $0xb8;
	[tilespmem:$0x1E800] =	vst v63  }
0x5e: {  	_ =	swait.ge [sflag:s16], $0x4000  }
0x5f: {  	s29 =	smov.u32 s0;
	s28 =	sshra.s32 s31, $0x2;
	[sflag:s16] =	ssyncset.done $0x0  }
0x60: {  	s0 =	sadd.s32 $0x80, s28;
	[sflag:s16] =	ssyncadd.s32 $0xFFFFC000  }
0x61: {  	[tilespmem:s20], [sflag:$0x2] =	stream.indirect.gather [hbm4b:s4+s18], $0x80, s0, s18, $0xb8;
	[tilespmem:$0x1E800] =	vst v63  }
0x62: {  	_ =	swait.ge [sflag:s21], $0x4000  }
0x63: {  	[sflag:s21] =	ssyncset.done $0x0  }
0x64: {  	s30 =	sadd.s32 $0x1400, s28;
	[sflag:s21] =	ssyncadd.s32 $0xFFFFC000  }
0x65: {  	[spmem:s1] =	stream.indirect.scatter.add.f32 [tilespmem:s19], [sflag:$0x3], $0x80, s30, s18, $0xb8;
	[tilespmem:$0x1E800] =	vst v63  }
0x66: {  	_ =	swait.ge [sflag:s16], $0x4000  }
0x67: {  	[sflag:s16] =	ssyncset.done $0x0  }
0x68: {  	s31 =	sadd.s32 $0x100, s28;
	[sflag:s16] =	ssyncadd.s32 $0xFFFFC000  }
0x69: {  	[tilespmem:s19], [sflag:$0x1] =	stream.indirect.gather [hbm4b:s4+s18], $0x80, s31, s18, $0xb8;
	[tilespmem:$0x1E800] =	vst v63  }
0x6a: {  	_ =	swait.ge [sflag:s22], $0x4000  }
0x6b: {  	[sflag:s22] =	ssyncset.done $0x0  }
0x6c: {  	s30 =	sadd.s32 $0x1480, s28;
	[sflag:s22] =	ssyncadd.s32 $0xFFFFC000  }
0x6d: {  	[spmem:s1] =	stream.indirect.scatter.add.f32 [tilespmem:s20], [sflag:$0x3], $0x80, s30, s18, $0xb8;
	[tilespmem:$0x1E800] =	vst v63  }
0x6e: {  	_ =	swait.ge [sflag:s16], $0x4000  }
0x6f: {  	[sflag:s16] =	ssyncset.done $0x0  }
0x70: {  	[sflag:s16] =	ssyncadd.s32 $0xFFFFC000  }
0x71: {  	[tilespmem:s20], [sflag:$0x2] =	stream.indirect.gather [hbm4b:s4+s18], $0x80, s23, s18, $0xb8;
	[tilespmem:$0x1E800] =	vst v63  }
0x72: {  	_ =	swait.ge [sflag:s21], $0x4000  }
0x73: {  	[sflag:s21] =	ssyncset.done $0x0  }
0x74: {  	[sflag:s21] =	ssyncadd.s32 $0xFFFFC000  }
0x75: {  	[spmem:s1] =	stream.indirect.scatter.add.f32 [tilespmem:s19], [sflag:$0x3], $0x80, s24, s18, $0xb8;
	[tilespmem:$0x1E800] =	vst v63  }
0x76: {  	_ =	swait.ge [sflag:s16], $0x4000  }
0x77: {  	[sflag:s16] =	ssyncset.done $0x0  }
0x78: {  	[sflag:s16] =	ssyncadd.s32 $0xFFFFC000  }
0x79: {  	_ =	swait.ge [sflag:s22], $0x4000  }
0x7a: {  	[sflag:s22] =	ssyncset.done $0x0  }
0x7b: {  	[sflag:s22] =	ssyncadd.s32 $0xFFFFC000  }
0x7c: {  	[spmem:s1] =	stream.indirect.scatter.add.f32 [tilespmem:s20], [sflag:$0x3], $0x80, s25, s18, $0xb8;
	[tilespmem:$0x1E800] =	vst v63  }
0x7d: {  	_ =	swait.ge [sflag:s16], $0x4000  }
0x7e: {  	[sflag:s16] =	ssyncset.done $0x0  }
0x7f: {  	s31 =	simm.s32 $0x0;
	[sflag:s16] =	ssyncadd.s32 $0xFFFFC000  }
0x80: {  	[tilespmem:s31], [sflag:$0x3] =	stream.linear.gather [hbm4b:s12+s31], $0x1400, $0x38;
	[tilespmem:$0x1E800] =	vst v63  }
0x81: {  	_ =	swait.ge [sflag:s16], $0x1400  }
0x82: {  	[sflag:s16] =	ssyncset.done $0x0  }
0x83: {  	[sflag:s16] =	ssyncadd.s32 $0xFFFFEC00  }
0x84: {  	[tilespmem:s17], [sflag:$0x3] =	stream.linear.gather [hbm4b:s13+s31], $0x1400, $0x38;
	[tilespmem:$0x1E800] =	vst v63  }
0x85: {  	_ =	swait.ge [sflag:s16], $0x1400  }
0x86: {  	[sflag:s16] =	ssyncset.done $0x0  }
0x87: {  	[sflag:s16] =	ssyncadd.s32 $0xFFFFEC00  }
0x88: {  	[tilespmem:s19], [sflag:$0x1] =	stream.indirect.gather [hbm4b:s4+s18], $0x80, s31, s18, $0xb8;
	[tilespmem:$0x1E800] =	vst v63  }
0x89: {  	s30 =	simm.s32 $0x80  }
0x8a: {  	[tilespmem:s20], [sflag:$0x2] =	stream.indirect.gather [hbm4b:s4+s18], $0x80, s30, s18, $0xb8;
	[tilespmem:$0x1E800] =	vst v63  }
0x8b: {  	_ =	swait.ge [sflag:s21], $0x4000  }
0x8c: {  	[sflag:s21] =	ssyncset.done $0x0  }
0x8d: {  	s31 =	simm.s32 $0x1400;
	[sflag:s21] =	ssyncadd.s32 $0xFFFFC000  }
0x8e: {  	[spmem:s1] =	stream.indirect.scatter.add.f32 [tilespmem:s19], [sflag:$0x3], $0x80, s31, s18, $0xb8;
	[tilespmem:$0x1E800] =	vst v63  }
0x8f: {  	_ =	swait.ge [sflag:s16], $0x4000  }
0x90: {  	[sflag:s16] =	ssyncset.done $0x0  }
0x91: {  	s30 =	simm.s32 $0x100;
	[sflag:s16] =	ssyncadd.s32 $0xFFFFC000  }
0x92: {  	[tilespmem:s19], [sflag:$0x1] =	stream.indirect.gather [hbm4b:s4+s18], $0x80, s30, s18, $0xb8;
	[tilespmem:$0x1E800] =	vst v63  }
0x93: {  	_ =	swait.ge [sflag:s22], $0x4000  }
0x94: {  	[sflag:s22] =	ssyncset.done $0x0  }
0x95: {  	s31 =	simm.s32 $0x1480;
	[sflag:s22] =	ssyncadd.s32 $0xFFFFC000  }
0x96: {  	[spmem:s1] =	stream.indirect.scatter.add.f32 [tilespmem:s20], [sflag:$0x3], $0x80, s31, s18, $0xb8;
	[tilespmem:$0x1E800] =	vst v63  }
0x97: {  	_ =	swait.ge [sflag:s16], $0x4000  }
0x98: {  	s29 =	simm.s32 $0x800;
	s28 =	simm.s32 $0x100;
	[sflag:s16] =	ssyncset.done $0x0  }
.LBB2_6:
0x99: {  	s0 =	sadd.s32 $0x80, s28  }
0x9a: {  	[sflag:s16] =	ssyncadd.s32 $0xFFFFC000;
	s30 =	smov.u32 s29;
	s31 =	sadd.s32 $0x400, s29  }
0x9b: {  	[tilespmem:s20], [sflag:$0x2] =	stream.indirect.gather [hbm4b:s4+s18], $0x80, s0, s18, $0xb8;
	[tilespmem:$0x1E800] =	vst v63  }
0x9c: {  	p0 =	sne.s32 s29, $0x4800;
	_ =	swait.ge [sflag:s21], $0x4000  }
0x9d: {  	[sflag:s21] =	ssyncset.done $0x0  }
0x9e: {  	s0 =	sadd.s32 $0x1400, s28;
	[sflag:s21] =	ssyncadd.s32 $0xFFFFC000  }
0x9f: {  	[spmem:s1] =	stream.indirect.scatter.add.f32 [tilespmem:s19], [sflag:$0x3], $0x80, s0, s18, $0xb8;
	[tilespmem:$0x1E800] =	vst v63  }
0xa0: {  	_ =	swait.ge [sflag:s16], $0x4000  }
0xa1: {  	[sflag:s16] =	ssyncset.done $0x0  }
0xa2: {  	s0 =	sadd.s32 $0x100, s28;
	[sflag:s16] =	ssyncadd.s32 $0xFFFFC000  }
0xa3: {  	[tilespmem:s19], [sflag:$0x1] =	stream.indirect.gather [hbm4b:s4+s18], $0x80, s0, s18, $0xb8;
	[tilespmem:$0x1E800] =	vst v63  }
0xa4: {  	_ =	swait.ge [sflag:s22], $0x4000  }
.Ltmp2:
0xa5: {  	[sflag:s22] =	ssyncset.done $0x0;
	(pc) =	sbr.rel @p0 .LBB2_6-.Ltmp2, $4  }
0xa6: {  	s0 =	sadd.s32 $0x1480, s28;
	[sflag:s22] =	ssyncadd.s32 $0xFFFFC000  }
0xa7: {  	[spmem:s1] =	stream.indirect.scatter.add.f32 [tilespmem:s20], [sflag:$0x3], $0x80, s0, s18, $0xb8;
	[tilespmem:$0x1E800] =	vst v63  }
0xa8: {  	_ =	swait.ge [sflag:s16], $0x4000  }
0xa9: {  	s29 =	smov.u32 s31;
	s28 =	sshra.s32 s30, $0x2;
	[sflag:s16] =	ssyncset.done $0x0  }
0xaa: {  	s0 =	sadd.s32 $0x80, s28;
	[sflag:s16] =	ssyncadd.s32 $0xFFFFC000  }
0xab: {  	[tilespmem:s20], [sflag:$0x2] =	stream.indirect.gather [hbm4b:s4+s18], $0x80, s0, s18, $0xb8;
	[tilespmem:$0x1E800] =	vst v63  }
0xac: {  	_ =	swait.ge [sflag:s21], $0x4000  }
0xad: {  	[sflag:s21] =	ssyncset.done $0x0  }
0xae: {  	s30 =	sadd.s32 $0x1400, s28;
	[sflag:s21] =	ssyncadd.s32 $0xFFFFC000  }
0xaf: {  	[spmem:s1] =	stream.indirect.scatter.add.f32 [tilespmem:s19], [sflag:$0x3], $0x80, s30, s18, $0xb8;
	[tilespmem:$0x1E800] =	vst v63  }
0xb0: {  	_ =	swait.ge [sflag:s16], $0x4000  }
0xb1: {  	[sflag:s16] =	ssyncset.done $0x0  }
0xb2: {  	s31 =	sadd.s32 $0x100, s28;
	[sflag:s16] =	ssyncadd.s32 $0xFFFFC000  }
0xb3: {  	[tilespmem:s19], [sflag:$0x1] =	stream.indirect.gather [hbm4b:s4+s18], $0x80, s31, s18, $0xb8;
	[tilespmem:$0x1E800] =	vst v63  }
0xb4: {  	_ =	swait.ge [sflag:s22], $0x4000  }
0xb5: {  	[sflag:s22] =	ssyncset.done $0x0  }
0xb6: {  	s29 =	sadd.s32 $0x1480, s28;
	[sflag:s22] =	ssyncadd.s32 $0xFFFFC000  }
0xb7: {  	[spmem:s1] =	stream.indirect.scatter.add.f32 [tilespmem:s20], [sflag:$0x3], $0x80, s29, s18, $0xb8;
	[tilespmem:$0x1E800] =	vst v63  }
0xb8: {  	_ =	swait.ge [sflag:s16], $0x4000  }
0xb9: {  	[sflag:s16] =	ssyncset.done $0x0  }
0xba: {  	[sflag:s16] =	ssyncadd.s32 $0xFFFFC000  }
0xbb: {  	[tilespmem:s20], [sflag:$0x2] =	stream.indirect.gather [hbm4b:s4+s18], $0x80, s23, s18, $0xb8;
	[tilespmem:$0x1E800] =	vst v63  }
0xbc: {  	_ =	swait.ge [sflag:s21], $0x4000  }
0xbd: {  	[sflag:s21] =	ssyncset.done $0x0  }
0xbe: {  	[sflag:s21] =	ssyncadd.s32 $0xFFFFC000  }
0xbf: {  	[spmem:s1] =	stream.indirect.scatter.add.f32 [tilespmem:s19], [sflag:$0x3], $0x80, s24, s18, $0xb8;
	[tilespmem:$0x1E800] =	vst v63  }
0xc0: {  	_ =	swait.ge [sflag:s16], $0x4000  }
0xc1: {  	[sflag:s16] =	ssyncset.done $0x0  }
0xc2: {  	[sflag:s16] =	ssyncadd.s32 $0xFFFFC000  }
0xc3: {  	_ =	swait.ge [sflag:s22], $0x4000  }
0xc4: {  	[sflag:s22] =	ssyncset.done $0x0  }
0xc5: {  	[sflag:s22] =	ssyncadd.s32 $0xFFFFC000  }
0xc6: {  	[spmem:s1] =	stream.indirect.scatter.add.f32 [tilespmem:s20], [sflag:$0x3], $0x80, s25, s18, $0xb8;
	[tilespmem:$0x1E800] =	vst v63  }
0xc7: {  	_ =	swait.ge [sflag:s16], $0x4000  }
0xc8: {  	s26 =	sadd.s32 $0x1, s26;
	s30 =	sshll.u32 s2, $0x6;
	[sflag:s16] =	ssyncset.done $0x0  }
0xc9: {  	p0 =	sne.s32 s26, s15;
	s0 =	sor.u32 $0x1C03, s30;
	[sflag:s16] =	ssyncadd.s32 $0xFFFFC000  }
.Ltmp3:
0xca: {  	s31 =	sshrl.u32 s6, $0x3;
	[bflag:$0x0] =	sbarrier.arrive $0xFFFF;
	(pc) =	sbr.rel @p0 .LBB2_1-.Ltmp3, $4  }
0xcb: {  	[hbm:s14], [sflag:s0] =	dma.local [spmem:s31], $0x2800  }
0xcc: {  	_ =	swait.ge [sflag:s16], $0x2800  }
0xcd: {  	[sflag:s16] =	ssyncset.done $0x0  }
0xce: {  	[sflag:s16] =	ssyncadd.s32 $0xFFFFD800  }
0xcf: {  	_ =	sfence.sel $0x180000  }
0xd0: {  	[bflag:$0x0] =	sbarrier.arrive $0xFFFF  }
0xd1: {  	_ =	strace $0x90000053  }
0xd2: {  	[bflag:$0x2] =	sbarrier.arrive $0xFFFF  }
0xd3: {  	p0 =	sne.s32 s2, $0x0;
	s0 =	rddreg [dreg:$0x2]  }
0xd4: {  	s0 =	sadd.s32 @!p0 $0x100000, s0  }
0xd5: {  	[sflag:s0] =	ssyncadd.tile.s32 @!p0 $0x1;
	_ =	shalt  }
.Lfunc_end2:
_tile_overlayer_lowered:
.L_overlay_start_2:
0xd6: {  	(tag) =	ssettag $0x2  }
0xd7: {  	s0 =	rddreg [dreg:$0x0];
	s2 =	stileid.u32  }
0xd8: {  	s1 =	rddreg [dreg:$0x1];
	p0 =	sne.s32 s2, $0x0  }
0xd9: {  	s3 =	rddreg [dreg:$0x2];
	[bflag:$0x3] =	sbarrier.arrive $0xFFFF;
	s2 =	simm.s32 @!p0 $0x1C03  }
0xda: {  	[timem:s3], [sflag:s2] =	dma.local @!p0 [hbm:s0], s1  }
0xdb: {  	s0 =	simm.s32 @!p0 $0x3  }
0xdc: {  	_ =	swait.ge @!p0 [sflag:s0], s1  }
0xdd: {  	s1 =	ssub.s32 @!p0 $0x0, s1;
	[sflag:s0] =	ssyncset.done @!p0 $0x0  }
0xde: {  	[sflag:s0] =	ssyncadd.s32 @!p0 s1  }
0xdf: {  	[bflag:$0x3] =	sbarrier.arrive $0xFFFF  }
0xe0: {  	_ =	shalt  }

</sc_bundles>
